<compile_context>
chip_gen: v7x
topology: tpu7x:2x2x1
jax: 0.10.2.dev20260603
libtpu: 0.0.44.dev20260713+nightly
codegen_flags: <defaults>
</compile_context>

<pallas_src>
import functools

import jax
import jax.numpy as jnp
import numpy as np
from jax import lax
from jax.experimental import pallas as pl
from jax.experimental.pallas import tpu as pltpu
from jax.experimental.pallas import tpu_sc as plsc

K = 16
D = 64
NC = 2
NS = 16
NW = NC * NS
LANES = 16

_F32_MAX = np.float32(3.4e38)
_I32_MAX = np.int32(2147483647)


def _rsqrt(x):
    i = lax.bitcast_convert_type(x, jnp.int32)
    y = lax.bitcast_convert_type(np.int32(0x5F3759DF) - (i >> 1), jnp.float32)
    half = np.float32(0.5)
    threehalf = np.float32(1.5)
    for _ in range(3):
        y = y * (threehalf - half * x * y * y)
    return y


def _make_sc_stage(n_rows):
    rows_per_w = n_rows // NW
    assert rows_per_w * NW == n_rows
    C = 976
    n_full = rows_per_w // C
    tail = rows_per_w - n_full * C
    assert n_full % 2 == 0
    groups_full = C // LANES

    mesh = plsc.VectorSubcoreMesh(core_axis_name="c", subcore_axis_name="s")

    @functools.partial(
        pl.kernel,
        mesh=mesh,
        compiler_params=pltpu.CompilerParams(
            needs_layout_passes=False, use_tc_tiling_on_sc=False),
        out_type=(
            jax.ShapeDtypeStruct((NW, K), jnp.float32),
            jax.ShapeDtypeStruct((NW, K), jnp.int32),
        ),
        scratch_types=[
            pltpu.VMEM((C * D,), jnp.float32),
            pltpu.VMEM((C * D,), jnp.float32),
            pltpu.VMEM((D,), jnp.float32),
            pltpu.VMEM((K,), jnp.float32),
            pltpu.VMEM((K,), jnp.int32),
            pltpu.SemaphoreType.DMA,
            pltpu.SemaphoreType.DMA,
        ],
    )
    def sc_stage(q_hbm, db_hbm, outv_hbm, outi_hbm,
                 buf0, buf1, qbuf, stgv, stgi, sem0, sem1):
        wid = lax.axis_index("s") * NC + lax.axis_index("c")
        base = wid * rows_per_w
        iota = lax.iota(jnp.int32, LANES)

        pltpu.sync_copy(q_hbm, qbuf)

        qvs = [qbuf[pl.ds(c * LANES, LANES)] for c in range(D // LANES)]
        qsq = jnp.zeros((LANES,), jnp.float32)
        for qv in qvs:
            qsq = qsq + qv * qv
        for sh in (8, 4, 2, 1):
            qsq = qsq + qsq.at[iota ^ sh].get(mode="promise_in_bounds")
        q2v = qsq
        qnv = q2v * _rsqrt(q2v)

        def merge(bv, bi, tv, d, gi):
            cnt = plsc.all_reduce_population_count(d < tv)
            pred = cnt[0] > 0

            def do(args):
                bv, bi, d, gi = args
                ds_, is_ = plsc.sort_key_val(d, gi, descending=True)
                keep = bv <= ds_
                mv = jnp.where(keep, bv, ds_)
                mi = jnp.where(keep, bi, is_)
                sv, si = plsc.sort_key_val(mv, mi)
                stv = jnp.zeros((LANES,), jnp.float32) + sv[K - 1]
                return sv, si, stv

            def skip(args):
                bv, bi, _, _ = args
                return bv, bi, tv

            return lax.cond(pred, do, skip, (bv, bi, d, gi))

        def group_dist(buf, g):
            dot = jnp.zeros((LANES,), jnp.float32)
            nrm = jnp.zeros((LANES,), jnp.float32)
            for r in range(LANES):
                rb = (g * LANES + r) * D
                xs = [buf[pl.ds(rb + c * LANES, LANES)]
                      for c in range(D // LANES)]
                pd = qvs[0] * xs[0]
                pn = xs[0] * xs[0]
                for c in range(1, D // LANES):
                    pd = pd + qvs[c] * xs[c]
                    pn = pn + xs[c] * xs[c]
                m = iota == r
                dot = jnp.where(m, jnp.sum(pd), dot)
                nrm = jnp.where(m, jnp.sum(pn), nrm)
            dn = nrm * _rsqrt(nrm)
            denom = jnp.maximum(qnv * dn, np.float32(1e-8))
            return np.float32(1.0) - dot / denom

        def process_chunk(buf, chunk_base, bv, bi, tv):
            def g_body(g, carry):
                bv, bi, tv = carry
                d = group_dist(buf, g)
                gi = chunk_base + g * LANES + iota
                return merge(bv, bi, tv, d, gi)
            return lax.fori_loop(0, groups_full, g_body, (bv, bi, tv))

        def start(c, buf, sem):
            return pltpu.async_copy(
                db_hbm.at[pl.ds((base + c * C) * D, C * D)], buf, sem)

        bv0 = jnp.full((K,), _F32_MAX, jnp.float32)
        bi0 = jnp.zeros((K,), jnp.int32)
        tv0 = jnp.full((LANES,), _F32_MAX, jnp.float32)

        start(0, buf0, sem0)
        start(1, buf1, sem1)

        def pair_body(i, carry):
            bv, bi, tv = carry
            c0 = 2 * i
            pltpu.make_async_copy(db_hbm.at[pl.ds(0, C * D)], buf0,
                                  sem0).wait()
            bv, bi, tv = process_chunk(buf0, base + c0 * C, bv, bi, tv)

            @pl.when(i < n_full // 2 - 1)
            def _():
                start(c0 + 2, buf0, sem0)

            pltpu.make_async_copy(db_hbm.at[pl.ds(0, C * D)], buf1,
                                  sem1).wait()
            bv, bi, tv = process_chunk(buf1, base + c0 * C + C, bv, bi, tv)

            @pl.when(i < n_full // 2 - 1)
            def _():
                start(c0 + 3, buf1, sem1)

            return bv, bi, tv

        bv, bi, tv = lax.fori_loop(0, n_full // 2, pair_body, (bv0, bi0, tv0))

        if tail > 0:
            t0 = base + n_full * C
            pltpu.sync_copy(db_hbm.at[pl.ds(t0 * D, tail * D)],
                            buf0.at[pl.ds(0, tail * D)])
            n_tail_groups = (tail + LANES - 1) // LANES
            for g in range(n_tail_groups):
                d = group_dist(buf0, g)
                lrows = g * LANES + iota
                valid = lrows < tail
                d = jnp.where(valid, d, _F32_MAX)
                gi = t0 + lrows
                bv, bi, tv = merge(bv, bi, tv, d, gi)

        stgv[...] = bv
        stgi[...] = bi
        pltpu.sync_copy(stgv, outv_hbm.at[wid])
        pltpu.sync_copy(stgi, outi_hbm.at[wid])

    return sc_stage


def _final_merge(v_ref, i_ref, d_ref, x_ref):
    v = v_ref[...]
    ids = i_ref[...]
    outd = jnp.zeros((1, K), jnp.float32)
    outi = jnp.zeros((1, K), jnp.int32)
    col = lax.broadcasted_iota(jnp.int32, (1, K), 1)
    for j in range(K):
        m = jnp.min(v)
        sel = v == m
        w = jnp.min(jnp.where(sel, ids, _I32_MAX))
        outd = jnp.where(col == j, m, outd)
        outi = jnp.where(col == j, w, outi)
        v = jnp.where(sel & (ids == w), _F32_MAX, v)
    d_ref[...] = outd
    x_ref[...] = outi


@jax.jit
def kernel(query, database):
    n = database.shape[0]
    q_flat = query.reshape(-1)
    db_flat = database.reshape(-1)
    cand_v, cand_i = _make_sc_stage(n)(q_flat, db_flat)
    d, idx = pl.pallas_call(
        _final_merge,
        out_shape=(
            jax.ShapeDtypeStruct((1, K), jnp.float32),
            jax.ShapeDtypeStruct((1, K), jnp.int32),
        ),
    )(cand_v, cand_i)
    return d, idx

# --- scband reference (transcript-rebuilt; emitter-appended) ---
"""Pipeline reference for scband-cache-25391846654085 (READ-ONLY COPY).

The authoritative reference and input builder live on the scoring server;
editing this copy changes nothing except your own understanding.
"""

import jax, jax.numpy as jnp
import numpy as np

K = 16

def setup_inputs(seed: int = 0) -> dict:
    key = jax.random.key(seed)
    k1, k2 = jax.random.split(key)
    query = jax.random.normal(k1, (1, 64), dtype=jnp.float32)
    database = jax.random.normal(k2, (1000000, 64), dtype=jnp.float32)
    return {"query": query, "database": database}


def reference(query, database):
    # Faithful port of Cache.top_k: dist = 1 - cosine_similarity(query, database, dim=1)
    # then torch.topk(dist, k, largest=False) -> smallest-distance neighbors.
    eps = 1e-8
    qn = jnp.sqrt(jnp.sum(query * query, axis=1))           # [1]
    dn = jnp.sqrt(jnp.sum(database * database, axis=1))     # [N]
    dot = jnp.sum(query * database, axis=1)                 # [N] via broadcast
    sim = dot / jnp.maximum(qn * dn, eps)
    dist = 1.0 - sim
    neg_d, idx = jax.lax.top_k(-dist, K)                    # smallest distances
    d = -neg_d
    return (d[None, :], idx[None, :])

if __name__ == "__main__":
    import jax
    _d = setup_inputs()
    print(jax.jit(kernel)(*tuple(_d.values())))

</pallas_src>

<mosaic_0001>
#map = affine_map<(d0, d1) -> (0)>
#map1 = affine_map<(d0, d1) -> (0, 0)>
module attributes {stable_mosaic.version = 14 : i64} {
  func.func @sc_stage(%arg0: i32, %arg1: i32, %arg2: memref<64xf32, #tpu.memory_space<hbm>>, %arg3: memref<64000000xf32, #tpu.memory_space<hbm>>, %arg4: memref<32x16xf32, #tpu.memory_space<hbm>>, %arg5: memref<32x16xi32, #tpu.memory_space<hbm>>, %arg6: memref<62464xf32, #tpu.memory_space<vmem>>, %arg7: memref<62464xf32, #tpu.memory_space<vmem>>, %arg8: memref<64xf32, #tpu.memory_space<vmem>>, %arg9: memref<16xf32, #tpu.memory_space<vmem>>, %arg10: memref<16xi32, #tpu.memory_space<vmem>>, %arg11: memref<!tpu.dma_semaphore, #tpu.memory_space<semaphore_mem>>, %arg12: memref<!tpu.dma_semaphore, #tpu.memory_space<semaphore_mem>>) attributes {dimension_semantics = [#tpu.dimension_semantics<core_parallel>, #tpu.dimension_semantics<subcore_parallel>], iteration_bounds = array<i64: 2, 16>, scalar_prefetch = 0 : i64, scratch_operands = 7 : i64, tpu.core_type = #tpu.core_type<sc_vector_subcore>, window_params = [{transform_indices = #map}, {transform_indices = #map}, {transform_indices = #map1}, {transform_indices = #map1}]} {
    %mul3A = arith.constant 2 : i32
    %mul3A_0 = arith.muli %arg1, %mul3A : i32
    %add3A = arith.addi %mul3A_0, %arg0 : i32
    %mul3A_1 = arith.constant 31250 : i32
    %mul3A_2 = arith.muli %add3A, %mul3A_1 : i32
    %iota3A = tpu.iota {dimensions = array<i32: 0>} : vector<16xi32>
    "tpu.region"() ({
      %run_scoped3A = tpu.sem_alloc : memref<!tpu.dma_semaphore, #tpu.memory_space<semaphore_mem>>
      tpu.enqueue_dma source(%arg2 : memref<64xf32, #tpu.memory_space<hbm>>) target(%arg8 : memref<64xf32, #tpu.memory_space<vmem>>) target_semaphore(%run_scoped3A : memref<!tpu.dma_semaphore, #tpu.memory_space<semaphore_mem>>)
      tpu.wait_dma2 semaphore(%run_scoped3A : memref<!tpu.dma_semaphore, #tpu.memory_space<semaphore_mem>>) src(%arg2 : memref<64xf32, #tpu.memory_space<hbm>>) dst(%arg8 : memref<64xf32, #tpu.memory_space<vmem>>)
      tpu.yield
    }) : () -> ()
    %get3A = arith.constant 0 : index
    %get3A_3 = tpu.vector_load %arg8[%get3A] {strides = array<i32>} : memref<64xf32, #tpu.memory_space<vmem>>, vector<16xf32>,
    %get3A_4 = arith.constant 16 : index
    %get3A_5 = tpu.vector_load %arg8[%get3A_4] {strides = array<i32>} : memref<64xf32, #tpu.memory_space<vmem>>, vector<16xf32>,
    %get3A_6 = arith.constant 32 : index
    %get3A_7 = tpu.vector_load %arg8[%get3A_6] {strides = array<i32>} : memref<64xf32, #tpu.memory_space<vmem>>, vector<16xf32>,
    %get3A_8 = arith.constant 48 : index
    %get3A_9 = tpu.vector_load %arg8[%get3A_8] {strides = array<i32>} : memref<64xf32, #tpu.memory_space<vmem>>, vector<16xf32>,
    %broadcast_in_dim3A = arith.constant 0.000000e+00 : f32
    %broadcast_in_dim3A_10 = vector.broadcast %broadcast_in_dim3A : f32 to vector<16xf32>
    %mul3A_11 = arith.mulf %get3A_3, %get3A_3 : vector<16xf32>
    %add3A_12 = arith.addf %broadcast_in_dim3A_10, %mul3A_11 : vector<16xf32>
    %mul3A_13 = arith.mulf %get3A_5, %get3A_5 : vector<16xf32>
    %add3A_14 = arith.addf %add3A_12, %mul3A_13 : vector<16xf32>
    %mul3A_15 = arith.mulf %get3A_7, %get3A_7 : vector<16xf32>
    %add3A_16 = arith.addf %add3A_14, %mul3A_15 : vector<16xf32>
    %mul3A_17 = arith.mulf %get3A_9, %get3A_9 : vector<16xf32>
    %add3A_18 = arith.addf %add3A_16, %mul3A_17 : vector<16xf32>
    %xor3A = arith.constant 8 : i32
    %xor3A_19 = vector.broadcast %xor3A : i32 to vector<16xi32>
    %xor3A_20 = arith.xori %iota3A, %xor3A_19 : vector<16xi32>
    %lt3A = arith.constant 0 : i32
    %lt3A_21 = vector.broadcast %lt3A : i32 to vector<16xi32>
    %lt3A_22 = arith.cmpi slt, %xor3A_20, %lt3A_21 : vector<16xi32>
    %add3A_23 = arith.constant 16 : i32
    %add3A_24 = vector.broadcast %add3A_23 : i32 to vector<16xi32>
    %add3A_25 = arith.addi %xor3A_20, %add3A_24 : vector<16xi32>
    %select_n3A = arith.select %lt3A_22, %add3A_25, %xor3A_20 : vector<16xi1>, vector<16xi32>
    %broadcast_in_dim3A_26 = vector.shape_cast %select_n3A : vector<16xi32> to vector<16x1xi32>
    %gather3A = vector.shape_cast %broadcast_in_dim3A_26 : vector<16x1xi32> to vector<16xi32>
    %gather3A_27 = tpu.dynamic_gather %add3A_18[%gather3A] in [0] : vector<16xf32>, vector<16xi32> -> vector<16xf32>
    %add3A_28 = arith.addf %add3A_18, %gather3A_27 : vector<16xf32>
    %xor3A_29 = arith.constant 4 : i32
    %xor3A_30 = vector.broadcast %xor3A_29 : i32 to vector<16xi32>
    %xor3A_31 = arith.xori %iota3A, %xor3A_30 : vector<16xi32>
    %lt3A_32 = arith.constant 0 : i32
    %lt3A_33 = vector.broadcast %lt3A_32 : i32 to vector<16xi32>
    %lt3A_34 = arith.cmpi slt, %xor3A_31, %lt3A_33 : vector<16xi32>
    %add3A_35 = arith.constant 16 : i32
    %add3A_36 = vector.broadcast %add3A_35 : i32 to vector<16xi32>
    %add3A_37 = arith.addi %xor3A_31, %add3A_36 : vector<16xi32>
    %select_n3A_38 = arith.select %lt3A_34, %add3A_37, %xor3A_31 : vector<16xi1>, vector<16xi32>
    %broadcast_in_dim3A_39 = vector.shape_cast %select_n3A_38 : vector<16xi32> to vector<16x1xi32>
    %gather3A_40 = vector.shape_cast %broadcast_in_dim3A_39 : vector<16x1xi32> to vector<16xi32>
    %gather3A_41 = tpu.dynamic_gather %add3A_28[%gather3A_40] in [0] : vector<16xf32>, vector<16xi32> -> vector<16xf32>
    %add3A_42 = arith.addf %add3A_28, %gather3A_41 : vector<16xf32>
    %xor3A_43 = arith.constant 2 : i32
    %xor3A_44 = vector.broadcast %xor3A_43 : i32 to vector<16xi32>
    %xor3A_45 = arith.xori %iota3A, %xor3A_44 : vector<16xi32>
    %lt3A_46 = arith.constant 0 : i32
    %lt3A_47 = vector.broadcast %lt3A_46 : i32 to vector<16xi32>
    %lt3A_48 = arith.cmpi slt, %xor3A_45, %lt3A_47 : vector<16xi32>
    %add3A_49 = arith.constant 16 : i32
    %add3A_50 = vector.broadcast %add3A_49 : i32 to vector<16xi32>
    %add3A_51 = arith.addi %xor3A_45, %add3A_50 : vector<16xi32>
    %select_n3A_52 = arith.select %lt3A_48, %add3A_51, %xor3A_45 : vector<16xi1>, vector<16xi32>
    %broadcast_in_dim3A_53 = vector.shape_cast %select_n3A_52 : vector<16xi32> to vector<16x1xi32>
    %gather3A_54 = vector.shape_cast %broadcast_in_dim3A_53 : vector<16x1xi32> to vector<16xi32>
    %gather3A_55 = tpu.dynamic_gather %add3A_42[%gather3A_54] in [0] : vector<16xf32>, vector<16xi32> -> vector<16xf32>
    %add3A_56 = arith.addf %add3A_42, %gather3A_55 : vector<16xf32>
    %xor3A_57 = arith.constant 1 : i32
    %xor3A_58 = vector.broadcast %xor3A_57 : i32 to vector<16xi32>
    %xor3A_59 = arith.xori %iota3A, %xor3A_58 : vector<16xi32>
    %lt3A_60 = arith.constant 0 : i32
    %lt3A_61 = vector.broadcast %lt3A_60 : i32 to vector<16xi32>
    %lt3A_62 = arith.cmpi slt, %xor3A_59, %lt3A_61 : vector<16xi32>
    %add3A_63 = arith.constant 16 : i32
    %add3A_64 = vector.broadcast %add3A_63 : i32 to vector<16xi32>
    %add3A_65 = arith.addi %xor3A_59, %add3A_64 : vector<16xi32>
    %select_n3A_66 = arith.select %lt3A_62, %add3A_65, %xor3A_59 : vector<16xi1>, vector<16xi32>
    %broadcast_in_dim3A_67 = vector.shape_cast %select_n3A_66 : vector<16xi32> to vector<16x1xi32>
    %gather3A_68 = vector.shape_cast %broadcast_in_dim3A_67 : vector<16x1xi32> to vector<16xi32>
    %gather3A_69 = tpu.dynamic_gather %add3A_56[%gather3A_68] in [0] : vector<16xf32>, vector<16xi32> -> vector<16xf32>
    %add3A_70 = arith.addf %add3A_56, %gather3A_69 : vector<16xf32>
    %bitcast_convert_type3A = tpu.bitcast %add3A_70 : vector<16xf32> -> vector<16xi32>
    %shift_right_arithmetic3A = arith.constant 1 : i32
    %shift_right_arithmetic3A_71 = vector.broadcast %shift_right_arithmetic3A : i32 to vector<16xi32>
    %shift_right_arithmetic3A_72 = arith.shrsi %bitcast_convert_type3A, %shift_right_arithmetic3A_71 : vector<16xi32>
    %sub3A = arith.constant 1597463007 : i32
    %sub3A_73 = vector.broadcast %sub3A : i32 to vector<16xi32>
    %sub3A_74 = arith.subi %sub3A_73, %shift_right_arithmetic3A_72 : vector<16xi32>
    %bitcast_convert_type3A_75 = tpu.bitcast %sub3A_74 : vector<16xi32> -> vector<16xf32>
    %mul3A_76 = arith.constant 5.000000e-01 : f32
    %mul3A_77 = vector.broadcast %mul3A_76 : f32 to vector<16xf32>
    %mul3A_78 = arith.mulf %mul3A_77, %add3A_70 : vector<16xf32>
    %mul3A_79 = arith.mulf %mul3A_78, %bitcast_convert_type3A_75 : vector<16xf32>
    %mul3A_80 = arith.mulf %mul3A_79, %bitcast_convert_type3A_75 : vector<16xf32>
    %sub3A_81 = arith.constant 1.500000e+00 : f32
    %sub3A_82 = vector.broadcast %sub3A_81 : f32 to vector<16xf32>
    %sub3A_83 = arith.subf %sub3A_82, %mul3A_80 : vector<16xf32>
    %mul3A_84 = arith.mulf %bitcast_convert_type3A_75, %sub3A_83 : vector<16xf32>
    %mul3A_85 = arith.constant 5.000000e-01 : f32
    %mul3A_86 = vector.broadcast %mul3A_85 : f32 to vector<16xf32>
    %mul3A_87 = arith.mulf %mul3A_86, %add3A_70 : vector<16xf32>
    %mul3A_88 = arith.mulf %mul3A_87, %mul3A_84 : vector<16xf32>
    %mul3A_89 = arith.mulf %mul3A_88, %mul3A_84 : vector<16xf32>
    %sub3A_90 = arith.constant 1.500000e+00 : f32
    %sub3A_91 = vector.broadcast %sub3A_90 : f32 to vector<16xf32>
    %sub3A_92 = arith.subf %sub3A_91, %mul3A_89 : vector<16xf32>
    %mul3A_93 = arith.mulf %mul3A_84, %sub3A_92 : vector<16xf32>
    %mul3A_94 = arith.constant 5.000000e-01 : f32
    %mul3A_95 = vector.broadcast %mul3A_94 : f32 to vector<16xf32>
    %mul3A_96 = arith.mulf %mul3A_95, %add3A_70 : vector<16xf32>
    %mul3A_97 = arith.mulf %mul3A_96, %mul3A_93 : vector<16xf32>
    %mul3A_98 = arith.mulf %mul3A_97, %mul3A_93 : vector<16xf32>
    %sub3A_99 = arith.constant 1.500000e+00 : f32
    %sub3A_100 = vector.broadcast %sub3A_99 : f32 to vector<16xf32>
    %sub3A_101 = arith.subf %sub3A_100, %mul3A_98 : vector<16xf32>
    %mul3A_102 = arith.mulf %mul3A_93, %sub3A_101 : vector<16xf32>
    %mul3A_103 = arith.mulf %add3A_70, %mul3A_102 : vector<16xf32>
    %broadcast_in_dim3A_104 = arith.constant 3.400000e+38 : f32
    %broadcast_in_dim3A_105 = vector.broadcast %broadcast_in_dim3A_104 : f32 to vector<16xf32>
    %broadcast_in_dim3A_106 = arith.constant 0 : i32
    %broadcast_in_dim3A_107 = vector.broadcast %broadcast_in_dim3A_106 : i32 to vector<16xi32>
    %broadcast_in_dim3A_108 = arith.constant 3.400000e+38 : f32
    %broadcast_in_dim3A_109 = vector.broadcast %broadcast_in_dim3A_108 : f32 to vector<16xf32>
    %add3A_110 = arith.constant 0 : i32
    %add3A_111 = arith.addi %mul3A_2, %add3A_110 : i32
    %mul3A_112 = arith.constant 64 : i32
    %mul3A_113 = arith.muli %add3A_111, %mul3A_112 : i32
    %dma_start3A = tpu.memref_slice %arg3[%mul3A_113] : memref<64000000xf32, #tpu.memory_space<hbm>> -> memref<62464xf32, #tpu.memory_space<hbm>>
    %dma_start3A_114 = tpu.memref_slice %arg3[%mul3A_113] : memref<64000000xf32, #tpu.memory_space<hbm>> -> memref<62464xf32, #tpu.memory_space<hbm>>
    tpu.enqueue_dma source(%dma_start3A_114 : memref<62464xf32, #tpu.memory_space<hbm>>) target(%arg6 : memref<62464xf32, #tpu.memory_space<vmem>>) target_semaphore(%arg11 : memref<!tpu.dma_semaphore, #tpu.memory_space<semaphore_mem>>)
    %add3A_115 = arith.constant 976 : i32
    %add3A_116 = arith.addi %mul3A_2, %add3A_115 : i32
    %mul3A_117 = arith.constant 64 : i32
    %mul3A_118 = arith.muli %add3A_116, %mul3A_117 : i32
    %dma_start3A_119 = tpu.memref_slice %arg3[%mul3A_118] : memref<64000000xf32, #tpu.memory_space<hbm>> -> memref<62464xf32, #tpu.memory_space<hbm>>
    %dma_start3A_120 = tpu.memref_slice %arg3[%mul3A_118] : memref<64000000xf32, #tpu.memory_space<hbm>> -> memref<62464xf32, #tpu.memory_space<hbm>>
    tpu.enqueue_dma source(%dma_start3A_120 : memref<62464xf32, #tpu.memory_space<hbm>>) target(%arg7 : memref<62464xf32, #tpu.memory_space<vmem>>) target_semaphore(%arg12 : memref<!tpu.dma_semaphore, #tpu.memory_space<semaphore_mem>>)
    %scan3A = arith.constant 0 : i32
    %scan3A_121 = arith.constant 16 : i32
    %scan3A_122 = arith.addi %scan3A, %scan3A_121 : i32
    %scan3A_123 = arith.constant 1 : i32
    %scan3A_124:3 = scf.for %scan3A_1444 = %scan3A to %scan3A_122 step %scan3A_123 iter_args(%scan3A_1445 = %broadcast_in_dim3A_105, %scan3A_1446 = %broadcast_in_dim3A_107, %scan3A_1447 = %broadcast_in_dim3A_109) -> (vector<16xf32>, vector<16xi32>, vector<16xf32>)  : i32 {
      %mul3A_1448 = arith.constant 2 : i32
      %mul3A_1449 = arith.muli %mul3A_1448, %scan3A_1444 : i32
      %dma_wait3A = arith.constant 0 : i32
      %dma_wait3A_1450 = tpu.memref_slice %arg3[%dma_wait3A] : memref<64000000xf32, #tpu.memory_space<hbm>> -> memref<62464xf32, #tpu.memory_space<hbm>>
      %dma_wait3A_1451 = arith.constant 0 : i32
      %dma_wait3A_1452 = tpu.memref_slice %arg3[%dma_wait3A_1451] : memref<64000000xf32, #tpu.memory_space<hbm>> -> memref<62464xf32, #tpu.memory_space<hbm>>
      tpu.wait_dma2 semaphore(%arg11 : memref<!tpu.dma_semaphore, #tpu.memory_space<semaphore_mem>>) src(%dma_wait3A_1452 : memref<62464xf32, #tpu.memory_space<hbm>>) dst(%arg6 : memref<62464xf32, #tpu.memory_space<vmem>>)
      %mul3A_1453 = arith.constant 976 : i32
      %mul3A_1454 = arith.muli %mul3A_1449, %mul3A_1453 : i32
      %add3A_1455 = arith.addi %mul3A_2, %mul3A_1454 : i32
      %scan3A_1456 = arith.constant 0 : i32
      %scan3A_1457 = arith.constant 61 : i32
      %scan3A_1458 = arith.addi %scan3A_1456, %scan3A_1457 : i32
      %scan3A_1459 = arith.constant 1 : i32
      %scan3A_1460:3 = scf.for %scan3A_1487 = %scan3A_1456 to %scan3A_1458 step %scan3A_1459 iter_args(%scan3A_1488 = %scan3A_1445, %scan3A_1489 = %scan3A_1446, %scan3A_1490 = %scan3A_1447) -> (vector<16xf32>, vector<16xi32>, vector<16xf32>)  : i32 {
        %broadcast_in_dim3A_1491 = arith.constant 0.000000e+00 : f32
        %broadcast_in_dim3A_1492 = vector.broadcast %broadcast_in_dim3A_1491 : f32 to vector<16xf32>
        %broadcast_in_dim3A_1493 = arith.constant 0.000000e+00 : f32
        %broadcast_in_dim3A_1494 = vector.broadcast %broadcast_in_dim3A_1493 : f32 to vector<16xf32>
        %mul3A_1495 = arith.constant 16 : i32
        %mul3A_1496 = arith.muli %scan3A_1487, %mul3A_1495 : i32
        %add3A_1497 = arith.constant 0 : i32
        %add3A_1498 = arith.addi %mul3A_1496, %add3A_1497 : i32
        %mul3A_1499 = arith.constant 64 : i32
        %mul3A_1500 = arith.muli %add3A_1498, %mul3A_1499 : i32
        %add3A_1501 = arith.constant 0 : i32
        %add3A_1502 = arith.addi %mul3A_1500, %add3A_1501 : i32
        %get3A_1503 = arith.index_cast %add3A_1502 : i32 to index
        %get3A_1504 = tpu.vector_load %arg6[%get3A_1503] {strides = array<i32>} : memref<62464xf32, #tpu.memory_space<vmem>>, vector<16xf32>,
        %add3A_1505 = arith.constant 16 : i32
        %add3A_1506 = arith.addi %mul3A_1500, %add3A_1505 : i32
        %get3A_1507 = arith.index_cast %add3A_1506 : i32 to index
        %get3A_1508 = tpu.vector_load %arg6[%get3A_1507] {strides = array<i32>} : memref<62464xf32, #tpu.memory_space<vmem>>, vector<16xf32>,
        %add3A_1509 = arith.constant 32 : i32
        %add3A_1510 = arith.addi %mul3A_1500, %add3A_1509 : i32
        %get3A_1511 = arith.index_cast %add3A_1510 : i32 to index
        %get3A_1512 = tpu.vector_load %arg6[%get3A_1511] {strides = array<i32>} : memref<62464xf32, #tpu.memory_space<vmem>>, vector<16xf32>,
        %add3A_1513 = arith.constant 48 : i32
        %add3A_1514 = arith.addi %mul3A_1500, %add3A_1513 : i32
        %get3A_1515 = arith.index_cast %add3A_1514 : i32 to index
        %get3A_1516 = tpu.vector_load %arg6[%get3A_1515] {strides = array<i32>} : memref<62464xf32, #tpu.memory_space<vmem>>, vector<16xf32>,
        %mul3A_1517 = arith.mulf %get3A_3, %get3A_1504 : vector<16xf32>
        %mul3A_1518 = arith.mulf %get3A_1504, %get3A_1504 : vector<16xf32>
        %mul3A_1519 = arith.mulf %get3A_5, %get3A_1508 : vector<16xf32>
        %add3A_1520 = arith.addf %mul3A_1517, %mul3A_1519 : vector<16xf32>
        %mul3A_1521 = arith.mulf %get3A_1508, %get3A_1508 : vector<16xf32>
        %add3A_1522 = arith.addf %mul3A_1518, %mul3A_1521 : vector<16xf32>
        %mul3A_1523 = arith.mulf %get3A_7, %get3A_1512 : vector<16xf32>
        %add3A_1524 = arith.addf %add3A_1520, %mul3A_1523 : vector<16xf32>
        %mul3A_1525 = arith.mulf %get3A_1512, %get3A_1512 : vector<16xf32>
        %add3A_1526 = arith.addf %add3A_1522, %mul3A_1525 : vector<16xf32>
        %mul3A_1527 = arith.mulf %get3A_9, %get3A_1516 : vector<16xf32>
        %add3A_1528 = arith.addf %add3A_1524, %mul3A_1527 : vector<16xf32>
        %mul3A_1529 = arith.mulf %get3A_1516, %get3A_1516 : vector<16xf32>
        %add3A_1530 = arith.addf %add3A_1526, %mul3A_1529 : vector<16xf32>
        %eq3A_1531 = arith.constant 0 : i32
        %eq3A_1532 = vector.broadcast %eq3A_1531 : i32 to vector<16xi32>
        %eq3A_1533 = arith.cmpi eq, %iota3A, %eq3A_1532 : vector<16xi32>
        %reduce_sum3A_1534 = arith.constant true
        %reduce_sum3A_1535 = vector.broadcast %reduce_sum3A_1534 : i1 to vector<16xi1>
        %reduce_sum3A_1536 = tpu.scan <sum>, %add3A_1528 masked %reduce_sum3A_1535 : vector<16xf32>, vector<16xi1> -> vector<16xf32>
        %reduce_sum3A_1537 = vector.extract %reduce_sum3A_1536[15] : f32 from vector<16xf32>
        %broadcast_in_dim3A_1538 = vector.broadcast %reduce_sum3A_1537 : f32 to vector<16xf32>
        %select_n3A_1539 = arith.select %eq3A_1533, %broadcast_in_dim3A_1538, %broadcast_in_dim3A_1492 : vector<16xi1>, vector<16xf32>
        %reduce_sum3A_1540 = arith.constant true
        %reduce_sum3A_1541 = vector.broadcast %reduce_sum3A_1540 : i1 to vector<16xi1>
        %reduce_sum3A_1542 = tpu.scan <sum>, %add3A_1530 masked %reduce_sum3A_1541 : vector<16xf32>, vector<16xi1> -> vector<16xf32>
        %reduce_sum3A_1543 = vector.extract %reduce_sum3A_1542[15] : f32 from vector<16xf32>
        %broadcast_in_dim3A_1544 = vector.broadcast %reduce_sum3A_1543 : f32 to vector<16xf32>
        %select_n3A_1545 = arith.select %eq3A_1533, %broadcast_in_dim3A_1544, %broadcast_in_dim3A_1494 : vector<16xi1>, vector<16xf32>
        %mul3A_1546 = arith.constant 16 : i32
        %mul3A_1547 = arith.muli %scan3A_1487, %mul3A_1546 : i32
        %add3A_1548 = arith.constant 1 : i32
        %add3A_1549 = arith.addi %mul3A_1547, %add3A_1548 : i32
        %mul3A_1550 = arith.constant 64 : i32
        %mul3A_1551 = arith.muli %add3A_1549, %mul3A_1550 : i32
        %add3A_1552 = arith.constant 0 : i32
        %add3A_1553 = arith.addi %mul3A_1551, %add3A_1552 : i32
        %get3A_1554 = arith.index_cast %add3A_1553 : i32 to index
        %get3A_1555 = tpu.vector_load %arg6[%get3A_1554] {strides = array<i32>} : memref<62464xf32, #tpu.memory_space<vmem>>, vector<16xf32>,
        %add3A_1556 = arith.constant 16 : i32
        %add3A_1557 = arith.addi %mul3A_1551, %add3A_1556 : i32
        %get3A_1558 = arith.index_cast %add3A_1557 : i32 to index
        %get3A_1559 = tpu.vector_load %arg6[%get3A_1558] {strides = array<i32>} : memref<62464xf32, #tpu.memory_space<vmem>>, vector<16xf32>,
        %add3A_1560 = arith.constant 32 : i32
        %add3A_1561 = arith.addi %mul3A_1551, %add3A_1560 : i32
        %get3A_1562 = arith.index_cast %add3A_1561 : i32 to index
        %get3A_1563 = tpu.vector_load %arg6[%get3A_1562] {strides = array<i32>} : memref<62464xf32, #tpu.memory_space<vmem>>, vector<16xf32>,
        %add3A_1564 = arith.constant 48 : i32
        %add3A_1565 = arith.addi %mul3A_1551, %add3A_1564 : i32
        %get3A_1566 = arith.index_cast %add3A_1565 : i32 to index
        %get3A_1567 = tpu.vector_load %arg6[%get3A_1566] {strides = array<i32>} : memref<62464xf32, #tpu.memory_space<vmem>>, vector<16xf32>,
        %mul3A_1568 = arith.mulf %get3A_3, %get3A_1555 : vector<16xf32>
        %mul3A_1569 = arith.mulf %get3A_1555, %get3A_1555 : vector<16xf32>
        %mul3A_1570 = arith.mulf %get3A_5, %get3A_1559 : vector<16xf32>
        %add3A_1571 = arith.addf %mul3A_1568, %mul3A_1570 : vector<16xf32>
        %mul3A_1572 = arith.mulf %get3A_1559, %get3A_1559 : vector<16xf32>
        %add3A_1573 = arith.addf %mul3A_1569, %mul3A_1572 : vector<16xf32>
        %mul3A_1574 = arith.mulf %get3A_7, %get3A_1563 : vector<16xf32>
        %add3A_1575 = arith.addf %add3A_1571, %mul3A_1574 : vector<16xf32>
        %mul3A_1576 = arith.mulf %get3A_1563, %get3A_1563 : vector<16xf32>
        %add3A_1577 = arith.addf %add3A_1573, %mul3A_1576 : vector<16xf32>
        %mul3A_1578 = arith.mulf %get3A_9, %get3A_1567 : vector<16xf32>
        %add3A_1579 = arith.addf %add3A_1575, %mul3A_1578 : vector<16xf32>
        %mul3A_1580 = arith.mulf %get3A_1567, %get3A_1567 : vector<16xf32>
        %add3A_1581 = arith.addf %add3A_1577, %mul3A_1580 : vector<16xf32>
        %eq3A_1582 = arith.constant 1 : i32
        %eq3A_1583 = vector.broadcast %eq3A_1582 : i32 to vector<16xi32>
        %eq3A_1584 = arith.cmpi eq, %iota3A, %eq3A_1583 : vector<16xi32>
        %reduce_sum3A_1585 = arith.constant true
        %reduce_sum3A_1586 = vector.broadcast %reduce_sum3A_1585 : i1 to vector<16xi1>
        %reduce_sum3A_1587 = tpu.scan <sum>, %add3A_1579 masked %reduce_sum3A_1586 : vector<16xf32>, vector<16xi1> -> vector<16xf32>
        %reduce_sum3A_1588 = vector.extract %reduce_sum3A_1587[15] : f32 from vector<16xf32>
        %broadcast_in_dim3A_1589 = vector.broadcast %reduce_sum3A_1588 : f32 to vector<16xf32>
        %select_n3A_1590 = arith.select %eq3A_1584, %broadcast_in_dim3A_1589, %select_n3A_1539 : vector<16xi1>, vector<16xf32>
        %reduce_sum3A_1591 = arith.constant true
        %reduce_sum3A_1592 = vector.broadcast %reduce_sum3A_1591 : i1 to vector<16xi1>
        %reduce_sum3A_1593 = tpu.scan <sum>, %add3A_1581 masked %reduce_sum3A_1592 : vector<16xf32>, vector<16xi1> -> vector<16xf32>
        %reduce_sum3A_1594 = vector.extract %reduce_sum3A_1593[15] : f32 from vector<16xf32>
        %broadcast_in_dim3A_1595 = vector.broadcast %reduce_sum3A_1594 : f32 to vector<16xf32>
        %select_n3A_1596 = arith.select %eq3A_1584, %broadcast_in_dim3A_1595, %select_n3A_1545 : vector<16xi1>, vector<16xf32>
        %mul3A_1597 = arith.constant 16 : i32
        %mul3A_1598 = arith.muli %scan3A_1487, %mul3A_1597 : i32
        %add3A_1599 = arith.constant 2 : i32
        %add3A_1600 = arith.addi %mul3A_1598, %add3A_1599 : i32
        %mul3A_1601 = arith.constant 64 : i32
        %mul3A_1602 = arith.muli %add3A_1600, %mul3A_1601 : i32
        %add3A_1603 = arith.constant 0 : i32
        %add3A_1604 = arith.addi %mul3A_1602, %add3A_1603 : i32
        %get3A_1605 = arith.index_cast %add3A_1604 : i32 to index
        %get3A_1606 = tpu.vector_load %arg6[%get3A_1605] {strides = array<i32>} : memref<62464xf32, #tpu.memory_space<vmem>>, vector<16xf32>,
        %add3A_1607 = arith.constant 16 : i32
        %add3A_1608 = arith.addi %mul3A_1602, %add3A_1607 : i32
        %get3A_1609 = arith.index_cast %add3A_1608 : i32 to index
        %get3A_1610 = tpu.vector_load %arg6[%get3A_1609] {strides = array<i32>} : memref<62464xf32, #tpu.memory_space<vmem>>, vector<16xf32>,
        %add3A_1611 = arith.constant 32 : i32
        %add3A_1612 = arith.addi %mul3A_1602, %add3A_1611 : i32
        %get3A_1613 = arith.index_cast %add3A_1612 : i32 to index
        %get3A_1614 = tpu.vector_load %arg6[%get3A_1613] {strides = array<i32>} : memref<62464xf32, #tpu.memory_space<vmem>>, vector<16xf32>,
        %add3A_1615 = arith.constant 48 : i32
        %add3A_1616 = arith.addi %mul3A_1602, %add3A_1615 : i32
        %get3A_1617 = arith.index_cast %add3A_1616 : i32 to index
        %get3A_1618 = tpu.vector_load %arg6[%get3A_1617] {strides = array<i32>} : memref<62464xf32, #tpu.memory_space<vmem>>, vector<16xf32>,
        %mul3A_1619 = arith.mulf %get3A_3, %get3A_1606 : vector<16xf32>
        %mul3A_1620 = arith.mulf %get3A_1606, %get3A_1606 : vector<16xf32>
        %mul3A_1621 = arith.mulf %get3A_5, %get3A_1610 : vector<16xf32>
        %add3A_1622 = arith.addf %mul3A_1619, %mul3A_1621 : vector<16xf32>
        %mul3A_1623 = arith.mulf %get3A_1610, %get3A_1610 : vector<16xf32>
        %add3A_1624 = arith.addf %mul3A_1620, %mul3A_1623 : vector<16xf32>
        %mul3A_1625 = arith.mulf %get3A_7, %get3A_1614 : vector<16xf32>
        %add3A_1626 = arith.addf %add3A_1622, %mul3A_1625 : vector<16xf32>
        %mul3A_1627 = arith.mulf %get3A_1614, %get3A_1614 : vector<16xf32>
        %add3A_1628 = arith.addf %add3A_1624, %mul3A_1627 : vector<16xf32>
        %mul3A_1629 = arith.mulf %get3A_9, %get3A_1618 : vector<16xf32>
        %add3A_1630 = arith.addf %add3A_1626, %mul3A_1629 : vector<16xf32>
        %mul3A_1631 = arith.mulf %get3A_1618, %get3A_1618 : vector<16xf32>
        %add3A_1632 = arith.addf %add3A_1628, %mul3A_1631 : vector<16xf32>
        %eq3A_1633 = arith.constant 2 : i32
        %eq3A_1634 = vector.broadcast %eq3A_1633 : i32 to vector<16xi32>
        %eq3A_1635 = arith.cmpi eq, %iota3A, %eq3A_1634 : vector<16xi32>
        %reduce_sum3A_1636 = arith.constant true
        %reduce_sum3A_1637 = vector.broadcast %reduce_sum3A_1636 : i1 to vector<16xi1>
        %reduce_sum3A_1638 = tpu.scan <sum>, %add3A_1630 masked %reduce_sum3A_1637 : vector<16xf32>, vector<16xi1> -> vector<16xf32>
        %reduce_sum3A_1639 = vector.extract %reduce_sum3A_1638[15] : f32 from vector<16xf32>
        %broadcast_in_dim3A_1640 = vector.broadcast %reduce_sum3A_1639 : f32 to vector<16xf32>
        %select_n3A_1641 = arith.select %eq3A_1635, %broadcast_in_dim3A_1640, %select_n3A_1590 : vector<16xi1>, vector<16xf32>
        %reduce_sum3A_1642 = arith.constant true
        %reduce_sum3A_1643 = vector.broadcast %reduce_sum3A_1642 : i1 to vector<16xi1>
        %reduce_sum3A_1644 = tpu.scan <sum>, %add3A_1632 masked %reduce_sum3A_1643 : vector<16xf32>, vector<16xi1> -> vector<16xf32>
        %reduce_sum3A_1645 = vector.extract %reduce_sum3A_1644[15] : f32 from vector<16xf32>
        %broadcast_in_dim3A_1646 = vector.broadcast %reduce_sum3A_1645 : f32 to vector<16xf32>
        %select_n3A_1647 = arith.select %eq3A_1635, %broadcast_in_dim3A_1646, %select_n3A_1596 : vector<16xi1>, vector<16xf32>
        %mul3A_1648 = arith.constant 16 : i32
        %mul3A_1649 = arith.muli %scan3A_1487, %mul3A_1648 : i32
        %add3A_1650 = arith.constant 3 : i32
        %add3A_1651 = arith.addi %mul3A_1649, %add3A_1650 : i32
        %mul3A_1652 = arith.constant 64 : i32
        %mul3A_1653 = arith.muli %add3A_1651, %mul3A_1652 : i32
        %add3A_1654 = arith.constant 0 : i32
        %add3A_1655 = arith.addi %mul3A_1653, %add3A_1654 : i32
        %get3A_1656 = arith.index_cast %add3A_1655 : i32 to index
        %get3A_1657 = tpu.vector_load %arg6[%get3A_1656] {strides = array<i32>} : memref<62464xf32, #tpu.memory_space<vmem>>, vector<16xf32>,
        %add3A_1658 = arith.constant 16 : i32
        %add3A_1659 = arith.addi %mul3A_1653, %add3A_1658 : i32
        %get3A_1660 = arith.index_cast %add3A_1659 : i32 to index
        %get3A_1661 = tpu.vector_load %arg6[%get3A_1660] {strides = array<i32>} : memref<62464xf32, #tpu.memory_space<vmem>>, vector<16xf32>,
        %add3A_1662 = arith.constant 32 : i32
        %add3A_1663 = arith.addi %mul3A_1653, %add3A_1662 : i32
        %get3A_1664 = arith.index_cast %add3A_1663 : i32 to index
        %get3A_1665 = tpu.vector_load %arg6[%get3A_1664] {strides = array<i32>} : memref<62464xf32, #tpu.memory_space<vmem>>, vector<16xf32>,
        %add3A_1666 = arith.constant 48 : i32
        %add3A_1667 = arith.addi %mul3A_1653, %add3A_1666 : i32
        %get3A_1668 = arith.index_cast %add3A_1667 : i32 to index
        %get3A_1669 = tpu.vector_load %arg6[%get3A_1668] {strides = array<i32>} : memref<62464xf32, #tpu.memory_space<vmem>>, vector<16xf32>,
        %mul3A_1670 = arith.mulf %get3A_3, %get3A_1657 : vector<16xf32>
        %mul3A_1671 = arith.mulf %get3A_1657, %get3A_1657 : vector<16xf32>
        %mul3A_1672 = arith.mulf %get3A_5, %get3A_1661 : vector<16xf32>
        %add3A_1673 = arith.addf %mul3A_1670, %mul3A_1672 : vector<16xf32>
        %mul3A_1674 = arith.mulf %get3A_1661, %get3A_1661 : vector<16xf32>
        %add3A_1675 = arith.addf %mul3A_1671, %mul3A_1674 : vector<16xf32>
        %mul3A_1676 = arith.mulf %get3A_7, %get3A_1665 : vector<16xf32>
        %add3A_1677 = arith.addf %add3A_1673, %mul3A_1676 : vector<16xf32>
        %mul3A_1678 = arith.mulf %get3A_1665, %get3A_1665 : vector<16xf32>
        %add3A_1679 = arith.addf %add3A_1675, %mul3A_1678 : vector<16xf32>
        %mul3A_1680 = arith.mulf %get3A_9, %get3A_1669 : vector<16xf32>
        %add3A_1681 = arith.addf %add3A_1677, %mul3A_1680 : vector<16xf32>
        %mul3A_1682 = arith.mulf %get3A_1669, %get3A_1669 : vector<16xf32>
        %add3A_1683 = arith.addf %add3A_1679, %mul3A_1682 : vector<16xf32>
        %eq3A_1684 = arith.constant 3 : i32
        %eq3A_1685 = vector.broadcast %eq3A_1684 : i32 to vector<16xi32>
        %eq3A_1686 = arith.cmpi eq, %iota3A, %eq3A_1685 : vector<16xi32>
        %reduce_sum3A_1687 = arith.constant true
        %reduce_sum3A_1688 = vector.broadcast %reduce_sum3A_1687 : i1 to vector<16xi1>
        %reduce_sum3A_1689 = tpu.scan <sum>, %add3A_1681 masked %reduce_sum3A_1688 : vector<16xf32>, vector<16xi1> -> vector<16xf32>
        %reduce_sum3A_1690 = vector.extract %reduce_sum3A_1689[15] : f32 from vector<16xf32>
        %broadcast_in_dim3A_1691 = vector.broadcast %reduce_sum3A_1690 : f32 to vector<16xf32>
        %select_n3A_1692 = arith.select %eq3A_1686, %broadcast_in_dim3A_1691, %select_n3A_1641 : vector<16xi1>, vector<16xf32>
        %reduce_sum3A_1693 = arith.constant true
        %reduce_sum3A_1694 = vector.broadcast %reduce_sum3A_1693 : i1 to vector<16xi1>
        %reduce_sum3A_1695 = tpu.scan <sum>, %add3A_1683 masked %reduce_sum3A_1694 : vector<16xf32>, vector<16xi1> -> vector<16xf32>
        %reduce_sum3A_1696 = vector.extract %reduce_sum3A_1695[15] : f32 from vector<16xf32>
        %broadcast_in_dim3A_1697 = vector.broadcast %reduce_sum3A_1696 : f32 to vector<16xf32>
        %select_n3A_1698 = arith.select %eq3A_1686, %broadcast_in_dim3A_1697, %select_n3A_1647 : vector<16xi1>, vector<16xf32>
        %mul3A_1699 = arith.constant 16 : i32
        %mul3A_1700 = arith.muli %scan3A_1487, %mul3A_1699 : i32
        %add3A_1701 = arith.constant 4 : i32
        %add3A_1702 = arith.addi %mul3A_1700, %add3A_1701 : i32
        %mul3A_1703 = arith.constant 64 : i32
        %mul3A_1704 = arith.muli %add3A_1702, %mul3A_1703 : i32
        %add3A_1705 = arith.constant 0 : i32
        %add3A_1706 = arith.addi %mul3A_1704, %add3A_1705 : i32
        %get3A_1707 = arith.index_cast %add3A_1706 : i32 to index
        %get3A_1708 = tpu.vector_load %arg6[%get3A_1707] {strides = array<i32>} : memref<62464xf32, #tpu.memory_space<vmem>>, vector<16xf32>,
        %add3A_1709 = arith.constant 16 : i32
        %add3A_1710 = arith.addi %mul3A_1704, %add3A_1709 : i32
        %get3A_1711 = arith.index_cast %add3A_1710 : i32 to index
        %get3A_1712 = tpu.vector_load %arg6[%get3A_1711] {strides = array<i32>} : memref<62464xf32, #tpu.memory_space<vmem>>, vector<16xf32>,
        %add3A_1713 = arith.constant 32 : i32
        %add3A_1714 = arith.addi %mul3A_1704, %add3A_1713 : i32
        %get3A_1715 = arith.index_cast %add3A_1714 : i32 to index
        %get3A_1716 = tpu.vector_load %arg6[%get3A_1715] {strides = array<i32>} : memref<62464xf32, #tpu.memory_space<vmem>>, vector<16xf32>,
        %add3A_1717 = arith.constant 48 : i32
        %add3A_1718 = arith.addi %mul3A_1704, %add3A_1717 : i32
        %get3A_1719 = arith.index_cast %add3A_1718 : i32 to index
        %get3A_1720 = tpu.vector_load %arg6[%get3A_1719] {strides = array<i32>} : memref<62464xf32, #tpu.memory_space<vmem>>, vector<16xf32>,
        %mul3A_1721 = arith.mulf %get3A_3, %get3A_1708 : vector<16xf32>
        %mul3A_1722 = arith.mulf %get3A_1708, %get3A_1708 : vector<16xf32>
        %mul3A_1723 = arith.mulf %get3A_5, %get3A_1712 : vector<16xf32>
        %add3A_1724 = arith.addf %mul3A_1721, %mul3A_1723 : vector<16xf32>
        %mul3A_1725 = arith.mulf %get3A_1712, %get3A_1712 : vector<16xf32>
        %add3A_1726 = arith.addf %mul3A_1722, %mul3A_1725 : vector<16xf32>
        %mul3A_1727 = arith.mulf %get3A_7, %get3A_1716 : vector<16xf32>
        %add3A_1728 = arith.addf %add3A_1724, %mul3A_1727 : vector<16xf32>
        %mul3A_1729 = arith.mulf %get3A_1716, %get3A_1716 : vector<16xf32>
        %add3A_1730 = arith.addf %add3A_1726, %mul3A_1729 : vector<16xf32>
        %mul3A_1731 = arith.mulf %get3A_9, %get3A_1720 : vector<16xf32>
        %add3A_1732 = arith.addf %add3A_1728, %mul3A_1731 : vector<16xf32>
        %mul3A_1733 = arith.mulf %get3A_1720, %get3A_1720 : vector<16xf32>
        %add3A_1734 = arith.addf %add3A_1730, %mul3A_1733 : vector<16xf32>
        %eq3A_1735 = arith.constant 4 : i32
        %eq3A_1736 = vector.broadcast %eq3A_1735 : i32 to vector<16xi32>
        %eq3A_1737 = arith.cmpi eq, %iota3A, %eq3A_1736 : vector<16xi32>
        %reduce_sum3A_1738 = arith.constant true
        %reduce_sum3A_1739 = vector.broadcast %reduce_sum3A_1738 : i1 to vector<16xi1>
        %reduce_sum3A_1740 = tpu.scan <sum>, %add3A_1732 masked %reduce_sum3A_1739 : vector<16xf32>, vector<16xi1> -> vector<16xf32>
        %reduce_sum3A_1741 = vector.extract %reduce_sum3A_1740[15] : f32 from vector<16xf32>
        %broadcast_in_dim3A_1742 = vector.broadcast %reduce_sum3A_1741 : f32 to vector<16xf32>
        %select_n3A_1743 = arith.select %eq3A_1737, %broadcast_in_dim3A_1742, %select_n3A_1692 : vector<16xi1>, vector<16xf32>
        %reduce_sum3A_1744 = arith.constant true
        %reduce_sum3A_1745 = vector.broadcast %reduce_sum3A_1744 : i1 to vector<16xi1>
        %reduce_sum3A_1746 = tpu.scan <sum>, %add3A_1734 masked %reduce_sum3A_1745 : vector<16xf32>, vector<16xi1> -> vector<16xf32>
        %reduce_sum3A_1747 = vector.extract %reduce_sum3A_1746[15] : f32 from vector<16xf32>
        %broadcast_in_dim3A_1748 = vector.broadcast %reduce_sum3A_1747 : f32 to vector<16xf32>
        %select_n3A_1749 = arith.select %eq3A_1737, %broadcast_in_dim3A_1748, %select_n3A_1698 : vector<16xi1>, vector<16xf32>
        %mul3A_1750 = arith.constant 16 : i32
        %mul3A_1751 = arith.muli %scan3A_1487, %mul3A_1750 : i32
        %add3A_1752 = arith.constant 5 : i32
        %add3A_1753 = arith.addi %mul3A_1751, %add3A_1752 : i32
        %mul3A_1754 = arith.constant 64 : i32
        %mul3A_1755 = arith.muli %add3A_1753, %mul3A_1754 : i32
        %add3A_1756 = arith.constant 0 : i32
        %add3A_1757 = arith.addi %mul3A_1755, %add3A_1756 : i32
        %get3A_1758 = arith.index_cast %add3A_1757 : i32 to index
        %get3A_1759 = tpu.vector_load %arg6[%get3A_1758] {strides = array<i32>} : memref<62464xf32, #tpu.memory_space<vmem>>, vector<16xf32>,
        %add3A_1760 = arith.constant 16 : i32
        %add3A_1761 = arith.addi %mul3A_1755, %add3A_1760 : i32
        %get3A_1762 = arith.index_cast %add3A_1761 : i32 to index
        %get3A_1763 = tpu.vector_load %arg6[%get3A_1762] {strides = array<i32>} : memref<62464xf32, #tpu.memory_space<vmem>>, vector<16xf32>,
        %add3A_1764 = arith.constant 32 : i32
        %add3A_1765 = arith.addi %mul3A_1755, %add3A_1764 : i32
        %get3A_1766 = arith.index_cast %add3A_1765 : i32 to index
        %get3A_1767 = tpu.vector_load %arg6[%get3A_1766] {strides = array<i32>} : memref<62464xf32, #tpu.memory_space<vmem>>, vector<16xf32>,
        %add3A_1768 = arith.constant 48 : i32
        %add3A_1769 = arith.addi %mul3A_1755, %add3A_1768 : i32
        %get3A_1770 = arith.index_cast %add3A_1769 : i32 to index
        %get3A_1771 = tpu.vector_load %arg6[%get3A_1770] {strides = array<i32>} : memref<62464xf32, #tpu.memory_space<vmem>>, vector<16xf32>,
        %mul3A_1772 = arith.mulf %get3A_3, %get3A_1759 : vector<16xf32>
        %mul3A_1773 = arith.mulf %get3A_1759, %get3A_1759 : vector<16xf32>
        %mul3A_1774 = arith.mulf %get3A_5, %get3A_1763 : vector<16xf32>
        %add3A_1775 = arith.addf %mul3A_1772, %mul3A_1774 : vector<16xf32>
        %mul3A_1776 = arith.mulf %get3A_1763, %get3A_1763 : vector<16xf32>
        %add3A_1777 = arith.addf %mul3A_1773, %mul3A_1776 : vector<16xf32>
        %mul3A_1778 = arith.mulf %get3A_7, %get3A_1767 : vector<16xf32>
        %add3A_1779 = arith.addf %add3A_1775, %mul3A_1778 : vector<16xf32>
        %mul3A_1780 = arith.mulf %get3A_1767, %get3A_1767 : vector<16xf32>
        %add3A_1781 = arith.addf %add3A_1777, %mul3A_1780 : vector<16xf32>
        %mul3A_1782 = arith.mulf %get3A_9, %get3A_1771 : vector<16xf32>
        %add3A_1783 = arith.addf %add3A_1779, %mul3A_1782 : vector<16xf32>
        %mul3A_1784 = arith.mulf %get3A_1771, %get3A_1771 : vector<16xf32>
        %add3A_1785 = arith.addf %add3A_1781, %mul3A_1784 : vector<16xf32>
        %eq3A_1786 = arith.constant 5 : i32
        %eq3A_1787 = vector.broadcast %eq3A_1786 : i32 to vector<16xi32>
        %eq3A_1788 = arith.cmpi eq, %iota3A, %eq3A_1787 : vector<16xi32>
        %reduce_sum3A_1789 = arith.constant true
        %reduce_sum3A_1790 = vector.broadcast %reduce_sum3A_1789 : i1 to vector<16xi1>
        %reduce_sum3A_1791 = tpu.scan <sum>, %add3A_1783 masked %reduce_sum3A_1790 : vector<16xf32>, vector<16xi1> -> vector<16xf32>
        %reduce_sum3A_1792 = vector.extract %reduce_sum3A_1791[15] : f32 from vector<16xf32>
        %broadcast_in_dim3A_1793 = vector.broadcast %reduce_sum3A_1792 : f32 to vector<16xf32>
        %select_n3A_1794 = arith.select %eq3A_1788, %broadcast_in_dim3A_1793, %select_n3A_1743 : vector<16xi1>, vector<16xf32>
        %reduce_sum3A_1795 = arith.constant true
        %reduce_sum3A_1796 = vector.broadcast %reduce_sum3A_1795 : i1 to vector<16xi1>
        %reduce_sum3A_1797 = tpu.scan <sum>, %add3A_1785 masked %reduce_sum3A_1796 : vector<16xf32>, vector<16xi1> -> vector<16xf32>
        %reduce_sum3A_1798 = vector.extract %reduce_sum3A_1797[15] : f32 from vector<16xf32>
        %broadcast_in_dim3A_1799 = vector.broadcast %reduce_sum3A_1798 : f32 to vector<16xf32>
        %select_n3A_1800 = arith.select %eq3A_1788, %broadcast_in_dim3A_1799, %select_n3A_1749 : vector<16xi1>, vector<16xf32>
        %mul3A_1801 = arith.constant 16 : i32
        %mul3A_1802 = arith.muli %scan3A_1487, %mul3A_1801 : i32
        %add3A_1803 = arith.constant 6 : i32
        %add3A_1804 = arith.addi %mul3A_1802, %add3A_1803 : i32
        %mul3A_1805 = arith.constant 64 : i32
        %mul3A_1806 = arith.muli %add3A_1804, %mul3A_1805 : i32
        %add3A_1807 = arith.constant 0 : i32
        %add3A_1808 = arith.addi %mul3A_1806, %add3A_1807 : i32
        %get3A_1809 = arith.index_cast %add3A_1808 : i32 to index
        %get3A_1810 = tpu.vector_load %arg6[%get3A_1809] {strides = array<i32>} : memref<62464xf32, #tpu.memory_space<vmem>>, vector<16xf32>,
        %add3A_1811 = arith.constant 16 : i32
        %add3A_1812 = arith.addi %mul3A_1806, %add3A_1811 : i32
        %get3A_1813 = arith.index_cast %add3A_1812 : i32 to index
        %get3A_1814 = tpu.vector_load %arg6[%get3A_1813] {strides = array<i32>} : memref<62464xf32, #tpu.memory_space<vmem>>, vector<16xf32>,
        %add3A_1815 = arith.constant 32 : i32
        %add3A_1816 = arith.addi %mul3A_1806, %add3A_1815 : i32
        %get3A_1817 = arith.index_cast %add3A_1816 : i32 to index
        %get3A_1818 = tpu.vector_load %arg6[%get3A_1817] {strides = array<i32>} : memref<62464xf32, #tpu.memory_space<vmem>>, vector<16xf32>,
        %add3A_1819 = arith.constant 48 : i32
        %add3A_1820 = arith.addi %mul3A_1806, %add3A_1819 : i32
        %get3A_1821 = arith.index_cast %add3A_1820 : i32 to index
        %get3A_1822 = tpu.vector_load %arg6[%get3A_1821] {strides = array<i32>} : memref<62464xf32, #tpu.memory_space<vmem>>, vector<16xf32>,
        %mul3A_1823 = arith.mulf %get3A_3, %get3A_1810 : vector<16xf32>
        %mul3A_1824 = arith.mulf %get3A_1810, %get3A_1810 : vector<16xf32>
        %mul3A_1825 = arith.mulf %get3A_5, %get3A_1814 : vector<16xf32>
        %add3A_1826 = arith.addf %mul3A_1823, %mul3A_1825 : vector<16xf32>
        %mul3A_1827 = arith.mulf %get3A_1814, %get3A_1814 : vector<16xf32>
        %add3A_1828 = arith.addf %mul3A_1824, %mul3A_1827 : vector<16xf32>
        %mul3A_1829 = arith.mulf %get3A_7, %get3A_1818 : vector<16xf32>
        %add3A_1830 = arith.addf %add3A_1826, %mul3A_1829 : vector<16xf32>
        %mul3A_1831 = arith.mulf %get3A_1818, %get3A_1818 : vector<16xf32>
        %add3A_1832 = arith.addf %add3A_1828, %mul3A_1831 : vector<16xf32>
        %mul3A_1833 = arith.mulf %get3A_9, %get3A_1822 : vector<16xf32>
        %add3A_1834 = arith.addf %add3A_1830, %mul3A_1833 : vector<16xf32>
        %mul3A_1835 = arith.mulf %get3A_1822, %get3A_1822 : vector<16xf32>
        %add3A_1836 = arith.addf %add3A_1832, %mul3A_1835 : vector<16xf32>
        %eq3A_1837 = arith.constant 6 : i32
        %eq3A_1838 = vector.broadcast %eq3A_1837 : i32 to vector<16xi32>
        %eq3A_1839 = arith.cmpi eq, %iota3A, %eq3A_1838 : vector<16xi32>
        %reduce_sum3A_1840 = arith.constant true
        %reduce_sum3A_1841 = vector.broadcast %reduce_sum3A_1840 : i1 to vector<16xi1>
        %reduce_sum3A_1842 = tpu.scan <sum>, %add3A_1834 masked %reduce_sum3A_1841 : vector<16xf32>, vector<16xi1> -> vector<16xf32>
        %reduce_sum3A_1843 = vector.extract %reduce_sum3A_1842[15] : f32 from vector<16xf32>
        %broadcast_in_dim3A_1844 = vector.broadcast %reduce_sum3A_1843 : f32 to vector<16xf32>
        %select_n3A_1845 = arith.select %eq3A_1839, %broadcast_in_dim3A_1844, %select_n3A_1794 : vector<16xi1>, vector<16xf32>
        %reduce_sum3A_1846 = arith.constant true
        %reduce_sum3A_1847 = vector.broadcast %reduce_sum3A_1846 : i1 to vector<16xi1>
        %reduce_sum3A_1848 = tpu.scan <sum>, %add3A_1836 masked %reduce_sum3A_1847 : vector<16xf32>, vector<16xi1> -> vector<16xf32>
        %reduce_sum3A_1849 = vector.extract %reduce_sum3A_1848[15] : f32 from vector<16xf32>
        %broadcast_in_dim3A_1850 = vector.broadcast %reduce_sum3A_1849 : f32 to vector<16xf32>
        %select_n3A_1851 = arith.select %eq3A_1839, %broadcast_in_dim3A_1850, %select_n3A_1800 : vector<16xi1>, vector<16xf32>
        %mul3A_1852 = arith.constant 16 : i32
        %mul3A_1853 = arith.muli %scan3A_1487, %mul3A_1852 : i32
        %add3A_1854 = arith.constant 7 : i32
        %add3A_1855 = arith.addi %mul3A_1853, %add3A_1854 : i32
        %mul3A_1856 = arith.constant 64 : i32
        %mul3A_1857 = arith.muli %add3A_1855, %mul3A_1856 : i32
        %add3A_1858 = arith.constant 0 : i32
        %add3A_1859 = arith.addi %mul3A_1857, %add3A_1858 : i32
        %get3A_1860 = arith.index_cast %add3A_1859 : i32 to index
        %get3A_1861 = tpu.vector_load %arg6[%get3A_1860] {strides = array<i32>} : memref<62464xf32, #tpu.memory_space<vmem>>, vector<16xf32>,
        %add3A_1862 = arith.constant 16 : i32
        %add3A_1863 = arith.addi %mul3A_1857, %add3A_1862 : i32
        %get3A_1864 = arith.index_cast %add3A_1863 : i32 to index
        %get3A_1865 = tpu.vector_load %arg6[%get3A_1864] {strides = array<i32>} : memref<62464xf32, #tpu.memory_space<vmem>>, vector<16xf32>,
        %add3A_1866 = arith.constant 32 : i32
        %add3A_1867 = arith.addi %mul3A_1857, %add3A_1866 : i32
        %get3A_1868 = arith.index_cast %add3A_1867 : i32 to index
        %get3A_1869 = tpu.vector_load %arg6[%get3A_1868] {strides = array<i32>} : memref<62464xf32, #tpu.memory_space<vmem>>, vector<16xf32>,
        %add3A_1870 = arith.constant 48 : i32
        %add3A_1871 = arith.addi %mul3A_1857, %add3A_1870 : i32
        %get3A_1872 = arith.index_cast %add3A_1871 : i32 to index
        %get3A_1873 = tpu.vector_load %arg6[%get3A_1872] {strides = array<i32>} : memref<62464xf32, #tpu.memory_space<vmem>>, vector<16xf32>,
        %mul3A_1874 = arith.mulf %get3A_3, %get3A_1861 : vector<16xf32>
        %mul3A_1875 = arith.mulf %get3A_1861, %get3A_1861 : vector<16xf32>
        %mul3A_1876 = arith.mulf %get3A_5, %get3A_1865 : vector<16xf32>
        %add3A_1877 = arith.addf %mul3A_1874, %mul3A_1876 : vector<16xf32>
        %mul3A_1878 = arith.mulf %get3A_1865, %get3A_1865 : vector<16xf32>
        %add3A_1879 = arith.addf %mul3A_1875, %mul3A_1878 : vector<16xf32>
        %mul3A_1880 = arith.mulf %get3A_7, %get3A_1869 : vector<16xf32>
        %add3A_1881 = arith.addf %add3A_1877, %mul3A_1880 : vector<16xf32>
        %mul3A_1882 = arith.mulf %get3A_1869, %get3A_1869 : vector<16xf32>
        %add3A_1883 = arith.addf %add3A_1879, %mul3A_1882 : vector<16xf32>
        %mul3A_1884 = arith.mulf %get3A_9, %get3A_1873 : vector<16xf32>
        %add3A_1885 = arith.addf %add3A_1881, %mul3A_1884 : vector<16xf32>
        %mul3A_1886 = arith.mulf %get3A_1873, %get3A_1873 : vector<16xf32>
        %add3A_1887 = arith.addf %add3A_1883, %mul3A_1886 : vector<16xf32>
        %eq3A_1888 = arith.constant 7 : i32
        %eq3A_1889 = vector.broadcast %eq3A_1888 : i32 to vector<16xi32>
        %eq3A_1890 = arith.cmpi eq, %iota3A, %eq3A_1889 : vector<16xi32>
        %reduce_sum3A_1891 = arith.constant true
        %reduce_sum3A_1892 = vector.broadcast %reduce_sum3A_1891 : i1 to vector<16xi1>
        %reduce_sum3A_1893 = tpu.scan <sum>, %add3A_1885 masked %reduce_sum3A_1892 : vector<16xf32>, vector<16xi1> -> vector<16xf32>
        %reduce_sum3A_1894 = vector.extract %reduce_sum3A_1893[15] : f32 from vector<16xf32>
        %broadcast_in_dim3A_1895 = vector.broadcast %reduce_sum3A_1894 : f32 to vector<16xf32>
        %select_n3A_1896 = arith.select %eq3A_1890, %broadcast_in_dim3A_1895, %select_n3A_1845 : vector<16xi1>, vector<16xf32>
        %reduce_sum3A_1897 = arith.constant true
        %reduce_sum3A_1898 = vector.broadcast %reduce_sum3A_1897 : i1 to vector<16xi1>
        %reduce_sum3A_1899 = tpu.scan <sum>, %add3A_1887 masked %reduce_sum3A_1898 : vector<16xf32>, vector<16xi1> -> vector<16xf32>
        %reduce_sum3A_1900 = vector.extract %reduce_sum3A_1899[15] : f32 from vector<16xf32>
        %broadcast_in_dim3A_1901 = vector.broadcast %reduce_sum3A_1900 : f32 to vector<16xf32>
        %select_n3A_1902 = arith.select %eq3A_1890, %broadcast_in_dim3A_1901, %select_n3A_1851 : vector<16xi1>, vector<16xf32>
        %mul3A_1903 = arith.constant 16 : i32
        %mul3A_1904 = arith.muli %scan3A_1487, %mul3A_1903 : i32
        %add3A_1905 = arith.constant 8 : i32
        %add3A_1906 = arith.addi %mul3A_1904, %add3A_1905 : i32
        %mul3A_1907 = arith.constant 64 : i32
        %mul3A_1908 = arith.muli %add3A_1906, %mul3A_1907 : i32
        %add3A_1909 = arith.constant 0 : i32
        %add3A_1910 = arith.addi %mul3A_1908, %add3A_1909 : i32
        %get3A_1911 = arith.index_cast %add3A_1910 : i32 to index
        %get3A_1912 = tpu.vector_load %arg6[%get3A_1911] {strides = array<i32>} : memref<62464xf32, #tpu.memory_space<vmem>>, vector<16xf32>,
        %add3A_1913 = arith.constant 16 : i32
        %add3A_1914 = arith.addi %mul3A_1908, %add3A_1913 : i32
        %get3A_1915 = arith.index_cast %add3A_1914 : i32 to index
        %get3A_1916 = tpu.vector_load %arg6[%get3A_1915] {strides = array<i32>} : memref<62464xf32, #tpu.memory_space<vmem>>, vector<16xf32>,
        %add3A_1917 = arith.constant 32 : i32
        %add3A_1918 = arith.addi %mul3A_1908, %add3A_1917 : i32
        %get3A_1919 = arith.index_cast %add3A_1918 : i32 to index
        %get3A_1920 = tpu.vector_load %arg6[%get3A_1919] {strides = array<i32>} : memref<62464xf32, #tpu.memory_space<vmem>>, vector<16xf32>,
        %add3A_1921 = arith.constant 48 : i32
        %add3A_1922 = arith.addi %mul3A_1908, %add3A_1921 : i32
        %get3A_1923 = arith.index_cast %add3A_1922 : i32 to index
        %get3A_1924 = tpu.vector_load %arg6[%get3A_1923] {strides = array<i32>} : memref<62464xf32, #tpu.memory_space<vmem>>, vector<16xf32>,
        %mul3A_1925 = arith.mulf %get3A_3, %get3A_1912 : vector<16xf32>
        %mul3A_1926 = arith.mulf %get3A_1912, %get3A_1912 : vector<16xf32>
        %mul3A_1927 = arith.mulf %get3A_5, %get3A_1916 : vector<16xf32>
        %add3A_1928 = arith.addf %mul3A_1925, %mul3A_1927 : vector<16xf32>
        %mul3A_1929 = arith.mulf %get3A_1916, %get3A_1916 : vector<16xf32>
        %add3A_1930 = arith.addf %mul3A_1926, %mul3A_1929 : vector<16xf32>
        %mul3A_1931 = arith.mulf %get3A_7, %get3A_1920 : vector<16xf32>
        %add3A_1932 = arith.addf %add3A_1928, %mul3A_1931 : vector<16xf32>
        %mul3A_1933 = arith.mulf %get3A_1920, %get3A_1920 : vector<16xf32>
        %add3A_1934 = arith.addf %add3A_1930, %mul3A_1933 : vector<16xf32>
        %mul3A_1935 = arith.mulf %get3A_9, %get3A_1924 : vector<16xf32>
        %add3A_1936 = arith.addf %add3A_1932, %mul3A_1935 : vector<16xf32>
        %mul3A_1937 = arith.mulf %get3A_1924, %get3A_1924 : vector<16xf32>
        %add3A_1938 = arith.addf %add3A_1934, %mul3A_1937 : vector<16xf32>
        %eq3A_1939 = arith.constant 8 : i32
        %eq3A_1940 = vector.broadcast %eq3A_1939 : i32 to vector<16xi32>
        %eq3A_1941 = arith.cmpi eq, %iota3A, %eq3A_1940 : vector<16xi32>
        %reduce_sum3A_1942 = arith.constant true
        %reduce_sum3A_1943 = vector.broadcast %reduce_sum3A_1942 : i1 to vector<16xi1>
        %reduce_sum3A_1944 = tpu.scan <sum>, %add3A_1936 masked %reduce_sum3A_1943 : vector<16xf32>, vector<16xi1> -> vector<16xf32>
        %reduce_sum3A_1945 = vector.extract %reduce_sum3A_1944[15] : f32 from vector<16xf32>
        %broadcast_in_dim3A_1946 = vector.broadcast %reduce_sum3A_1945 : f32 to vector<16xf32>
        %select_n3A_1947 = arith.select %eq3A_1941, %broadcast_in_dim3A_1946, %select_n3A_1896 : vector<16xi1>, vector<16xf32>
        %reduce_sum3A_1948 = arith.constant true
        %reduce_sum3A_1949 = vector.broadcast %reduce_sum3A_1948 : i1 to vector<16xi1>
        %reduce_sum3A_1950 = tpu.scan <sum>, %add3A_1938 masked %reduce_sum3A_1949 : vector<16xf32>, vector<16xi1> -> vector<16xf32>
        %reduce_sum3A_1951 = vector.extract %reduce_sum3A_1950[15] : f32 from vector<16xf32>
        %broadcast_in_dim3A_1952 = vector.broadcast %reduce_sum3A_1951 : f32 to vector<16xf32>
        %select_n3A_1953 = arith.select %eq3A_1941, %broadcast_in_dim3A_1952, %select_n3A_1902 : vector<16xi1>, vector<16xf32>
        %mul3A_1954 = arith.constant 16 : i32
        %mul3A_1955 = arith.muli %scan3A_1487, %mul3A_1954 : i32
        %add3A_1956 = arith.constant 9 : i32
        %add3A_1957 = arith.addi %mul3A_1955, %add3A_1956 : i32
        %mul3A_1958 = arith.constant 64 : i32
        %mul3A_1959 = arith.muli %add3A_1957, %mul3A_1958 : i32
        %add3A_1960 = arith.constant 0 : i32
        %add3A_1961 = arith.addi %mul3A_1959, %add3A_1960 : i32
        %get3A_1962 = arith.index_cast %add3A_1961 : i32 to index
        %get3A_1963 = tpu.vector_load %arg6[%get3A_1962] {strides = array<i32>} : memref<62464xf32, #tpu.memory_space<vmem>>, vector<16xf32>,
        %add3A_1964 = arith.constant 16 : i32
        %add3A_1965 = arith.addi %mul3A_1959, %add3A_1964 : i32
        %get3A_1966 = arith.index_cast %add3A_1965 : i32 to index
        %get3A_1967 = tpu.vector_load %arg6[%get3A_1966] {strides = array<i32>} : memref<62464xf32, #tpu.memory_space<vmem>>, vector<16xf32>,
        %add3A_1968 = arith.constant 32 : i32
        %add3A_1969 = arith.addi %mul3A_1959, %add3A_1968 : i32
        %get3A_1970 = arith.index_cast %add3A_1969 : i32 to index
        %get3A_1971 = tpu.vector_load %arg6[%get3A_1970] {strides = array<i32>} : memref<62464xf32, #tpu.memory_space<vmem>>, vector<16xf32>,
        %add3A_1972 = arith.constant 48 : i32
        %add3A_1973 = arith.addi %mul3A_1959, %add3A_1972 : i32
        %get3A_1974 = arith.index_cast %add3A_1973 : i32 to index
        %get3A_1975 = tpu.vector_load %arg6[%get3A_1974] {strides = array<i32>} : memref<62464xf32, #tpu.memory_space<vmem>>, vector<16xf32>,
        %mul3A_1976 = arith.mulf %get3A_3, %get3A_1963 : vector<16xf32>
        %mul3A_1977 = arith.mulf %get3A_1963, %get3A_1963 : vector<16xf32>
        %mul3A_1978 = arith.mulf %get3A_5, %get3A_1967 : vector<16xf32>
        %add3A_1979 = arith.addf %mul3A_1976, %mul3A_1978 : vector<16xf32>
        %mul3A_1980 = arith.mulf %get3A_1967, %get3A_1967 : vector<16xf32>
        %add3A_1981 = arith.addf %mul3A_1977, %mul3A_1980 : vector<16xf32>
        %mul3A_1982 = arith.mulf %get3A_7, %get3A_1971 : vector<16xf32>
        %add3A_1983 = arith.addf %add3A_1979, %mul3A_1982 : vector<16xf32>
        %mul3A_1984 = arith.mulf %get3A_1971, %get3A_1971 : vector<16xf32>
        %add3A_1985 = arith.addf %add3A_1981, %mul3A_1984 : vector<16xf32>
        %mul3A_1986 = arith.mulf %get3A_9, %get3A_1975 : vector<16xf32>
        %add3A_1987 = arith.addf %add3A_1983, %mul3A_1986 : vector<16xf32>
        %mul3A_1988 = arith.mulf %get3A_1975, %get3A_1975 : vector<16xf32>
        %add3A_1989 = arith.addf %add3A_1985, %mul3A_1988 : vector<16xf32>
        %eq3A_1990 = arith.constant 9 : i32
        %eq3A_1991 = vector.broadcast %eq3A_1990 : i32 to vector<16xi32>
        %eq3A_1992 = arith.cmpi eq, %iota3A, %eq3A_1991 : vector<16xi32>
        %reduce_sum3A_1993 = arith.constant true
        %reduce_sum3A_1994 = vector.broadcast %reduce_sum3A_1993 : i1 to vector<16xi1>
        %reduce_sum3A_1995 = tpu.scan <sum>, %add3A_1987 masked %reduce_sum3A_1994 : vector<16xf32>, vector<16xi1> -> vector<16xf32>
        %reduce_sum3A_1996 = vector.extract %reduce_sum3A_1995[15] : f32 from vector<16xf32>
        %broadcast_in_dim3A_1997 = vector.broadcast %reduce_sum3A_1996 : f32 to vector<16xf32>
        %select_n3A_1998 = arith.select %eq3A_1992, %broadcast_in_dim3A_1997, %select_n3A_1947 : vector<16xi1>, vector<16xf32>
        %reduce_sum3A_1999 = arith.constant true
        %reduce_sum3A_2000 = vector.broadcast %reduce_sum3A_1999 : i1 to vector<16xi1>
        %reduce_sum3A_2001 = tpu.scan <sum>, %add3A_1989 masked %reduce_sum3A_2000 : vector<16xf32>, vector<16xi1> -> vector<16xf32>
        %reduce_sum3A_2002 = vector.extract %reduce_sum3A_2001[15] : f32 from vector<16xf32>
        %broadcast_in_dim3A_2003 = vector.broadcast %reduce_sum3A_2002 : f32 to vector<16xf32>
        %select_n3A_2004 = arith.select %eq3A_1992, %broadcast_in_dim3A_2003, %select_n3A_1953 : vector<16xi1>, vector<16xf32>
        %mul3A_2005 = arith.constant 16 : i32
        %mul3A_2006 = arith.muli %scan3A_1487, %mul3A_2005 : i32
        %add3A_2007 = arith.constant 10 : i32
        %add3A_2008 = arith.addi %mul3A_2006, %add3A_2007 : i32
        %mul3A_2009 = arith.constant 64 : i32
        %mul3A_2010 = arith.muli %add3A_2008, %mul3A_2009 : i32
        %add3A_2011 = arith.constant 0 : i32
        %add3A_2012 = arith.addi %mul3A_2010, %add3A_2011 : i32
        %get3A_2013 = arith.index_cast %add3A_2012 : i32 to index
        %get3A_2014 = tpu.vector_load %arg6[%get3A_2013] {strides = array<i32>} : memref<62464xf32, #tpu.memory_space<vmem>>, vector<16xf32>,
        %add3A_2015 = arith.constant 16 : i32
        %add3A_2016 = arith.addi %mul3A_2010, %add3A_2015 : i32
        %get3A_2017 = arith.index_cast %add3A_2016 : i32 to index
        %get3A_2018 = tpu.vector_load %arg6[%get3A_2017] {strides = array<i32>} : memref<62464xf32, #tpu.memory_space<vmem>>, vector<16xf32>,
        %add3A_2019 = arith.constant 32 : i32
        %add3A_2020 = arith.addi %mul3A_2010, %add3A_2019 : i32
        %get3A_2021 = arith.index_cast %add3A_2020 : i32 to index
        %get3A_2022 = tpu.vector_load %arg6[%get3A_2021] {strides = array<i32>} : memref<62464xf32, #tpu.memory_space<vmem>>, vector<16xf32>,
        %add3A_2023 = arith.constant 48 : i32
        %add3A_2024 = arith.addi %mul3A_2010, %add3A_2023 : i32
        %get3A_2025 = arith.index_cast %add3A_2024 : i32 to index
        %get3A_2026 = tpu.vector_load %arg6[%get3A_2025] {strides = array<i32>} : memref<62464xf32, #tpu.memory_space<vmem>>, vector<16xf32>,
        %mul3A_2027 = arith.mulf %get3A_3, %get3A_2014 : vector<16xf32>
        %mul3A_2028 = arith.mulf %get3A_2014, %get3A_2014 : vector<16xf32>
        %mul3A_2029 = arith.mulf %get3A_5, %get3A_2018 : vector<16xf32>
        %add3A_2030 = arith.addf %mul3A_2027, %mul3A_2029 : vector<16xf32>
        %mul3A_2031 = arith.mulf %get3A_2018, %get3A_2018 : vector<16xf32>
        %add3A_2032 = arith.addf %mul3A_2028, %mul3A_2031 : vector<16xf32>
        %mul3A_2033 = arith.mulf %get3A_7, %get3A_2022 : vector<16xf32>
        %add3A_2034 = arith.addf %add3A_2030, %mul3A_2033 : vector<16xf32>
        %mul3A_2035 = arith.mulf %get3A_2022, %get3A_2022 : vector<16xf32>
        %add3A_2036 = arith.addf %add3A_2032, %mul3A_2035 : vector<16xf32>
        %mul3A_2037 = arith.mulf %get3A_9, %get3A_2026 : vector<16xf32>
        %add3A_2038 = arith.addf %add3A_2034, %mul3A_2037 : vector<16xf32>
        %mul3A_2039 = arith.mulf %get3A_2026, %get3A_2026 : vector<16xf32>
        %add3A_2040 = arith.addf %add3A_2036, %mul3A_2039 : vector<16xf32>
        %eq3A_2041 = arith.constant 10 : i32
        %eq3A_2042 = vector.broadcast %eq3A_2041 : i32 to vector<16xi32>
        %eq3A_2043 = arith.cmpi eq, %iota3A, %eq3A_2042 : vector<16xi32>
        %reduce_sum3A_2044 = arith.constant true
        %reduce_sum3A_2045 = vector.broadcast %reduce_sum3A_2044 : i1 to vector<16xi1>
        %reduce_sum3A_2046 = tpu.scan <sum>, %add3A_2038 masked %reduce_sum3A_2045 : vector<16xf32>, vector<16xi1> -> vector<16xf32>
        %reduce_sum3A_2047 = vector.extract %reduce_sum3A_2046[15] : f32 from vector<16xf32>
        %broadcast_in_dim3A_2048 = vector.broadcast %reduce_sum3A_2047 : f32 to vector<16xf32>
        %select_n3A_2049 = arith.select %eq3A_2043, %broadcast_in_dim3A_2048, %select_n3A_1998 : vector<16xi1>, vector<16xf32>
        %reduce_sum3A_2050 = arith.constant true
        %reduce_sum3A_2051 = vector.broadcast %reduce_sum3A_2050 : i1 to vector<16xi1>
        %reduce_sum3A_2052 = tpu.scan <sum>, %add3A_2040 masked %reduce_sum3A_2051 : vector<16xf32>, vector<16xi1> -> vector<16xf32>
        %reduce_sum3A_2053 = vector.extract %reduce_sum3A_2052[15] : f32 from vector<16xf32>
        %broadcast_in_dim3A_2054 = vector.broadcast %reduce_sum3A_2053 : f32 to vector<16xf32>
        %select_n3A_2055 = arith.select %eq3A_2043, %broadcast_in_dim3A_2054, %select_n3A_2004 : vector<16xi1>, vector<16xf32>
        %mul3A_2056 = arith.constant 16 : i32
        %mul3A_2057 = arith.muli %scan3A_1487, %mul3A_2056 : i32
        %add3A_2058 = arith.constant 11 : i32
        %add3A_2059 = arith.addi %mul3A_2057, %add3A_2058 : i32
        %mul3A_2060 = arith.constant 64 : i32
        %mul3A_2061 = arith.muli %add3A_2059, %mul3A_2060 : i32
        %add3A_2062 = arith.constant 0 : i32
        %add3A_2063 = arith.addi %mul3A_2061, %add3A_2062 : i32
        %get3A_2064 = arith.index_cast %add3A_2063 : i32 to index
        %get3A_2065 = tpu.vector_load %arg6[%get3A_2064] {strides = array<i32>} : memref<62464xf32, #tpu.memory_space<vmem>>, vector<16xf32>,
        %add3A_2066 = arith.constant 16 : i32
        %add3A_2067 = arith.addi %mul3A_2061, %add3A_2066 : i32
        %get3A_2068 = arith.index_cast %add3A_2067 : i32 to index
        %get3A_2069 = tpu.vector_load %arg6[%get3A_2068] {strides = array<i32>} : memref<62464xf32, #tpu.memory_space<vmem>>, vector<16xf32>,
        %add3A_2070 = arith.constant 32 : i32
        %add3A_2071 = arith.addi %mul3A_2061, %add3A_2070 : i32
        %get3A_2072 = arith.index_cast %add3A_2071 : i32 to index
        %get3A_2073 = tpu.vector_load %arg6[%get3A_2072] {strides = array<i32>} : memref<62464xf32, #tpu.memory_space<vmem>>, vector<16xf32>,
        %add3A_2074 = arith.constant 48 : i32
        %add3A_2075 = arith.addi %mul3A_2061, %add3A_2074 : i32
        %get3A_2076 = arith.index_cast %add3A_2075 : i32 to index
        %get3A_2077 = tpu.vector_load %arg6[%get3A_2076] {strides = array<i32>} : memref<62464xf32, #tpu.memory_space<vmem>>, vector<16xf32>,
        %mul3A_2078 = arith.mulf %get3A_3, %get3A_2065 : vector<16xf32>
        %mul3A_2079 = arith.mulf %get3A_2065, %get3A_2065 : vector<16xf32>
        %mul3A_2080 = arith.mulf %get3A_5, %get3A_2069 : vector<16xf32>
        %add3A_2081 = arith.addf %mul3A_2078, %mul3A_2080 : vector<16xf32>
        %mul3A_2082 = arith.mulf %get3A_2069, %get3A_2069 : vector<16xf32>
        %add3A_2083 = arith.addf %mul3A_2079, %mul3A_2082 : vector<16xf32>
        %mul3A_2084 = arith.mulf %get3A_7, %get3A_2073 : vector<16xf32>
        %add3A_2085 = arith.addf %add3A_2081, %mul3A_2084 : vector<16xf32>
        %mul3A_2086 = arith.mulf %get3A_2073, %get3A_2073 : vector<16xf32>
        %add3A_2087 = arith.addf %add3A_2083, %mul3A_2086 : vector<16xf32>
        %mul3A_2088 = arith.mulf %get3A_9, %get3A_2077 : vector<16xf32>
        %add3A_2089 = arith.addf %add3A_2085, %mul3A_2088 : vector<16xf32>
        %mul3A_2090 = arith.mulf %get3A_2077, %get3A_2077 : vector<16xf32>
        %add3A_2091 = arith.addf %add3A_2087, %mul3A_2090 : vector<16xf32>
        %eq3A_2092 = arith.constant 11 : i32
        %eq3A_2093 = vector.broadcast %eq3A_2092 : i32 to vector<16xi32>
        %eq3A_2094 = arith.cmpi eq, %iota3A, %eq3A_2093 : vector<16xi32>
        %reduce_sum3A_2095 = arith.constant true
        %reduce_sum3A_2096 = vector.broadcast %reduce_sum3A_2095 : i1 to vector<16xi1>
        %reduce_sum3A_2097 = tpu.scan <sum>, %add3A_2089 masked %reduce_sum3A_2096 : vector<16xf32>, vector<16xi1> -> vector<16xf32>
        %reduce_sum3A_2098 = vector.extract %reduce_sum3A_2097[15] : f32 from vector<16xf32>
        %broadcast_in_dim3A_2099 = vector.broadcast %reduce_sum3A_2098 : f32 to vector<16xf32>
        %select_n3A_2100 = arith.select %eq3A_2094, %broadcast_in_dim3A_2099, %select_n3A_2049 : vector<16xi1>, vector<16xf32>
        %reduce_sum3A_2101 = arith.constant true
        %reduce_sum3A_2102 = vector.broadcast %reduce_sum3A_2101 : i1 to vector<16xi1>
        %reduce_sum3A_2103 = tpu.scan <sum>, %add3A_2091 masked %reduce_sum3A_2102 : vector<16xf32>, vector<16xi1> -> vector<16xf32>
        %reduce_sum3A_2104 = vector.extract %reduce_sum3A_2103[15] : f32 from vector<16xf32>
        %broadcast_in_dim3A_2105 = vector.broadcast %reduce_sum3A_2104 : f32 to vector<16xf32>
        %select_n3A_2106 = arith.select %eq3A_2094, %broadcast_in_dim3A_2105, %select_n3A_2055 : vector<16xi1>, vector<16xf32>
        %mul3A_2107 = arith.constant 16 : i32
        %mul3A_2108 = arith.muli %scan3A_1487, %mul3A_2107 : i32
        %add3A_2109 = arith.constant 12 : i32
        %add3A_2110 = arith.addi %mul3A_2108, %add3A_2109 : i32
        %mul3A_2111 = arith.constant 64 : i32
        %mul3A_2112 = arith.muli %add3A_2110, %mul3A_2111 : i32
        %add3A_2113 = arith.constant 0 : i32
        %add3A_2114 = arith.addi %mul3A_2112, %add3A_2113 : i32
        %get3A_2115 = arith.index_cast %add3A_2114 : i32 to index
        %get3A_2116 = tpu.vector_load %arg6[%get3A_2115] {strides = array<i32>} : memref<62464xf32, #tpu.memory_space<vmem>>, vector<16xf32>,
        %add3A_2117 = arith.constant 16 : i32
        %add3A_2118 = arith.addi %mul3A_2112, %add3A_2117 : i32
        %get3A_2119 = arith.index_cast %add3A_2118 : i32 to index
        %get3A_2120 = tpu.vector_load %arg6[%get3A_2119] {strides = array<i32>} : memref<62464xf32, #tpu.memory_space<vmem>>, vector<16xf32>,
        %add3A_2121 = arith.constant 32 : i32
        %add3A_2122 = arith.addi %mul3A_2112, %add3A_2121 : i32
        %get3A_2123 = arith.index_cast %add3A_2122 : i32 to index
        %get3A_2124 = tpu.vector_load %arg6[%get3A_2123] {strides = array<i32>} : memref<62464xf32, #tpu.memory_space<vmem>>, vector<16xf32>,
        %add3A_2125 = arith.constant 48 : i32
        %add3A_2126 = arith.addi %mul3A_2112, %add3A_2125 : i32
        %get3A_2127 = arith.index_cast %add3A_2126 : i32 to index
        %get3A_2128 = tpu.vector_load %arg6[%get3A_2127] {strides = array<i32>} : memref<62464xf32, #tpu.memory_space<vmem>>, vector<16xf32>,
        %mul3A_2129 = arith.mulf %get3A_3, %get3A_2116 : vector<16xf32>
        %mul3A_2130 = arith.mulf %get3A_2116, %get3A_2116 : vector<16xf32>
        %mul3A_2131 = arith.mulf %get3A_5, %get3A_2120 : vector<16xf32>
        %add3A_2132 = arith.addf %mul3A_2129, %mul3A_2131 : vector<16xf32>
        %mul3A_2133 = arith.mulf %get3A_2120, %get3A_2120 : vector<16xf32>
        %add3A_2134 = arith.addf %mul3A_2130, %mul3A_2133 : vector<16xf32>
        %mul3A_2135 = arith.mulf %get3A_7, %get3A_2124 : vector<16xf32>
        %add3A_2136 = arith.addf %add3A_2132, %mul3A_2135 : vector<16xf32>
        %mul3A_2137 = arith.mulf %get3A_2124, %get3A_2124 : vector<16xf32>
        %add3A_2138 = arith.addf %add3A_2134, %mul3A_2137 : vector<16xf32>
        %mul3A_2139 = arith.mulf %get3A_9, %get3A_2128 : vector<16xf32>
        %add3A_2140 = arith.addf %add3A_2136, %mul3A_2139 : vector<16xf32>
        %mul3A_2141 = arith.mulf %get3A_2128, %get3A_2128 : vector<16xf32>
        %add3A_2142 = arith.addf %add3A_2138, %mul3A_2141 : vector<16xf32>
        %eq3A_2143 = arith.constant 12 : i32
        %eq3A_2144 = vector.broadcast %eq3A_2143 : i32 to vector<16xi32>
        %eq3A_2145 = arith.cmpi eq, %iota3A, %eq3A_2144 : vector<16xi32>
        %reduce_sum3A_2146 = arith.constant true
        %reduce_sum3A_2147 = vector.broadcast %reduce_sum3A_2146 : i1 to vector<16xi1>
        %reduce_sum3A_2148 = tpu.scan <sum>, %add3A_2140 masked %reduce_sum3A_2147 : vector<16xf32>, vector<16xi1> -> vector<16xf32>
        %reduce_sum3A_2149 = vector.extract %reduce_sum3A_2148[15] : f32 from vector<16xf32>
        %broadcast_in_dim3A_2150 = vector.broadcast %reduce_sum3A_2149 : f32 to vector<16xf32>
        %select_n3A_2151 = arith.select %eq3A_2145, %broadcast_in_dim3A_2150, %select_n3A_2100 : vector<16xi1>, vector<16xf32>
        %reduce_sum3A_2152 = arith.constant true
        %reduce_sum3A_2153 = vector.broadcast %reduce_sum3A_2152 : i1 to vector<16xi1>
        %reduce_sum3A_2154 = tpu.scan <sum>, %add3A_2142 masked %reduce_sum3A_2153 : vector<16xf32>, vector<16xi1> -> vector<16xf32>
        %reduce_sum3A_2155 = vector.extract %reduce_sum3A_2154[15] : f32 from vector<16xf32>
        %broadcast_in_dim3A_2156 = vector.broadcast %reduce_sum3A_2155 : f32 to vector<16xf32>
        %select_n3A_2157 = arith.select %eq3A_2145, %broadcast_in_dim3A_2156, %select_n3A_2106 : vector<16xi1>, vector<16xf32>
        %mul3A_2158 = arith.constant 16 : i32
        %mul3A_2159 = arith.muli %scan3A_1487, %mul3A_2158 : i32
        %add3A_2160 = arith.constant 13 : i32
        %add3A_2161 = arith.addi %mul3A_2159, %add3A_2160 : i32
        %mul3A_2162 = arith.constant 64 : i32
        %mul3A_2163 = arith.muli %add3A_2161, %mul3A_2162 : i32
        %add3A_2164 = arith.constant 0 : i32
        %add3A_2165 = arith.addi %mul3A_2163, %add3A_2164 : i32
        %get3A_2166 = arith.index_cast %add3A_2165 : i32 to index
        %get3A_2167 = tpu.vector_load %arg6[%get3A_2166] {strides = array<i32>} : memref<62464xf32, #tpu.memory_space<vmem>>, vector<16xf32>,
        %add3A_2168 = arith.constant 16 : i32
        %add3A_2169 = arith.addi %mul3A_2163, %add3A_2168 : i32
        %get3A_2170 = arith.index_cast %add3A_2169 : i32 to index
        %get3A_2171 = tpu.vector_load %arg6[%get3A_2170] {strides = array<i32>} : memref<62464xf32, #tpu.memory_space<vmem>>, vector<16xf32>,
        %add3A_2172 = arith.constant 32 : i32
        %add3A_2173 = arith.addi %mul3A_2163, %add3A_2172 : i32
        %get3A_2174 = arith.index_cast %add3A_2173 : i32 to index
        %get3A_2175 = tpu.vector_load %arg6[%get3A_2174] {strides = array<i32>} : memref<62464xf32, #tpu.memory_space<vmem>>, vector<16xf32>,
        %add3A_2176 = arith.constant 48 : i32
        %add3A_2177 = arith.addi %mul3A_2163, %add3A_2176 : i32
        %get3A_2178 = arith.index_cast %add3A_2177 : i32 to index
        %get3A_2179 = tpu.vector_load %arg6[%get3A_2178] {strides = array<i32>} : memref<62464xf32, #tpu.memory_space<vmem>>, vector<16xf32>,
        %mul3A_2180 = arith.mulf %get3A_3, %get3A_2167 : vector<16xf32>
        %mul3A_2181 = arith.mulf %get3A_2167, %get3A_2167 : vector<16xf32>
        %mul3A_2182 = arith.mulf %get3A_5, %get3A_2171 : vector<16xf32>
        %add3A_2183 = arith.addf %mul3A_2180, %mul3A_2182 : vector<16xf32>
        %mul3A_2184 = arith.mulf %get3A_2171, %get3A_2171 : vector<16xf32>
        %add3A_2185 = arith.addf %mul3A_2181, %mul3A_2184 : vector<16xf32>
        %mul3A_2186 = arith.mulf %get3A_7, %get3A_2175 : vector<16xf32>
        %add3A_2187 = arith.addf %add3A_2183, %mul3A_2186 : vector<16xf32>
        %mul3A_2188 = arith.mulf %get3A_2175, %get3A_2175 : vector<16xf32>
        %add3A_2189 = arith.addf %add3A_2185, %mul3A_2188 : vector<16xf32>
        %mul3A_2190 = arith.mulf %get3A_9, %get3A_2179 : vector<16xf32>
        %add3A_2191 = arith.addf %add3A_2187, %mul3A_2190 : vector<16xf32>
        %mul3A_2192 = arith.mulf %get3A_2179, %get3A_2179 : vector<16xf32>
        %add3A_2193 = arith.addf %add3A_2189, %mul3A_2192 : vector<16xf32>
        %eq3A_2194 = arith.constant 13 : i32
        %eq3A_2195 = vector.broadcast %eq3A_2194 : i32 to vector<16xi32>
        %eq3A_2196 = arith.cmpi eq, %iota3A, %eq3A_2195 : vector<16xi32>
        %reduce_sum3A_2197 = arith.constant true
        %reduce_sum3A_2198 = vector.broadcast %reduce_sum3A_2197 : i1 to vector<16xi1>
        %reduce_sum3A_2199 = tpu.scan <sum>, %add3A_2191 masked %reduce_sum3A_2198 : vector<16xf32>, vector<16xi1> -> vector<16xf32>
        %reduce_sum3A_2200 = vector.extract %reduce_sum3A_2199[15] : f32 from vector<16xf32>
        %broadcast_in_dim3A_2201 = vector.broadcast %reduce_sum3A_2200 : f32 to vector<16xf32>
        %select_n3A_2202 = arith.select %eq3A_2196, %broadcast_in_dim3A_2201, %select_n3A_2151 : vector<16xi1>, vector<16xf32>
        %reduce_sum3A_2203 = arith.constant true
        %reduce_sum3A_2204 = vector.broadcast %reduce_sum3A_2203 : i1 to vector<16xi1>
        %reduce_sum3A_2205 = tpu.scan <sum>, %add3A_2193 masked %reduce_sum3A_2204 : vector<16xf32>, vector<16xi1> -> vector<16xf32>
        %reduce_sum3A_2206 = vector.extract %reduce_sum3A_2205[15] : f32 from vector<16xf32>
        %broadcast_in_dim3A_2207 = vector.broadcast %reduce_sum3A_2206 : f32 to vector<16xf32>
        %select_n3A_2208 = arith.select %eq3A_2196, %broadcast_in_dim3A_2207, %select_n3A_2157 : vector<16xi1>, vector<16xf32>
        %mul3A_2209 = arith.constant 16 : i32
        %mul3A_2210 = arith.muli %scan3A_1487, %mul3A_2209 : i32
        %add3A_2211 = arith.constant 14 : i32
        %add3A_2212 = arith.addi %mul3A_2210, %add3A_2211 : i32
        %mul3A_2213 = arith.constant 64 : i32
        %mul3A_2214 = arith.muli %add3A_2212, %mul3A_2213 : i32
        %add3A_2215 = arith.constant 0 : i32
        %add3A_2216 = arith.addi %mul3A_2214, %add3A_2215 : i32
        %get3A_2217 = arith.index_cast %add3A_2216 : i32 to index
        %get3A_2218 = tpu.vector_load %arg6[%get3A_2217] {strides = array<i32>} : memref<62464xf32, #tpu.memory_space<vmem>>, vector<16xf32>,
        %add3A_2219 = arith.constant 16 : i32
        %add3A_2220 = arith.addi %mul3A_2214, %add3A_2219 : i32
        %get3A_2221 = arith.index_cast %add3A_2220 : i32 to index
        %get3A_2222 = tpu.vector_load %arg6[%get3A_2221] {strides = array<i32>} : memref<62464xf32, #tpu.memory_space<vmem>>, vector<16xf32>,
        %add3A_2223 = arith.constant 32 : i32
        %add3A_2224 = arith.addi %mul3A_2214, %add3A_2223 : i32
        %get3A_2225 = arith.index_cast %add3A_2224 : i32 to index
        %get3A_2226 = tpu.vector_load %arg6[%get3A_2225] {strides = array<i32>} : memref<62464xf32, #tpu.memory_space<vmem>>, vector<16xf32>,
        %add3A_2227 = arith.constant 48 : i32
        %add3A_2228 = arith.addi %mul3A_2214, %add3A_2227 : i32
        %get3A_2229 = arith.index_cast %add3A_2228 : i32 to index
        %get3A_2230 = tpu.vector_load %arg6[%get3A_2229] {strides = array<i32>} : memref<62464xf32, #tpu.memory_space<vmem>>, vector<16xf32>,
        %mul3A_2231 = arith.mulf %get3A_3, %get3A_2218 : vector<16xf32>
        %mul3A_2232 = arith.mulf %get3A_2218, %get3A_2218 : vector<16xf32>
        %mul3A_2233 = arith.mulf %get3A_5, %get3A_2222 : vector<16xf32>
        %add3A_2234 = arith.addf %mul3A_2231, %mul3A_2233 : vector<16xf32>
        %mul3A_2235 = arith.mulf %get3A_2222, %get3A_2222 : vector<16xf32>
        %add3A_2236 = arith.addf %mul3A_2232, %mul3A_2235 : vector<16xf32>
        %mul3A_2237 = arith.mulf %get3A_7, %get3A_2226 : vector<16xf32>
        %add3A_2238 = arith.addf %add3A_2234, %mul3A_2237 : vector<16xf32>
        %mul3A_2239 = arith.mulf %get3A_2226, %get3A_2226 : vector<16xf32>
        %add3A_2240 = arith.addf %add3A_2236, %mul3A_2239 : vector<16xf32>
        %mul3A_2241 = arith.mulf %get3A_9, %get3A_2230 : vector<16xf32>
        %add3A_2242 = arith.addf %add3A_2238, %mul3A_2241 : vector<16xf32>
        %mul3A_2243 = arith.mulf %get3A_2230, %get3A_2230 : vector<16xf32>
        %add3A_2244 = arith.addf %add3A_2240, %mul3A_2243 : vector<16xf32>
        %eq3A_2245 = arith.constant 14 : i32
        %eq3A_2246 = vector.broadcast %eq3A_2245 : i32 to vector<16xi32>
        %eq3A_2247 = arith.cmpi eq, %iota3A, %eq3A_2246 : vector<16xi32>
        %reduce_sum3A_2248 = arith.constant true
        %reduce_sum3A_2249 = vector.broadcast %reduce_sum3A_2248 : i1 to vector<16xi1>
        %reduce_sum3A_2250 = tpu.scan <sum>, %add3A_2242 masked %reduce_sum3A_2249 : vector<16xf32>, vector<16xi1> -> vector<16xf32>
        %reduce_sum3A_2251 = vector.extract %reduce_sum3A_2250[15] : f32 from vector<16xf32>
        %broadcast_in_dim3A_2252 = vector.broadcast %reduce_sum3A_2251 : f32 to vector<16xf32>
        %select_n3A_2253 = arith.select %eq3A_2247, %broadcast_in_dim3A_2252, %select_n3A_2202 : vector<16xi1>, vector<16xf32>
        %reduce_sum3A_2254 = arith.constant true
        %reduce_sum3A_2255 = vector.broadcast %reduce_sum3A_2254 : i1 to vector<16xi1>
        %reduce_sum3A_2256 = tpu.scan <sum>, %add3A_2244 masked %reduce_sum3A_2255 : vector<16xf32>, vector<16xi1> -> vector<16xf32>
        %reduce_sum3A_2257 = vector.extract %reduce_sum3A_2256[15] : f32 from vector<16xf32>
        %broadcast_in_dim3A_2258 = vector.broadcast %reduce_sum3A_2257 : f32 to vector<16xf32>
        %select_n3A_2259 = arith.select %eq3A_2247, %broadcast_in_dim3A_2258, %select_n3A_2208 : vector<16xi1>, vector<16xf32>
        %mul3A_2260 = arith.constant 16 : i32
        %mul3A_2261 = arith.muli %scan3A_1487, %mul3A_2260 : i32
        %add3A_2262 = arith.constant 15 : i32
        %add3A_2263 = arith.addi %mul3A_2261, %add3A_2262 : i32
        %mul3A_2264 = arith.constant 64 : i32
        %mul3A_2265 = arith.muli %add3A_2263, %mul3A_2264 : i32
        %add3A_2266 = arith.constant 0 : i32
        %add3A_2267 = arith.addi %mul3A_2265, %add3A_2266 : i32
        %get3A_2268 = arith.index_cast %add3A_2267 : i32 to index
        %get3A_2269 = tpu.vector_load %arg6[%get3A_2268] {strides = array<i32>} : memref<62464xf32, #tpu.memory_space<vmem>>, vector<16xf32>,
        %add3A_2270 = arith.constant 16 : i32
        %add3A_2271 = arith.addi %mul3A_2265, %add3A_2270 : i32
        %get3A_2272 = arith.index_cast %add3A_2271 : i32 to index
        %get3A_2273 = tpu.vector_load %arg6[%get3A_2272] {strides = array<i32>} : memref<62464xf32, #tpu.memory_space<vmem>>, vector<16xf32>,
        %add3A_2274 = arith.constant 32 : i32
        %add3A_2275 = arith.addi %mul3A_2265, %add3A_2274 : i32
        %get3A_2276 = arith.index_cast %add3A_2275 : i32 to index
        %get3A_2277 = tpu.vector_load %arg6[%get3A_2276] {strides = array<i32>} : memref<62464xf32, #tpu.memory_space<vmem>>, vector<16xf32>,
        %add3A_2278 = arith.constant 48 : i32
        %add3A_2279 = arith.addi %mul3A_2265, %add3A_2278 : i32
        %get3A_2280 = arith.index_cast %add3A_2279 : i32 to index
        %get3A_2281 = tpu.vector_load %arg6[%get3A_2280] {strides = array<i32>} : memref<62464xf32, #tpu.memory_space<vmem>>, vector<16xf32>,
        %mul3A_2282 = arith.mulf %get3A_3, %get3A_2269 : vector<16xf32>
        %mul3A_2283 = arith.mulf %get3A_2269, %get3A_2269 : vector<16xf32>
        %mul3A_2284 = arith.mulf %get3A_5, %get3A_2273 : vector<16xf32>
        %add3A_2285 = arith.addf %mul3A_2282, %mul3A_2284 : vector<16xf32>
        %mul3A_2286 = arith.mulf %get3A_2273, %get3A_2273 : vector<16xf32>
        %add3A_2287 = arith.addf %mul3A_2283, %mul3A_2286 : vector<16xf32>
        %mul3A_2288 = arith.mulf %get3A_7, %get3A_2277 : vector<16xf32>
        %add3A_2289 = arith.addf %add3A_2285, %mul3A_2288 : vector<16xf32>
        %mul3A_2290 = arith.mulf %get3A_2277, %get3A_2277 : vector<16xf32>
        %add3A_2291 = arith.addf %add3A_2287, %mul3A_2290 : vector<16xf32>
        %mul3A_2292 = arith.mulf %get3A_9, %get3A_2281 : vector<16xf32>
        %add3A_2293 = arith.addf %add3A_2289, %mul3A_2292 : vector<16xf32>
        %mul3A_2294 = arith.mulf %get3A_2281, %get3A_2281 : vector<16xf32>
        %add3A_2295 = arith.addf %add3A_2291, %mul3A_2294 : vector<16xf32>
        %eq3A_2296 = arith.constant 15 : i32
        %eq3A_2297 = vector.broadcast %eq3A_2296 : i32 to vector<16xi32>
        %eq3A_2298 = arith.cmpi eq, %iota3A, %eq3A_2297 : vector<16xi32>
        %reduce_sum3A_2299 = arith.constant true
        %reduce_sum3A_2300 = vector.broadcast %reduce_sum3A_2299 : i1 to vector<16xi1>
        %reduce_sum3A_2301 = tpu.scan <sum>, %add3A_2293 masked %reduce_sum3A_2300 : vector<16xf32>, vector<16xi1> -> vector<16xf32>
        %reduce_sum3A_2302 = vector.extract %reduce_sum3A_2301[15] : f32 from vector<16xf32>
        %broadcast_in_dim3A_2303 = vector.broadcast %reduce_sum3A_2302 : f32 to vector<16xf32>
        %select_n3A_2304 = arith.select %eq3A_2298, %broadcast_in_dim3A_2303, %select_n3A_2253 : vector<16xi1>, vector<16xf32>
        %reduce_sum3A_2305 = arith.constant true
        %reduce_sum3A_2306 = vector.broadcast %reduce_sum3A_2305 : i1 to vector<16xi1>
        %reduce_sum3A_2307 = tpu.scan <sum>, %add3A_2295 masked %reduce_sum3A_2306 : vector<16xf32>, vector<16xi1> -> vector<16xf32>
        %reduce_sum3A_2308 = vector.extract %reduce_sum3A_2307[15] : f32 from vector<16xf32>
        %broadcast_in_dim3A_2309 = vector.broadcast %reduce_sum3A_2308 : f32 to vector<16xf32>
        %select_n3A_2310 = arith.select %eq3A_2298, %broadcast_in_dim3A_2309, %select_n3A_2259 : vector<16xi1>, vector<16xf32>
        %bitcast_convert_type3A_2311 = tpu.bitcast %select_n3A_2310 : vector<16xf32> -> vector<16xi32>
        %shift_right_arithmetic3A_2312 = arith.constant 1 : i32
        %shift_right_arithmetic3A_2313 = vector.broadcast %shift_right_arithmetic3A_2312 : i32 to vector<16xi32>
        %shift_right_arithmetic3A_2314 = arith.shrsi %bitcast_convert_type3A_2311, %shift_right_arithmetic3A_2313 : vector<16xi32>
        %sub3A_2315 = arith.constant 1597463007 : i32
        %sub3A_2316 = vector.broadcast %sub3A_2315 : i32 to vector<16xi32>
        %sub3A_2317 = arith.subi %sub3A_2316, %shift_right_arithmetic3A_2314 : vector<16xi32>
        %bitcast_convert_type3A_2318 = tpu.bitcast %sub3A_2317 : vector<16xi32> -> vector<16xf32>
        %mul3A_2319 = arith.constant 5.000000e-01 : f32
        %mul3A_2320 = vector.broadcast %mul3A_2319 : f32 to vector<16xf32>
        %mul3A_2321 = arith.mulf %mul3A_2320, %select_n3A_2310 : vector<16xf32>
        %mul3A_2322 = arith.mulf %mul3A_2321, %bitcast_convert_type3A_2318 : vector<16xf32>
        %mul3A_2323 = arith.mulf %mul3A_2322, %bitcast_convert_type3A_2318 : vector<16xf32>
        %sub3A_2324 = arith.constant 1.500000e+00 : f32
        %sub3A_2325 = vector.broadcast %sub3A_2324 : f32 to vector<16xf32>
        %sub3A_2326 = arith.subf %sub3A_2325, %mul3A_2323 : vector<16xf32>
        %mul3A_2327 = arith.mulf %bitcast_convert_type3A_2318, %sub3A_2326 : vector<16xf32>
        %mul3A_2328 = arith.constant 5.000000e-01 : f32
        %mul3A_2329 = vector.broadcast %mul3A_2328 : f32 to vector<16xf32>
        %mul3A_2330 = arith.mulf %mul3A_2329, %select_n3A_2310 : vector<16xf32>
        %mul3A_2331 = arith.mulf %mul3A_2330, %mul3A_2327 : vector<16xf32>
        %mul3A_2332 = arith.mulf %mul3A_2331, %mul3A_2327 : vector<16xf32>
        %sub3A_2333 = arith.constant 1.500000e+00 : f32
        %sub3A_2334 = vector.broadcast %sub3A_2333 : f32 to vector<16xf32>
        %sub3A_2335 = arith.subf %sub3A_2334, %mul3A_2332 : vector<16xf32>
        %mul3A_2336 = arith.mulf %mul3A_2327, %sub3A_2335 : vector<16xf32>
        %mul3A_2337 = arith.constant 5.000000e-01 : f32
        %mul3A_2338 = vector.broadcast %mul3A_2337 : f32 to vector<16xf32>
        %mul3A_2339 = arith.mulf %mul3A_2338, %select_n3A_2310 : vector<16xf32>
        %mul3A_2340 = arith.mulf %mul3A_2339, %mul3A_2336 : vector<16xf32>
        %mul3A_2341 = arith.mulf %mul3A_2340, %mul3A_2336 : vector<16xf32>
        %sub3A_2342 = arith.constant 1.500000e+00 : f32
        %sub3A_2343 = vector.broadcast %sub3A_2342 : f32 to vector<16xf32>
        %sub3A_2344 = arith.subf %sub3A_2343, %mul3A_2341 : vector<16xf32>
        %mul3A_2345 = arith.mulf %mul3A_2336, %sub3A_2344 : vector<16xf32>
        %mul3A_2346 = arith.mulf %select_n3A_2310, %mul3A_2345 : vector<16xf32>
        %mul3A_2347 = arith.mulf %mul3A_103, %mul3A_2346 : vector<16xf32>
        %max3A_2348 = arith.constant 9.99999993E-9 : f32
        %max3A_2349 = vector.broadcast %max3A_2348 : f32 to vector<16xf32>
        %max3A_2350 = arith.maximumf %mul3A_2347, %max3A_2349 : vector<16xf32>
        %div3A_2351 = arith.divf %select_n3A_2304, %max3A_2350 : vector<16xf32>
        %sub3A_2352 = arith.constant 1.000000e+00 : f32
        %sub3A_2353 = vector.broadcast %sub3A_2352 : f32 to vector<16xf32>
        %sub3A_2354 = arith.subf %sub3A_2353, %div3A_2351 : vector<16xf32>
        %mul3A_2355 = arith.constant 16 : i32
        %mul3A_2356 = arith.muli %scan3A_1487, %mul3A_2355 : i32
        %add3A_2357 = arith.addi %add3A_1455, %mul3A_2356 : i32
        %add3A_2358 = vector.broadcast %add3A_2357 : i32 to vector<16xi32>
        %add3A_2359 = arith.addi %add3A_2358, %iota3A : vector<16xi32>
        %lt3A_2360 = arith.cmpf olt, %sub3A_2354, %scan3A_1490 : vector<16xf32>
        %all_reduce_population_count3A_2361 = tpu.all_reduce %lt3A_2360 {dim = 0 : i64, kind = #tpu.reduction_kind<sum>} : vector<16xi1> -> vector<16xi32>
        %slice3A_2362 = vector.extract_strided_slice %all_reduce_population_count3A_2361 {offsets = [0], sizes = [1], strides = [1]} : vector<16xi32> to vector<1xi32>
        %squeeze3A_2363 = vector.extract %slice3A_2362[0] : i32 from vector<1xi32>
        %gt3A_2364 = arith.constant 0 : i32
        %gt3A_2365 = arith.cmpi sgt, %squeeze3A_2363, %gt3A_2364 : i32
        %convert_element_type3A_2366 = arith.extui %gt3A_2365 : i1 to i32
        %cond3A_2367 = arith.constant 0 : i32
        %cond3A_2368 = arith.cmpi ne, %convert_element_type3A_2366, %cond3A_2367 : i32
        %cond3A_2369:3 = scf.if %cond3A_2368 -> (vector<16xf32>, vector<16xi32>, vector<16xf32>) {
          %masked_sort3A = arith.constant dense<true> : vector<16xi1>
          %masked_sort3A_2370, %masked_sort3A_2371, %masked_sort3A_2372 = tpu.sort %sub3A_2354, %add3A_2359 masked %masked_sort3A {descending = true} : (vector<16xf32>, vector<16xi32>, vector<16xi1>) -> (vector<16xi1>, vector<16xf32>, vector<16xi32>)
          %le3A = arith.cmpf ole, %scan3A_1488, %masked_sort3A_2371 : vector<16xf32>
          %select_n3A_2373 = arith.select %le3A, %scan3A_1488, %masked_sort3A_2371 : vector<16xi1>, vector<16xf32>
          %select_n3A_2374 = arith.select %le3A, %scan3A_1489, %masked_sort3A_2372 : vector<16xi1>, vector<16xi32>
          %masked_sort3A_2375 = arith.constant dense<true> : vector<16xi1>
          %masked_sort3A_2376, %masked_sort3A_2377, %masked_sort3A_2378 = tpu.sort %select_n3A_2373, %select_n3A_2374 masked %masked_sort3A_2375 : (vector<16xf32>, vector<16xi32>, vector<16xi1>) -> (vector<16xi1>, vector<16xf32>, vector<16xi32>)
          %broadcast_in_dim3A_2379 = arith.constant 0.000000e+00 : f32
          %broadcast_in_dim3A_2380 = vector.broadcast %broadcast_in_dim3A_2379 : f32 to vector<16xf32>
          %slice3A_2381 = vector.extract_strided_slice %masked_sort3A_2377 {offsets = [15], sizes = [1], strides = [1]} : vector<16xf32> to vector<1xf32>
          %squeeze3A_2382 = vector.extract %slice3A_2381[0] : f32 from vector<1xf32>
          %add3A_2383 = vector.broadcast %squeeze3A_2382 : f32 to vector<16xf32>
          %add3A_2384 = arith.addf %broadcast_in_dim3A_2380, %add3A_2383 : vector<16xf32>
          scf.yield %masked_sort3A_2377, %masked_sort3A_2378, %add3A_2384 : vector<16xf32>, vector<16xi32>, vector<16xf32>
        } else {
          scf.yield %scan3A_1488, %scan3A_1489, %scan3A_1490 : vector<16xf32>, vector<16xi32>, vector<16xf32>
        }
        scf.yield %cond3A_2369#0, %cond3A_2369#1, %cond3A_2369#2 : vector<16xf32>, vector<16xi32>, vector<16xf32>
      }
      %scan3A_1461 = arith.constant 61 : i32
      %lt3A_1462 = arith.constant 15 : i32
      %lt3A_1463 = arith.cmpi slt, %scan3A_1444, %lt3A_1462 : i32
      %convert_element_type3A_1464 = arith.extui %lt3A_1463 : i1 to i32
      %cond3A_1465 = arith.constant 0 : i32
      %cond3A_1466 = arith.cmpi ne, %convert_element_type3A_1464, %cond3A_1465 : i32
      scf.if %cond3A_1466 {
        %add3A_1487 = arith.constant 2 : i32
        %add3A_1488 = arith.addi %mul3A_1449, %add3A_1487 : i32
        %mul3A_1489 = arith.constant 976 : i32
        %mul3A_1490 = arith.muli %add3A_1488, %mul3A_1489 : i32
        %add3A_1491 = arith.addi %mul3A_2, %mul3A_1490 : i32
        %mul3A_1492 = arith.constant 64 : i32
        %mul3A_1493 = arith.muli %add3A_1491, %mul3A_1492 : i32
        %dma_start3A_1494 = tpu.memref_slice %arg3[%mul3A_1493] : memref<64000000xf32, #tpu.memory_space<hbm>> -> memref<62464xf32, #tpu.memory_space<hbm>>
        %dma_start3A_1495 = tpu.memref_slice %arg3[%mul3A_1493] : memref<64000000xf32, #tpu.memory_space<hbm>> -> memref<62464xf32, #tpu.memory_space<hbm>>
        tpu.enqueue_dma source(%dma_start3A_1495 : memref<62464xf32, #tpu.memory_space<hbm>>) target(%arg6 : memref<62464xf32, #tpu.memory_space<vmem>>) target_semaphore(%arg11 : memref<!tpu.dma_semaphore, #tpu.memory_space<semaphore_mem>>)
      } else {
      }
      %dma_wait3A_1467 = arith.constant 0 : i32
      %dma_wait3A_1468 = tpu.memref_slice %arg3[%dma_wait3A_1467] : memref<64000000xf32, #tpu.memory_space<hbm>> -> memref<62464xf32, #tpu.memory_space<hbm>>
      %dma_wait3A_1469 = arith.constant 0 : i32
      %dma_wait3A_1470 = tpu.memref_slice %arg3[%dma_wait3A_1469] : memref<64000000xf32, #tpu.memory_space<hbm>> -> memref<62464xf32, #tpu.memory_space<hbm>>
      tpu.wait_dma2 semaphore(%arg12 : memref<!tpu.dma_semaphore, #tpu.memory_space<semaphore_mem>>) src(%dma_wait3A_1470 : memref<62464xf32, #tpu.memory_space<hbm>>) dst(%arg7 : memref<62464xf32, #tpu.memory_space<vmem>>)
      %mul3A_1471 = arith.constant 976 : i32
      %mul3A_1472 = arith.muli %mul3A_1449, %mul3A_1471 : i32
      %add3A_1473 = arith.addi %mul3A_2, %mul3A_1472 : i32
      %add3A_1474 = arith.constant 976 : i32
      %add3A_1475 = arith.addi %add3A_1473, %add3A_1474 : i32
      %scan3A_1476 = arith.constant 0 : i32
      %scan3A_1477 = arith.constant 61 : i32
      %scan3A_1478 = arith.addi %scan3A_1476, %scan3A_1477 : i32
      %scan3A_1479 = arith.constant 1 : i32
      %scan3A_1480:3 = scf.for %scan3A_1487 = %scan3A_1476 to %scan3A_1478 step %scan3A_1479 iter_args(%scan3A_1488 = %scan3A_1460#0, %scan3A_1489 = %scan3A_1460#1, %scan3A_1490 = %scan3A_1460#2) -> (vector<16xf32>, vector<16xi32>, vector<16xf32>)  : i32 {
        %broadcast_in_dim3A_1491 = arith.constant 0.000000e+00 : f32
        %broadcast_in_dim3A_1492 = vector.broadcast %broadcast_in_dim3A_1491 : f32 to vector<16xf32>
        %broadcast_in_dim3A_1493 = arith.constant 0.000000e+00 : f32
        %broadcast_in_dim3A_1494 = vector.broadcast %broadcast_in_dim3A_1493 : f32 to vector<16xf32>
        %mul3A_1495 = arith.constant 16 : i32
        %mul3A_1496 = arith.muli %scan3A_1487, %mul3A_1495 : i32
        %add3A_1497 = arith.constant 0 : i32
        %add3A_1498 = arith.addi %mul3A_1496, %add3A_1497 : i32
        %mul3A_1499 = arith.constant 64 : i32
        %mul3A_1500 = arith.muli %add3A_1498, %mul3A_1499 : i32
        %add3A_1501 = arith.constant 0 : i32
        %add3A_1502 = arith.addi %mul3A_1500, %add3A_1501 : i32
        %get3A_1503 = arith.index_cast %add3A_1502 : i32 to index
        %get3A_1504 = tpu.vector_load %arg7[%get3A_1503] {strides = array<i32>} : memref<62464xf32, #tpu.memory_space<vmem>>, vector<16xf32>,
        %add3A_1505 = arith.constant 16 : i32
        %add3A_1506 = arith.addi %mul3A_1500, %add3A_1505 : i32
        %get3A_1507 = arith.index_cast %add3A_1506 : i32 to index
        %get3A_1508 = tpu.vector_load %arg7[%get3A_1507] {strides = array<i32>} : memref<62464xf32, #tpu.memory_space<vmem>>, vector<16xf32>,
        %add3A_1509 = arith.constant 32 : i32
        %add3A_1510 = arith.addi %mul3A_1500, %add3A_1509 : i32
        %get3A_1511 = arith.index_cast %add3A_1510 : i32 to index
        %get3A_1512 = tpu.vector_load %arg7[%get3A_1511] {strides = array<i32>} : memref<62464xf32, #tpu.memory_space<vmem>>, vector<16xf32>,
        %add3A_1513 = arith.constant 48 : i32
        %add3A_1514 = arith.addi %mul3A_1500, %add3A_1513 : i32
        %get3A_1515 = arith.index_cast %add3A_1514 : i32 to index
        %get3A_1516 = tpu.vector_load %arg7[%get3A_1515] {strides = array<i32>} : memref<62464xf32, #tpu.memory_space<vmem>>, vector<16xf32>,
        %mul3A_1517 = arith.mulf %get3A_3, %get3A_1504 : vector<16xf32>
        %mul3A_1518 = arith.mulf %get3A_1504, %get3A_1504 : vector<16xf32>
        %mul3A_1519 = arith.mulf %get3A_5, %get3A_1508 : vector<16xf32>
        %add3A_1520 = arith.addf %mul3A_1517, %mul3A_1519 : vector<16xf32>
        %mul3A_1521 = arith.mulf %get3A_1508, %get3A_1508 : vector<16xf32>
        %add3A_1522 = arith.addf %mul3A_1518, %mul3A_1521 : vector<16xf32>
        %mul3A_1523 = arith.mulf %get3A_7, %get3A_1512 : vector<16xf32>
        %add3A_1524 = arith.addf %add3A_1520, %mul3A_1523 : vector<16xf32>
        %mul3A_1525 = arith.mulf %get3A_1512, %get3A_1512 : vector<16xf32>
        %add3A_1526 = arith.addf %add3A_1522, %mul3A_1525 : vector<16xf32>
        %mul3A_1527 = arith.mulf %get3A_9, %get3A_1516 : vector<16xf32>
        %add3A_1528 = arith.addf %add3A_1524, %mul3A_1527 : vector<16xf32>
        %mul3A_1529 = arith.mulf %get3A_1516, %get3A_1516 : vector<16xf32>
        %add3A_1530 = arith.addf %add3A_1526, %mul3A_1529 : vector<16xf32>
        %eq3A_1531 = arith.constant 0 : i32
        %eq3A_1532 = vector.broadcast %eq3A_1531 : i32 to vector<16xi32>
        %eq3A_1533 = arith.cmpi eq, %iota3A, %eq3A_1532 : vector<16xi32>
        %reduce_sum3A_1534 = arith.constant true
        %reduce_sum3A_1535 = vector.broadcast %reduce_sum3A_1534 : i1 to vector<16xi1>
        %reduce_sum3A_1536 = tpu.scan <sum>, %add3A_1528 masked %reduce_sum3A_1535 : vector<16xf32>, vector<16xi1> -> vector<16xf32>
        %reduce_sum3A_1537 = vector.extract %reduce_sum3A_1536[15] : f32 from vector<16xf32>
        %broadcast_in_dim3A_1538 = vector.broadcast %reduce_sum3A_1537 : f32 to vector<16xf32>
        %select_n3A_1539 = arith.select %eq3A_1533, %broadcast_in_dim3A_1538, %broadcast_in_dim3A_1492 : vector<16xi1>, vector<16xf32>
        %reduce_sum3A_1540 = arith.constant true
        %reduce_sum3A_1541 = vector.broadcast %reduce_sum3A_1540 : i1 to vector<16xi1>
        %reduce_sum3A_1542 = tpu.scan <sum>, %add3A_1530 masked %reduce_sum3A_1541 : vector<16xf32>, vector<16xi1> -> vector<16xf32>
        %reduce_sum3A_1543 = vector.extract %reduce_sum3A_1542[15] : f32 from vector<16xf32>
        %broadcast_in_dim3A_1544 = vector.broadcast %reduce_sum3A_1543 : f32 to vector<16xf32>
        %select_n3A_1545 = arith.select %eq3A_1533, %broadcast_in_dim3A_1544, %broadcast_in_dim3A_1494 : vector<16xi1>, vector<16xf32>
        %mul3A_1546 = arith.constant 16 : i32
        %mul3A_1547 = arith.muli %scan3A_1487, %mul3A_1546 : i32
        %add3A_1548 = arith.constant 1 : i32
        %add3A_1549 = arith.addi %mul3A_1547, %add3A_1548 : i32
        %mul3A_1550 = arith.constant 64 : i32
        %mul3A_1551 = arith.muli %add3A_1549, %mul3A_1550 : i32
        %add3A_1552 = arith.constant 0 : i32
        %add3A_1553 = arith.addi %mul3A_1551, %add3A_1552 : i32
        %get3A_1554 = arith.index_cast %add3A_1553 : i32 to index
        %get3A_1555 = tpu.vector_load %arg7[%get3A_1554] {strides = array<i32>} : memref<62464xf32, #tpu.memory_space<vmem>>, vector<16xf32>,
        %add3A_1556 = arith.constant 16 : i32
        %add3A_1557 = arith.addi %mul3A_1551, %add3A_1556 : i32
        %get3A_1558 = arith.index_cast %add3A_1557 : i32 to index
        %get3A_1559 = tpu.vector_load %arg7[%get3A_1558] {strides = array<i32>} : memref<62464xf32, #tpu.memory_space<vmem>>, vector<16xf32>,
        %add3A_1560 = arith.constant 32 : i32
        %add3A_1561 = arith.addi %mul3A_1551, %add3A_1560 : i32
        %get3A_1562 = arith.index_cast %add3A_1561 : i32 to index
        %get3A_1563 = tpu.vector_load %arg7[%get3A_1562] {strides = array<i32>} : memref<62464xf32, #tpu.memory_space<vmem>>, vector<16xf32>,
        %add3A_1564 = arith.constant 48 : i32
        %add3A_1565 = arith.addi %mul3A_1551, %add3A_1564 : i32
        %get3A_1566 = arith.index_cast %add3A_1565 : i32 to index
        %get3A_1567 = tpu.vector_load %arg7[%get3A_1566] {strides = array<i32>} : memref<62464xf32, #tpu.memory_space<vmem>>, vector<16xf32>,
        %mul3A_1568 = arith.mulf %get3A_3, %get3A_1555 : vector<16xf32>
        %mul3A_1569 = arith.mulf %get3A_1555, %get3A_1555 : vector<16xf32>
        %mul3A_1570 = arith.mulf %get3A_5, %get3A_1559 : vector<16xf32>
        %add3A_1571 = arith.addf %mul3A_1568, %mul3A_1570 : vector<16xf32>
        %mul3A_1572 = arith.mulf %get3A_1559, %get3A_1559 : vector<16xf32>
        %add3A_1573 = arith.addf %mul3A_1569, %mul3A_1572 : vector<16xf32>
        %mul3A_1574 = arith.mulf %get3A_7, %get3A_1563 : vector<16xf32>
        %add3A_1575 = arith.addf %add3A_1571, %mul3A_1574 : vector<16xf32>
        %mul3A_1576 = arith.mulf %get3A_1563, %get3A_1563 : vector<16xf32>
        %add3A_1577 = arith.addf %add3A_1573, %mul3A_1576 : vector<16xf32>
        %mul3A_1578 = arith.mulf %get3A_9, %get3A_1567 : vector<16xf32>
        %add3A_1579 = arith.addf %add3A_1575, %mul3A_1578 : vector<16xf32>
        %mul3A_1580 = arith.mulf %get3A_1567, %get3A_1567 : vector<16xf32>
        %add3A_1581 = arith.addf %add3A_1577, %mul3A_1580 : vector<16xf32>
        %eq3A_1582 = arith.constant 1 : i32
        %eq3A_1583 = vector.broadcast %eq3A_1582 : i32 to vector<16xi32>
        %eq3A_1584 = arith.cmpi eq, %iota3A, %eq3A_1583 : vector<16xi32>
        %reduce_sum3A_1585 = arith.constant true
        %reduce_sum3A_1586 = vector.broadcast %reduce_sum3A_1585 : i1 to vector<16xi1>
        %reduce_sum3A_1587 = tpu.scan <sum>, %add3A_1579 masked %reduce_sum3A_1586 : vector<16xf32>, vector<16xi1> -> vector<16xf32>
        %reduce_sum3A_1588 = vector.extract %reduce_sum3A_1587[15] : f32 from vector<16xf32>
        %broadcast_in_dim3A_1589 = vector.broadcast %reduce_sum3A_1588 : f32 to vector<16xf32>
        %select_n3A_1590 = arith.select %eq3A_1584, %broadcast_in_dim3A_1589, %select_n3A_1539 : vector<16xi1>, vector<16xf32>
        %reduce_sum3A_1591 = arith.constant true
        %reduce_sum3A_1592 = vector.broadcast %reduce_sum3A_1591 : i1 to vector<16xi1>
        %reduce_sum3A_1593 = tpu.scan <sum>, %add3A_1581 masked %reduce_sum3A_1592 : vector<16xf32>, vector<16xi1> -> vector<16xf32>
        %reduce_sum3A_1594 = vector.extract %reduce_sum3A_1593[15] : f32 from vector<16xf32>
        %broadcast_in_dim3A_1595 = vector.broadcast %reduce_sum3A_1594 : f32 to vector<16xf32>
        %select_n3A_1596 = arith.select %eq3A_1584, %broadcast_in_dim3A_1595, %select_n3A_1545 : vector<16xi1>, vector<16xf32>
        %mul3A_1597 = arith.constant 16 : i32
        %mul3A_1598 = arith.muli %scan3A_1487, %mul3A_1597 : i32
        %add3A_1599 = arith.constant 2 : i32
        %add3A_1600 = arith.addi %mul3A_1598, %add3A_1599 : i32
        %mul3A_1601 = arith.constant 64 : i32
        %mul3A_1602 = arith.muli %add3A_1600, %mul3A_1601 : i32
        %add3A_1603 = arith.constant 0 : i32
        %add3A_1604 = arith.addi %mul3A_1602, %add3A_1603 : i32
        %get3A_1605 = arith.index_cast %add3A_1604 : i32 to index
        %get3A_1606 = tpu.vector_load %arg7[%get3A_1605] {strides = array<i32>} : memref<62464xf32, #tpu.memory_space<vmem>>, vector<16xf32>,
        %add3A_1607 = arith.constant 16 : i32
        %add3A_1608 = arith.addi %mul3A_1602, %add3A_1607 : i32
        %get3A_1609 = arith.index_cast %add3A_1608 : i32 to index
        %get3A_1610 = tpu.vector_load %arg7[%get3A_1609] {strides = array<i32>} : memref<62464xf32, #tpu.memory_space<vmem>>, vector<16xf32>,
        %add3A_1611 = arith.constant 32 : i32
        %add3A_1612 = arith.addi %mul3A_1602, %add3A_1611 : i32
        %get3A_1613 = arith.index_cast %add3A_1612 : i32 to index
        %get3A_1614 = tpu.vector_load %arg7[%get3A_1613] {strides = array<i32>} : memref<62464xf32, #tpu.memory_space<vmem>>, vector<16xf32>,
        %add3A_1615 = arith.constant 48 : i32
        %add3A_1616 = arith.addi %mul3A_1602, %add3A_1615 : i32
        %get3A_1617 = arith.index_cast %add3A_1616 : i32 to index
        %get3A_1618 = tpu.vector_load %arg7[%get3A_1617] {strides = array<i32>} : memref<62464xf32, #tpu.memory_space<vmem>>, vector<16xf32>,
        %mul3A_1619 = arith.mulf %get3A_3, %get3A_1606 : vector<16xf32>
        %mul3A_1620 = arith.mulf %get3A_1606, %get3A_1606 : vector<16xf32>
        %mul3A_1621 = arith.mulf %get3A_5, %get3A_1610 : vector<16xf32>
        %add3A_1622 = arith.addf %mul3A_1619, %mul3A_1621 : vector<16xf32>
        %mul3A_1623 = arith.mulf %get3A_1610, %get3A_1610 : vector<16xf32>
        %add3A_1624 = arith.addf %mul3A_1620, %mul3A_1623 : vector<16xf32>
        %mul3A_1625 = arith.mulf %get3A_7, %get3A_1614 : vector<16xf32>
        %add3A_1626 = arith.addf %add3A_1622, %mul3A_1625 : vector<16xf32>
        %mul3A_1627 = arith.mulf %get3A_1614, %get3A_1614 : vector<16xf32>
        %add3A_1628 = arith.addf %add3A_1624, %mul3A_1627 : vector<16xf32>
        %mul3A_1629 = arith.mulf %get3A_9, %get3A_1618 : vector<16xf32>
        %add3A_1630 = arith.addf %add3A_1626, %mul3A_1629 : vector<16xf32>
        %mul3A_1631 = arith.mulf %get3A_1618, %get3A_1618 : vector<16xf32>
        %add3A_1632 = arith.addf %add3A_1628, %mul3A_1631 : vector<16xf32>
        %eq3A_1633 = arith.constant 2 : i32
        %eq3A_1634 = vector.broadcast %eq3A_1633 : i32 to vector<16xi32>
        %eq3A_1635 = arith.cmpi eq, %iota3A, %eq3A_1634 : vector<16xi32>
        %reduce_sum3A_1636 = arith.constant true
        %reduce_sum3A_1637 = vector.broadcast %reduce_sum3A_1636 : i1 to vector<16xi1>
        %reduce_sum3A_1638 = tpu.scan <sum>, %add3A_1630 masked %reduce_sum3A_1637 : vector<16xf32>, vector<16xi1> -> vector<16xf32>
        %reduce_sum3A_1639 = vector.extract %reduce_sum3A_1638[15] : f32 from vector<16xf32>
        %broadcast_in_dim3A_1640 = vector.broadcast %reduce_sum3A_1639 : f32 to vector<16xf32>
        %select_n3A_1641 = arith.select %eq3A_1635, %broadcast_in_dim3A_1640, %select_n3A_1590 : vector<16xi1>, vector<16xf32>
        %reduce_sum3A_1642 = arith.constant true
        %reduce_sum3A_1643 = vector.broadcast %reduce_sum3A_1642 : i1 to vector<16xi1>
        %reduce_sum3A_1644 = tpu.scan <sum>, %add3A_1632 masked %reduce_sum3A_1643 : vector<16xf32>, vector<16xi1> -> vector<16xf32>
        %reduce_sum3A_1645 = vector.extract %reduce_sum3A_1644[15] : f32 from vector<16xf32>
        %broadcast_in_dim3A_1646 = vector.broadcast %reduce_sum3A_1645 : f32 to vector<16xf32>
        %select_n3A_1647 = arith.select %eq3A_1635, %broadcast_in_dim3A_1646, %select_n3A_1596 : vector<16xi1>, vector<16xf32>
        %mul3A_1648 = arith.constant 16 : i32
        %mul3A_1649 = arith.muli %scan3A_1487, %mul3A_1648 : i32
        %add3A_1650 = arith.constant 3 : i32
        %add3A_1651 = arith.addi %mul3A_1649, %add3A_1650 : i32
        %mul3A_1652 = arith.constant 64 : i32
        %mul3A_1653 = arith.muli %add3A_1651, %mul3A_1652 : i32
        %add3A_1654 = arith.constant 0 : i32
        %add3A_1655 = arith.addi %mul3A_1653, %add3A_1654 : i32
        %get3A_1656 = arith.index_cast %add3A_1655 : i32 to index
        %get3A_1657 = tpu.vector_load %arg7[%get3A_1656] {strides = array<i32>} : memref<62464xf32, #tpu.memory_space<vmem>>, vector<16xf32>,
        %add3A_1658 = arith.constant 16 : i32
        %add3A_1659 = arith.addi %mul3A_1653, %add3A_1658 : i32
        %get3A_1660 = arith.index_cast %add3A_1659 : i32 to index
        %get3A_1661 = tpu.vector_load %arg7[%get3A_1660] {strides = array<i32>} : memref<62464xf32, #tpu.memory_space<vmem>>, vector<16xf32>,
        %add3A_1662 = arith.constant 32 : i32
        %add3A_1663 = arith.addi %mul3A_1653, %add3A_1662 : i32
        %get3A_1664 = arith.index_cast %add3A_1663 : i32 to index
        %get3A_1665 = tpu.vector_load %arg7[%get3A_1664] {strides = array<i32>} : memref<62464xf32, #tpu.memory_space<vmem>>, vector<16xf32>,
        %add3A_1666 = arith.constant 48 : i32
        %add3A_1667 = arith.addi %mul3A_1653, %add3A_1666 : i32
        %get3A_1668 = arith.index_cast %add3A_1667 : i32 to index
        %get3A_1669 = tpu.vector_load %arg7[%get3A_1668] {strides = array<i32>} : memref<62464xf32, #tpu.memory_space<vmem>>, vector<16xf32>,
        %mul3A_1670 = arith.mulf %get3A_3, %get3A_1657 : vector<16xf32>
        %mul3A_1671 = arith.mulf %get3A_1657, %get3A_1657 : vector<16xf32>
        %mul3A_1672 = arith.mulf %get3A_5, %get3A_1661 : vector<16xf32>
        %add3A_1673 = arith.addf %mul3A_1670, %mul3A_1672 : vector<16xf32>
        %mul3A_1674 = arith.mulf %get3A_1661, %get3A_1661 : vector<16xf32>
        %add3A_1675 = arith.addf %mul3A_1671, %mul3A_1674 : vector<16xf32>
        %mul3A_1676 = arith.mulf %get3A_7, %get3A_1665 : vector<16xf32>
        %add3A_1677 = arith.addf %add3A_1673, %mul3A_1676 : vector<16xf32>
        %mul3A_1678 = arith.mulf %get3A_1665, %get3A_1665 : vector<16xf32>
        %add3A_1679 = arith.addf %add3A_1675, %mul3A_1678 : vector<16xf32>
        %mul3A_1680 = arith.mulf %get3A_9, %get3A_1669 : vector<16xf32>
        %add3A_1681 = arith.addf %add3A_1677, %mul3A_1680 : vector<16xf32>
        %mul3A_1682 = arith.mulf %get3A_1669, %get3A_1669 : vector<16xf32>
        %add3A_1683 = arith.addf %add3A_1679, %mul3A_1682 : vector<16xf32>
        %eq3A_1684 = arith.constant 3 : i32
        %eq3A_1685 = vector.broadcast %eq3A_1684 : i32 to vector<16xi32>
        %eq3A_1686 = arith.cmpi eq, %iota3A, %eq3A_1685 : vector<16xi32>
        %reduce_sum3A_1687 = arith.constant true
        %reduce_sum3A_1688 = vector.broadcast %reduce_sum3A_1687 : i1 to vector<16xi1>
        %reduce_sum3A_1689 = tpu.scan <sum>, %add3A_1681 masked %reduce_sum3A_1688 : vector<16xf32>, vector<16xi1> -> vector<16xf32>
        %reduce_sum3A_1690 = vector.extract %reduce_sum3A_1689[15] : f32 from vector<16xf32>
        %broadcast_in_dim3A_1691 = vector.broadcast %reduce_sum3A_1690 : f32 to vector<16xf32>
        %select_n3A_1692 = arith.select %eq3A_1686, %broadcast_in_dim3A_1691, %select_n3A_1641 : vector<16xi1>, vector<16xf32>
        %reduce_sum3A_1693 = arith.constant true
        %reduce_sum3A_1694 = vector.broadcast %reduce_sum3A_1693 : i1 to vector<16xi1>
        %reduce_sum3A_1695 = tpu.scan <sum>, %add3A_1683 masked %reduce_sum3A_1694 : vector<16xf32>, vector<16xi1> -> vector<16xf32>
        %reduce_sum3A_1696 = vector.extract %reduce_sum3A_1695[15] : f32 from vector<16xf32>
        %broadcast_in_dim3A_1697 = vector.broadcast %reduce_sum3A_1696 : f32 to vector<16xf32>
        %select_n3A_1698 = arith.select %eq3A_1686, %broadcast_in_dim3A_1697, %select_n3A_1647 : vector<16xi1>, vector<16xf32>
        %mul3A_1699 = arith.constant 16 : i32
        %mul3A_1700 = arith.muli %scan3A_1487, %mul3A_1699 : i32
        %add3A_1701 = arith.constant 4 : i32
        %add3A_1702 = arith.addi %mul3A_1700, %add3A_1701 : i32
        %mul3A_1703 = arith.constant 64 : i32
        %mul3A_1704 = arith.muli %add3A_1702, %mul3A_1703 : i32
        %add3A_1705 = arith.constant 0 : i32
        %add3A_1706 = arith.addi %mul3A_1704, %add3A_1705 : i32
        %get3A_1707 = arith.index_cast %add3A_1706 : i32 to index
        %get3A_1708 = tpu.vector_load %arg7[%get3A_1707] {strides = array<i32>} : memref<62464xf32, #tpu.memory_space<vmem>>, vector<16xf32>,
        %add3A_1709 = arith.constant 16 : i32
        %add3A_1710 = arith.addi %mul3A_1704, %add3A_1709 : i32
        %get3A_1711 = arith.index_cast %add3A_1710 : i32 to index
        %get3A_1712 = tpu.vector_load %arg7[%get3A_1711] {strides = array<i32>} : memref<62464xf32, #tpu.memory_space<vmem>>, vector<16xf32>,
        %add3A_1713 = arith.constant 32 : i32
        %add3A_1714 = arith.addi %mul3A_1704, %add3A_1713 : i32
        %get3A_1715 = arith.index_cast %add3A_1714 : i32 to index
        %get3A_1716 = tpu.vector_load %arg7[%get3A_1715] {strides = array<i32>} : memref<62464xf32, #tpu.memory_space<vmem>>, vector<16xf32>,
        %add3A_1717 = arith.constant 48 : i32
        %add3A_1718 = arith.addi %mul3A_1704, %add3A_1717 : i32
        %get3A_1719 = arith.index_cast %add3A_1718 : i32 to index
        %get3A_1720 = tpu.vector_load %arg7[%get3A_1719] {strides = array<i32>} : memref<62464xf32, #tpu.memory_space<vmem>>, vector<16xf32>,
        %mul3A_1721 = arith.mulf %get3A_3, %get3A_1708 : vector<16xf32>
        %mul3A_1722 = arith.mulf %get3A_1708, %get3A_1708 : vector<16xf32>
        %mul3A_1723 = arith.mulf %get3A_5, %get3A_1712 : vector<16xf32>
        %add3A_1724 = arith.addf %mul3A_1721, %mul3A_1723 : vector<16xf32>
        %mul3A_1725 = arith.mulf %get3A_1712, %get3A_1712 : vector<16xf32>
        %add3A_1726 = arith.addf %mul3A_1722, %mul3A_1725 : vector<16xf32>
        %mul3A_1727 = arith.mulf %get3A_7, %get3A_1716 : vector<16xf32>
        %add3A_1728 = arith.addf %add3A_1724, %mul3A_1727 : vector<16xf32>
        %mul3A_1729 = arith.mulf %get3A_1716, %get3A_1716 : vector<16xf32>
        %add3A_1730 = arith.addf %add3A_1726, %mul3A_1729 : vector<16xf32>
        %mul3A_1731 = arith.mulf %get3A_9, %get3A_1720 : vector<16xf32>
        %add3A_1732 = arith.addf %add3A_1728, %mul3A_1731 : vector<16xf32>
        %mul3A_1733 = arith.mulf %get3A_1720, %get3A_1720 : vector<16xf32>
        %add3A_1734 = arith.addf %add3A_1730, %mul3A_1733 : vector<16xf32>
        %eq3A_1735 = arith.constant 4 : i32
        %eq3A_1736 = vector.broadcast %eq3A_1735 : i32 to vector<16xi32>
        %eq3A_1737 = arith.cmpi eq, %iota3A, %eq3A_1736 : vector<16xi32>
        %reduce_sum3A_1738 = arith.constant true
        %reduce_sum3A_1739 = vector.broadcast %reduce_sum3A_1738 : i1 to vector<16xi1>
        %reduce_sum3A_1740 = tpu.scan <sum>, %add3A_1732 masked %reduce_sum3A_1739 : vector<16xf32>, vector<16xi1> -> vector<16xf32>
        %reduce_sum3A_1741 = vector.extract %reduce_sum3A_1740[15] : f32 from vector<16xf32>
        %broadcast_in_dim3A_1742 = vector.broadcast %reduce_sum3A_1741 : f32 to vector<16xf32>
        %select_n3A_1743 = arith.select %eq3A_1737, %broadcast_in_dim3A_1742, %select_n3A_1692 : vector<16xi1>, vector<16xf32>
        %reduce_sum3A_1744 = arith.constant true
        %reduce_sum3A_1745 = vector.broadcast %reduce_sum3A_1744 : i1 to vector<16xi1>
        %reduce_sum3A_1746 = tpu.scan <sum>, %add3A_1734 masked %reduce_sum3A_1745 : vector<16xf32>, vector<16xi1> -> vector<16xf32>
        %reduce_sum3A_1747 = vector.extract %reduce_sum3A_1746[15] : f32 from vector<16xf32>
        %broadcast_in_dim3A_1748 = vector.broadcast %reduce_sum3A_1747 : f32 to vector<16xf32>
        %select_n3A_1749 = arith.select %eq3A_1737, %broadcast_in_dim3A_1748, %select_n3A_1698 : vector<16xi1>, vector<16xf32>
        %mul3A_1750 = arith.constant 16 : i32
        %mul3A_1751 = arith.muli %scan3A_1487, %mul3A_1750 : i32
        %add3A_1752 = arith.constant 5 : i32
        %add3A_1753 = arith.addi %mul3A_1751, %add3A_1752 : i32
        %mul3A_1754 = arith.constant 64 : i32
        %mul3A_1755 = arith.muli %add3A_1753, %mul3A_1754 : i32
        %add3A_1756 = arith.constant 0 : i32
        %add3A_1757 = arith.addi %mul3A_1755, %add3A_1756 : i32
        %get3A_1758 = arith.index_cast %add3A_1757 : i32 to index
        %get3A_1759 = tpu.vector_load %arg7[%get3A_1758] {strides = array<i32>} : memref<62464xf32, #tpu.memory_space<vmem>>, vector<16xf32>,
        %add3A_1760 = arith.constant 16 : i32
        %add3A_1761 = arith.addi %mul3A_1755, %add3A_1760 : i32
        %get3A_1762 = arith.index_cast %add3A_1761 : i32 to index
        %get3A_1763 = tpu.vector_load %arg7[%get3A_1762] {strides = array<i32>} : memref<62464xf32, #tpu.memory_space<vmem>>, vector<16xf32>,
        %add3A_1764 = arith.constant 32 : i32
        %add3A_1765 = arith.addi %mul3A_1755, %add3A_1764 : i32
        %get3A_1766 = arith.index_cast %add3A_1765 : i32 to index
        %get3A_1767 = tpu.vector_load %arg7[%get3A_1766] {strides = array<i32>} : memref<62464xf32, #tpu.memory_space<vmem>>, vector<16xf32>,
        %add3A_1768 = arith.constant 48 : i32
        %add3A_1769 = arith.addi %mul3A_1755, %add3A_1768 : i32
        %get3A_1770 = arith.index_cast %add3A_1769 : i32 to index
        %get3A_1771 = tpu.vector_load %arg7[%get3A_1770] {strides = array<i32>} : memref<62464xf32, #tpu.memory_space<vmem>>, vector<16xf32>,
        %mul3A_1772 = arith.mulf %get3A_3, %get3A_1759 : vector<16xf32>
        %mul3A_1773 = arith.mulf %get3A_1759, %get3A_1759 : vector<16xf32>
        %mul3A_1774 = arith.mulf %get3A_5, %get3A_1763 : vector<16xf32>
        %add3A_1775 = arith.addf %mul3A_1772, %mul3A_1774 : vector<16xf32>
        %mul3A_1776 = arith.mulf %get3A_1763, %get3A_1763 : vector<16xf32>
        %add3A_1777 = arith.addf %mul3A_1773, %mul3A_1776 : vector<16xf32>
        %mul3A_1778 = arith.mulf %get3A_7, %get3A_1767 : vector<16xf32>
        %add3A_1779 = arith.addf %add3A_1775, %mul3A_1778 : vector<16xf32>
        %mul3A_1780 = arith.mulf %get3A_1767, %get3A_1767 : vector<16xf32>
        %add3A_1781 = arith.addf %add3A_1777, %mul3A_1780 : vector<16xf32>
        %mul3A_1782 = arith.mulf %get3A_9, %get3A_1771 : vector<16xf32>
        %add3A_1783 = arith.addf %add3A_1779, %mul3A_1782 : vector<16xf32>
        %mul3A_1784 = arith.mulf %get3A_1771, %get3A_1771 : vector<16xf32>
        %add3A_1785 = arith.addf %add3A_1781, %mul3A_1784 : vector<16xf32>
        %eq3A_1786 = arith.constant 5 : i32
        %eq3A_1787 = vector.broadcast %eq3A_1786 : i32 to vector<16xi32>
        %eq3A_1788 = arith.cmpi eq, %iota3A, %eq3A_1787 : vector<16xi32>
        %reduce_sum3A_1789 = arith.constant true
        %reduce_sum3A_1790 = vector.broadcast %reduce_sum3A_1789 : i1 to vector<16xi1>
        %reduce_sum3A_1791 = tpu.scan <sum>, %add3A_1783 masked %reduce_sum3A_1790 : vector<16xf32>, vector<16xi1> -> vector<16xf32>
        %reduce_sum3A_1792 = vector.extract %reduce_sum3A_1791[15] : f32 from vector<16xf32>
        %broadcast_in_dim3A_1793 = vector.broadcast %reduce_sum3A_1792 : f32 to vector<16xf32>
        %select_n3A_1794 = arith.select %eq3A_1788, %broadcast_in_dim3A_1793, %select_n3A_1743 : vector<16xi1>, vector<16xf32>
        %reduce_sum3A_1795 = arith.constant true
        %reduce_sum3A_1796 = vector.broadcast %reduce_sum3A_1795 : i1 to vector<16xi1>
        %reduce_sum3A_1797 = tpu.scan <sum>, %add3A_1785 masked %reduce_sum3A_1796 : vector<16xf32>, vector<16xi1> -> vector<16xf32>
        %reduce_sum3A_1798 = vector.extract %reduce_sum3A_1797[15] : f32 from vector<16xf32>
        %broadcast_in_dim3A_1799 = vector.broadcast %reduce_sum3A_1798 : f32 to vector<16xf32>
        %select_n3A_1800 = arith.select %eq3A_1788, %broadcast_in_dim3A_1799, %select_n3A_1749 : vector<16xi1>, vector<16xf32>
        %mul3A_1801 = arith.constant 16 : i32
        %mul3A_1802 = arith.muli %scan3A_1487, %mul3A_1801 : i32
        %add3A_1803 = arith.constant 6 : i32
        %add3A_1804 = arith.addi %mul3A_1802, %add3A_1803 : i32
        %mul3A_1805 = arith.constant 64 : i32
        %mul3A_1806 = arith.muli %add3A_1804, %mul3A_1805 : i32
        %add3A_1807 = arith.constant 0 : i32
        %add3A_1808 = arith.addi %mul3A_1806, %add3A_1807 : i32
        %get3A_1809 = arith.index_cast %add3A_1808 : i32 to index
        %get3A_1810 = tpu.vector_load %arg7[%get3A_1809] {strides = array<i32>} : memref<62464xf32, #tpu.memory_space<vmem>>, vector<16xf32>,
        %add3A_1811 = arith.constant 16 : i32
        %add3A_1812 = arith.addi %mul3A_1806, %add3A_1811 : i32
        %get3A_1813 = arith.index_cast %add3A_1812 : i32 to index
        %get3A_1814 = tpu.vector_load %arg7[%get3A_1813] {strides = array<i32>} : memref<62464xf32, #tpu.memory_space<vmem>>, vector<16xf32>,
        %add3A_1815 = arith.constant 32 : i32
        %add3A_1816 = arith.addi %mul3A_1806, %add3A_1815 : i32
        %get3A_1817 = arith.index_cast %add3A_1816 : i32 to index
        %get3A_1818 = tpu.vector_load %arg7[%get3A_1817] {strides = array<i32>} : memref<62464xf32, #tpu.memory_space<vmem>>, vector<16xf32>,
        %add3A_1819 = arith.constant 48 : i32
        %add3A_1820 = arith.addi %mul3A_1806, %add3A_1819 : i32
        %get3A_1821 = arith.index_cast %add3A_1820 : i32 to index
        %get3A_1822 = tpu.vector_load %arg7[%get3A_1821] {strides = array<i32>} : memref<62464xf32, #tpu.memory_space<vmem>>, vector<16xf32>,
        %mul3A_1823 = arith.mulf %get3A_3, %get3A_1810 : vector<16xf32>
        %mul3A_1824 = arith.mulf %get3A_1810, %get3A_1810 : vector<16xf32>
        %mul3A_1825 = arith.mulf %get3A_5, %get3A_1814 : vector<16xf32>
        %add3A_1826 = arith.addf %mul3A_1823, %mul3A_1825 : vector<16xf32>
        %mul3A_1827 = arith.mulf %get3A_1814, %get3A_1814 : vector<16xf32>
        %add3A_1828 = arith.addf %mul3A_1824, %mul3A_1827 : vector<16xf32>
        %mul3A_1829 = arith.mulf %get3A_7, %get3A_1818 : vector<16xf32>
        %add3A_1830 = arith.addf %add3A_1826, %mul3A_1829 : vector<16xf32>
        %mul3A_1831 = arith.mulf %get3A_1818, %get3A_1818 : vector<16xf32>
        %add3A_1832 = arith.addf %add3A_1828, %mul3A_1831 : vector<16xf32>
        %mul3A_1833 = arith.mulf %get3A_9, %get3A_1822 : vector<16xf32>
        %add3A_1834 = arith.addf %add3A_1830, %mul3A_1833 : vector<16xf32>
        %mul3A_1835 = arith.mulf %get3A_1822, %get3A_1822 : vector<16xf32>
        %add3A_1836 = arith.addf %add3A_1832, %mul3A_1835 : vector<16xf32>
        %eq3A_1837 = arith.constant 6 : i32
        %eq3A_1838 = vector.broadcast %eq3A_1837 : i32 to vector<16xi32>
        %eq3A_1839 = arith.cmpi eq, %iota3A, %eq3A_1838 : vector<16xi32>
        %reduce_sum3A_1840 = arith.constant true
        %reduce_sum3A_1841 = vector.broadcast %reduce_sum3A_1840 : i1 to vector<16xi1>
        %reduce_sum3A_1842 = tpu.scan <sum>, %add3A_1834 masked %reduce_sum3A_1841 : vector<16xf32>, vector<16xi1> -> vector<16xf32>
        %reduce_sum3A_1843 = vector.extract %reduce_sum3A_1842[15] : f32 from vector<16xf32>
        %broadcast_in_dim3A_1844 = vector.broadcast %reduce_sum3A_1843 : f32 to vector<16xf32>
        %select_n3A_1845 = arith.select %eq3A_1839, %broadcast_in_dim3A_1844, %select_n3A_1794 : vector<16xi1>, vector<16xf32>
        %reduce_sum3A_1846 = arith.constant true
        %reduce_sum3A_1847 = vector.broadcast %reduce_sum3A_1846 : i1 to vector<16xi1>
        %reduce_sum3A_1848 = tpu.scan <sum>, %add3A_1836 masked %reduce_sum3A_1847 : vector<16xf32>, vector<16xi1> -> vector<16xf32>
        %reduce_sum3A_1849 = vector.extract %reduce_sum3A_1848[15] : f32 from vector<16xf32>
        %broadcast_in_dim3A_1850 = vector.broadcast %reduce_sum3A_1849 : f32 to vector<16xf32>
        %select_n3A_1851 = arith.select %eq3A_1839, %broadcast_in_dim3A_1850, %select_n3A_1800 : vector<16xi1>, vector<16xf32>
        %mul3A_1852 = arith.constant 16 : i32
        %mul3A_1853 = arith.muli %scan3A_1487, %mul3A_1852 : i32
        %add3A_1854 = arith.constant 7 : i32
        %add3A_1855 = arith.addi %mul3A_1853, %add3A_1854 : i32
        %mul3A_1856 = arith.constant 64 : i32
        %mul3A_1857 = arith.muli %add3A_1855, %mul3A_1856 : i32
        %add3A_1858 = arith.constant 0 : i32
        %add3A_1859 = arith.addi %mul3A_1857, %add3A_1858 : i32
        %get3A_1860 = arith.index_cast %add3A_1859 : i32 to index
        %get3A_1861 = tpu.vector_load %arg7[%get3A_1860] {strides = array<i32>} : memref<62464xf32, #tpu.memory_space<vmem>>, vector<16xf32>,
        %add3A_1862 = arith.constant 16 : i32
        %add3A_1863 = arith.addi %mul3A_1857, %add3A_1862 : i32
        %get3A_1864 = arith.index_cast %add3A_1863 : i32 to index
        %get3A_1865 = tpu.vector_load %arg7[%get3A_1864] {strides = array<i32>} : memref<62464xf32, #tpu.memory_space<vmem>>, vector<16xf32>,
        %add3A_1866 = arith.constant 32 : i32
        %add3A_1867 = arith.addi %mul3A_1857, %add3A_1866 : i32
        %get3A_1868 = arith.index_cast %add3A_1867 : i32 to index
        %get3A_1869 = tpu.vector_load %arg7[%get3A_1868] {strides = array<i32>} : memref<62464xf32, #tpu.memory_space<vmem>>, vector<16xf32>,
        %add3A_1870 = arith.constant 48 : i32
        %add3A_1871 = arith.addi %mul3A_1857, %add3A_1870 : i32
        %get3A_1872 = arith.index_cast %add3A_1871 : i32 to index
        %get3A_1873 = tpu.vector_load %arg7[%get3A_1872] {strides = array<i32>} : memref<62464xf32, #tpu.memory_space<vmem>>, vector<16xf32>,
        %mul3A_1874 = arith.mulf %get3A_3, %get3A_1861 : vector<16xf32>
        %mul3A_1875 = arith.mulf %get3A_1861, %get3A_1861 : vector<16xf32>
        %mul3A_1876 = arith.mulf %get3A_5, %get3A_1865 : vector<16xf32>
        %add3A_1877 = arith.addf %mul3A_1874, %mul3A_1876 : vector<16xf32>
        %mul3A_1878 = arith.mulf %get3A_1865, %get3A_1865 : vector<16xf32>
        %add3A_1879 = arith.addf %mul3A_1875, %mul3A_1878 : vector<16xf32>
        %mul3A_1880 = arith.mulf %get3A_7, %get3A_1869 : vector<16xf32>
        %add3A_1881 = arith.addf %add3A_1877, %mul3A_1880 : vector<16xf32>
        %mul3A_1882 = arith.mulf %get3A_1869, %get3A_1869 : vector<16xf32>
        %add3A_1883 = arith.addf %add3A_1879, %mul3A_1882 : vector<16xf32>
        %mul3A_1884 = arith.mulf %get3A_9, %get3A_1873 : vector<16xf32>
        %add3A_1885 = arith.addf %add3A_1881, %mul3A_1884 : vector<16xf32>
        %mul3A_1886 = arith.mulf %get3A_1873, %get3A_1873 : vector<16xf32>
        %add3A_1887 = arith.addf %add3A_1883, %mul3A_1886 : vector<16xf32>
        %eq3A_1888 = arith.constant 7 : i32
        %eq3A_1889 = vector.broadcast %eq3A_1888 : i32 to vector<16xi32>
        %eq3A_1890 = arith.cmpi eq, %iota3A, %eq3A_1889 : vector<16xi32>
        %reduce_sum3A_1891 = arith.constant true
        %reduce_sum3A_1892 = vector.broadcast %reduce_sum3A_1891 : i1 to vector<16xi1>
        %reduce_sum3A_1893 = tpu.scan <sum>, %add3A_1885 masked %reduce_sum3A_1892 : vector<16xf32>, vector<16xi1> -> vector<16xf32>
        %reduce_sum3A_1894 = vector.extract %reduce_sum3A_1893[15] : f32 from vector<16xf32>
        %broadcast_in_dim3A_1895 = vector.broadcast %reduce_sum3A_1894 : f32 to vector<16xf32>
        %select_n3A_1896 = arith.select %eq3A_1890, %broadcast_in_dim3A_1895, %select_n3A_1845 : vector<16xi1>, vector<16xf32>
        %reduce_sum3A_1897 = arith.constant true
        %reduce_sum3A_1898 = vector.broadcast %reduce_sum3A_1897 : i1 to vector<16xi1>
        %reduce_sum3A_1899 = tpu.scan <sum>, %add3A_1887 masked %reduce_sum3A_1898 : vector<16xf32>, vector<16xi1> -> vector<16xf32>
        %reduce_sum3A_1900 = vector.extract %reduce_sum3A_1899[15] : f32 from vector<16xf32>
        %broadcast_in_dim3A_1901 = vector.broadcast %reduce_sum3A_1900 : f32 to vector<16xf32>
        %select_n3A_1902 = arith.select %eq3A_1890, %broadcast_in_dim3A_1901, %select_n3A_1851 : vector<16xi1>, vector<16xf32>
        %mul3A_1903 = arith.constant 16 : i32
        %mul3A_1904 = arith.muli %scan3A_1487, %mul3A_1903 : i32
        %add3A_1905 = arith.constant 8 : i32
        %add3A_1906 = arith.addi %mul3A_1904, %add3A_1905 : i32
        %mul3A_1907 = arith.constant 64 : i32
        %mul3A_1908 = arith.muli %add3A_1906, %mul3A_1907 : i32
        %add3A_1909 = arith.constant 0 : i32
        %add3A_1910 = arith.addi %mul3A_1908, %add3A_1909 : i32
        %get3A_1911 = arith.index_cast %add3A_1910 : i32 to index
        %get3A_1912 = tpu.vector_load %arg7[%get3A_1911] {strides = array<i32>} : memref<62464xf32, #tpu.memory_space<vmem>>, vector<16xf32>,
        %add3A_1913 = arith.constant 16 : i32
        %add3A_1914 = arith.addi %mul3A_1908, %add3A_1913 : i32
        %get3A_1915 = arith.index_cast %add3A_1914 : i32 to index
        %get3A_1916 = tpu.vector_load %arg7[%get3A_1915] {strides = array<i32>} : memref<62464xf32, #tpu.memory_space<vmem>>, vector<16xf32>,
        %add3A_1917 = arith.constant 32 : i32
        %add3A_1918 = arith.addi %mul3A_1908, %add3A_1917 : i32
        %get3A_1919 = arith.index_cast %add3A_1918 : i32 to index
        %get3A_1920 = tpu.vector_load %arg7[%get3A_1919] {strides = array<i32>} : memref<62464xf32, #tpu.memory_space<vmem>>, vector<16xf32>,
        %add3A_1921 = arith.constant 48 : i32
        %add3A_1922 = arith.addi %mul3A_1908, %add3A_1921 : i32
        %get3A_1923 = arith.index_cast %add3A_1922 : i32 to index
        %get3A_1924 = tpu.vector_load %arg7[%get3A_1923] {strides = array<i32>} : memref<62464xf32, #tpu.memory_space<vmem>>, vector<16xf32>,
        %mul3A_1925 = arith.mulf %get3A_3, %get3A_1912 : vector<16xf32>
        %mul3A_1926 = arith.mulf %get3A_1912, %get3A_1912 : vector<16xf32>
        %mul3A_1927 = arith.mulf %get3A_5, %get3A_1916 : vector<16xf32>
        %add3A_1928 = arith.addf %mul3A_1925, %mul3A_1927 : vector<16xf32>
        %mul3A_1929 = arith.mulf %get3A_1916, %get3A_1916 : vector<16xf32>
        %add3A_1930 = arith.addf %mul3A_1926, %mul3A_1929 : vector<16xf32>
        %mul3A_1931 = arith.mulf %get3A_7, %get3A_1920 : vector<16xf32>
        %add3A_1932 = arith.addf %add3A_1928, %mul3A_1931 : vector<16xf32>
        %mul3A_1933 = arith.mulf %get3A_1920, %get3A_1920 : vector<16xf32>
        %add3A_1934 = arith.addf %add3A_1930, %mul3A_1933 : vector<16xf32>
        %mul3A_1935 = arith.mulf %get3A_9, %get3A_1924 : vector<16xf32>
        %add3A_1936 = arith.addf %add3A_1932, %mul3A_1935 : vector<16xf32>
        %mul3A_1937 = arith.mulf %get3A_1924, %get3A_1924 : vector<16xf32>
        %add3A_1938 = arith.addf %add3A_1934, %mul3A_1937 : vector<16xf32>
        %eq3A_1939 = arith.constant 8 : i32
        %eq3A_1940 = vector.broadcast %eq3A_1939 : i32 to vector<16xi32>
        %eq3A_1941 = arith.cmpi eq, %iota3A, %eq3A_1940 : vector<16xi32>
        %reduce_sum3A_1942 = arith.constant true
        %reduce_sum3A_1943 = vector.broadcast %reduce_sum3A_1942 : i1 to vector<16xi1>
        %reduce_sum3A_1944 = tpu.scan <sum>, %add3A_1936 masked %reduce_sum3A_1943 : vector<16xf32>, vector<16xi1> -> vector<16xf32>
        %reduce_sum3A_1945 = vector.extract %reduce_sum3A_1944[15] : f32 from vector<16xf32>
        %broadcast_in_dim3A_1946 = vector.broadcast %reduce_sum3A_1945 : f32 to vector<16xf32>
        %select_n3A_1947 = arith.select %eq3A_1941, %broadcast_in_dim3A_1946, %select_n3A_1896 : vector<16xi1>, vector<16xf32>
        %reduce_sum3A_1948 = arith.constant true
        %reduce_sum3A_1949 = vector.broadcast %reduce_sum3A_1948 : i1 to vector<16xi1>
        %reduce_sum3A_1950 = tpu.scan <sum>, %add3A_1938 masked %reduce_sum3A_1949 : vector<16xf32>, vector<16xi1> -> vector<16xf32>
        %reduce_sum3A_1951 = vector.extract %reduce_sum3A_1950[15] : f32 from vector<16xf32>
        %broadcast_in_dim3A_1952 = vector.broadcast %reduce_sum3A_1951 : f32 to vector<16xf32>
        %select_n3A_1953 = arith.select %eq3A_1941, %broadcast_in_dim3A_1952, %select_n3A_1902 : vector<16xi1>, vector<16xf32>
        %mul3A_1954 = arith.constant 16 : i32
        %mul3A_1955 = arith.muli %scan3A_1487, %mul3A_1954 : i32
        %add3A_1956 = arith.constant 9 : i32
        %add3A_1957 = arith.addi %mul3A_1955, %add3A_1956 : i32
        %mul3A_1958 = arith.constant 64 : i32
        %mul3A_1959 = arith.muli %add3A_1957, %mul3A_1958 : i32
        %add3A_1960 = arith.constant 0 : i32
        %add3A_1961 = arith.addi %mul3A_1959, %add3A_1960 : i32
        %get3A_1962 = arith.index_cast %add3A_1961 : i32 to index
        %get3A_1963 = tpu.vector_load %arg7[%get3A_1962] {strides = array<i32>} : memref<62464xf32, #tpu.memory_space<vmem>>, vector<16xf32>,
        %add3A_1964 = arith.constant 16 : i32
        %add3A_1965 = arith.addi %mul3A_1959, %add3A_1964 : i32
        %get3A_1966 = arith.index_cast %add3A_1965 : i32 to index
        %get3A_1967 = tpu.vector_load %arg7[%get3A_1966] {strides = array<i32>} : memref<62464xf32, #tpu.memory_space<vmem>>, vector<16xf32>,
        %add3A_1968 = arith.constant 32 : i32
        %add3A_1969 = arith.addi %mul3A_1959, %add3A_1968 : i32
        %get3A_1970 = arith.index_cast %add3A_1969 : i32 to index
        %get3A_1971 = tpu.vector_load %arg7[%get3A_1970] {strides = array<i32>} : memref<62464xf32, #tpu.memory_space<vmem>>, vector<16xf32>,
        %add3A_1972 = arith.constant 48 : i32
        %add3A_1973 = arith.addi %mul3A_1959, %add3A_1972 : i32
        %get3A_1974 = arith.index_cast %add3A_1973 : i32 to index
        %get3A_1975 = tpu.vector_load %arg7[%get3A_1974] {strides = array<i32>} : memref<62464xf32, #tpu.memory_space<vmem>>, vector<16xf32>,
        %mul3A_1976 = arith.mulf %get3A_3, %get3A_1963 : vector<16xf32>
        %mul3A_1977 = arith.mulf %get3A_1963, %get3A_1963 : vector<16xf32>
        %mul3A_1978 = arith.mulf %get3A_5, %get3A_1967 : vector<16xf32>
        %add3A_1979 = arith.addf %mul3A_1976, %mul3A_1978 : vector<16xf32>
        %mul3A_1980 = arith.mulf %get3A_1967, %get3A_1967 : vector<16xf32>
        %add3A_1981 = arith.addf %mul3A_1977, %mul3A_1980 : vector<16xf32>
        %mul3A_1982 = arith.mulf %get3A_7, %get3A_1971 : vector<16xf32>
        %add3A_1983 = arith.addf %add3A_1979, %mul3A_1982 : vector<16xf32>
        %mul3A_1984 = arith.mulf %get3A_1971, %get3A_1971 : vector<16xf32>
        %add3A_1985 = arith.addf %add3A_1981, %mul3A_1984 : vector<16xf32>
        %mul3A_1986 = arith.mulf %get3A_9, %get3A_1975 : vector<16xf32>
        %add3A_1987 = arith.addf %add3A_1983, %mul3A_1986 : vector<16xf32>
        %mul3A_1988 = arith.mulf %get3A_1975, %get3A_1975 : vector<16xf32>
        %add3A_1989 = arith.addf %add3A_1985, %mul3A_1988 : vector<16xf32>
        %eq3A_1990 = arith.constant 9 : i32
        %eq3A_1991 = vector.broadcast %eq3A_1990 : i32 to vector<16xi32>
        %eq3A_1992 = arith.cmpi eq, %iota3A, %eq3A_1991 : vector<16xi32>
        %reduce_sum3A_1993 = arith.constant true
        %reduce_sum3A_1994 = vector.broadcast %reduce_sum3A_1993 : i1 to vector<16xi1>
        %reduce_sum3A_1995 = tpu.scan <sum>, %add3A_1987 masked %reduce_sum3A_1994 : vector<16xf32>, vector<16xi1> -> vector<16xf32>
        %reduce_sum3A_1996 = vector.extract %reduce_sum3A_1995[15] : f32 from vector<16xf32>
        %broadcast_in_dim3A_1997 = vector.broadcast %reduce_sum3A_1996 : f32 to vector<16xf32>
        %select_n3A_1998 = arith.select %eq3A_1992, %broadcast_in_dim3A_1997, %select_n3A_1947 : vector<16xi1>, vector<16xf32>
        %reduce_sum3A_1999 = arith.constant true
        %reduce_sum3A_2000 = vector.broadcast %reduce_sum3A_1999 : i1 to vector<16xi1>
        %reduce_sum3A_2001 = tpu.scan <sum>, %add3A_1989 masked %reduce_sum3A_2000 : vector<16xf32>, vector<16xi1> -> vector<16xf32>
        %reduce_sum3A_2002 = vector.extract %reduce_sum3A_2001[15] : f32 from vector<16xf32>
        %broadcast_in_dim3A_2003 = vector.broadcast %reduce_sum3A_2002 : f32 to vector<16xf32>
        %select_n3A_2004 = arith.select %eq3A_1992, %broadcast_in_dim3A_2003, %select_n3A_1953 : vector<16xi1>, vector<16xf32>
        %mul3A_2005 = arith.constant 16 : i32
        %mul3A_2006 = arith.muli %scan3A_1487, %mul3A_2005 : i32
        %add3A_2007 = arith.constant 10 : i32
        %add3A_2008 = arith.addi %mul3A_2006, %add3A_2007 : i32
        %mul3A_2009 = arith.constant 64 : i32
        %mul3A_2010 = arith.muli %add3A_2008, %mul3A_2009 : i32
        %add3A_2011 = arith.constant 0 : i32
        %add3A_2012 = arith.addi %mul3A_2010, %add3A_2011 : i32
        %get3A_2013 = arith.index_cast %add3A_2012 : i32 to index
        %get3A_2014 = tpu.vector_load %arg7[%get3A_2013] {strides = array<i32>} : memref<62464xf32, #tpu.memory_space<vmem>>, vector<16xf32>,
        %add3A_2015 = arith.constant 16 : i32
        %add3A_2016 = arith.addi %mul3A_2010, %add3A_2015 : i32
        %get3A_2017 = arith.index_cast %add3A_2016 : i32 to index
        %get3A_2018 = tpu.vector_load %arg7[%get3A_2017] {strides = array<i32>} : memref<62464xf32, #tpu.memory_space<vmem>>, vector<16xf32>,
        %add3A_2019 = arith.constant 32 : i32
        %add3A_2020 = arith.addi %mul3A_2010, %add3A_2019 : i32
        %get3A_2021 = arith.index_cast %add3A_2020 : i32 to index
        %get3A_2022 = tpu.vector_load %arg7[%get3A_2021] {strides = array<i32>} : memref<62464xf32, #tpu.memory_space<vmem>>, vector<16xf32>,
        %add3A_2023 = arith.constant 48 : i32
        %add3A_2024 = arith.addi %mul3A_2010, %add3A_2023 : i32
        %get3A_2025 = arith.index_cast %add3A_2024 : i32 to index
        %get3A_2026 = tpu.vector_load %arg7[%get3A_2025] {strides = array<i32>} : memref<62464xf32, #tpu.memory_space<vmem>>, vector<16xf32>,
        %mul3A_2027 = arith.mulf %get3A_3, %get3A_2014 : vector<16xf32>
        %mul3A_2028 = arith.mulf %get3A_2014, %get3A_2014 : vector<16xf32>
        %mul3A_2029 = arith.mulf %get3A_5, %get3A_2018 : vector<16xf32>
        %add3A_2030 = arith.addf %mul3A_2027, %mul3A_2029 : vector<16xf32>
        %mul3A_2031 = arith.mulf %get3A_2018, %get3A_2018 : vector<16xf32>
        %add3A_2032 = arith.addf %mul3A_2028, %mul3A_2031 : vector<16xf32>
        %mul3A_2033 = arith.mulf %get3A_7, %get3A_2022 : vector<16xf32>
        %add3A_2034 = arith.addf %add3A_2030, %mul3A_2033 : vector<16xf32>
        %mul3A_2035 = arith.mulf %get3A_2022, %get3A_2022 : vector<16xf32>
        %add3A_2036 = arith.addf %add3A_2032, %mul3A_2035 : vector<16xf32>
        %mul3A_2037 = arith.mulf %get3A_9, %get3A_2026 : vector<16xf32>
        %add3A_2038 = arith.addf %add3A_2034, %mul3A_2037 : vector<16xf32>
        %mul3A_2039 = arith.mulf %get3A_2026, %get3A_2026 : vector<16xf32>
        %add3A_2040 = arith.addf %add3A_2036, %mul3A_2039 : vector<16xf32>
        %eq3A_2041 = arith.constant 10 : i32
        %eq3A_2042 = vector.broadcast %eq3A_2041 : i32 to vector<16xi32>
        %eq3A_2043 = arith.cmpi eq, %iota3A, %eq3A_2042 : vector<16xi32>
        %reduce_sum3A_2044 = arith.constant true
        %reduce_sum3A_2045 = vector.broadcast %reduce_sum3A_2044 : i1 to vector<16xi1>
        %reduce_sum3A_2046 = tpu.scan <sum>, %add3A_2038 masked %reduce_sum3A_2045 : vector<16xf32>, vector<16xi1> -> vector<16xf32>
        %reduce_sum3A_2047 = vector.extract %reduce_sum3A_2046[15] : f32 from vector<16xf32>
        %broadcast_in_dim3A_2048 = vector.broadcast %reduce_sum3A_2047 : f32 to vector<16xf32>
        %select_n3A_2049 = arith.select %eq3A_2043, %broadcast_in_dim3A_2048, %select_n3A_1998 : vector<16xi1>, vector<16xf32>
        %reduce_sum3A_2050 = arith.constant true
        %reduce_sum3A_2051 = vector.broadcast %reduce_sum3A_2050 : i1 to vector<16xi1>
        %reduce_sum3A_2052 = tpu.scan <sum>, %add3A_2040 masked %reduce_sum3A_2051 : vector<16xf32>, vector<16xi1> -> vector<16xf32>
        %reduce_sum3A_2053 = vector.extract %reduce_sum3A_2052[15] : f32 from vector<16xf32>
        %broadcast_in_dim3A_2054 = vector.broadcast %reduce_sum3A_2053 : f32 to vector<16xf32>
        %select_n3A_2055 = arith.select %eq3A_2043, %broadcast_in_dim3A_2054, %select_n3A_2004 : vector<16xi1>, vector<16xf32>
        %mul3A_2056 = arith.constant 16 : i32
        %mul3A_2057 = arith.muli %scan3A_1487, %mul3A_2056 : i32
        %add3A_2058 = arith.constant 11 : i32
        %add3A_2059 = arith.addi %mul3A_2057, %add3A_2058 : i32
        %mul3A_2060 = arith.constant 64 : i32
        %mul3A_2061 = arith.muli %add3A_2059, %mul3A_2060 : i32
        %add3A_2062 = arith.constant 0 : i32
        %add3A_2063 = arith.addi %mul3A_2061, %add3A_2062 : i32
        %get3A_2064 = arith.index_cast %add3A_2063 : i32 to index
        %get3A_2065 = tpu.vector_load %arg7[%get3A_2064] {strides = array<i32>} : memref<62464xf32, #tpu.memory_space<vmem>>, vector<16xf32>,
        %add3A_2066 = arith.constant 16 : i32
        %add3A_2067 = arith.addi %mul3A_2061, %add3A_2066 : i32
        %get3A_2068 = arith.index_cast %add3A_2067 : i32 to index
        %get3A_2069 = tpu.vector_load %arg7[%get3A_2068] {strides = array<i32>} : memref<62464xf32, #tpu.memory_space<vmem>>, vector<16xf32>,
        %add3A_2070 = arith.constant 32 : i32
        %add3A_2071 = arith.addi %mul3A_2061, %add3A_2070 : i32
        %get3A_2072 = arith.index_cast %add3A_2071 : i32 to index
        %get3A_2073 = tpu.vector_load %arg7[%get3A_2072] {strides = array<i32>} : memref<62464xf32, #tpu.memory_space<vmem>>, vector<16xf32>,
        %add3A_2074 = arith.constant 48 : i32
        %add3A_2075 = arith.addi %mul3A_2061, %add3A_2074 : i32
        %get3A_2076 = arith.index_cast %add3A_2075 : i32 to index
        %get3A_2077 = tpu.vector_load %arg7[%get3A_2076] {strides = array<i32>} : memref<62464xf32, #tpu.memory_space<vmem>>, vector<16xf32>,
        %mul3A_2078 = arith.mulf %get3A_3, %get3A_2065 : vector<16xf32>
        %mul3A_2079 = arith.mulf %get3A_2065, %get3A_2065 : vector<16xf32>
        %mul3A_2080 = arith.mulf %get3A_5, %get3A_2069 : vector<16xf32>
        %add3A_2081 = arith.addf %mul3A_2078, %mul3A_2080 : vector<16xf32>
        %mul3A_2082 = arith.mulf %get3A_2069, %get3A_2069 : vector<16xf32>
        %add3A_2083 = arith.addf %mul3A_2079, %mul3A_2082 : vector<16xf32>
        %mul3A_2084 = arith.mulf %get3A_7, %get3A_2073 : vector<16xf32>
        %add3A_2085 = arith.addf %add3A_2081, %mul3A_2084 : vector<16xf32>
        %mul3A_2086 = arith.mulf %get3A_2073, %get3A_2073 : vector<16xf32>
        %add3A_2087 = arith.addf %add3A_2083, %mul3A_2086 : vector<16xf32>
        %mul3A_2088 = arith.mulf %get3A_9, %get3A_2077 : vector<16xf32>
        %add3A_2089 = arith.addf %add3A_2085, %mul3A_2088 : vector<16xf32>
        %mul3A_2090 = arith.mulf %get3A_2077, %get3A_2077 : vector<16xf32>
        %add3A_2091 = arith.addf %add3A_2087, %mul3A_2090 : vector<16xf32>
        %eq3A_2092 = arith.constant 11 : i32
        %eq3A_2093 = vector.broadcast %eq3A_2092 : i32 to vector<16xi32>
        %eq3A_2094 = arith.cmpi eq, %iota3A, %eq3A_2093 : vector<16xi32>
        %reduce_sum3A_2095 = arith.constant true
        %reduce_sum3A_2096 = vector.broadcast %reduce_sum3A_2095 : i1 to vector<16xi1>
        %reduce_sum3A_2097 = tpu.scan <sum>, %add3A_2089 masked %reduce_sum3A_2096 : vector<16xf32>, vector<16xi1> -> vector<16xf32>
        %reduce_sum3A_2098 = vector.extract %reduce_sum3A_2097[15] : f32 from vector<16xf32>
        %broadcast_in_dim3A_2099 = vector.broadcast %reduce_sum3A_2098 : f32 to vector<16xf32>
        %select_n3A_2100 = arith.select %eq3A_2094, %broadcast_in_dim3A_2099, %select_n3A_2049 : vector<16xi1>, vector<16xf32>
        %reduce_sum3A_2101 = arith.constant true
        %reduce_sum3A_2102 = vector.broadcast %reduce_sum3A_2101 : i1 to vector<16xi1>
        %reduce_sum3A_2103 = tpu.scan <sum>, %add3A_2091 masked %reduce_sum3A_2102 : vector<16xf32>, vector<16xi1> -> vector<16xf32>
        %reduce_sum3A_2104 = vector.extract %reduce_sum3A_2103[15] : f32 from vector<16xf32>
        %broadcast_in_dim3A_2105 = vector.broadcast %reduce_sum3A_2104 : f32 to vector<16xf32>
        %select_n3A_2106 = arith.select %eq3A_2094, %broadcast_in_dim3A_2105, %select_n3A_2055 : vector<16xi1>, vector<16xf32>
        %mul3A_2107 = arith.constant 16 : i32
        %mul3A_2108 = arith.muli %scan3A_1487, %mul3A_2107 : i32
        %add3A_2109 = arith.constant 12 : i32
        %add3A_2110 = arith.addi %mul3A_2108, %add3A_2109 : i32
        %mul3A_2111 = arith.constant 64 : i32
        %mul3A_2112 = arith.muli %add3A_2110, %mul3A_2111 : i32
        %add3A_2113 = arith.constant 0 : i32
        %add3A_2114 = arith.addi %mul3A_2112, %add3A_2113 : i32
        %get3A_2115 = arith.index_cast %add3A_2114 : i32 to index
        %get3A_2116 = tpu.vector_load %arg7[%get3A_2115] {strides = array<i32>} : memref<62464xf32, #tpu.memory_space<vmem>>, vector<16xf32>,
        %add3A_2117 = arith.constant 16 : i32
        %add3A_2118 = arith.addi %mul3A_2112, %add3A_2117 : i32
        %get3A_2119 = arith.index_cast %add3A_2118 : i32 to index
        %get3A_2120 = tpu.vector_load %arg7[%get3A_2119] {strides = array<i32>} : memref<62464xf32, #tpu.memory_space<vmem>>, vector<16xf32>,
        %add3A_2121 = arith.constant 32 : i32
        %add3A_2122 = arith.addi %mul3A_2112, %add3A_2121 : i32
        %get3A_2123 = arith.index_cast %add3A_2122 : i32 to index
        %get3A_2124 = tpu.vector_load %arg7[%get3A_2123] {strides = array<i32>} : memref<62464xf32, #tpu.memory_space<vmem>>, vector<16xf32>,
        %add3A_2125 = arith.constant 48 : i32
        %add3A_2126 = arith.addi %mul3A_2112, %add3A_2125 : i32
        %get3A_2127 = arith.index_cast %add3A_2126 : i32 to index
        %get3A_2128 = tpu.vector_load %arg7[%get3A_2127] {strides = array<i32>} : memref<62464xf32, #tpu.memory_space<vmem>>, vector<16xf32>,
        %mul3A_2129 = arith.mulf %get3A_3, %get3A_2116 : vector<16xf32>
        %mul3A_2130 = arith.mulf %get3A_2116, %get3A_2116 : vector<16xf32>
        %mul3A_2131 = arith.mulf %get3A_5, %get3A_2120 : vector<16xf32>
        %add3A_2132 = arith.addf %mul3A_2129, %mul3A_2131 : vector<16xf32>
        %mul3A_2133 = arith.mulf %get3A_2120, %get3A_2120 : vector<16xf32>
        %add3A_2134 = arith.addf %mul3A_2130, %mul3A_2133 : vector<16xf32>
        %mul3A_2135 = arith.mulf %get3A_7, %get3A_2124 : vector<16xf32>
        %add3A_2136 = arith.addf %add3A_2132, %mul3A_2135 : vector<16xf32>
        %mul3A_2137 = arith.mulf %get3A_2124, %get3A_2124 : vector<16xf32>
        %add3A_2138 = arith.addf %add3A_2134, %mul3A_2137 : vector<16xf32>
        %mul3A_2139 = arith.mulf %get3A_9, %get3A_2128 : vector<16xf32>
        %add3A_2140 = arith.addf %add3A_2136, %mul3A_2139 : vector<16xf32>
        %mul3A_2141 = arith.mulf %get3A_2128, %get3A_2128 : vector<16xf32>
        %add3A_2142 = arith.addf %add3A_2138, %mul3A_2141 : vector<16xf32>
        %eq3A_2143 = arith.constant 12 : i32
        %eq3A_2144 = vector.broadcast %eq3A_2143 : i32 to vector<16xi32>
        %eq3A_2145 = arith.cmpi eq, %iota3A, %eq3A_2144 : vector<16xi32>
        %reduce_sum3A_2146 = arith.constant true
        %reduce_sum3A_2147 = vector.broadcast %reduce_sum3A_2146 : i1 to vector<16xi1>
        %reduce_sum3A_2148 = tpu.scan <sum>, %add3A_2140 masked %reduce_sum3A_2147 : vector<16xf32>, vector<16xi1> -> vector<16xf32>
        %reduce_sum3A_2149 = vector.extract %reduce_sum3A_2148[15] : f32 from vector<16xf32>
        %broadcast_in_dim3A_2150 = vector.broadcast %reduce_sum3A_2149 : f32 to vector<16xf32>
        %select_n3A_2151 = arith.select %eq3A_2145, %broadcast_in_dim3A_2150, %select_n3A_2100 : vector<16xi1>, vector<16xf32>
        %reduce_sum3A_2152 = arith.constant true
        %reduce_sum3A_2153 = vector.broadcast %reduce_sum3A_2152 : i1 to vector<16xi1>
        %reduce_sum3A_2154 = tpu.scan <sum>, %add3A_2142 masked %reduce_sum3A_2153 : vector<16xf32>, vector<16xi1> -> vector<16xf32>
        %reduce_sum3A_2155 = vector.extract %reduce_sum3A_2154[15] : f32 from vector<16xf32>
        %broadcast_in_dim3A_2156 = vector.broadcast %reduce_sum3A_2155 : f32 to vector<16xf32>
        %select_n3A_2157 = arith.select %eq3A_2145, %broadcast_in_dim3A_2156, %select_n3A_2106 : vector<16xi1>, vector<16xf32>
        %mul3A_2158 = arith.constant 16 : i32
        %mul3A_2159 = arith.muli %scan3A_1487, %mul3A_2158 : i32
        %add3A_2160 = arith.constant 13 : i32
        %add3A_2161 = arith.addi %mul3A_2159, %add3A_2160 : i32
        %mul3A_2162 = arith.constant 64 : i32
        %mul3A_2163 = arith.muli %add3A_2161, %mul3A_2162 : i32
        %add3A_2164 = arith.constant 0 : i32
        %add3A_2165 = arith.addi %mul3A_2163, %add3A_2164 : i32
        %get3A_2166 = arith.index_cast %add3A_2165 : i32 to index
        %get3A_2167 = tpu.vector_load %arg7[%get3A_2166] {strides = array<i32>} : memref<62464xf32, #tpu.memory_space<vmem>>, vector<16xf32>,
        %add3A_2168 = arith.constant 16 : i32
        %add3A_2169 = arith.addi %mul3A_2163, %add3A_2168 : i32
        %get3A_2170 = arith.index_cast %add3A_2169 : i32 to index
        %get3A_2171 = tpu.vector_load %arg7[%get3A_2170] {strides = array<i32>} : memref<62464xf32, #tpu.memory_space<vmem>>, vector<16xf32>,
        %add3A_2172 = arith.constant 32 : i32
        %add3A_2173 = arith.addi %mul3A_2163, %add3A_2172 : i32
        %get3A_2174 = arith.index_cast %add3A_2173 : i32 to index
        %get3A_2175 = tpu.vector_load %arg7[%get3A_2174] {strides = array<i32>} : memref<62464xf32, #tpu.memory_space<vmem>>, vector<16xf32>,
        %add3A_2176 = arith.constant 48 : i32
        %add3A_2177 = arith.addi %mul3A_2163, %add3A_2176 : i32
        %get3A_2178 = arith.index_cast %add3A_2177 : i32 to index
        %get3A_2179 = tpu.vector_load %arg7[%get3A_2178] {strides = array<i32>} : memref<62464xf32, #tpu.memory_space<vmem>>, vector<16xf32>,
        %mul3A_2180 = arith.mulf %get3A_3, %get3A_2167 : vector<16xf32>
        %mul3A_2181 = arith.mulf %get3A_2167, %get3A_2167 : vector<16xf32>
        %mul3A_2182 = arith.mulf %get3A_5, %get3A_2171 : vector<16xf32>
        %add3A_2183 = arith.addf %mul3A_2180, %mul3A_2182 : vector<16xf32>
        %mul3A_2184 = arith.mulf %get3A_2171, %get3A_2171 : vector<16xf32>
        %add3A_2185 = arith.addf %mul3A_2181, %mul3A_2184 : vector<16xf32>
        %mul3A_2186 = arith.mulf %get3A_7, %get3A_2175 : vector<16xf32>
        %add3A_2187 = arith.addf %add3A_2183, %mul3A_2186 : vector<16xf32>
        %mul3A_2188 = arith.mulf %get3A_2175, %get3A_2175 : vector<16xf32>
        %add3A_2189 = arith.addf %add3A_2185, %mul3A_2188 : vector<16xf32>
        %mul3A_2190 = arith.mulf %get3A_9, %get3A_2179 : vector<16xf32>
        %add3A_2191 = arith.addf %add3A_2187, %mul3A_2190 : vector<16xf32>
        %mul3A_2192 = arith.mulf %get3A_2179, %get3A_2179 : vector<16xf32>
        %add3A_2193 = arith.addf %add3A_2189, %mul3A_2192 : vector<16xf32>
        %eq3A_2194 = arith.constant 13 : i32
        %eq3A_2195 = vector.broadcast %eq3A_2194 : i32 to vector<16xi32>
        %eq3A_2196 = arith.cmpi eq, %iota3A, %eq3A_2195 : vector<16xi32>
        %reduce_sum3A_2197 = arith.constant true
        %reduce_sum3A_2198 = vector.broadcast %reduce_sum3A_2197 : i1 to vector<16xi1>
        %reduce_sum3A_2199 = tpu.scan <sum>, %add3A_2191 masked %reduce_sum3A_2198 : vector<16xf32>, vector<16xi1> -> vector<16xf32>
        %reduce_sum3A_2200 = vector.extract %reduce_sum3A_2199[15] : f32 from vector<16xf32>
        %broadcast_in_dim3A_2201 = vector.broadcast %reduce_sum3A_2200 : f32 to vector<16xf32>
        %select_n3A_2202 = arith.select %eq3A_2196, %broadcast_in_dim3A_2201, %select_n3A_2151 : vector<16xi1>, vector<16xf32>
        %reduce_sum3A_2203 = arith.constant true
        %reduce_sum3A_2204 = vector.broadcast %reduce_sum3A_2203 : i1 to vector<16xi1>
        %reduce_sum3A_2205 = tpu.scan <sum>, %add3A_2193 masked %reduce_sum3A_2204 : vector<16xf32>, vector<16xi1> -> vector<16xf32>
        %reduce_sum3A_2206 = vector.extract %reduce_sum3A_2205[15] : f32 from vector<16xf32>
        %broadcast_in_dim3A_2207 = vector.broadcast %reduce_sum3A_2206 : f32 to vector<16xf32>
        %select_n3A_2208 = arith.select %eq3A_2196, %broadcast_in_dim3A_2207, %select_n3A_2157 : vector<16xi1>, vector<16xf32>
        %mul3A_2209 = arith.constant 16 : i32
        %mul3A_2210 = arith.muli %scan3A_1487, %mul3A_2209 : i32
        %add3A_2211 = arith.constant 14 : i32
        %add3A_2212 = arith.addi %mul3A_2210, %add3A_2211 : i32
        %mul3A_2213 = arith.constant 64 : i32
        %mul3A_2214 = arith.muli %add3A_2212, %mul3A_2213 : i32
        %add3A_2215 = arith.constant 0 : i32
        %add3A_2216 = arith.addi %mul3A_2214, %add3A_2215 : i32
        %get3A_2217 = arith.index_cast %add3A_2216 : i32 to index
        %get3A_2218 = tpu.vector_load %arg7[%get3A_2217] {strides = array<i32>} : memref<62464xf32, #tpu.memory_space<vmem>>, vector<16xf32>,
        %add3A_2219 = arith.constant 16 : i32
        %add3A_2220 = arith.addi %mul3A_2214, %add3A_2219 : i32
        %get3A_2221 = arith.index_cast %add3A_2220 : i32 to index
        %get3A_2222 = tpu.vector_load %arg7[%get3A_2221] {strides = array<i32>} : memref<62464xf32, #tpu.memory_space<vmem>>, vector<16xf32>,
        %add3A_2223 = arith.constant 32 : i32
        %add3A_2224 = arith.addi %mul3A_2214, %add3A_2223 : i32
        %get3A_2225 = arith.index_cast %add3A_2224 : i32 to index
        %get3A_2226 = tpu.vector_load %arg7[%get3A_2225] {strides = array<i32>} : memref<62464xf32, #tpu.memory_space<vmem>>, vector<16xf32>,
        %add3A_2227 = arith.constant 48 : i32
        %add3A_2228 = arith.addi %mul3A_2214, %add3A_2227 : i32
        %get3A_2229 = arith.index_cast %add3A_2228 : i32 to index
        %get3A_2230 = tpu.vector_load %arg7[%get3A_2229] {strides = array<i32>} : memref<62464xf32, #tpu.memory_space<vmem>>, vector<16xf32>,
        %mul3A_2231 = arith.mulf %get3A_3, %get3A_2218 : vector<16xf32>
        %mul3A_2232 = arith.mulf %get3A_2218, %get3A_2218 : vector<16xf32>
        %mul3A_2233 = arith.mulf %get3A_5, %get3A_2222 : vector<16xf32>
        %add3A_2234 = arith.addf %mul3A_2231, %mul3A_2233 : vector<16xf32>
        %mul3A_2235 = arith.mulf %get3A_2222, %get3A_2222 : vector<16xf32>
        %add3A_2236 = arith.addf %mul3A_2232, %mul3A_2235 : vector<16xf32>
        %mul3A_2237 = arith.mulf %get3A_7, %get3A_2226 : vector<16xf32>
        %add3A_2238 = arith.addf %add3A_2234, %mul3A_2237 : vector<16xf32>
        %mul3A_2239 = arith.mulf %get3A_2226, %get3A_2226 : vector<16xf32>
        %add3A_2240 = arith.addf %add3A_2236, %mul3A_2239 : vector<16xf32>
        %mul3A_2241 = arith.mulf %get3A_9, %get3A_2230 : vector<16xf32>
        %add3A_2242 = arith.addf %add3A_2238, %mul3A_2241 : vector<16xf32>
        %mul3A_2243 = arith.mulf %get3A_2230, %get3A_2230 : vector<16xf32>
        %add3A_2244 = arith.addf %add3A_2240, %mul3A_2243 : vector<16xf32>
        %eq3A_2245 = arith.constant 14 : i32
        %eq3A_2246 = vector.broadcast %eq3A_2245 : i32 to vector<16xi32>
        %eq3A_2247 = arith.cmpi eq, %iota3A, %eq3A_2246 : vector<16xi32>
        %reduce_sum3A_2248 = arith.constant true
        %reduce_sum3A_2249 = vector.broadcast %reduce_sum3A_2248 : i1 to vector<16xi1>
        %reduce_sum3A_2250 = tpu.scan <sum>, %add3A_2242 masked %reduce_sum3A_2249 : vector<16xf32>, vector<16xi1> -> vector<16xf32>
        %reduce_sum3A_2251 = vector.extract %reduce_sum3A_2250[15] : f32 from vector<16xf32>
        %broadcast_in_dim3A_2252 = vector.broadcast %reduce_sum3A_2251 : f32 to vector<16xf32>
        %select_n3A_2253 = arith.select %eq3A_2247, %broadcast_in_dim3A_2252, %select_n3A_2202 : vector<16xi1>, vector<16xf32>
        %reduce_sum3A_2254 = arith.constant true
        %reduce_sum3A_2255 = vector.broadcast %reduce_sum3A_2254 : i1 to vector<16xi1>
        %reduce_sum3A_2256 = tpu.scan <sum>, %add3A_2244 masked %reduce_sum3A_2255 : vector<16xf32>, vector<16xi1> -> vector<16xf32>
        %reduce_sum3A_2257 = vector.extract %reduce_sum3A_2256[15] : f32 from vector<16xf32>
        %broadcast_in_dim3A_2258 = vector.broadcast %reduce_sum3A_2257 : f32 to vector<16xf32>
        %select_n3A_2259 = arith.select %eq3A_2247, %broadcast_in_dim3A_2258, %select_n3A_2208 : vector<16xi1>, vector<16xf32>
        %mul3A_2260 = arith.constant 16 : i32
        %mul3A_2261 = arith.muli %scan3A_1487, %mul3A_2260 : i32
        %add3A_2262 = arith.constant 15 : i32
        %add3A_2263 = arith.addi %mul3A_2261, %add3A_2262 : i32
        %mul3A_2264 = arith.constant 64 : i32
        %mul3A_2265 = arith.muli %add3A_2263, %mul3A_2264 : i32
        %add3A_2266 = arith.constant 0 : i32
        %add3A_2267 = arith.addi %mul3A_2265, %add3A_2266 : i32
        %get3A_2268 = arith.index_cast %add3A_2267 : i32 to index
        %get3A_2269 = tpu.vector_load %arg7[%get3A_2268] {strides = array<i32>} : memref<62464xf32, #tpu.memory_space<vmem>>, vector<16xf32>,
        %add3A_2270 = arith.constant 16 : i32
        %add3A_2271 = arith.addi %mul3A_2265, %add3A_2270 : i32
        %get3A_2272 = arith.index_cast %add3A_2271 : i32 to index
        %get3A_2273 = tpu.vector_load %arg7[%get3A_2272] {strides = array<i32>} : memref<62464xf32, #tpu.memory_space<vmem>>, vector<16xf32>,
        %add3A_2274 = arith.constant 32 : i32
        %add3A_2275 = arith.addi %mul3A_2265, %add3A_2274 : i32
        %get3A_2276 = arith.index_cast %add3A_2275 : i32 to index
        %get3A_2277 = tpu.vector_load %arg7[%get3A_2276] {strides = array<i32>} : memref<62464xf32, #tpu.memory_space<vmem>>, vector<16xf32>,
        %add3A_2278 = arith.constant 48 : i32
        %add3A_2279 = arith.addi %mul3A_2265, %add3A_2278 : i32
        %get3A_2280 = arith.index_cast %add3A_2279 : i32 to index
        %get3A_2281 = tpu.vector_load %arg7[%get3A_2280] {strides = array<i32>} : memref<62464xf32, #tpu.memory_space<vmem>>, vector<16xf32>,
        %mul3A_2282 = arith.mulf %get3A_3, %get3A_2269 : vector<16xf32>
        %mul3A_2283 = arith.mulf %get3A_2269, %get3A_2269 : vector<16xf32>
        %mul3A_2284 = arith.mulf %get3A_5, %get3A_2273 : vector<16xf32>
        %add3A_2285 = arith.addf %mul3A_2282, %mul3A_2284 : vector<16xf32>
        %mul3A_2286 = arith.mulf %get3A_2273, %get3A_2273 : vector<16xf32>
        %add3A_2287 = arith.addf %mul3A_2283, %mul3A_2286 : vector<16xf32>
        %mul3A_2288 = arith.mulf %get3A_7, %get3A_2277 : vector<16xf32>
        %add3A_2289 = arith.addf %add3A_2285, %mul3A_2288 : vector<16xf32>
        %mul3A_2290 = arith.mulf %get3A_2277, %get3A_2277 : vector<16xf32>
        %add3A_2291 = arith.addf %add3A_2287, %mul3A_2290 : vector<16xf32>
        %mul3A_2292 = arith.mulf %get3A_9, %get3A_2281 : vector<16xf32>
        %add3A_2293 = arith.addf %add3A_2289, %mul3A_2292 : vector<16xf32>
        %mul3A_2294 = arith.mulf %get3A_2281, %get3A_2281 : vector<16xf32>
        %add3A_2295 = arith.addf %add3A_2291, %mul3A_2294 : vector<16xf32>
        %eq3A_2296 = arith.constant 15 : i32
        %eq3A_2297 = vector.broadcast %eq3A_2296 : i32 to vector<16xi32>
        %eq3A_2298 = arith.cmpi eq, %iota3A, %eq3A_2297 : vector<16xi32>
        %reduce_sum3A_2299 = arith.constant true
        %reduce_sum3A_2300 = vector.broadcast %reduce_sum3A_2299 : i1 to vector<16xi1>
        %reduce_sum3A_2301 = tpu.scan <sum>, %add3A_2293 masked %reduce_sum3A_2300 : vector<16xf32>, vector<16xi1> -> vector<16xf32>
        %reduce_sum3A_2302 = vector.extract %reduce_sum3A_2301[15] : f32 from vector<16xf32>
        %broadcast_in_dim3A_2303 = vector.broadcast %reduce_sum3A_2302 : f32 to vector<16xf32>
        %select_n3A_2304 = arith.select %eq3A_2298, %broadcast_in_dim3A_2303, %select_n3A_2253 : vector<16xi1>, vector<16xf32>
        %reduce_sum3A_2305 = arith.constant true
        %reduce_sum3A_2306 = vector.broadcast %reduce_sum3A_2305 : i1 to vector<16xi1>
        %reduce_sum3A_2307 = tpu.scan <sum>, %add3A_2295 masked %reduce_sum3A_2306 : vector<16xf32>, vector<16xi1> -> vector<16xf32>
        %reduce_sum3A_2308 = vector.extract %reduce_sum3A_2307[15] : f32 from vector<16xf32>
        %broadcast_in_dim3A_2309 = vector.broadcast %reduce_sum3A_2308 : f32 to vector<16xf32>
        %select_n3A_2310 = arith.select %eq3A_2298, %broadcast_in_dim3A_2309, %select_n3A_2259 : vector<16xi1>, vector<16xf32>
        %bitcast_convert_type3A_2311 = tpu.bitcast %select_n3A_2310 : vector<16xf32> -> vector<16xi32>
        %shift_right_arithmetic3A_2312 = arith.constant 1 : i32
        %shift_right_arithmetic3A_2313 = vector.broadcast %shift_right_arithmetic3A_2312 : i32 to vector<16xi32>
        %shift_right_arithmetic3A_2314 = arith.shrsi %bitcast_convert_type3A_2311, %shift_right_arithmetic3A_2313 : vector<16xi32>
        %sub3A_2315 = arith.constant 1597463007 : i32
        %sub3A_2316 = vector.broadcast %sub3A_2315 : i32 to vector<16xi32>
        %sub3A_2317 = arith.subi %sub3A_2316, %shift_right_arithmetic3A_2314 : vector<16xi32>
        %bitcast_convert_type3A_2318 = tpu.bitcast %sub3A_2317 : vector<16xi32> -> vector<16xf32>
        %mul3A_2319 = arith.constant 5.000000e-01 : f32
        %mul3A_2320 = vector.broadcast %mul3A_2319 : f32 to vector<16xf32>
        %mul3A_2321 = arith.mulf %mul3A_2320, %select_n3A_2310 : vector<16xf32>
        %mul3A_2322 = arith.mulf %mul3A_2321, %bitcast_convert_type3A_2318 : vector<16xf32>
        %mul3A_2323 = arith.mulf %mul3A_2322, %bitcast_convert_type3A_2318 : vector<16xf32>
        %sub3A_2324 = arith.constant 1.500000e+00 : f32
        %sub3A_2325 = vector.broadcast %sub3A_2324 : f32 to vector<16xf32>
        %sub3A_2326 = arith.subf %sub3A_2325, %mul3A_2323 : vector<16xf32>
        %mul3A_2327 = arith.mulf %bitcast_convert_type3A_2318, %sub3A_2326 : vector<16xf32>
        %mul3A_2328 = arith.constant 5.000000e-01 : f32
        %mul3A_2329 = vector.broadcast %mul3A_2328 : f32 to vector<16xf32>
        %mul3A_2330 = arith.mulf %mul3A_2329, %select_n3A_2310 : vector<16xf32>
        %mul3A_2331 = arith.mulf %mul3A_2330, %mul3A_2327 : vector<16xf32>
        %mul3A_2332 = arith.mulf %mul3A_2331, %mul3A_2327 : vector<16xf32>
        %sub3A_2333 = arith.constant 1.500000e+00 : f32
        %sub3A_2334 = vector.broadcast %sub3A_2333 : f32 to vector<16xf32>
        %sub3A_2335 = arith.subf %sub3A_2334, %mul3A_2332 : vector<16xf32>
        %mul3A_2336 = arith.mulf %mul3A_2327, %sub3A_2335 : vector<16xf32>
        %mul3A_2337 = arith.constant 5.000000e-01 : f32
        %mul3A_2338 = vector.broadcast %mul3A_2337 : f32 to vector<16xf32>
        %mul3A_2339 = arith.mulf %mul3A_2338, %select_n3A_2310 : vector<16xf32>
        %mul3A_2340 = arith.mulf %mul3A_2339, %mul3A_2336 : vector<16xf32>
        %mul3A_2341 = arith.mulf %mul3A_2340, %mul3A_2336 : vector<16xf32>
        %sub3A_2342 = arith.constant 1.500000e+00 : f32
        %sub3A_2343 = vector.broadcast %sub3A_2342 : f32 to vector<16xf32>
        %sub3A_2344 = arith.subf %sub3A_2343, %mul3A_2341 : vector<16xf32>
        %mul3A_2345 = arith.mulf %mul3A_2336, %sub3A_2344 : vector<16xf32>
        %mul3A_2346 = arith.mulf %select_n3A_2310, %mul3A_2345 : vector<16xf32>
        %mul3A_2347 = arith.mulf %mul3A_103, %mul3A_2346 : vector<16xf32>
        %max3A_2348 = arith.constant 9.99999993E-9 : f32
        %max3A_2349 = vector.broadcast %max3A_2348 : f32 to vector<16xf32>
        %max3A_2350 = arith.maximumf %mul3A_2347, %max3A_2349 : vector<16xf32>
        %div3A_2351 = arith.divf %select_n3A_2304, %max3A_2350 : vector<16xf32>
        %sub3A_2352 = arith.constant 1.000000e+00 : f32
        %sub3A_2353 = vector.broadcast %sub3A_2352 : f32 to vector<16xf32>
        %sub3A_2354 = arith.subf %sub3A_2353, %div3A_2351 : vector<16xf32>
        %mul3A_2355 = arith.constant 16 : i32
        %mul3A_2356 = arith.muli %scan3A_1487, %mul3A_2355 : i32
        %add3A_2357 = arith.addi %add3A_1475, %mul3A_2356 : i32
        %add3A_2358 = vector.broadcast %add3A_2357 : i32 to vector<16xi32>
        %add3A_2359 = arith.addi %add3A_2358, %iota3A : vector<16xi32>
        %lt3A_2360 = arith.cmpf olt, %sub3A_2354, %scan3A_1490 : vector<16xf32>
        %all_reduce_population_count3A_2361 = tpu.all_reduce %lt3A_2360 {dim = 0 : i64, kind = #tpu.reduction_kind<sum>} : vector<16xi1> -> vector<16xi32>
        %slice3A_2362 = vector.extract_strided_slice %all_reduce_population_count3A_2361 {offsets = [0], sizes = [1], strides = [1]} : vector<16xi32> to vector<1xi32>
        %squeeze3A_2363 = vector.extract %slice3A_2362[0] : i32 from vector<1xi32>
        %gt3A_2364 = arith.constant 0 : i32
        %gt3A_2365 = arith.cmpi sgt, %squeeze3A_2363, %gt3A_2364 : i32
        %convert_element_type3A_2366 = arith.extui %gt3A_2365 : i1 to i32
        %cond3A_2367 = arith.constant 0 : i32
        %cond3A_2368 = arith.cmpi ne, %convert_element_type3A_2366, %cond3A_2367 : i32
        %cond3A_2369:3 = scf.if %cond3A_2368 -> (vector<16xf32>, vector<16xi32>, vector<16xf32>) {
          %masked_sort3A = arith.constant dense<true> : vector<16xi1>
          %masked_sort3A_2370, %masked_sort3A_2371, %masked_sort3A_2372 = tpu.sort %sub3A_2354, %add3A_2359 masked %masked_sort3A {descending = true} : (vector<16xf32>, vector<16xi32>, vector<16xi1>) -> (vector<16xi1>, vector<16xf32>, vector<16xi32>)
          %le3A = arith.cmpf ole, %scan3A_1488, %masked_sort3A_2371 : vector<16xf32>
          %select_n3A_2373 = arith.select %le3A, %scan3A_1488, %masked_sort3A_2371 : vector<16xi1>, vector<16xf32>
          %select_n3A_2374 = arith.select %le3A, %scan3A_1489, %masked_sort3A_2372 : vector<16xi1>, vector<16xi32>
          %masked_sort3A_2375 = arith.constant dense<true> : vector<16xi1>
          %masked_sort3A_2376, %masked_sort3A_2377, %masked_sort3A_2378 = tpu.sort %select_n3A_2373, %select_n3A_2374 masked %masked_sort3A_2375 : (vector<16xf32>, vector<16xi32>, vector<16xi1>) -> (vector<16xi1>, vector<16xf32>, vector<16xi32>)
          %broadcast_in_dim3A_2379 = arith.constant 0.000000e+00 : f32
          %broadcast_in_dim3A_2380 = vector.broadcast %broadcast_in_dim3A_2379 : f32 to vector<16xf32>
          %slice3A_2381 = vector.extract_strided_slice %masked_sort3A_2377 {offsets = [15], sizes = [1], strides = [1]} : vector<16xf32> to vector<1xf32>
          %squeeze3A_2382 = vector.extract %slice3A_2381[0] : f32 from vector<1xf32>
          %add3A_2383 = vector.broadcast %squeeze3A_2382 : f32 to vector<16xf32>
          %add3A_2384 = arith.addf %broadcast_in_dim3A_2380, %add3A_2383 : vector<16xf32>
          scf.yield %masked_sort3A_2377, %masked_sort3A_2378, %add3A_2384 : vector<16xf32>, vector<16xi32>, vector<16xf32>
        } else {
          scf.yield %scan3A_1488, %scan3A_1489, %scan3A_1490 : vector<16xf32>, vector<16xi32>, vector<16xf32>
        }
        scf.yield %cond3A_2369#0, %cond3A_2369#1, %cond3A_2369#2 : vector<16xf32>, vector<16xi32>, vector<16xf32>
      }
      %scan3A_1481 = arith.constant 61 : i32
      %lt3A_1482 = arith.constant 15 : i32
      %lt3A_1483 = arith.cmpi slt, %scan3A_1444, %lt3A_1482 : i32
      %convert_element_type3A_1484 = arith.extui %lt3A_1483 : i1 to i32
      %cond3A_1485 = arith.constant 0 : i32
      %cond3A_1486 = arith.cmpi ne, %convert_element_type3A_1484, %cond3A_1485 : i32
      scf.if %cond3A_1486 {
        %add3A_1487 = arith.constant 3 : i32
        %add3A_1488 = arith.addi %mul3A_1449, %add3A_1487 : i32
        %mul3A_1489 = arith.constant 976 : i32
        %mul3A_1490 = arith.muli %add3A_1488, %mul3A_1489 : i32
        %add3A_1491 = arith.addi %mul3A_2, %mul3A_1490 : i32
        %mul3A_1492 = arith.constant 64 : i32
        %mul3A_1493 = arith.muli %add3A_1491, %mul3A_1492 : i32
        %dma_start3A_1494 = tpu.memref_slice %arg3[%mul3A_1493] : memref<64000000xf32, #tpu.memory_space<hbm>> -> memref<62464xf32, #tpu.memory_space<hbm>>
        %dma_start3A_1495 = tpu.memref_slice %arg3[%mul3A_1493] : memref<64000000xf32, #tpu.memory_space<hbm>> -> memref<62464xf32, #tpu.memory_space<hbm>>
        tpu.enqueue_dma source(%dma_start3A_1495 : memref<62464xf32, #tpu.memory_space<hbm>>) target(%arg7 : memref<62464xf32, #tpu.memory_space<vmem>>) target_semaphore(%arg12 : memref<!tpu.dma_semaphore, #tpu.memory_space<semaphore_mem>>)
      } else {
      }
      scf.yield %scan3A_1480#0, %scan3A_1480#1, %scan3A_1480#2 : vector<16xf32>, vector<16xi32>, vector<16xf32>
    }
    %scan3A_125 = arith.constant 16 : i32
    %add3A_126 = arith.constant 31232 : i32
    %add3A_127 = arith.addi %mul3A_2, %add3A_126 : i32
    %mul3A_128 = arith.constant 64 : i32
    %mul3A_129 = arith.muli %add3A_127, %mul3A_128 : i32
    "tpu.region"() ({
      %run_scoped3A = tpu.sem_alloc : memref<!tpu.dma_semaphore, #tpu.memory_space<semaphore_mem>>
      %dma_start3A_1444 = arith.constant 0 : i32
      %dma_start3A_1445 = tpu.memref_slice %arg6[%dma_start3A_1444] : memref<62464xf32, #tpu.memory_space<vmem>> -> memref<1152xf32, #tpu.memory_space<vmem>>
      %dma_start3A_1446 = tpu.memref_slice %arg3[%mul3A_129] : memref<64000000xf32, #tpu.memory_space<hbm>> -> memref<1152xf32, #tpu.memory_space<hbm>>
      %dma_start3A_1447 = arith.constant 0 : i32
      %dma_start3A_1448 = tpu.memref_slice %arg6[%dma_start3A_1447] : memref<62464xf32, #tpu.memory_space<vmem>> -> memref<1152xf32, #tpu.memory_space<vmem>>
      %dma_start3A_1449 = tpu.memref_slice %arg3[%mul3A_129] : memref<64000000xf32, #tpu.memory_space<hbm>> -> memref<1152xf32, #tpu.memory_space<hbm>>
      tpu.enqueue_dma source(%dma_start3A_1449 : memref<1152xf32, #tpu.memory_space<hbm>>) target(%dma_start3A_1448 : memref<1152xf32, #tpu.memory_space<vmem>>) target_semaphore(%run_scoped3A : memref<!tpu.dma_semaphore, #tpu.memory_space<semaphore_mem>>)
      %dma_wait3A = arith.constant 0 : i32
      %dma_wait3A_1450 = tpu.memref_slice %arg6[%dma_wait3A] : memref<62464xf32, #tpu.memory_space<vmem>> -> memref<1152xf32, #tpu.memory_space<vmem>>
      %dma_wait3A_1451 = tpu.memref_slice %arg3[%mul3A_129] : memref<64000000xf32, #tpu.memory_space<hbm>> -> memref<1152xf32, #tpu.memory_space<hbm>>
      %dma_wait3A_1452 = arith.constant 0 : i32
      %dma_wait3A_1453 = tpu.memref_slice %arg6[%dma_wait3A_1452] : memref<62464xf32, #tpu.memory_space<vmem>> -> memref<1152xf32, #tpu.memory_space<vmem>>
      %dma_wait3A_1454 = tpu.memref_slice %arg3[%mul3A_129] : memref<64000000xf32, #tpu.memory_space<hbm>> -> memref<1152xf32, #tpu.memory_space<hbm>>
      tpu.wait_dma2 semaphore(%run_scoped3A : memref<!tpu.dma_semaphore, #tpu.memory_space<semaphore_mem>>) src(%dma_wait3A_1454 : memref<1152xf32, #tpu.memory_space<hbm>>) dst(%dma_wait3A_1453 : memref<1152xf32, #tpu.memory_space<vmem>>)
      tpu.yield
    }) : () -> ()
    %broadcast_in_dim3A_130 = arith.constant 0.000000e+00 : f32
    %broadcast_in_dim3A_131 = vector.broadcast %broadcast_in_dim3A_130 : f32 to vector<16xf32>
    %broadcast_in_dim3A_132 = arith.constant 0.000000e+00 : f32
    %broadcast_in_dim3A_133 = vector.broadcast %broadcast_in_dim3A_132 : f32 to vector<16xf32>
    %get3A_134 = arith.constant 0 : index
    %get3A_135 = tpu.vector_load %arg6[%get3A_134] {strides = array<i32>} : memref<62464xf32, #tpu.memory_space<vmem>>, vector<16xf32>,
    %get3A_136 = arith.constant 16 : index
    %get3A_137 = tpu.vector_load %arg6[%get3A_136] {strides = array<i32>} : memref<62464xf32, #tpu.memory_space<vmem>>, vector<16xf32>,
    %get3A_138 = arith.constant 32 : index
    %get3A_139 = tpu.vector_load %arg6[%get3A_138] {strides = array<i32>} : memref<62464xf32, #tpu.memory_space<vmem>>, vector<16xf32>,
    %get3A_140 = arith.constant 48 : index
    %get3A_141 = tpu.vector_load %arg6[%get3A_140] {strides = array<i32>} : memref<62464xf32, #tpu.memory_space<vmem>>, vector<16xf32>,
    %mul3A_142 = arith.mulf %get3A_3, %get3A_135 : vector<16xf32>
    %mul3A_143 = arith.mulf %get3A_135, %get3A_135 : vector<16xf32>
    %mul3A_144 = arith.mulf %get3A_5, %get3A_137 : vector<16xf32>
    %add3A_145 = arith.addf %mul3A_142, %mul3A_144 : vector<16xf32>
    %mul3A_146 = arith.mulf %get3A_137, %get3A_137 : vector<16xf32>
    %add3A_147 = arith.addf %mul3A_143, %mul3A_146 : vector<16xf32>
    %mul3A_148 = arith.mulf %get3A_7, %get3A_139 : vector<16xf32>
    %add3A_149 = arith.addf %add3A_145, %mul3A_148 : vector<16xf32>
    %mul3A_150 = arith.mulf %get3A_139, %get3A_139 : vector<16xf32>
    %add3A_151 = arith.addf %add3A_147, %mul3A_150 : vector<16xf32>
    %mul3A_152 = arith.mulf %get3A_9, %get3A_141 : vector<16xf32>
    %add3A_153 = arith.addf %add3A_149, %mul3A_152 : vector<16xf32>
    %mul3A_154 = arith.mulf %get3A_141, %get3A_141 : vector<16xf32>
    %add3A_155 = arith.addf %add3A_151, %mul3A_154 : vector<16xf32>
    %eq3A = arith.constant 0 : i32
    %eq3A_156 = vector.broadcast %eq3A : i32 to vector<16xi32>
    %eq3A_157 = arith.cmpi eq, %iota3A, %eq3A_156 : vector<16xi32>
    %reduce_sum3A = arith.constant true
    %reduce_sum3A_158 = vector.broadcast %reduce_sum3A : i1 to vector<16xi1>
    %reduce_sum3A_159 = tpu.scan <sum>, %add3A_153 masked %reduce_sum3A_158 : vector<16xf32>, vector<16xi1> -> vector<16xf32>
    %reduce_sum3A_160 = vector.extract %reduce_sum3A_159[15] : f32 from vector<16xf32>
    %broadcast_in_dim3A_161 = vector.broadcast %reduce_sum3A_160 : f32 to vector<16xf32>
    %select_n3A_162 = arith.select %eq3A_157, %broadcast_in_dim3A_161, %broadcast_in_dim3A_131 : vector<16xi1>, vector<16xf32>
    %reduce_sum3A_163 = arith.constant true
    %reduce_sum3A_164 = vector.broadcast %reduce_sum3A_163 : i1 to vector<16xi1>
    %reduce_sum3A_165 = tpu.scan <sum>, %add3A_155 masked %reduce_sum3A_164 : vector<16xf32>, vector<16xi1> -> vector<16xf32>
    %reduce_sum3A_166 = vector.extract %reduce_sum3A_165[15] : f32 from vector<16xf32>
    %broadcast_in_dim3A_167 = vector.broadcast %reduce_sum3A_166 : f32 to vector<16xf32>
    %select_n3A_168 = arith.select %eq3A_157, %broadcast_in_dim3A_167, %broadcast_in_dim3A_133 : vector<16xi1>, vector<16xf32>
    %get3A_169 = arith.constant 64 : index
    %get3A_170 = tpu.vector_load %arg6[%get3A_169] {strides = array<i32>} : memref<62464xf32, #tpu.memory_space<vmem>>, vector<16xf32>,
    %get3A_171 = arith.constant 80 : index
    %get3A_172 = tpu.vector_load %arg6[%get3A_171] {strides = array<i32>} : memref<62464xf32, #tpu.memory_space<vmem>>, vector<16xf32>,
    %get3A_173 = arith.constant 96 : index
    %get3A_174 = tpu.vector_load %arg6[%get3A_173] {strides = array<i32>} : memref<62464xf32, #tpu.memory_space<vmem>>, vector<16xf32>,
    %get3A_175 = arith.constant 112 : index
    %get3A_176 = tpu.vector_load %arg6[%get3A_175] {strides = array<i32>} : memref<62464xf32, #tpu.memory_space<vmem>>, vector<16xf32>,
    %mul3A_177 = arith.mulf %get3A_3, %get3A_170 : vector<16xf32>
    %mul3A_178 = arith.mulf %get3A_170, %get3A_170 : vector<16xf32>
    %mul3A_179 = arith.mulf %get3A_5, %get3A_172 : vector<16xf32>
    %add3A_180 = arith.addf %mul3A_177, %mul3A_179 : vector<16xf32>
    %mul3A_181 = arith.mulf %get3A_172, %get3A_172 : vector<16xf32>
    %add3A_182 = arith.addf %mul3A_178, %mul3A_181 : vector<16xf32>
    %mul3A_183 = arith.mulf %get3A_7, %get3A_174 : vector<16xf32>
    %add3A_184 = arith.addf %add3A_180, %mul3A_183 : vector<16xf32>
    %mul3A_185 = arith.mulf %get3A_174, %get3A_174 : vector<16xf32>
    %add3A_186 = arith.addf %add3A_182, %mul3A_185 : vector<16xf32>
    %mul3A_187 = arith.mulf %get3A_9, %get3A_176 : vector<16xf32>
    %add3A_188 = arith.addf %add3A_184, %mul3A_187 : vector<16xf32>
    %mul3A_189 = arith.mulf %get3A_176, %get3A_176 : vector<16xf32>
    %add3A_190 = arith.addf %add3A_186, %mul3A_189 : vector<16xf32>
    %eq3A_191 = arith.constant 1 : i32
    %eq3A_192 = vector.broadcast %eq3A_191 : i32 to vector<16xi32>
    %eq3A_193 = arith.cmpi eq, %iota3A, %eq3A_192 : vector<16xi32>
    %reduce_sum3A_194 = arith.constant true
    %reduce_sum3A_195 = vector.broadcast %reduce_sum3A_194 : i1 to vector<16xi1>
    %reduce_sum3A_196 = tpu.scan <sum>, %add3A_188 masked %reduce_sum3A_195 : vector<16xf32>, vector<16xi1> -> vector<16xf32>
    %reduce_sum3A_197 = vector.extract %reduce_sum3A_196[15] : f32 from vector<16xf32>
    %broadcast_in_dim3A_198 = vector.broadcast %reduce_sum3A_197 : f32 to vector<16xf32>
    %select_n3A_199 = arith.select %eq3A_193, %broadcast_in_dim3A_198, %select_n3A_162 : vector<16xi1>, vector<16xf32>
    %reduce_sum3A_200 = arith.constant true
    %reduce_sum3A_201 = vector.broadcast %reduce_sum3A_200 : i1 to vector<16xi1>
    %reduce_sum3A_202 = tpu.scan <sum>, %add3A_190 masked %reduce_sum3A_201 : vector<16xf32>, vector<16xi1> -> vector<16xf32>
    %reduce_sum3A_203 = vector.extract %reduce_sum3A_202[15] : f32 from vector<16xf32>
    %broadcast_in_dim3A_204 = vector.broadcast %reduce_sum3A_203 : f32 to vector<16xf32>
    %select_n3A_205 = arith.select %eq3A_193, %broadcast_in_dim3A_204, %select_n3A_168 : vector<16xi1>, vector<16xf32>
    %get3A_206 = arith.constant 128 : index
    %get3A_207 = tpu.vector_load %arg6[%get3A_206] {strides = array<i32>} : memref<62464xf32, #tpu.memory_space<vmem>>, vector<16xf32>,
    %get3A_208 = arith.constant 144 : index
    %get3A_209 = tpu.vector_load %arg6[%get3A_208] {strides = array<i32>} : memref<62464xf32, #tpu.memory_space<vmem>>, vector<16xf32>,
    %get3A_210 = arith.constant 160 : index
    %get3A_211 = tpu.vector_load %arg6[%get3A_210] {strides = array<i32>} : memref<62464xf32, #tpu.memory_space<vmem>>, vector<16xf32>,
    %get3A_212 = arith.constant 176 : index
    %get3A_213 = tpu.vector_load %arg6[%get3A_212] {strides = array<i32>} : memref<62464xf32, #tpu.memory_space<vmem>>, vector<16xf32>,
    %mul3A_214 = arith.mulf %get3A_3, %get3A_207 : vector<16xf32>
    %mul3A_215 = arith.mulf %get3A_207, %get3A_207 : vector<16xf32>
    %mul3A_216 = arith.mulf %get3A_5, %get3A_209 : vector<16xf32>
    %add3A_217 = arith.addf %mul3A_214, %mul3A_216 : vector<16xf32>
    %mul3A_218 = arith.mulf %get3A_209, %get3A_209 : vector<16xf32>
    %add3A_219 = arith.addf %mul3A_215, %mul3A_218 : vector<16xf32>
    %mul3A_220 = arith.mulf %get3A_7, %get3A_211 : vector<16xf32>
    %add3A_221 = arith.addf %add3A_217, %mul3A_220 : vector<16xf32>
    %mul3A_222 = arith.mulf %get3A_211, %get3A_211 : vector<16xf32>
    %add3A_223 = arith.addf %add3A_219, %mul3A_222 : vector<16xf32>
    %mul3A_224 = arith.mulf %get3A_9, %get3A_213 : vector<16xf32>
    %add3A_225 = arith.addf %add3A_221, %mul3A_224 : vector<16xf32>
    %mul3A_226 = arith.mulf %get3A_213, %get3A_213 : vector<16xf32>
    %add3A_227 = arith.addf %add3A_223, %mul3A_226 : vector<16xf32>
    %eq3A_228 = arith.constant 2 : i32
    %eq3A_229 = vector.broadcast %eq3A_228 : i32 to vector<16xi32>
    %eq3A_230 = arith.cmpi eq, %iota3A, %eq3A_229 : vector<16xi32>
    %reduce_sum3A_231 = arith.constant true
    %reduce_sum3A_232 = vector.broadcast %reduce_sum3A_231 : i1 to vector<16xi1>
    %reduce_sum3A_233 = tpu.scan <sum>, %add3A_225 masked %reduce_sum3A_232 : vector<16xf32>, vector<16xi1> -> vector<16xf32>
    %reduce_sum3A_234 = vector.extract %reduce_sum3A_233[15] : f32 from vector<16xf32>
    %broadcast_in_dim3A_235 = vector.broadcast %reduce_sum3A_234 : f32 to vector<16xf32>
    %select_n3A_236 = arith.select %eq3A_230, %broadcast_in_dim3A_235, %select_n3A_199 : vector<16xi1>, vector<16xf32>
    %reduce_sum3A_237 = arith.constant true
    %reduce_sum3A_238 = vector.broadcast %reduce_sum3A_237 : i1 to vector<16xi1>
    %reduce_sum3A_239 = tpu.scan <sum>, %add3A_227 masked %reduce_sum3A_238 : vector<16xf32>, vector<16xi1> -> vector<16xf32>
    %reduce_sum3A_240 = vector.extract %reduce_sum3A_239[15] : f32 from vector<16xf32>
    %broadcast_in_dim3A_241 = vector.broadcast %reduce_sum3A_240 : f32 to vector<16xf32>
    %select_n3A_242 = arith.select %eq3A_230, %broadcast_in_dim3A_241, %select_n3A_205 : vector<16xi1>, vector<16xf32>
    %get3A_243 = arith.constant 192 : index
    %get3A_244 = tpu.vector_load %arg6[%get3A_243] {strides = array<i32>} : memref<62464xf32, #tpu.memory_space<vmem>>, vector<16xf32>,
    %get3A_245 = arith.constant 208 : index
    %get3A_246 = tpu.vector_load %arg6[%get3A_245] {strides = array<i32>} : memref<62464xf32, #tpu.memory_space<vmem>>, vector<16xf32>,
    %get3A_247 = arith.constant 224 : index
    %get3A_248 = tpu.vector_load %arg6[%get3A_247] {strides = array<i32>} : memref<62464xf32, #tpu.memory_space<vmem>>, vector<16xf32>,
    %get3A_249 = arith.constant 240 : index
    %get3A_250 = tpu.vector_load %arg6[%get3A_249] {strides = array<i32>} : memref<62464xf32, #tpu.memory_space<vmem>>, vector<16xf32>,
    %mul3A_251 = arith.mulf %get3A_3, %get3A_244 : vector<16xf32>
    %mul3A_252 = arith.mulf %get3A_244, %get3A_244 : vector<16xf32>
    %mul3A_253 = arith.mulf %get3A_5, %get3A_246 : vector<16xf32>
    %add3A_254 = arith.addf %mul3A_251, %mul3A_253 : vector<16xf32>
    %mul3A_255 = arith.mulf %get3A_246, %get3A_246 : vector<16xf32>
    %add3A_256 = arith.addf %mul3A_252, %mul3A_255 : vector<16xf32>
    %mul3A_257 = arith.mulf %get3A_7, %get3A_248 : vector<16xf32>
    %add3A_258 = arith.addf %add3A_254, %mul3A_257 : vector<16xf32>
    %mul3A_259 = arith.mulf %get3A_248, %get3A_248 : vector<16xf32>
    %add3A_260 = arith.addf %add3A_256, %mul3A_259 : vector<16xf32>
    %mul3A_261 = arith.mulf %get3A_9, %get3A_250 : vector<16xf32>
    %add3A_262 = arith.addf %add3A_258, %mul3A_261 : vector<16xf32>
    %mul3A_263 = arith.mulf %get3A_250, %get3A_250 : vector<16xf32>
    %add3A_264 = arith.addf %add3A_260, %mul3A_263 : vector<16xf32>
    %eq3A_265 = arith.constant 3 : i32
    %eq3A_266 = vector.broadcast %eq3A_265 : i32 to vector<16xi32>
    %eq3A_267 = arith.cmpi eq, %iota3A, %eq3A_266 : vector<16xi32>
    %reduce_sum3A_268 = arith.constant true
    %reduce_sum3A_269 = vector.broadcast %reduce_sum3A_268 : i1 to vector<16xi1>
    %reduce_sum3A_270 = tpu.scan <sum>, %add3A_262 masked %reduce_sum3A_269 : vector<16xf32>, vector<16xi1> -> vector<16xf32>
    %reduce_sum3A_271 = vector.extract %reduce_sum3A_270[15] : f32 from vector<16xf32>
    %broadcast_in_dim3A_272 = vector.broadcast %reduce_sum3A_271 : f32 to vector<16xf32>
    %select_n3A_273 = arith.select %eq3A_267, %broadcast_in_dim3A_272, %select_n3A_236 : vector<16xi1>, vector<16xf32>
    %reduce_sum3A_274 = arith.constant true
    %reduce_sum3A_275 = vector.broadcast %reduce_sum3A_274 : i1 to vector<16xi1>
    %reduce_sum3A_276 = tpu.scan <sum>, %add3A_264 masked %reduce_sum3A_275 : vector<16xf32>, vector<16xi1> -> vector<16xf32>
    %reduce_sum3A_277 = vector.extract %reduce_sum3A_276[15] : f32 from vector<16xf32>
    %broadcast_in_dim3A_278 = vector.broadcast %reduce_sum3A_277 : f32 to vector<16xf32>
    %select_n3A_279 = arith.select %eq3A_267, %broadcast_in_dim3A_278, %select_n3A_242 : vector<16xi1>, vector<16xf32>
    %get3A_280 = arith.constant 256 : index
    %get3A_281 = tpu.vector_load %arg6[%get3A_280] {strides = array<i32>} : memref<62464xf32, #tpu.memory_space<vmem>>, vector<16xf32>,
    %get3A_282 = arith.constant 272 : index
    %get3A_283 = tpu.vector_load %arg6[%get3A_282] {strides = array<i32>} : memref<62464xf32, #tpu.memory_space<vmem>>, vector<16xf32>,
    %get3A_284 = arith.constant 288 : index
    %get3A_285 = tpu.vector_load %arg6[%get3A_284] {strides = array<i32>} : memref<62464xf32, #tpu.memory_space<vmem>>, vector<16xf32>,
    %get3A_286 = arith.constant 304 : index
    %get3A_287 = tpu.vector_load %arg6[%get3A_286] {strides = array<i32>} : memref<62464xf32, #tpu.memory_space<vmem>>, vector<16xf32>,
    %mul3A_288 = arith.mulf %get3A_3, %get3A_281 : vector<16xf32>
    %mul3A_289 = arith.mulf %get3A_281, %get3A_281 : vector<16xf32>
    %mul3A_290 = arith.mulf %get3A_5, %get3A_283 : vector<16xf32>
    %add3A_291 = arith.addf %mul3A_288, %mul3A_290 : vector<16xf32>
    %mul3A_292 = arith.mulf %get3A_283, %get3A_283 : vector<16xf32>
    %add3A_293 = arith.addf %mul3A_289, %mul3A_292 : vector<16xf32>
    %mul3A_294 = arith.mulf %get3A_7, %get3A_285 : vector<16xf32>
    %add3A_295 = arith.addf %add3A_291, %mul3A_294 : vector<16xf32>
    %mul3A_296 = arith.mulf %get3A_285, %get3A_285 : vector<16xf32>
    %add3A_297 = arith.addf %add3A_293, %mul3A_296 : vector<16xf32>
    %mul3A_298 = arith.mulf %get3A_9, %get3A_287 : vector<16xf32>
    %add3A_299 = arith.addf %add3A_295, %mul3A_298 : vector<16xf32>
    %mul3A_300 = arith.mulf %get3A_287, %get3A_287 : vector<16xf32>
    %add3A_301 = arith.addf %add3A_297, %mul3A_300 : vector<16xf32>
    %eq3A_302 = arith.constant 4 : i32
    %eq3A_303 = vector.broadcast %eq3A_302 : i32 to vector<16xi32>
    %eq3A_304 = arith.cmpi eq, %iota3A, %eq3A_303 : vector<16xi32>
    %reduce_sum3A_305 = arith.constant true
    %reduce_sum3A_306 = vector.broadcast %reduce_sum3A_305 : i1 to vector<16xi1>
    %reduce_sum3A_307 = tpu.scan <sum>, %add3A_299 masked %reduce_sum3A_306 : vector<16xf32>, vector<16xi1> -> vector<16xf32>
    %reduce_sum3A_308 = vector.extract %reduce_sum3A_307[15] : f32 from vector<16xf32>
    %broadcast_in_dim3A_309 = vector.broadcast %reduce_sum3A_308 : f32 to vector<16xf32>
    %select_n3A_310 = arith.select %eq3A_304, %broadcast_in_dim3A_309, %select_n3A_273 : vector<16xi1>, vector<16xf32>
    %reduce_sum3A_311 = arith.constant true
    %reduce_sum3A_312 = vector.broadcast %reduce_sum3A_311 : i1 to vector<16xi1>
    %reduce_sum3A_313 = tpu.scan <sum>, %add3A_301 masked %reduce_sum3A_312 : vector<16xf32>, vector<16xi1> -> vector<16xf32>
    %reduce_sum3A_314 = vector.extract %reduce_sum3A_313[15] : f32 from vector<16xf32>
    %broadcast_in_dim3A_315 = vector.broadcast %reduce_sum3A_314 : f32 to vector<16xf32>
    %select_n3A_316 = arith.select %eq3A_304, %broadcast_in_dim3A_315, %select_n3A_279 : vector<16xi1>, vector<16xf32>
    %get3A_317 = arith.constant 320 : index
    %get3A_318 = tpu.vector_load %arg6[%get3A_317] {strides = array<i32>} : memref<62464xf32, #tpu.memory_space<vmem>>, vector<16xf32>,
    %get3A_319 = arith.constant 336 : index
    %get3A_320 = tpu.vector_load %arg6[%get3A_319] {strides = array<i32>} : memref<62464xf32, #tpu.memory_space<vmem>>, vector<16xf32>,
    %get3A_321 = arith.constant 352 : index
    %get3A_322 = tpu.vector_load %arg6[%get3A_321] {strides = array<i32>} : memref<62464xf32, #tpu.memory_space<vmem>>, vector<16xf32>,
    %get3A_323 = arith.constant 368 : index
    %get3A_324 = tpu.vector_load %arg6[%get3A_323] {strides = array<i32>} : memref<62464xf32, #tpu.memory_space<vmem>>, vector<16xf32>,
    %mul3A_325 = arith.mulf %get3A_3, %get3A_318 : vector<16xf32>
    %mul3A_326 = arith.mulf %get3A_318, %get3A_318 : vector<16xf32>
    %mul3A_327 = arith.mulf %get3A_5, %get3A_320 : vector<16xf32>
    %add3A_328 = arith.addf %mul3A_325, %mul3A_327 : vector<16xf32>
    %mul3A_329 = arith.mulf %get3A_320, %get3A_320 : vector<16xf32>
    %add3A_330 = arith.addf %mul3A_326, %mul3A_329 : vector<16xf32>
    %mul3A_331 = arith.mulf %get3A_7, %get3A_322 : vector<16xf32>
    %add3A_332 = arith.addf %add3A_328, %mul3A_331 : vector<16xf32>
    %mul3A_333 = arith.mulf %get3A_322, %get3A_322 : vector<16xf32>
    %add3A_334 = arith.addf %add3A_330, %mul3A_333 : vector<16xf32>
    %mul3A_335 = arith.mulf %get3A_9, %get3A_324 : vector<16xf32>
    %add3A_336 = arith.addf %add3A_332, %mul3A_335 : vector<16xf32>
    %mul3A_337 = arith.mulf %get3A_324, %get3A_324 : vector<16xf32>
    %add3A_338 = arith.addf %add3A_334, %mul3A_337 : vector<16xf32>
    %eq3A_339 = arith.constant 5 : i32
    %eq3A_340 = vector.broadcast %eq3A_339 : i32 to vector<16xi32>
    %eq3A_341 = arith.cmpi eq, %iota3A, %eq3A_340 : vector<16xi32>
    %reduce_sum3A_342 = arith.constant true
    %reduce_sum3A_343 = vector.broadcast %reduce_sum3A_342 : i1 to vector<16xi1>
    %reduce_sum3A_344 = tpu.scan <sum>, %add3A_336 masked %reduce_sum3A_343 : vector<16xf32>, vector<16xi1> -> vector<16xf32>
    %reduce_sum3A_345 = vector.extract %reduce_sum3A_344[15] : f32 from vector<16xf32>
    %broadcast_in_dim3A_346 = vector.broadcast %reduce_sum3A_345 : f32 to vector<16xf32>
    %select_n3A_347 = arith.select %eq3A_341, %broadcast_in_dim3A_346, %select_n3A_310 : vector<16xi1>, vector<16xf32>
    %reduce_sum3A_348 = arith.constant true
    %reduce_sum3A_349 = vector.broadcast %reduce_sum3A_348 : i1 to vector<16xi1>
    %reduce_sum3A_350 = tpu.scan <sum>, %add3A_338 masked %reduce_sum3A_349 : vector<16xf32>, vector<16xi1> -> vector<16xf32>
    %reduce_sum3A_351 = vector.extract %reduce_sum3A_350[15] : f32 from vector<16xf32>
    %broadcast_in_dim3A_352 = vector.broadcast %reduce_sum3A_351 : f32 to vector<16xf32>
    %select_n3A_353 = arith.select %eq3A_341, %broadcast_in_dim3A_352, %select_n3A_316 : vector<16xi1>, vector<16xf32>
    %get3A_354 = arith.constant 384 : index
    %get3A_355 = tpu.vector_load %arg6[%get3A_354] {strides = array<i32>} : memref<62464xf32, #tpu.memory_space<vmem>>, vector<16xf32>,
    %get3A_356 = arith.constant 400 : index
    %get3A_357 = tpu.vector_load %arg6[%get3A_356] {strides = array<i32>} : memref<62464xf32, #tpu.memory_space<vmem>>, vector<16xf32>,
    %get3A_358 = arith.constant 416 : index
    %get3A_359 = tpu.vector_load %arg6[%get3A_358] {strides = array<i32>} : memref<62464xf32, #tpu.memory_space<vmem>>, vector<16xf32>,
    %get3A_360 = arith.constant 432 : index
    %get3A_361 = tpu.vector_load %arg6[%get3A_360] {strides = array<i32>} : memref<62464xf32, #tpu.memory_space<vmem>>, vector<16xf32>,
    %mul3A_362 = arith.mulf %get3A_3, %get3A_355 : vector<16xf32>
    %mul3A_363 = arith.mulf %get3A_355, %get3A_355 : vector<16xf32>
    %mul3A_364 = arith.mulf %get3A_5, %get3A_357 : vector<16xf32>
    %add3A_365 = arith.addf %mul3A_362, %mul3A_364 : vector<16xf32>
    %mul3A_366 = arith.mulf %get3A_357, %get3A_357 : vector<16xf32>
    %add3A_367 = arith.addf %mul3A_363, %mul3A_366 : vector<16xf32>
    %mul3A_368 = arith.mulf %get3A_7, %get3A_359 : vector<16xf32>
    %add3A_369 = arith.addf %add3A_365, %mul3A_368 : vector<16xf32>
    %mul3A_370 = arith.mulf %get3A_359, %get3A_359 : vector<16xf32>
    %add3A_371 = arith.addf %add3A_367, %mul3A_370 : vector<16xf32>
    %mul3A_372 = arith.mulf %get3A_9, %get3A_361 : vector<16xf32>
    %add3A_373 = arith.addf %add3A_369, %mul3A_372 : vector<16xf32>
    %mul3A_374 = arith.mulf %get3A_361, %get3A_361 : vector<16xf32>
    %add3A_375 = arith.addf %add3A_371, %mul3A_374 : vector<16xf32>
    %eq3A_376 = arith.constant 6 : i32
    %eq3A_377 = vector.broadcast %eq3A_376 : i32 to vector<16xi32>
    %eq3A_378 = arith.cmpi eq, %iota3A, %eq3A_377 : vector<16xi32>
    %reduce_sum3A_379 = arith.constant true
    %reduce_sum3A_380 = vector.broadcast %reduce_sum3A_379 : i1 to vector<16xi1>
    %reduce_sum3A_381 = tpu.scan <sum>, %add3A_373 masked %reduce_sum3A_380 : vector<16xf32>, vector<16xi1> -> vector<16xf32>
    %reduce_sum3A_382 = vector.extract %reduce_sum3A_381[15] : f32 from vector<16xf32>
    %broadcast_in_dim3A_383 = vector.broadcast %reduce_sum3A_382 : f32 to vector<16xf32>
    %select_n3A_384 = arith.select %eq3A_378, %broadcast_in_dim3A_383, %select_n3A_347 : vector<16xi1>, vector<16xf32>
    %reduce_sum3A_385 = arith.constant true
    %reduce_sum3A_386 = vector.broadcast %reduce_sum3A_385 : i1 to vector<16xi1>
    %reduce_sum3A_387 = tpu.scan <sum>, %add3A_375 masked %reduce_sum3A_386 : vector<16xf32>, vector<16xi1> -> vector<16xf32>
    %reduce_sum3A_388 = vector.extract %reduce_sum3A_387[15] : f32 from vector<16xf32>
    %broadcast_in_dim3A_389 = vector.broadcast %reduce_sum3A_388 : f32 to vector<16xf32>
    %select_n3A_390 = arith.select %eq3A_378, %broadcast_in_dim3A_389, %select_n3A_353 : vector<16xi1>, vector<16xf32>
    %get3A_391 = arith.constant 448 : index
    %get3A_392 = tpu.vector_load %arg6[%get3A_391] {strides = array<i32>} : memref<62464xf32, #tpu.memory_space<vmem>>, vector<16xf32>,
    %get3A_393 = arith.constant 464 : index
    %get3A_394 = tpu.vector_load %arg6[%get3A_393] {strides = array<i32>} : memref<62464xf32, #tpu.memory_space<vmem>>, vector<16xf32>,
    %get3A_395 = arith.constant 480 : index
    %get3A_396 = tpu.vector_load %arg6[%get3A_395] {strides = array<i32>} : memref<62464xf32, #tpu.memory_space<vmem>>, vector<16xf32>,
    %get3A_397 = arith.constant 496 : index
    %get3A_398 = tpu.vector_load %arg6[%get3A_397] {strides = array<i32>} : memref<62464xf32, #tpu.memory_space<vmem>>, vector<16xf32>,
    %mul3A_399 = arith.mulf %get3A_3, %get3A_392 : vector<16xf32>
    %mul3A_400 = arith.mulf %get3A_392, %get3A_392 : vector<16xf32>
    %mul3A_401 = arith.mulf %get3A_5, %get3A_394 : vector<16xf32>
    %add3A_402 = arith.addf %mul3A_399, %mul3A_401 : vector<16xf32>
    %mul3A_403 = arith.mulf %get3A_394, %get3A_394 : vector<16xf32>
    %add3A_404 = arith.addf %mul3A_400, %mul3A_403 : vector<16xf32>
    %mul3A_405 = arith.mulf %get3A_7, %get3A_396 : vector<16xf32>
    %add3A_406 = arith.addf %add3A_402, %mul3A_405 : vector<16xf32>
    %mul3A_407 = arith.mulf %get3A_396, %get3A_396 : vector<16xf32>
    %add3A_408 = arith.addf %add3A_404, %mul3A_407 : vector<16xf32>
    %mul3A_409 = arith.mulf %get3A_9, %get3A_398 : vector<16xf32>
    %add3A_410 = arith.addf %add3A_406, %mul3A_409 : vector<16xf32>
    %mul3A_411 = arith.mulf %get3A_398, %get3A_398 : vector<16xf32>
    %add3A_412 = arith.addf %add3A_408, %mul3A_411 : vector<16xf32>
    %eq3A_413 = arith.constant 7 : i32
    %eq3A_414 = vector.broadcast %eq3A_413 : i32 to vector<16xi32>
    %eq3A_415 = arith.cmpi eq, %iota3A, %eq3A_414 : vector<16xi32>
    %reduce_sum3A_416 = arith.constant true
    %reduce_sum3A_417 = vector.broadcast %reduce_sum3A_416 : i1 to vector<16xi1>
    %reduce_sum3A_418 = tpu.scan <sum>, %add3A_410 masked %reduce_sum3A_417 : vector<16xf32>, vector<16xi1> -> vector<16xf32>
    %reduce_sum3A_419 = vector.extract %reduce_sum3A_418[15] : f32 from vector<16xf32>
    %broadcast_in_dim3A_420 = vector.broadcast %reduce_sum3A_419 : f32 to vector<16xf32>
    %select_n3A_421 = arith.select %eq3A_415, %broadcast_in_dim3A_420, %select_n3A_384 : vector<16xi1>, vector<16xf32>
    %reduce_sum3A_422 = arith.constant true
    %reduce_sum3A_423 = vector.broadcast %reduce_sum3A_422 : i1 to vector<16xi1>
    %reduce_sum3A_424 = tpu.scan <sum>, %add3A_412 masked %reduce_sum3A_423 : vector<16xf32>, vector<16xi1> -> vector<16xf32>
    %reduce_sum3A_425 = vector.extract %reduce_sum3A_424[15] : f32 from vector<16xf32>
    %broadcast_in_dim3A_426 = vector.broadcast %reduce_sum3A_425 : f32 to vector<16xf32>
    %select_n3A_427 = arith.select %eq3A_415, %broadcast_in_dim3A_426, %select_n3A_390 : vector<16xi1>, vector<16xf32>
    %get3A_428 = arith.constant 512 : index
    %get3A_429 = tpu.vector_load %arg6[%get3A_428] {strides = array<i32>} : memref<62464xf32, #tpu.memory_space<vmem>>, vector<16xf32>,
    %get3A_430 = arith.constant 528 : index
    %get3A_431 = tpu.vector_load %arg6[%get3A_430] {strides = array<i32>} : memref<62464xf32, #tpu.memory_space<vmem>>, vector<16xf32>,
    %get3A_432 = arith.constant 544 : index
    %get3A_433 = tpu.vector_load %arg6[%get3A_432] {strides = array<i32>} : memref<62464xf32, #tpu.memory_space<vmem>>, vector<16xf32>,
    %get3A_434 = arith.constant 560 : index
    %get3A_435 = tpu.vector_load %arg6[%get3A_434] {strides = array<i32>} : memref<62464xf32, #tpu.memory_space<vmem>>, vector<16xf32>,
    %mul3A_436 = arith.mulf %get3A_3, %get3A_429 : vector<16xf32>
    %mul3A_437 = arith.mulf %get3A_429, %get3A_429 : vector<16xf32>
    %mul3A_438 = arith.mulf %get3A_5, %get3A_431 : vector<16xf32>
    %add3A_439 = arith.addf %mul3A_436, %mul3A_438 : vector<16xf32>
    %mul3A_440 = arith.mulf %get3A_431, %get3A_431 : vector<16xf32>
    %add3A_441 = arith.addf %mul3A_437, %mul3A_440 : vector<16xf32>
    %mul3A_442 = arith.mulf %get3A_7, %get3A_433 : vector<16xf32>
    %add3A_443 = arith.addf %add3A_439, %mul3A_442 : vector<16xf32>
    %mul3A_444 = arith.mulf %get3A_433, %get3A_433 : vector<16xf32>
    %add3A_445 = arith.addf %add3A_441, %mul3A_444 : vector<16xf32>
    %mul3A_446 = arith.mulf %get3A_9, %get3A_435 : vector<16xf32>
    %add3A_447 = arith.addf %add3A_443, %mul3A_446 : vector<16xf32>
    %mul3A_448 = arith.mulf %get3A_435, %get3A_435 : vector<16xf32>
    %add3A_449 = arith.addf %add3A_445, %mul3A_448 : vector<16xf32>
    %eq3A_450 = arith.constant 8 : i32
    %eq3A_451 = vector.broadcast %eq3A_450 : i32 to vector<16xi32>
    %eq3A_452 = arith.cmpi eq, %iota3A, %eq3A_451 : vector<16xi32>
    %reduce_sum3A_453 = arith.constant true
    %reduce_sum3A_454 = vector.broadcast %reduce_sum3A_453 : i1 to vector<16xi1>
    %reduce_sum3A_455 = tpu.scan <sum>, %add3A_447 masked %reduce_sum3A_454 : vector<16xf32>, vector<16xi1> -> vector<16xf32>
    %reduce_sum3A_456 = vector.extract %reduce_sum3A_455[15] : f32 from vector<16xf32>
    %broadcast_in_dim3A_457 = vector.broadcast %reduce_sum3A_456 : f32 to vector<16xf32>
    %select_n3A_458 = arith.select %eq3A_452, %broadcast_in_dim3A_457, %select_n3A_421 : vector<16xi1>, vector<16xf32>
    %reduce_sum3A_459 = arith.constant true
    %reduce_sum3A_460 = vector.broadcast %reduce_sum3A_459 : i1 to vector<16xi1>
    %reduce_sum3A_461 = tpu.scan <sum>, %add3A_449 masked %reduce_sum3A_460 : vector<16xf32>, vector<16xi1> -> vector<16xf32>
    %reduce_sum3A_462 = vector.extract %reduce_sum3A_461[15] : f32 from vector<16xf32>
    %broadcast_in_dim3A_463 = vector.broadcast %reduce_sum3A_462 : f32 to vector<16xf32>
    %select_n3A_464 = arith.select %eq3A_452, %broadcast_in_dim3A_463, %select_n3A_427 : vector<16xi1>, vector<16xf32>
    %get3A_465 = arith.constant 576 : index
    %get3A_466 = tpu.vector_load %arg6[%get3A_465] {strides = array<i32>} : memref<62464xf32, #tpu.memory_space<vmem>>, vector<16xf32>,
    %get3A_467 = arith.constant 592 : index
    %get3A_468 = tpu.vector_load %arg6[%get3A_467] {strides = array<i32>} : memref<62464xf32, #tpu.memory_space<vmem>>, vector<16xf32>,
    %get3A_469 = arith.constant 608 : index
    %get3A_470 = tpu.vector_load %arg6[%get3A_469] {strides = array<i32>} : memref<62464xf32, #tpu.memory_space<vmem>>, vector<16xf32>,
    %get3A_471 = arith.constant 624 : index
    %get3A_472 = tpu.vector_load %arg6[%get3A_471] {strides = array<i32>} : memref<62464xf32, #tpu.memory_space<vmem>>, vector<16xf32>,
    %mul3A_473 = arith.mulf %get3A_3, %get3A_466 : vector<16xf32>
    %mul3A_474 = arith.mulf %get3A_466, %get3A_466 : vector<16xf32>
    %mul3A_475 = arith.mulf %get3A_5, %get3A_468 : vector<16xf32>
    %add3A_476 = arith.addf %mul3A_473, %mul3A_475 : vector<16xf32>
    %mul3A_477 = arith.mulf %get3A_468, %get3A_468 : vector<16xf32>
    %add3A_478 = arith.addf %mul3A_474, %mul3A_477 : vector<16xf32>
    %mul3A_479 = arith.mulf %get3A_7, %get3A_470 : vector<16xf32>
    %add3A_480 = arith.addf %add3A_476, %mul3A_479 : vector<16xf32>
    %mul3A_481 = arith.mulf %get3A_470, %get3A_470 : vector<16xf32>
    %add3A_482 = arith.addf %add3A_478, %mul3A_481 : vector<16xf32>
    %mul3A_483 = arith.mulf %get3A_9, %get3A_472 : vector<16xf32>
    %add3A_484 = arith.addf %add3A_480, %mul3A_483 : vector<16xf32>
    %mul3A_485 = arith.mulf %get3A_472, %get3A_472 : vector<16xf32>
    %add3A_486 = arith.addf %add3A_482, %mul3A_485 : vector<16xf32>
    %eq3A_487 = arith.constant 9 : i32
    %eq3A_488 = vector.broadcast %eq3A_487 : i32 to vector<16xi32>
    %eq3A_489 = arith.cmpi eq, %iota3A, %eq3A_488 : vector<16xi32>
    %reduce_sum3A_490 = arith.constant true
    %reduce_sum3A_491 = vector.broadcast %reduce_sum3A_490 : i1 to vector<16xi1>
    %reduce_sum3A_492 = tpu.scan <sum>, %add3A_484 masked %reduce_sum3A_491 : vector<16xf32>, vector<16xi1> -> vector<16xf32>
    %reduce_sum3A_493 = vector.extract %reduce_sum3A_492[15] : f32 from vector<16xf32>
    %broadcast_in_dim3A_494 = vector.broadcast %reduce_sum3A_493 : f32 to vector<16xf32>
    %select_n3A_495 = arith.select %eq3A_489, %broadcast_in_dim3A_494, %select_n3A_458 : vector<16xi1>, vector<16xf32>
    %reduce_sum3A_496 = arith.constant true
    %reduce_sum3A_497 = vector.broadcast %reduce_sum3A_496 : i1 to vector<16xi1>
    %reduce_sum3A_498 = tpu.scan <sum>, %add3A_486 masked %reduce_sum3A_497 : vector<16xf32>, vector<16xi1> -> vector<16xf32>
    %reduce_sum3A_499 = vector.extract %reduce_sum3A_498[15] : f32 from vector<16xf32>
    %broadcast_in_dim3A_500 = vector.broadcast %reduce_sum3A_499 : f32 to vector<16xf32>
    %select_n3A_501 = arith.select %eq3A_489, %broadcast_in_dim3A_500, %select_n3A_464 : vector<16xi1>, vector<16xf32>
    %get3A_502 = arith.constant 640 : index
    %get3A_503 = tpu.vector_load %arg6[%get3A_502] {strides = array<i32>} : memref<62464xf32, #tpu.memory_space<vmem>>, vector<16xf32>,
    %get3A_504 = arith.constant 656 : index
    %get3A_505 = tpu.vector_load %arg6[%get3A_504] {strides = array<i32>} : memref<62464xf32, #tpu.memory_space<vmem>>, vector<16xf32>,
    %get3A_506 = arith.constant 672 : index
    %get3A_507 = tpu.vector_load %arg6[%get3A_506] {strides = array<i32>} : memref<62464xf32, #tpu.memory_space<vmem>>, vector<16xf32>,
    %get3A_508 = arith.constant 688 : index
    %get3A_509 = tpu.vector_load %arg6[%get3A_508] {strides = array<i32>} : memref<62464xf32, #tpu.memory_space<vmem>>, vector<16xf32>,
    %mul3A_510 = arith.mulf %get3A_3, %get3A_503 : vector<16xf32>
    %mul3A_511 = arith.mulf %get3A_503, %get3A_503 : vector<16xf32>
    %mul3A_512 = arith.mulf %get3A_5, %get3A_505 : vector<16xf32>
    %add3A_513 = arith.addf %mul3A_510, %mul3A_512 : vector<16xf32>
    %mul3A_514 = arith.mulf %get3A_505, %get3A_505 : vector<16xf32>
    %add3A_515 = arith.addf %mul3A_511, %mul3A_514 : vector<16xf32>
    %mul3A_516 = arith.mulf %get3A_7, %get3A_507 : vector<16xf32>
    %add3A_517 = arith.addf %add3A_513, %mul3A_516 : vector<16xf32>
    %mul3A_518 = arith.mulf %get3A_507, %get3A_507 : vector<16xf32>
    %add3A_519 = arith.addf %add3A_515, %mul3A_518 : vector<16xf32>
    %mul3A_520 = arith.mulf %get3A_9, %get3A_509 : vector<16xf32>
    %add3A_521 = arith.addf %add3A_517, %mul3A_520 : vector<16xf32>
    %mul3A_522 = arith.mulf %get3A_509, %get3A_509 : vector<16xf32>
    %add3A_523 = arith.addf %add3A_519, %mul3A_522 : vector<16xf32>
    %eq3A_524 = arith.constant 10 : i32
    %eq3A_525 = vector.broadcast %eq3A_524 : i32 to vector<16xi32>
    %eq3A_526 = arith.cmpi eq, %iota3A, %eq3A_525 : vector<16xi32>
    %reduce_sum3A_527 = arith.constant true
    %reduce_sum3A_528 = vector.broadcast %reduce_sum3A_527 : i1 to vector<16xi1>
    %reduce_sum3A_529 = tpu.scan <sum>, %add3A_521 masked %reduce_sum3A_528 : vector<16xf32>, vector<16xi1> -> vector<16xf32>
    %reduce_sum3A_530 = vector.extract %reduce_sum3A_529[15] : f32 from vector<16xf32>
    %broadcast_in_dim3A_531 = vector.broadcast %reduce_sum3A_530 : f32 to vector<16xf32>
    %select_n3A_532 = arith.select %eq3A_526, %broadcast_in_dim3A_531, %select_n3A_495 : vector<16xi1>, vector<16xf32>
    %reduce_sum3A_533 = arith.constant true
    %reduce_sum3A_534 = vector.broadcast %reduce_sum3A_533 : i1 to vector<16xi1>
    %reduce_sum3A_535 = tpu.scan <sum>, %add3A_523 masked %reduce_sum3A_534 : vector<16xf32>, vector<16xi1> -> vector<16xf32>
    %reduce_sum3A_536 = vector.extract %reduce_sum3A_535[15] : f32 from vector<16xf32>
    %broadcast_in_dim3A_537 = vector.broadcast %reduce_sum3A_536 : f32 to vector<16xf32>
    %select_n3A_538 = arith.select %eq3A_526, %broadcast_in_dim3A_537, %select_n3A_501 : vector<16xi1>, vector<16xf32>
    %get3A_539 = arith.constant 704 : index
    %get3A_540 = tpu.vector_load %arg6[%get3A_539] {strides = array<i32>} : memref<62464xf32, #tpu.memory_space<vmem>>, vector<16xf32>,
    %get3A_541 = arith.constant 720 : index
    %get3A_542 = tpu.vector_load %arg6[%get3A_541] {strides = array<i32>} : memref<62464xf32, #tpu.memory_space<vmem>>, vector<16xf32>,
    %get3A_543 = arith.constant 736 : index
    %get3A_544 = tpu.vector_load %arg6[%get3A_543] {strides = array<i32>} : memref<62464xf32, #tpu.memory_space<vmem>>, vector<16xf32>,
    %get3A_545 = arith.constant 752 : index
    %get3A_546 = tpu.vector_load %arg6[%get3A_545] {strides = array<i32>} : memref<62464xf32, #tpu.memory_space<vmem>>, vector<16xf32>,
    %mul3A_547 = arith.mulf %get3A_3, %get3A_540 : vector<16xf32>
    %mul3A_548 = arith.mulf %get3A_540, %get3A_540 : vector<16xf32>
    %mul3A_549 = arith.mulf %get3A_5, %get3A_542 : vector<16xf32>
    %add3A_550 = arith.addf %mul3A_547, %mul3A_549 : vector<16xf32>
    %mul3A_551 = arith.mulf %get3A_542, %get3A_542 : vector<16xf32>
    %add3A_552 = arith.addf %mul3A_548, %mul3A_551 : vector<16xf32>
    %mul3A_553 = arith.mulf %get3A_7, %get3A_544 : vector<16xf32>
    %add3A_554 = arith.addf %add3A_550, %mul3A_553 : vector<16xf32>
    %mul3A_555 = arith.mulf %get3A_544, %get3A_544 : vector<16xf32>
    %add3A_556 = arith.addf %add3A_552, %mul3A_555 : vector<16xf32>
    %mul3A_557 = arith.mulf %get3A_9, %get3A_546 : vector<16xf32>
    %add3A_558 = arith.addf %add3A_554, %mul3A_557 : vector<16xf32>
    %mul3A_559 = arith.mulf %get3A_546, %get3A_546 : vector<16xf32>
    %add3A_560 = arith.addf %add3A_556, %mul3A_559 : vector<16xf32>
    %eq3A_561 = arith.constant 11 : i32
    %eq3A_562 = vector.broadcast %eq3A_561 : i32 to vector<16xi32>
    %eq3A_563 = arith.cmpi eq, %iota3A, %eq3A_562 : vector<16xi32>
    %reduce_sum3A_564 = arith.constant true
    %reduce_sum3A_565 = vector.broadcast %reduce_sum3A_564 : i1 to vector<16xi1>
    %reduce_sum3A_566 = tpu.scan <sum>, %add3A_558 masked %reduce_sum3A_565 : vector<16xf32>, vector<16xi1> -> vector<16xf32>
    %reduce_sum3A_567 = vector.extract %reduce_sum3A_566[15] : f32 from vector<16xf32>
    %broadcast_in_dim3A_568 = vector.broadcast %reduce_sum3A_567 : f32 to vector<16xf32>
    %select_n3A_569 = arith.select %eq3A_563, %broadcast_in_dim3A_568, %select_n3A_532 : vector<16xi1>, vector<16xf32>
    %reduce_sum3A_570 = arith.constant true
    %reduce_sum3A_571 = vector.broadcast %reduce_sum3A_570 : i1 to vector<16xi1>
    %reduce_sum3A_572 = tpu.scan <sum>, %add3A_560 masked %reduce_sum3A_571 : vector<16xf32>, vector<16xi1> -> vector<16xf32>
    %reduce_sum3A_573 = vector.extract %reduce_sum3A_572[15] : f32 from vector<16xf32>
    %broadcast_in_dim3A_574 = vector.broadcast %reduce_sum3A_573 : f32 to vector<16xf32>
    %select_n3A_575 = arith.select %eq3A_563, %broadcast_in_dim3A_574, %select_n3A_538 : vector<16xi1>, vector<16xf32>
    %get3A_576 = arith.constant 768 : index
    %get3A_577 = tpu.vector_load %arg6[%get3A_576] {strides = array<i32>} : memref<62464xf32, #tpu.memory_space<vmem>>, vector<16xf32>,
    %get3A_578 = arith.constant 784 : index
    %get3A_579 = tpu.vector_load %arg6[%get3A_578] {strides = array<i32>} : memref<62464xf32, #tpu.memory_space<vmem>>, vector<16xf32>,
    %get3A_580 = arith.constant 800 : index
    %get3A_581 = tpu.vector_load %arg6[%get3A_580] {strides = array<i32>} : memref<62464xf32, #tpu.memory_space<vmem>>, vector<16xf32>,
    %get3A_582 = arith.constant 816 : index
    %get3A_583 = tpu.vector_load %arg6[%get3A_582] {strides = array<i32>} : memref<62464xf32, #tpu.memory_space<vmem>>, vector<16xf32>,
    %mul3A_584 = arith.mulf %get3A_3, %get3A_577 : vector<16xf32>
    %mul3A_585 = arith.mulf %get3A_577, %get3A_577 : vector<16xf32>
    %mul3A_586 = arith.mulf %get3A_5, %get3A_579 : vector<16xf32>
    %add3A_587 = arith.addf %mul3A_584, %mul3A_586 : vector<16xf32>
    %mul3A_588 = arith.mulf %get3A_579, %get3A_579 : vector<16xf32>
    %add3A_589 = arith.addf %mul3A_585, %mul3A_588 : vector<16xf32>
    %mul3A_590 = arith.mulf %get3A_7, %get3A_581 : vector<16xf32>
    %add3A_591 = arith.addf %add3A_587, %mul3A_590 : vector<16xf32>
    %mul3A_592 = arith.mulf %get3A_581, %get3A_581 : vector<16xf32>
    %add3A_593 = arith.addf %add3A_589, %mul3A_592 : vector<16xf32>
    %mul3A_594 = arith.mulf %get3A_9, %get3A_583 : vector<16xf32>
    %add3A_595 = arith.addf %add3A_591, %mul3A_594 : vector<16xf32>
    %mul3A_596 = arith.mulf %get3A_583, %get3A_583 : vector<16xf32>
    %add3A_597 = arith.addf %add3A_593, %mul3A_596 : vector<16xf32>
    %eq3A_598 = arith.constant 12 : i32
    %eq3A_599 = vector.broadcast %eq3A_598 : i32 to vector<16xi32>
    %eq3A_600 = arith.cmpi eq, %iota3A, %eq3A_599 : vector<16xi32>
    %reduce_sum3A_601 = arith.constant true
    %reduce_sum3A_602 = vector.broadcast %reduce_sum3A_601 : i1 to vector<16xi1>
    %reduce_sum3A_603 = tpu.scan <sum>, %add3A_595 masked %reduce_sum3A_602 : vector<16xf32>, vector<16xi1> -> vector<16xf32>
    %reduce_sum3A_604 = vector.extract %reduce_sum3A_603[15] : f32 from vector<16xf32>
    %broadcast_in_dim3A_605 = vector.broadcast %reduce_sum3A_604 : f32 to vector<16xf32>
    %select_n3A_606 = arith.select %eq3A_600, %broadcast_in_dim3A_605, %select_n3A_569 : vector<16xi1>, vector<16xf32>
    %reduce_sum3A_607 = arith.constant true
    %reduce_sum3A_608 = vector.broadcast %reduce_sum3A_607 : i1 to vector<16xi1>
    %reduce_sum3A_609 = tpu.scan <sum>, %add3A_597 masked %reduce_sum3A_608 : vector<16xf32>, vector<16xi1> -> vector<16xf32>
    %reduce_sum3A_610 = vector.extract %reduce_sum3A_609[15] : f32 from vector<16xf32>
    %broadcast_in_dim3A_611 = vector.broadcast %reduce_sum3A_610 : f32 to vector<16xf32>
    %select_n3A_612 = arith.select %eq3A_600, %broadcast_in_dim3A_611, %select_n3A_575 : vector<16xi1>, vector<16xf32>
    %get3A_613 = arith.constant 832 : index
    %get3A_614 = tpu.vector_load %arg6[%get3A_613] {strides = array<i32>} : memref<62464xf32, #tpu.memory_space<vmem>>, vector<16xf32>,
    %get3A_615 = arith.constant 848 : index
    %get3A_616 = tpu.vector_load %arg6[%get3A_615] {strides = array<i32>} : memref<62464xf32, #tpu.memory_space<vmem>>, vector<16xf32>,
    %get3A_617 = arith.constant 864 : index
    %get3A_618 = tpu.vector_load %arg6[%get3A_617] {strides = array<i32>} : memref<62464xf32, #tpu.memory_space<vmem>>, vector<16xf32>,
    %get3A_619 = arith.constant 880 : index
    %get3A_620 = tpu.vector_load %arg6[%get3A_619] {strides = array<i32>} : memref<62464xf32, #tpu.memory_space<vmem>>, vector<16xf32>,
    %mul3A_621 = arith.mulf %get3A_3, %get3A_614 : vector<16xf32>
    %mul3A_622 = arith.mulf %get3A_614, %get3A_614 : vector<16xf32>
    %mul3A_623 = arith.mulf %get3A_5, %get3A_616 : vector<16xf32>
    %add3A_624 = arith.addf %mul3A_621, %mul3A_623 : vector<16xf32>
    %mul3A_625 = arith.mulf %get3A_616, %get3A_616 : vector<16xf32>
    %add3A_626 = arith.addf %mul3A_622, %mul3A_625 : vector<16xf32>
    %mul3A_627 = arith.mulf %get3A_7, %get3A_618 : vector<16xf32>
    %add3A_628 = arith.addf %add3A_624, %mul3A_627 : vector<16xf32>
    %mul3A_629 = arith.mulf %get3A_618, %get3A_618 : vector<16xf32>
    %add3A_630 = arith.addf %add3A_626, %mul3A_629 : vector<16xf32>
    %mul3A_631 = arith.mulf %get3A_9, %get3A_620 : vector<16xf32>
    %add3A_632 = arith.addf %add3A_628, %mul3A_631 : vector<16xf32>
    %mul3A_633 = arith.mulf %get3A_620, %get3A_620 : vector<16xf32>
    %add3A_634 = arith.addf %add3A_630, %mul3A_633 : vector<16xf32>
    %eq3A_635 = arith.constant 13 : i32
    %eq3A_636 = vector.broadcast %eq3A_635 : i32 to vector<16xi32>
    %eq3A_637 = arith.cmpi eq, %iota3A, %eq3A_636 : vector<16xi32>
    %reduce_sum3A_638 = arith.constant true
    %reduce_sum3A_639 = vector.broadcast %reduce_sum3A_638 : i1 to vector<16xi1>
    %reduce_sum3A_640 = tpu.scan <sum>, %add3A_632 masked %reduce_sum3A_639 : vector<16xf32>, vector<16xi1> -> vector<16xf32>
    %reduce_sum3A_641 = vector.extract %reduce_sum3A_640[15] : f32 from vector<16xf32>
    %broadcast_in_dim3A_642 = vector.broadcast %reduce_sum3A_641 : f32 to vector<16xf32>
    %select_n3A_643 = arith.select %eq3A_637, %broadcast_in_dim3A_642, %select_n3A_606 : vector<16xi1>, vector<16xf32>
    %reduce_sum3A_644 = arith.constant true
    %reduce_sum3A_645 = vector.broadcast %reduce_sum3A_644 : i1 to vector<16xi1>
    %reduce_sum3A_646 = tpu.scan <sum>, %add3A_634 masked %reduce_sum3A_645 : vector<16xf32>, vector<16xi1> -> vector<16xf32>
    %reduce_sum3A_647 = vector.extract %reduce_sum3A_646[15] : f32 from vector<16xf32>
    %broadcast_in_dim3A_648 = vector.broadcast %reduce_sum3A_647 : f32 to vector<16xf32>
    %select_n3A_649 = arith.select %eq3A_637, %broadcast_in_dim3A_648, %select_n3A_612 : vector<16xi1>, vector<16xf32>
    %get3A_650 = arith.constant 896 : index
    %get3A_651 = tpu.vector_load %arg6[%get3A_650] {strides = array<i32>} : memref<62464xf32, #tpu.memory_space<vmem>>, vector<16xf32>,
    %get3A_652 = arith.constant 912 : index
    %get3A_653 = tpu.vector_load %arg6[%get3A_652] {strides = array<i32>} : memref<62464xf32, #tpu.memory_space<vmem>>, vector<16xf32>,
    %get3A_654 = arith.constant 928 : index
    %get3A_655 = tpu.vector_load %arg6[%get3A_654] {strides = array<i32>} : memref<62464xf32, #tpu.memory_space<vmem>>, vector<16xf32>,
    %get3A_656 = arith.constant 944 : index
    %get3A_657 = tpu.vector_load %arg6[%get3A_656] {strides = array<i32>} : memref<62464xf32, #tpu.memory_space<vmem>>, vector<16xf32>,
    %mul3A_658 = arith.mulf %get3A_3, %get3A_651 : vector<16xf32>
    %mul3A_659 = arith.mulf %get3A_651, %get3A_651 : vector<16xf32>
    %mul3A_660 = arith.mulf %get3A_5, %get3A_653 : vector<16xf32>
    %add3A_661 = arith.addf %mul3A_658, %mul3A_660 : vector<16xf32>
    %mul3A_662 = arith.mulf %get3A_653, %get3A_653 : vector<16xf32>
    %add3A_663 = arith.addf %mul3A_659, %mul3A_662 : vector<16xf32>
    %mul3A_664 = arith.mulf %get3A_7, %get3A_655 : vector<16xf32>
    %add3A_665 = arith.addf %add3A_661, %mul3A_664 : vector<16xf32>
    %mul3A_666 = arith.mulf %get3A_655, %get3A_655 : vector<16xf32>
    %add3A_667 = arith.addf %add3A_663, %mul3A_666 : vector<16xf32>
    %mul3A_668 = arith.mulf %get3A_9, %get3A_657 : vector<16xf32>
    %add3A_669 = arith.addf %add3A_665, %mul3A_668 : vector<16xf32>
    %mul3A_670 = arith.mulf %get3A_657, %get3A_657 : vector<16xf32>
    %add3A_671 = arith.addf %add3A_667, %mul3A_670 : vector<16xf32>
    %eq3A_672 = arith.constant 14 : i32
    %eq3A_673 = vector.broadcast %eq3A_672 : i32 to vector<16xi32>
    %eq3A_674 = arith.cmpi eq, %iota3A, %eq3A_673 : vector<16xi32>
    %reduce_sum3A_675 = arith.constant true
    %reduce_sum3A_676 = vector.broadcast %reduce_sum3A_675 : i1 to vector<16xi1>
    %reduce_sum3A_677 = tpu.scan <sum>, %add3A_669 masked %reduce_sum3A_676 : vector<16xf32>, vector<16xi1> -> vector<16xf32>
    %reduce_sum3A_678 = vector.extract %reduce_sum3A_677[15] : f32 from vector<16xf32>
    %broadcast_in_dim3A_679 = vector.broadcast %reduce_sum3A_678 : f32 to vector<16xf32>
    %select_n3A_680 = arith.select %eq3A_674, %broadcast_in_dim3A_679, %select_n3A_643 : vector<16xi1>, vector<16xf32>
    %reduce_sum3A_681 = arith.constant true
    %reduce_sum3A_682 = vector.broadcast %reduce_sum3A_681 : i1 to vector<16xi1>
    %reduce_sum3A_683 = tpu.scan <sum>, %add3A_671 masked %reduce_sum3A_682 : vector<16xf32>, vector<16xi1> -> vector<16xf32>
    %reduce_sum3A_684 = vector.extract %reduce_sum3A_683[15] : f32 from vector<16xf32>
    %broadcast_in_dim3A_685 = vector.broadcast %reduce_sum3A_684 : f32 to vector<16xf32>
    %select_n3A_686 = arith.select %eq3A_674, %broadcast_in_dim3A_685, %select_n3A_649 : vector<16xi1>, vector<16xf32>
    %get3A_687 = arith.constant 960 : index
    %get3A_688 = tpu.vector_load %arg6[%get3A_687] {strides = array<i32>} : memref<62464xf32, #tpu.memory_space<vmem>>, vector<16xf32>,
    %get3A_689 = arith.constant 976 : index
    %get3A_690 = tpu.vector_load %arg6[%get3A_689] {strides = array<i32>} : memref<62464xf32, #tpu.memory_space<vmem>>, vector<16xf32>,
    %get3A_691 = arith.constant 992 : index
    %get3A_692 = tpu.vector_load %arg6[%get3A_691] {strides = array<i32>} : memref<62464xf32, #tpu.memory_space<vmem>>, vector<16xf32>,
    %get3A_693 = arith.constant 1008 : index
    %get3A_694 = tpu.vector_load %arg6[%get3A_693] {strides = array<i32>} : memref<62464xf32, #tpu.memory_space<vmem>>, vector<16xf32>,
    %mul3A_695 = arith.mulf %get3A_3, %get3A_688 : vector<16xf32>
    %mul3A_696 = arith.mulf %get3A_688, %get3A_688 : vector<16xf32>
    %mul3A_697 = arith.mulf %get3A_5, %get3A_690 : vector<16xf32>
    %add3A_698 = arith.addf %mul3A_695, %mul3A_697 : vector<16xf32>
    %mul3A_699 = arith.mulf %get3A_690, %get3A_690 : vector<16xf32>
    %add3A_700 = arith.addf %mul3A_696, %mul3A_699 : vector<16xf32>
    %mul3A_701 = arith.mulf %get3A_7, %get3A_692 : vector<16xf32>
    %add3A_702 = arith.addf %add3A_698, %mul3A_701 : vector<16xf32>
    %mul3A_703 = arith.mulf %get3A_692, %get3A_692 : vector<16xf32>
    %add3A_704 = arith.addf %add3A_700, %mul3A_703 : vector<16xf32>
    %mul3A_705 = arith.mulf %get3A_9, %get3A_694 : vector<16xf32>
    %add3A_706 = arith.addf %add3A_702, %mul3A_705 : vector<16xf32>
    %mul3A_707 = arith.mulf %get3A_694, %get3A_694 : vector<16xf32>
    %add3A_708 = arith.addf %add3A_704, %mul3A_707 : vector<16xf32>
    %eq3A_709 = arith.constant 15 : i32
    %eq3A_710 = vector.broadcast %eq3A_709 : i32 to vector<16xi32>
    %eq3A_711 = arith.cmpi eq, %iota3A, %eq3A_710 : vector<16xi32>
    %reduce_sum3A_712 = arith.constant true
    %reduce_sum3A_713 = vector.broadcast %reduce_sum3A_712 : i1 to vector<16xi1>
    %reduce_sum3A_714 = tpu.scan <sum>, %add3A_706 masked %reduce_sum3A_713 : vector<16xf32>, vector<16xi1> -> vector<16xf32>
    %reduce_sum3A_715 = vector.extract %reduce_sum3A_714[15] : f32 from vector<16xf32>
    %broadcast_in_dim3A_716 = vector.broadcast %reduce_sum3A_715 : f32 to vector<16xf32>
    %select_n3A_717 = arith.select %eq3A_711, %broadcast_in_dim3A_716, %select_n3A_680 : vector<16xi1>, vector<16xf32>
    %reduce_sum3A_718 = arith.constant true
    %reduce_sum3A_719 = vector.broadcast %reduce_sum3A_718 : i1 to vector<16xi1>
    %reduce_sum3A_720 = tpu.scan <sum>, %add3A_708 masked %reduce_sum3A_719 : vector<16xf32>, vector<16xi1> -> vector<16xf32>
    %reduce_sum3A_721 = vector.extract %reduce_sum3A_720[15] : f32 from vector<16xf32>
    %broadcast_in_dim3A_722 = vector.broadcast %reduce_sum3A_721 : f32 to vector<16xf32>
    %select_n3A_723 = arith.select %eq3A_711, %broadcast_in_dim3A_722, %select_n3A_686 : vector<16xi1>, vector<16xf32>
    %bitcast_convert_type3A_724 = tpu.bitcast %select_n3A_723 : vector<16xf32> -> vector<16xi32>
    %shift_right_arithmetic3A_725 = arith.constant 1 : i32
    %shift_right_arithmetic3A_726 = vector.broadcast %shift_right_arithmetic3A_725 : i32 to vector<16xi32>
    %shift_right_arithmetic3A_727 = arith.shrsi %bitcast_convert_type3A_724, %shift_right_arithmetic3A_726 : vector<16xi32>
    %sub3A_728 = arith.constant 1597463007 : i32
    %sub3A_729 = vector.broadcast %sub3A_728 : i32 to vector<16xi32>
    %sub3A_730 = arith.subi %sub3A_729, %shift_right_arithmetic3A_727 : vector<16xi32>
    %bitcast_convert_type3A_731 = tpu.bitcast %sub3A_730 : vector<16xi32> -> vector<16xf32>
    %mul3A_732 = arith.constant 5.000000e-01 : f32
    %mul3A_733 = vector.broadcast %mul3A_732 : f32 to vector<16xf32>
    %mul3A_734 = arith.mulf %mul3A_733, %select_n3A_723 : vector<16xf32>
    %mul3A_735 = arith.mulf %mul3A_734, %bitcast_convert_type3A_731 : vector<16xf32>
    %mul3A_736 = arith.mulf %mul3A_735, %bitcast_convert_type3A_731 : vector<16xf32>
    %sub3A_737 = arith.constant 1.500000e+00 : f32
    %sub3A_738 = vector.broadcast %sub3A_737 : f32 to vector<16xf32>
    %sub3A_739 = arith.subf %sub3A_738, %mul3A_736 : vector<16xf32>
    %mul3A_740 = arith.mulf %bitcast_convert_type3A_731, %sub3A_739 : vector<16xf32>
    %mul3A_741 = arith.constant 5.000000e-01 : f32
    %mul3A_742 = vector.broadcast %mul3A_741 : f32 to vector<16xf32>
    %mul3A_743 = arith.mulf %mul3A_742, %select_n3A_723 : vector<16xf32>
    %mul3A_744 = arith.mulf %mul3A_743, %mul3A_740 : vector<16xf32>
    %mul3A_745 = arith.mulf %mul3A_744, %mul3A_740 : vector<16xf32>
    %sub3A_746 = arith.constant 1.500000e+00 : f32
    %sub3A_747 = vector.broadcast %sub3A_746 : f32 to vector<16xf32>
    %sub3A_748 = arith.subf %sub3A_747, %mul3A_745 : vector<16xf32>
    %mul3A_749 = arith.mulf %mul3A_740, %sub3A_748 : vector<16xf32>
    %mul3A_750 = arith.constant 5.000000e-01 : f32
    %mul3A_751 = vector.broadcast %mul3A_750 : f32 to vector<16xf32>
    %mul3A_752 = arith.mulf %mul3A_751, %select_n3A_723 : vector<16xf32>
    %mul3A_753 = arith.mulf %mul3A_752, %mul3A_749 : vector<16xf32>
    %mul3A_754 = arith.mulf %mul3A_753, %mul3A_749 : vector<16xf32>
    %sub3A_755 = arith.constant 1.500000e+00 : f32
    %sub3A_756 = vector.broadcast %sub3A_755 : f32 to vector<16xf32>
    %sub3A_757 = arith.subf %sub3A_756, %mul3A_754 : vector<16xf32>
    %mul3A_758 = arith.mulf %mul3A_749, %sub3A_757 : vector<16xf32>
    %mul3A_759 = arith.mulf %select_n3A_723, %mul3A_758 : vector<16xf32>
    %mul3A_760 = arith.mulf %mul3A_103, %mul3A_759 : vector<16xf32>
    %max3A = arith.constant 9.99999993E-9 : f32
    %max3A_761 = vector.broadcast %max3A : f32 to vector<16xf32>
    %max3A_762 = arith.maximumf %mul3A_760, %max3A_761 : vector<16xf32>
    %div3A = arith.divf %select_n3A_717, %max3A_762 : vector<16xf32>
    %sub3A_763 = arith.constant 1.000000e+00 : f32
    %sub3A_764 = vector.broadcast %sub3A_763 : f32 to vector<16xf32>
    %sub3A_765 = arith.subf %sub3A_764, %div3A : vector<16xf32>
    %add3A_766 = arith.constant 0 : i32
    %add3A_767 = vector.broadcast %add3A_766 : i32 to vector<16xi32>
    %add3A_768 = arith.addi %add3A_767, %iota3A : vector<16xi32>
    %lt3A_769 = arith.constant 18 : i32
    %lt3A_770 = vector.broadcast %lt3A_769 : i32 to vector<16xi32>
    %lt3A_771 = arith.cmpi slt, %add3A_768, %lt3A_770 : vector<16xi32>
    %jit3A = arith.constant 3.400000e+38 : f32
    %broadcast_in_dim3A_772 = vector.broadcast %jit3A : f32 to vector<16xf32>
    %select_n3A_773 = arith.select %lt3A_771, %sub3A_765, %broadcast_in_dim3A_772 : vector<16xi1>, vector<16xf32>
    %add3A_774 = vector.broadcast %add3A_127 : i32 to vector<16xi32>
    %add3A_775 = arith.addi %add3A_774, %add3A_768 : vector<16xi32>
    %lt3A_776 = arith.cmpf olt, %select_n3A_773, %scan3A_124#2 : vector<16xf32>
    %all_reduce_population_count3A = tpu.all_reduce %lt3A_776 {dim = 0 : i64, kind = #tpu.reduction_kind<sum>} : vector<16xi1> -> vector<16xi32>
    %slice3A = vector.extract_strided_slice %all_reduce_population_count3A {offsets = [0], sizes = [1], strides = [1]} : vector<16xi32> to vector<1xi32>
    %squeeze3A = vector.extract %slice3A[0] : i32 from vector<1xi32>
    %gt3A = arith.constant 0 : i32
    %gt3A_777 = arith.cmpi sgt, %squeeze3A, %gt3A : i32
    %convert_element_type3A = arith.extui %gt3A_777 : i1 to i32
    %cond3A = arith.constant 0 : i32
    %cond3A_778 = arith.cmpi ne, %convert_element_type3A, %cond3A : i32
    %cond3A_779:3 = scf.if %cond3A_778 -> (vector<16xf32>, vector<16xi32>, vector<16xf32>) {
      %masked_sort3A = arith.constant dense<true> : vector<16xi1>
      %masked_sort3A_1444, %masked_sort3A_1445, %masked_sort3A_1446 = tpu.sort %select_n3A_773, %add3A_775 masked %masked_sort3A {descending = true} : (vector<16xf32>, vector<16xi32>, vector<16xi1>) -> (vector<16xi1>, vector<16xf32>, vector<16xi32>)
      %le3A = arith.cmpf ole, %scan3A_124#0, %masked_sort3A_1445 : vector<16xf32>
      %select_n3A_1447 = arith.select %le3A, %scan3A_124#0, %masked_sort3A_1445 : vector<16xi1>, vector<16xf32>
      %select_n3A_1448 = arith.select %le3A, %scan3A_124#1, %masked_sort3A_1446 : vector<16xi1>, vector<16xi32>
      %masked_sort3A_1449 = arith.constant dense<true> : vector<16xi1>
      %masked_sort3A_1450, %masked_sort3A_1451, %masked_sort3A_1452 = tpu.sort %select_n3A_1447, %select_n3A_1448 masked %masked_sort3A_1449 : (vector<16xf32>, vector<16xi32>, vector<16xi1>) -> (vector<16xi1>, vector<16xf32>, vector<16xi32>)
      %broadcast_in_dim3A_1453 = arith.constant 0.000000e+00 : f32
      %broadcast_in_dim3A_1454 = vector.broadcast %broadcast_in_dim3A_1453 : f32 to vector<16xf32>
      %slice3A_1455 = vector.extract_strided_slice %masked_sort3A_1451 {offsets = [15], sizes = [1], strides = [1]} : vector<16xf32> to vector<1xf32>
      %squeeze3A_1456 = vector.extract %slice3A_1455[0] : f32 from vector<1xf32>
      %add3A_1457 = vector.broadcast %squeeze3A_1456 : f32 to vector<16xf32>
      %add3A_1458 = arith.addf %broadcast_in_dim3A_1454, %add3A_1457 : vector<16xf32>
      scf.yield %masked_sort3A_1451, %masked_sort3A_1452, %add3A_1458 : vector<16xf32>, vector<16xi32>, vector<16xf32>
    } else {
      scf.yield %scan3A_124#0, %scan3A_124#1, %scan3A_124#2 : vector<16xf32>, vector<16xi32>, vector<16xf32>
    }
    %broadcast_in_dim3A_780 = arith.constant 0.000000e+00 : f32
    %broadcast_in_dim3A_781 = vector.broadcast %broadcast_in_dim3A_780 : f32 to vector<16xf32>
    %broadcast_in_dim3A_782 = arith.constant 0.000000e+00 : f32
    %broadcast_in_dim3A_783 = vector.broadcast %broadcast_in_dim3A_782 : f32 to vector<16xf32>
    %get3A_784 = arith.constant 1024 : index
    %get3A_785 = tpu.vector_load %arg6[%get3A_784] {strides = array<i32>} : memref<62464xf32, #tpu.memory_space<vmem>>, vector<16xf32>,
    %get3A_786 = arith.constant 1040 : index
    %get3A_787 = tpu.vector_load %arg6[%get3A_786] {strides = array<i32>} : memref<62464xf32, #tpu.memory_space<vmem>>, vector<16xf32>,
    %get3A_788 = arith.constant 1056 : index
    %get3A_789 = tpu.vector_load %arg6[%get3A_788] {strides = array<i32>} : memref<62464xf32, #tpu.memory_space<vmem>>, vector<16xf32>,
    %get3A_790 = arith.constant 1072 : index
    %get3A_791 = tpu.vector_load %arg6[%get3A_790] {strides = array<i32>} : memref<62464xf32, #tpu.memory_space<vmem>>, vector<16xf32>,
    %mul3A_792 = arith.mulf %get3A_3, %get3A_785 : vector<16xf32>
    %mul3A_793 = arith.mulf %get3A_785, %get3A_785 : vector<16xf32>
    %mul3A_794 = arith.mulf %get3A_5, %get3A_787 : vector<16xf32>
    %add3A_795 = arith.addf %mul3A_792, %mul3A_794 : vector<16xf32>
    %mul3A_796 = arith.mulf %get3A_787, %get3A_787 : vector<16xf32>
    %add3A_797 = arith.addf %mul3A_793, %mul3A_796 : vector<16xf32>
    %mul3A_798 = arith.mulf %get3A_7, %get3A_789 : vector<16xf32>
    %add3A_799 = arith.addf %add3A_795, %mul3A_798 : vector<16xf32>
    %mul3A_800 = arith.mulf %get3A_789, %get3A_789 : vector<16xf32>
    %add3A_801 = arith.addf %add3A_797, %mul3A_800 : vector<16xf32>
    %mul3A_802 = arith.mulf %get3A_9, %get3A_791 : vector<16xf32>
    %add3A_803 = arith.addf %add3A_799, %mul3A_802 : vector<16xf32>
    %mul3A_804 = arith.mulf %get3A_791, %get3A_791 : vector<16xf32>
    %add3A_805 = arith.addf %add3A_801, %mul3A_804 : vector<16xf32>
    %eq3A_806 = arith.constant 0 : i32
    %eq3A_807 = vector.broadcast %eq3A_806 : i32 to vector<16xi32>
    %eq3A_808 = arith.cmpi eq, %iota3A, %eq3A_807 : vector<16xi32>
    %reduce_sum3A_809 = arith.constant true
    %reduce_sum3A_810 = vector.broadcast %reduce_sum3A_809 : i1 to vector<16xi1>
    %reduce_sum3A_811 = tpu.scan <sum>, %add3A_803 masked %reduce_sum3A_810 : vector<16xf32>, vector<16xi1> -> vector<16xf32>
    %reduce_sum3A_812 = vector.extract %reduce_sum3A_811[15] : f32 from vector<16xf32>
    %broadcast_in_dim3A_813 = vector.broadcast %reduce_sum3A_812 : f32 to vector<16xf32>
    %select_n3A_814 = arith.select %eq3A_808, %broadcast_in_dim3A_813, %broadcast_in_dim3A_781 : vector<16xi1>, vector<16xf32>
    %reduce_sum3A_815 = arith.constant true
    %reduce_sum3A_816 = vector.broadcast %reduce_sum3A_815 : i1 to vector<16xi1>
    %reduce_sum3A_817 = tpu.scan <sum>, %add3A_805 masked %reduce_sum3A_816 : vector<16xf32>, vector<16xi1> -> vector<16xf32>
    %reduce_sum3A_818 = vector.extract %reduce_sum3A_817[15] : f32 from vector<16xf32>
    %broadcast_in_dim3A_819 = vector.broadcast %reduce_sum3A_818 : f32 to vector<16xf32>
    %select_n3A_820 = arith.select %eq3A_808, %broadcast_in_dim3A_819, %broadcast_in_dim3A_783 : vector<16xi1>, vector<16xf32>
    %get3A_821 = arith.constant 1088 : index
    %get3A_822 = tpu.vector_load %arg6[%get3A_821] {strides = array<i32>} : memref<62464xf32, #tpu.memory_space<vmem>>, vector<16xf32>,
    %get3A_823 = arith.constant 1104 : index
    %get3A_824 = tpu.vector_load %arg6[%get3A_823] {strides = array<i32>} : memref<62464xf32, #tpu.memory_space<vmem>>, vector<16xf32>,
    %get3A_825 = arith.constant 1120 : index
    %get3A_826 = tpu.vector_load %arg6[%get3A_825] {strides = array<i32>} : memref<62464xf32, #tpu.memory_space<vmem>>, vector<16xf32>,
    %get3A_827 = arith.constant 1136 : index
    %get3A_828 = tpu.vector_load %arg6[%get3A_827] {strides = array<i32>} : memref<62464xf32, #tpu.memory_space<vmem>>, vector<16xf32>,
    %mul3A_829 = arith.mulf %get3A_3, %get3A_822 : vector<16xf32>
    %mul3A_830 = arith.mulf %get3A_822, %get3A_822 : vector<16xf32>
    %mul3A_831 = arith.mulf %get3A_5, %get3A_824 : vector<16xf32>
    %add3A_832 = arith.addf %mul3A_829, %mul3A_831 : vector<16xf32>
    %mul3A_833 = arith.mulf %get3A_824, %get3A_824 : vector<16xf32>
    %add3A_834 = arith.addf %mul3A_830, %mul3A_833 : vector<16xf32>
    %mul3A_835 = arith.mulf %get3A_7, %get3A_826 : vector<16xf32>
    %add3A_836 = arith.addf %add3A_832, %mul3A_835 : vector<16xf32>
    %mul3A_837 = arith.mulf %get3A_826, %get3A_826 : vector<16xf32>
    %add3A_838 = arith.addf %add3A_834, %mul3A_837 : vector<16xf32>
    %mul3A_839 = arith.mulf %get3A_9, %get3A_828 : vector<16xf32>
    %add3A_840 = arith.addf %add3A_836, %mul3A_839 : vector<16xf32>
    %mul3A_841 = arith.mulf %get3A_828, %get3A_828 : vector<16xf32>
    %add3A_842 = arith.addf %add3A_838, %mul3A_841 : vector<16xf32>
    %eq3A_843 = arith.constant 1 : i32
    %eq3A_844 = vector.broadcast %eq3A_843 : i32 to vector<16xi32>
    %eq3A_845 = arith.cmpi eq, %iota3A, %eq3A_844 : vector<16xi32>
    %reduce_sum3A_846 = arith.constant true
    %reduce_sum3A_847 = vector.broadcast %reduce_sum3A_846 : i1 to vector<16xi1>
    %reduce_sum3A_848 = tpu.scan <sum>, %add3A_840 masked %reduce_sum3A_847 : vector<16xf32>, vector<16xi1> -> vector<16xf32>
    %reduce_sum3A_849 = vector.extract %reduce_sum3A_848[15] : f32 from vector<16xf32>
    %broadcast_in_dim3A_850 = vector.broadcast %reduce_sum3A_849 : f32 to vector<16xf32>
    %select_n3A_851 = arith.select %eq3A_845, %broadcast_in_dim3A_850, %select_n3A_814 : vector<16xi1>, vector<16xf32>
    %reduce_sum3A_852 = arith.constant true
    %reduce_sum3A_853 = vector.broadcast %reduce_sum3A_852 : i1 to vector<16xi1>
    %reduce_sum3A_854 = tpu.scan <sum>, %add3A_842 masked %reduce_sum3A_853 : vector<16xf32>, vector<16xi1> -> vector<16xf32>
    %reduce_sum3A_855 = vector.extract %reduce_sum3A_854[15] : f32 from vector<16xf32>
    %broadcast_in_dim3A_856 = vector.broadcast %reduce_sum3A_855 : f32 to vector<16xf32>
    %select_n3A_857 = arith.select %eq3A_845, %broadcast_in_dim3A_856, %select_n3A_820 : vector<16xi1>, vector<16xf32>
    %get3A_858 = arith.constant 1152 : index
    %get3A_859 = tpu.vector_load %arg6[%get3A_858] {strides = array<i32>} : memref<62464xf32, #tpu.memory_space<vmem>>, vector<16xf32>,
    %get3A_860 = arith.constant 1168 : index
    %get3A_861 = tpu.vector_load %arg6[%get3A_860] {strides = array<i32>} : memref<62464xf32, #tpu.memory_space<vmem>>, vector<16xf32>,
    %get3A_862 = arith.constant 1184 : index
    %get3A_863 = tpu.vector_load %arg6[%get3A_862] {strides = array<i32>} : memref<62464xf32, #tpu.memory_space<vmem>>, vector<16xf32>,
    %get3A_864 = arith.constant 1200 : index
    %get3A_865 = tpu.vector_load %arg6[%get3A_864] {strides = array<i32>} : memref<62464xf32, #tpu.memory_space<vmem>>, vector<16xf32>,
    %mul3A_866 = arith.mulf %get3A_3, %get3A_859 : vector<16xf32>
    %mul3A_867 = arith.mulf %get3A_859, %get3A_859 : vector<16xf32>
    %mul3A_868 = arith.mulf %get3A_5, %get3A_861 : vector<16xf32>
    %add3A_869 = arith.addf %mul3A_866, %mul3A_868 : vector<16xf32>
    %mul3A_870 = arith.mulf %get3A_861, %get3A_861 : vector<16xf32>
    %add3A_871 = arith.addf %mul3A_867, %mul3A_870 : vector<16xf32>
    %mul3A_872 = arith.mulf %get3A_7, %get3A_863 : vector<16xf32>
    %add3A_873 = arith.addf %add3A_869, %mul3A_872 : vector<16xf32>
    %mul3A_874 = arith.mulf %get3A_863, %get3A_863 : vector<16xf32>
    %add3A_875 = arith.addf %add3A_871, %mul3A_874 : vector<16xf32>
    %mul3A_876 = arith.mulf %get3A_9, %get3A_865 : vector<16xf32>
    %add3A_877 = arith.addf %add3A_873, %mul3A_876 : vector<16xf32>
    %mul3A_878 = arith.mulf %get3A_865, %get3A_865 : vector<16xf32>
    %add3A_879 = arith.addf %add3A_875, %mul3A_878 : vector<16xf32>
    %eq3A_880 = arith.constant 2 : i32
    %eq3A_881 = vector.broadcast %eq3A_880 : i32 to vector<16xi32>
    %eq3A_882 = arith.cmpi eq, %iota3A, %eq3A_881 : vector<16xi32>
    %reduce_sum3A_883 = arith.constant true
    %reduce_sum3A_884 = vector.broadcast %reduce_sum3A_883 : i1 to vector<16xi1>
    %reduce_sum3A_885 = tpu.scan <sum>, %add3A_877 masked %reduce_sum3A_884 : vector<16xf32>, vector<16xi1> -> vector<16xf32>
    %reduce_sum3A_886 = vector.extract %reduce_sum3A_885[15] : f32 from vector<16xf32>
    %broadcast_in_dim3A_887 = vector.broadcast %reduce_sum3A_886 : f32 to vector<16xf32>
    %select_n3A_888 = arith.select %eq3A_882, %broadcast_in_dim3A_887, %select_n3A_851 : vector<16xi1>, vector<16xf32>
    %reduce_sum3A_889 = arith.constant true
    %reduce_sum3A_890 = vector.broadcast %reduce_sum3A_889 : i1 to vector<16xi1>
    %reduce_sum3A_891 = tpu.scan <sum>, %add3A_879 masked %reduce_sum3A_890 : vector<16xf32>, vector<16xi1> -> vector<16xf32>
    %reduce_sum3A_892 = vector.extract %reduce_sum3A_891[15] : f32 from vector<16xf32>
    %broadcast_in_dim3A_893 = vector.broadcast %reduce_sum3A_892 : f32 to vector<16xf32>
    %select_n3A_894 = arith.select %eq3A_882, %broadcast_in_dim3A_893, %select_n3A_857 : vector<16xi1>, vector<16xf32>
    %get3A_895 = arith.constant 1216 : index
    %get3A_896 = tpu.vector_load %arg6[%get3A_895] {strides = array<i32>} : memref<62464xf32, #tpu.memory_space<vmem>>, vector<16xf32>,
    %get3A_897 = arith.constant 1232 : index
    %get3A_898 = tpu.vector_load %arg6[%get3A_897] {strides = array<i32>} : memref<62464xf32, #tpu.memory_space<vmem>>, vector<16xf32>,
    %get3A_899 = arith.constant 1248 : index
    %get3A_900 = tpu.vector_load %arg6[%get3A_899] {strides = array<i32>} : memref<62464xf32, #tpu.memory_space<vmem>>, vector<16xf32>,
    %get3A_901 = arith.constant 1264 : index
    %get3A_902 = tpu.vector_load %arg6[%get3A_901] {strides = array<i32>} : memref<62464xf32, #tpu.memory_space<vmem>>, vector<16xf32>,
    %mul3A_903 = arith.mulf %get3A_3, %get3A_896 : vector<16xf32>
    %mul3A_904 = arith.mulf %get3A_896, %get3A_896 : vector<16xf32>
    %mul3A_905 = arith.mulf %get3A_5, %get3A_898 : vector<16xf32>
    %add3A_906 = arith.addf %mul3A_903, %mul3A_905 : vector<16xf32>
    %mul3A_907 = arith.mulf %get3A_898, %get3A_898 : vector<16xf32>
    %add3A_908 = arith.addf %mul3A_904, %mul3A_907 : vector<16xf32>
    %mul3A_909 = arith.mulf %get3A_7, %get3A_900 : vector<16xf32>
    %add3A_910 = arith.addf %add3A_906, %mul3A_909 : vector<16xf32>
    %mul3A_911 = arith.mulf %get3A_900, %get3A_900 : vector<16xf32>
    %add3A_912 = arith.addf %add3A_908, %mul3A_911 : vector<16xf32>
    %mul3A_913 = arith.mulf %get3A_9, %get3A_902 : vector<16xf32>
    %add3A_914 = arith.addf %add3A_910, %mul3A_913 : vector<16xf32>
    %mul3A_915 = arith.mulf %get3A_902, %get3A_902 : vector<16xf32>
    %add3A_916 = arith.addf %add3A_912, %mul3A_915 : vector<16xf32>
    %eq3A_917 = arith.constant 3 : i32
    %eq3A_918 = vector.broadcast %eq3A_917 : i32 to vector<16xi32>
    %eq3A_919 = arith.cmpi eq, %iota3A, %eq3A_918 : vector<16xi32>
    %reduce_sum3A_920 = arith.constant true
    %reduce_sum3A_921 = vector.broadcast %reduce_sum3A_920 : i1 to vector<16xi1>
    %reduce_sum3A_922 = tpu.scan <sum>, %add3A_914 masked %reduce_sum3A_921 : vector<16xf32>, vector<16xi1> -> vector<16xf32>
    %reduce_sum3A_923 = vector.extract %reduce_sum3A_922[15] : f32 from vector<16xf32>
    %broadcast_in_dim3A_924 = vector.broadcast %reduce_sum3A_923 : f32 to vector<16xf32>
    %select_n3A_925 = arith.select %eq3A_919, %broadcast_in_dim3A_924, %select_n3A_888 : vector<16xi1>, vector<16xf32>
    %reduce_sum3A_926 = arith.constant true
    %reduce_sum3A_927 = vector.broadcast %reduce_sum3A_926 : i1 to vector<16xi1>
    %reduce_sum3A_928 = tpu.scan <sum>, %add3A_916 masked %reduce_sum3A_927 : vector<16xf32>, vector<16xi1> -> vector<16xf32>
    %reduce_sum3A_929 = vector.extract %reduce_sum3A_928[15] : f32 from vector<16xf32>
    %broadcast_in_dim3A_930 = vector.broadcast %reduce_sum3A_929 : f32 to vector<16xf32>
    %select_n3A_931 = arith.select %eq3A_919, %broadcast_in_dim3A_930, %select_n3A_894 : vector<16xi1>, vector<16xf32>
    %get3A_932 = arith.constant 1280 : index
    %get3A_933 = tpu.vector_load %arg6[%get3A_932] {strides = array<i32>} : memref<62464xf32, #tpu.memory_space<vmem>>, vector<16xf32>,
    %get3A_934 = arith.constant 1296 : index
    %get3A_935 = tpu.vector_load %arg6[%get3A_934] {strides = array<i32>} : memref<62464xf32, #tpu.memory_space<vmem>>, vector<16xf32>,
    %get3A_936 = arith.constant 1312 : index
    %get3A_937 = tpu.vector_load %arg6[%get3A_936] {strides = array<i32>} : memref<62464xf32, #tpu.memory_space<vmem>>, vector<16xf32>,
    %get3A_938 = arith.constant 1328 : index
    %get3A_939 = tpu.vector_load %arg6[%get3A_938] {strides = array<i32>} : memref<62464xf32, #tpu.memory_space<vmem>>, vector<16xf32>,
    %mul3A_940 = arith.mulf %get3A_3, %get3A_933 : vector<16xf32>
    %mul3A_941 = arith.mulf %get3A_933, %get3A_933 : vector<16xf32>
    %mul3A_942 = arith.mulf %get3A_5, %get3A_935 : vector<16xf32>
    %add3A_943 = arith.addf %mul3A_940, %mul3A_942 : vector<16xf32>
    %mul3A_944 = arith.mulf %get3A_935, %get3A_935 : vector<16xf32>
    %add3A_945 = arith.addf %mul3A_941, %mul3A_944 : vector<16xf32>
    %mul3A_946 = arith.mulf %get3A_7, %get3A_937 : vector<16xf32>
    %add3A_947 = arith.addf %add3A_943, %mul3A_946 : vector<16xf32>
    %mul3A_948 = arith.mulf %get3A_937, %get3A_937 : vector<16xf32>
    %add3A_949 = arith.addf %add3A_945, %mul3A_948 : vector<16xf32>
    %mul3A_950 = arith.mulf %get3A_9, %get3A_939 : vector<16xf32>
    %add3A_951 = arith.addf %add3A_947, %mul3A_950 : vector<16xf32>
    %mul3A_952 = arith.mulf %get3A_939, %get3A_939 : vector<16xf32>
    %add3A_953 = arith.addf %add3A_949, %mul3A_952 : vector<16xf32>
    %eq3A_954 = arith.constant 4 : i32
    %eq3A_955 = vector.broadcast %eq3A_954 : i32 to vector<16xi32>
    %eq3A_956 = arith.cmpi eq, %iota3A, %eq3A_955 : vector<16xi32>
    %reduce_sum3A_957 = arith.constant true
    %reduce_sum3A_958 = vector.broadcast %reduce_sum3A_957 : i1 to vector<16xi1>
    %reduce_sum3A_959 = tpu.scan <sum>, %add3A_951 masked %reduce_sum3A_958 : vector<16xf32>, vector<16xi1> -> vector<16xf32>
    %reduce_sum3A_960 = vector.extract %reduce_sum3A_959[15] : f32 from vector<16xf32>
    %broadcast_in_dim3A_961 = vector.broadcast %reduce_sum3A_960 : f32 to vector<16xf32>
    %select_n3A_962 = arith.select %eq3A_956, %broadcast_in_dim3A_961, %select_n3A_925 : vector<16xi1>, vector<16xf32>
    %reduce_sum3A_963 = arith.constant true
    %reduce_sum3A_964 = vector.broadcast %reduce_sum3A_963 : i1 to vector<16xi1>
    %reduce_sum3A_965 = tpu.scan <sum>, %add3A_953 masked %reduce_sum3A_964 : vector<16xf32>, vector<16xi1> -> vector<16xf32>
    %reduce_sum3A_966 = vector.extract %reduce_sum3A_965[15] : f32 from vector<16xf32>
    %broadcast_in_dim3A_967 = vector.broadcast %reduce_sum3A_966 : f32 to vector<16xf32>
    %select_n3A_968 = arith.select %eq3A_956, %broadcast_in_dim3A_967, %select_n3A_931 : vector<16xi1>, vector<16xf32>
    %get3A_969 = arith.constant 1344 : index
    %get3A_970 = tpu.vector_load %arg6[%get3A_969] {strides = array<i32>} : memref<62464xf32, #tpu.memory_space<vmem>>, vector<16xf32>,
    %get3A_971 = arith.constant 1360 : index
    %get3A_972 = tpu.vector_load %arg6[%get3A_971] {strides = array<i32>} : memref<62464xf32, #tpu.memory_space<vmem>>, vector<16xf32>,
    %get3A_973 = arith.constant 1376 : index
    %get3A_974 = tpu.vector_load %arg6[%get3A_973] {strides = array<i32>} : memref<62464xf32, #tpu.memory_space<vmem>>, vector<16xf32>,
    %get3A_975 = arith.constant 1392 : index
    %get3A_976 = tpu.vector_load %arg6[%get3A_975] {strides = array<i32>} : memref<62464xf32, #tpu.memory_space<vmem>>, vector<16xf32>,
    %mul3A_977 = arith.mulf %get3A_3, %get3A_970 : vector<16xf32>
    %mul3A_978 = arith.mulf %get3A_970, %get3A_970 : vector<16xf32>
    %mul3A_979 = arith.mulf %get3A_5, %get3A_972 : vector<16xf32>
    %add3A_980 = arith.addf %mul3A_977, %mul3A_979 : vector<16xf32>
    %mul3A_981 = arith.mulf %get3A_972, %get3A_972 : vector<16xf32>
    %add3A_982 = arith.addf %mul3A_978, %mul3A_981 : vector<16xf32>
    %mul3A_983 = arith.mulf %get3A_7, %get3A_974 : vector<16xf32>
    %add3A_984 = arith.addf %add3A_980, %mul3A_983 : vector<16xf32>
    %mul3A_985 = arith.mulf %get3A_974, %get3A_974 : vector<16xf32>
    %add3A_986 = arith.addf %add3A_982, %mul3A_985 : vector<16xf32>
    %mul3A_987 = arith.mulf %get3A_9, %get3A_976 : vector<16xf32>
    %add3A_988 = arith.addf %add3A_984, %mul3A_987 : vector<16xf32>
    %mul3A_989 = arith.mulf %get3A_976, %get3A_976 : vector<16xf32>
    %add3A_990 = arith.addf %add3A_986, %mul3A_989 : vector<16xf32>
    %eq3A_991 = arith.constant 5 : i32
    %eq3A_992 = vector.broadcast %eq3A_991 : i32 to vector<16xi32>
    %eq3A_993 = arith.cmpi eq, %iota3A, %eq3A_992 : vector<16xi32>
    %reduce_sum3A_994 = arith.constant true
    %reduce_sum3A_995 = vector.broadcast %reduce_sum3A_994 : i1 to vector<16xi1>
    %reduce_sum3A_996 = tpu.scan <sum>, %add3A_988 masked %reduce_sum3A_995 : vector<16xf32>, vector<16xi1> -> vector<16xf32>
    %reduce_sum3A_997 = vector.extract %reduce_sum3A_996[15] : f32 from vector<16xf32>
    %broadcast_in_dim3A_998 = vector.broadcast %reduce_sum3A_997 : f32 to vector<16xf32>
    %select_n3A_999 = arith.select %eq3A_993, %broadcast_in_dim3A_998, %select_n3A_962 : vector<16xi1>, vector<16xf32>
    %reduce_sum3A_1000 = arith.constant true
    %reduce_sum3A_1001 = vector.broadcast %reduce_sum3A_1000 : i1 to vector<16xi1>
    %reduce_sum3A_1002 = tpu.scan <sum>, %add3A_990 masked %reduce_sum3A_1001 : vector<16xf32>, vector<16xi1> -> vector<16xf32>
    %reduce_sum3A_1003 = vector.extract %reduce_sum3A_1002[15] : f32 from vector<16xf32>
    %broadcast_in_dim3A_1004 = vector.broadcast %reduce_sum3A_1003 : f32 to vector<16xf32>
    %select_n3A_1005 = arith.select %eq3A_993, %broadcast_in_dim3A_1004, %select_n3A_968 : vector<16xi1>, vector<16xf32>
    %get3A_1006 = arith.constant 1408 : index
    %get3A_1007 = tpu.vector_load %arg6[%get3A_1006] {strides = array<i32>} : memref<62464xf32, #tpu.memory_space<vmem>>, vector<16xf32>,
    %get3A_1008 = arith.constant 1424 : index
    %get3A_1009 = tpu.vector_load %arg6[%get3A_1008] {strides = array<i32>} : memref<62464xf32, #tpu.memory_space<vmem>>, vector<16xf32>,
    %get3A_1010 = arith.constant 1440 : index
    %get3A_1011 = tpu.vector_load %arg6[%get3A_1010] {strides = array<i32>} : memref<62464xf32, #tpu.memory_space<vmem>>, vector<16xf32>,
    %get3A_1012 = arith.constant 1456 : index
    %get3A_1013 = tpu.vector_load %arg6[%get3A_1012] {strides = array<i32>} : memref<62464xf32, #tpu.memory_space<vmem>>, vector<16xf32>,
    %mul3A_1014 = arith.mulf %get3A_3, %get3A_1007 : vector<16xf32>
    %mul3A_1015 = arith.mulf %get3A_1007, %get3A_1007 : vector<16xf32>
    %mul3A_1016 = arith.mulf %get3A_5, %get3A_1009 : vector<16xf32>
    %add3A_1017 = arith.addf %mul3A_1014, %mul3A_1016 : vector<16xf32>
    %mul3A_1018 = arith.mulf %get3A_1009, %get3A_1009 : vector<16xf32>
    %add3A_1019 = arith.addf %mul3A_1015, %mul3A_1018 : vector<16xf32>
    %mul3A_1020 = arith.mulf %get3A_7, %get3A_1011 : vector<16xf32>
    %add3A_1021 = arith.addf %add3A_1017, %mul3A_1020 : vector<16xf32>
    %mul3A_1022 = arith.mulf %get3A_1011, %get3A_1011 : vector<16xf32>
    %add3A_1023 = arith.addf %add3A_1019, %mul3A_1022 : vector<16xf32>
    %mul3A_1024 = arith.mulf %get3A_9, %get3A_1013 : vector<16xf32>
    %add3A_1025 = arith.addf %add3A_1021, %mul3A_1024 : vector<16xf32>
    %mul3A_1026 = arith.mulf %get3A_1013, %get3A_1013 : vector<16xf32>
    %add3A_1027 = arith.addf %add3A_1023, %mul3A_1026 : vector<16xf32>
    %eq3A_1028 = arith.constant 6 : i32
    %eq3A_1029 = vector.broadcast %eq3A_1028 : i32 to vector<16xi32>
    %eq3A_1030 = arith.cmpi eq, %iota3A, %eq3A_1029 : vector<16xi32>
    %reduce_sum3A_1031 = arith.constant true
    %reduce_sum3A_1032 = vector.broadcast %reduce_sum3A_1031 : i1 to vector<16xi1>
    %reduce_sum3A_1033 = tpu.scan <sum>, %add3A_1025 masked %reduce_sum3A_1032 : vector<16xf32>, vector<16xi1> -> vector<16xf32>
    %reduce_sum3A_1034 = vector.extract %reduce_sum3A_1033[15] : f32 from vector<16xf32>
    %broadcast_in_dim3A_1035 = vector.broadcast %reduce_sum3A_1034 : f32 to vector<16xf32>
    %select_n3A_1036 = arith.select %eq3A_1030, %broadcast_in_dim3A_1035, %select_n3A_999 : vector<16xi1>, vector<16xf32>
    %reduce_sum3A_1037 = arith.constant true
    %reduce_sum3A_1038 = vector.broadcast %reduce_sum3A_1037 : i1 to vector<16xi1>
    %reduce_sum3A_1039 = tpu.scan <sum>, %add3A_1027 masked %reduce_sum3A_1038 : vector<16xf32>, vector<16xi1> -> vector<16xf32>
    %reduce_sum3A_1040 = vector.extract %reduce_sum3A_1039[15] : f32 from vector<16xf32>
    %broadcast_in_dim3A_1041 = vector.broadcast %reduce_sum3A_1040 : f32 to vector<16xf32>
    %select_n3A_1042 = arith.select %eq3A_1030, %broadcast_in_dim3A_1041, %select_n3A_1005 : vector<16xi1>, vector<16xf32>
    %get3A_1043 = arith.constant 1472 : index
    %get3A_1044 = tpu.vector_load %arg6[%get3A_1043] {strides = array<i32>} : memref<62464xf32, #tpu.memory_space<vmem>>, vector<16xf32>,
    %get3A_1045 = arith.constant 1488 : index
    %get3A_1046 = tpu.vector_load %arg6[%get3A_1045] {strides = array<i32>} : memref<62464xf32, #tpu.memory_space<vmem>>, vector<16xf32>,
    %get3A_1047 = arith.constant 1504 : index
    %get3A_1048 = tpu.vector_load %arg6[%get3A_1047] {strides = array<i32>} : memref<62464xf32, #tpu.memory_space<vmem>>, vector<16xf32>,
    %get3A_1049 = arith.constant 1520 : index
    %get3A_1050 = tpu.vector_load %arg6[%get3A_1049] {strides = array<i32>} : memref<62464xf32, #tpu.memory_space<vmem>>, vector<16xf32>,
    %mul3A_1051 = arith.mulf %get3A_3, %get3A_1044 : vector<16xf32>
    %mul3A_1052 = arith.mulf %get3A_1044, %get3A_1044 : vector<16xf32>
    %mul3A_1053 = arith.mulf %get3A_5, %get3A_1046 : vector<16xf32>
    %add3A_1054 = arith.addf %mul3A_1051, %mul3A_1053 : vector<16xf32>
    %mul3A_1055 = arith.mulf %get3A_1046, %get3A_1046 : vector<16xf32>
    %add3A_1056 = arith.addf %mul3A_1052, %mul3A_1055 : vector<16xf32>
    %mul3A_1057 = arith.mulf %get3A_7, %get3A_1048 : vector<16xf32>
    %add3A_1058 = arith.addf %add3A_1054, %mul3A_1057 : vector<16xf32>
    %mul3A_1059 = arith.mulf %get3A_1048, %get3A_1048 : vector<16xf32>
    %add3A_1060 = arith.addf %add3A_1056, %mul3A_1059 : vector<16xf32>
    %mul3A_1061 = arith.mulf %get3A_9, %get3A_1050 : vector<16xf32>
    %add3A_1062 = arith.addf %add3A_1058, %mul3A_1061 : vector<16xf32>
    %mul3A_1063 = arith.mulf %get3A_1050, %get3A_1050 : vector<16xf32>
    %add3A_1064 = arith.addf %add3A_1060, %mul3A_1063 : vector<16xf32>
    %eq3A_1065 = arith.constant 7 : i32
    %eq3A_1066 = vector.broadcast %eq3A_1065 : i32 to vector<16xi32>
    %eq3A_1067 = arith.cmpi eq, %iota3A, %eq3A_1066 : vector<16xi32>
    %reduce_sum3A_1068 = arith.constant true
    %reduce_sum3A_1069 = vector.broadcast %reduce_sum3A_1068 : i1 to vector<16xi1>
    %reduce_sum3A_1070 = tpu.scan <sum>, %add3A_1062 masked %reduce_sum3A_1069 : vector<16xf32>, vector<16xi1> -> vector<16xf32>
    %reduce_sum3A_1071 = vector.extract %reduce_sum3A_1070[15] : f32 from vector<16xf32>
    %broadcast_in_dim3A_1072 = vector.broadcast %reduce_sum3A_1071 : f32 to vector<16xf32>
    %select_n3A_1073 = arith.select %eq3A_1067, %broadcast_in_dim3A_1072, %select_n3A_1036 : vector<16xi1>, vector<16xf32>
    %reduce_sum3A_1074 = arith.constant true
    %reduce_sum3A_1075 = vector.broadcast %reduce_sum3A_1074 : i1 to vector<16xi1>
    %reduce_sum3A_1076 = tpu.scan <sum>, %add3A_1064 masked %reduce_sum3A_1075 : vector<16xf32>, vector<16xi1> -> vector<16xf32>
    %reduce_sum3A_1077 = vector.extract %reduce_sum3A_1076[15] : f32 from vector<16xf32>
    %broadcast_in_dim3A_1078 = vector.broadcast %reduce_sum3A_1077 : f32 to vector<16xf32>
    %select_n3A_1079 = arith.select %eq3A_1067, %broadcast_in_dim3A_1078, %select_n3A_1042 : vector<16xi1>, vector<16xf32>
    %get3A_1080 = arith.constant 1536 : index
    %get3A_1081 = tpu.vector_load %arg6[%get3A_1080] {strides = array<i32>} : memref<62464xf32, #tpu.memory_space<vmem>>, vector<16xf32>,
    %get3A_1082 = arith.constant 1552 : index
    %get3A_1083 = tpu.vector_load %arg6[%get3A_1082] {strides = array<i32>} : memref<62464xf32, #tpu.memory_space<vmem>>, vector<16xf32>,
    %get3A_1084 = arith.constant 1568 : index
    %get3A_1085 = tpu.vector_load %arg6[%get3A_1084] {strides = array<i32>} : memref<62464xf32, #tpu.memory_space<vmem>>, vector<16xf32>,
    %get3A_1086 = arith.constant 1584 : index
    %get3A_1087 = tpu.vector_load %arg6[%get3A_1086] {strides = array<i32>} : memref<62464xf32, #tpu.memory_space<vmem>>, vector<16xf32>,
    %mul3A_1088 = arith.mulf %get3A_3, %get3A_1081 : vector<16xf32>
    %mul3A_1089 = arith.mulf %get3A_1081, %get3A_1081 : vector<16xf32>
    %mul3A_1090 = arith.mulf %get3A_5, %get3A_1083 : vector<16xf32>
    %add3A_1091 = arith.addf %mul3A_1088, %mul3A_1090 : vector<16xf32>
    %mul3A_1092 = arith.mulf %get3A_1083, %get3A_1083 : vector<16xf32>
    %add3A_1093 = arith.addf %mul3A_1089, %mul3A_1092 : vector<16xf32>
    %mul3A_1094 = arith.mulf %get3A_7, %get3A_1085 : vector<16xf32>
    %add3A_1095 = arith.addf %add3A_1091, %mul3A_1094 : vector<16xf32>
    %mul3A_1096 = arith.mulf %get3A_1085, %get3A_1085 : vector<16xf32>
    %add3A_1097 = arith.addf %add3A_1093, %mul3A_1096 : vector<16xf32>
    %mul3A_1098 = arith.mulf %get3A_9, %get3A_1087 : vector<16xf32>
    %add3A_1099 = arith.addf %add3A_1095, %mul3A_1098 : vector<16xf32>
    %mul3A_1100 = arith.mulf %get3A_1087, %get3A_1087 : vector<16xf32>
    %add3A_1101 = arith.addf %add3A_1097, %mul3A_1100 : vector<16xf32>
    %eq3A_1102 = arith.constant 8 : i32
    %eq3A_1103 = vector.broadcast %eq3A_1102 : i32 to vector<16xi32>
    %eq3A_1104 = arith.cmpi eq, %iota3A, %eq3A_1103 : vector<16xi32>
    %reduce_sum3A_1105 = arith.constant true
    %reduce_sum3A_1106 = vector.broadcast %reduce_sum3A_1105 : i1 to vector<16xi1>
    %reduce_sum3A_1107 = tpu.scan <sum>, %add3A_1099 masked %reduce_sum3A_1106 : vector<16xf32>, vector<16xi1> -> vector<16xf32>
    %reduce_sum3A_1108 = vector.extract %reduce_sum3A_1107[15] : f32 from vector<16xf32>
    %broadcast_in_dim3A_1109 = vector.broadcast %reduce_sum3A_1108 : f32 to vector<16xf32>
    %select_n3A_1110 = arith.select %eq3A_1104, %broadcast_in_dim3A_1109, %select_n3A_1073 : vector<16xi1>, vector<16xf32>
    %reduce_sum3A_1111 = arith.constant true
    %reduce_sum3A_1112 = vector.broadcast %reduce_sum3A_1111 : i1 to vector<16xi1>
    %reduce_sum3A_1113 = tpu.scan <sum>, %add3A_1101 masked %reduce_sum3A_1112 : vector<16xf32>, vector<16xi1> -> vector<16xf32>
    %reduce_sum3A_1114 = vector.extract %reduce_sum3A_1113[15] : f32 from vector<16xf32>
    %broadcast_in_dim3A_1115 = vector.broadcast %reduce_sum3A_1114 : f32 to vector<16xf32>
    %select_n3A_1116 = arith.select %eq3A_1104, %broadcast_in_dim3A_1115, %select_n3A_1079 : vector<16xi1>, vector<16xf32>
    %get3A_1117 = arith.constant 1600 : index
    %get3A_1118 = tpu.vector_load %arg6[%get3A_1117] {strides = array<i32>} : memref<62464xf32, #tpu.memory_space<vmem>>, vector<16xf32>,
    %get3A_1119 = arith.constant 1616 : index
    %get3A_1120 = tpu.vector_load %arg6[%get3A_1119] {strides = array<i32>} : memref<62464xf32, #tpu.memory_space<vmem>>, vector<16xf32>,
    %get3A_1121 = arith.constant 1632 : index
    %get3A_1122 = tpu.vector_load %arg6[%get3A_1121] {strides = array<i32>} : memref<62464xf32, #tpu.memory_space<vmem>>, vector<16xf32>,
    %get3A_1123 = arith.constant 1648 : index
    %get3A_1124 = tpu.vector_load %arg6[%get3A_1123] {strides = array<i32>} : memref<62464xf32, #tpu.memory_space<vmem>>, vector<16xf32>,
    %mul3A_1125 = arith.mulf %get3A_3, %get3A_1118 : vector<16xf32>
    %mul3A_1126 = arith.mulf %get3A_1118, %get3A_1118 : vector<16xf32>
    %mul3A_1127 = arith.mulf %get3A_5, %get3A_1120 : vector<16xf32>
    %add3A_1128 = arith.addf %mul3A_1125, %mul3A_1127 : vector<16xf32>
    %mul3A_1129 = arith.mulf %get3A_1120, %get3A_1120 : vector<16xf32>
    %add3A_1130 = arith.addf %mul3A_1126, %mul3A_1129 : vector<16xf32>
    %mul3A_1131 = arith.mulf %get3A_7, %get3A_1122 : vector<16xf32>
    %add3A_1132 = arith.addf %add3A_1128, %mul3A_1131 : vector<16xf32>
    %mul3A_1133 = arith.mulf %get3A_1122, %get3A_1122 : vector<16xf32>
    %add3A_1134 = arith.addf %add3A_1130, %mul3A_1133 : vector<16xf32>
    %mul3A_1135 = arith.mulf %get3A_9, %get3A_1124 : vector<16xf32>
    %add3A_1136 = arith.addf %add3A_1132, %mul3A_1135 : vector<16xf32>
    %mul3A_1137 = arith.mulf %get3A_1124, %get3A_1124 : vector<16xf32>
    %add3A_1138 = arith.addf %add3A_1134, %mul3A_1137 : vector<16xf32>
    %eq3A_1139 = arith.constant 9 : i32
    %eq3A_1140 = vector.broadcast %eq3A_1139 : i32 to vector<16xi32>
    %eq3A_1141 = arith.cmpi eq, %iota3A, %eq3A_1140 : vector<16xi32>
    %reduce_sum3A_1142 = arith.constant true
    %reduce_sum3A_1143 = vector.broadcast %reduce_sum3A_1142 : i1 to vector<16xi1>
    %reduce_sum3A_1144 = tpu.scan <sum>, %add3A_1136 masked %reduce_sum3A_1143 : vector<16xf32>, vector<16xi1> -> vector<16xf32>
    %reduce_sum3A_1145 = vector.extract %reduce_sum3A_1144[15] : f32 from vector<16xf32>
    %broadcast_in_dim3A_1146 = vector.broadcast %reduce_sum3A_1145 : f32 to vector<16xf32>
    %select_n3A_1147 = arith.select %eq3A_1141, %broadcast_in_dim3A_1146, %select_n3A_1110 : vector<16xi1>, vector<16xf32>
    %reduce_sum3A_1148 = arith.constant true
    %reduce_sum3A_1149 = vector.broadcast %reduce_sum3A_1148 : i1 to vector<16xi1>
    %reduce_sum3A_1150 = tpu.scan <sum>, %add3A_1138 masked %reduce_sum3A_1149 : vector<16xf32>, vector<16xi1> -> vector<16xf32>
    %reduce_sum3A_1151 = vector.extract %reduce_sum3A_1150[15] : f32 from vector<16xf32>
    %broadcast_in_dim3A_1152 = vector.broadcast %reduce_sum3A_1151 : f32 to vector<16xf32>
    %select_n3A_1153 = arith.select %eq3A_1141, %broadcast_in_dim3A_1152, %select_n3A_1116 : vector<16xi1>, vector<16xf32>
    %get3A_1154 = arith.constant 1664 : index
    %get3A_1155 = tpu.vector_load %arg6[%get3A_1154] {strides = array<i32>} : memref<62464xf32, #tpu.memory_space<vmem>>, vector<16xf32>,
    %get3A_1156 = arith.constant 1680 : index
    %get3A_1157 = tpu.vector_load %arg6[%get3A_1156] {strides = array<i32>} : memref<62464xf32, #tpu.memory_space<vmem>>, vector<16xf32>,
    %get3A_1158 = arith.constant 1696 : index
    %get3A_1159 = tpu.vector_load %arg6[%get3A_1158] {strides = array<i32>} : memref<62464xf32, #tpu.memory_space<vmem>>, vector<16xf32>,
    %get3A_1160 = arith.constant 1712 : index
    %get3A_1161 = tpu.vector_load %arg6[%get3A_1160] {strides = array<i32>} : memref<62464xf32, #tpu.memory_space<vmem>>, vector<16xf32>,
    %mul3A_1162 = arith.mulf %get3A_3, %get3A_1155 : vector<16xf32>
    %mul3A_1163 = arith.mulf %get3A_1155, %get3A_1155 : vector<16xf32>
    %mul3A_1164 = arith.mulf %get3A_5, %get3A_1157 : vector<16xf32>
    %add3A_1165 = arith.addf %mul3A_1162, %mul3A_1164 : vector<16xf32>
    %mul3A_1166 = arith.mulf %get3A_1157, %get3A_1157 : vector<16xf32>
    %add3A_1167 = arith.addf %mul3A_1163, %mul3A_1166 : vector<16xf32>
    %mul3A_1168 = arith.mulf %get3A_7, %get3A_1159 : vector<16xf32>
    %add3A_1169 = arith.addf %add3A_1165, %mul3A_1168 : vector<16xf32>
    %mul3A_1170 = arith.mulf %get3A_1159, %get3A_1159 : vector<16xf32>
    %add3A_1171 = arith.addf %add3A_1167, %mul3A_1170 : vector<16xf32>
    %mul3A_1172 = arith.mulf %get3A_9, %get3A_1161 : vector<16xf32>
    %add3A_1173 = arith.addf %add3A_1169, %mul3A_1172 : vector<16xf32>
    %mul3A_1174 = arith.mulf %get3A_1161, %get3A_1161 : vector<16xf32>
    %add3A_1175 = arith.addf %add3A_1171, %mul3A_1174 : vector<16xf32>
    %eq3A_1176 = arith.constant 10 : i32
    %eq3A_1177 = vector.broadcast %eq3A_1176 : i32 to vector<16xi32>
    %eq3A_1178 = arith.cmpi eq, %iota3A, %eq3A_1177 : vector<16xi32>
    %reduce_sum3A_1179 = arith.constant true
    %reduce_sum3A_1180 = vector.broadcast %reduce_sum3A_1179 : i1 to vector<16xi1>
    %reduce_sum3A_1181 = tpu.scan <sum>, %add3A_1173 masked %reduce_sum3A_1180 : vector<16xf32>, vector<16xi1> -> vector<16xf32>
    %reduce_sum3A_1182 = vector.extract %reduce_sum3A_1181[15] : f32 from vector<16xf32>
    %broadcast_in_dim3A_1183 = vector.broadcast %reduce_sum3A_1182 : f32 to vector<16xf32>
    %select_n3A_1184 = arith.select %eq3A_1178, %broadcast_in_dim3A_1183, %select_n3A_1147 : vector<16xi1>, vector<16xf32>
    %reduce_sum3A_1185 = arith.constant true
    %reduce_sum3A_1186 = vector.broadcast %reduce_sum3A_1185 : i1 to vector<16xi1>
    %reduce_sum3A_1187 = tpu.scan <sum>, %add3A_1175 masked %reduce_sum3A_1186 : vector<16xf32>, vector<16xi1> -> vector<16xf32>
    %reduce_sum3A_1188 = vector.extract %reduce_sum3A_1187[15] : f32 from vector<16xf32>
    %broadcast_in_dim3A_1189 = vector.broadcast %reduce_sum3A_1188 : f32 to vector<16xf32>
    %select_n3A_1190 = arith.select %eq3A_1178, %broadcast_in_dim3A_1189, %select_n3A_1153 : vector<16xi1>, vector<16xf32>
    %get3A_1191 = arith.constant 1728 : index
    %get3A_1192 = tpu.vector_load %arg6[%get3A_1191] {strides = array<i32>} : memref<62464xf32, #tpu.memory_space<vmem>>, vector<16xf32>,
    %get3A_1193 = arith.constant 1744 : index
    %get3A_1194 = tpu.vector_load %arg6[%get3A_1193] {strides = array<i32>} : memref<62464xf32, #tpu.memory_space<vmem>>, vector<16xf32>,
    %get3A_1195 = arith.constant 1760 : index
    %get3A_1196 = tpu.vector_load %arg6[%get3A_1195] {strides = array<i32>} : memref<62464xf32, #tpu.memory_space<vmem>>, vector<16xf32>,
    %get3A_1197 = arith.constant 1776 : index
    %get3A_1198 = tpu.vector_load %arg6[%get3A_1197] {strides = array<i32>} : memref<62464xf32, #tpu.memory_space<vmem>>, vector<16xf32>,
    %mul3A_1199 = arith.mulf %get3A_3, %get3A_1192 : vector<16xf32>
    %mul3A_1200 = arith.mulf %get3A_1192, %get3A_1192 : vector<16xf32>
    %mul3A_1201 = arith.mulf %get3A_5, %get3A_1194 : vector<16xf32>
    %add3A_1202 = arith.addf %mul3A_1199, %mul3A_1201 : vector<16xf32>
    %mul3A_1203 = arith.mulf %get3A_1194, %get3A_1194 : vector<16xf32>
    %add3A_1204 = arith.addf %mul3A_1200, %mul3A_1203 : vector<16xf32>
    %mul3A_1205 = arith.mulf %get3A_7, %get3A_1196 : vector<16xf32>
    %add3A_1206 = arith.addf %add3A_1202, %mul3A_1205 : vector<16xf32>
    %mul3A_1207 = arith.mulf %get3A_1196, %get3A_1196 : vector<16xf32>
    %add3A_1208 = arith.addf %add3A_1204, %mul3A_1207 : vector<16xf32>
    %mul3A_1209 = arith.mulf %get3A_9, %get3A_1198 : vector<16xf32>
    %add3A_1210 = arith.addf %add3A_1206, %mul3A_1209 : vector<16xf32>
    %mul3A_1211 = arith.mulf %get3A_1198, %get3A_1198 : vector<16xf32>
    %add3A_1212 = arith.addf %add3A_1208, %mul3A_1211 : vector<16xf32>
    %eq3A_1213 = arith.constant 11 : i32
    %eq3A_1214 = vector.broadcast %eq3A_1213 : i32 to vector<16xi32>
    %eq3A_1215 = arith.cmpi eq, %iota3A, %eq3A_1214 : vector<16xi32>
    %reduce_sum3A_1216 = arith.constant true
    %reduce_sum3A_1217 = vector.broadcast %reduce_sum3A_1216 : i1 to vector<16xi1>
    %reduce_sum3A_1218 = tpu.scan <sum>, %add3A_1210 masked %reduce_sum3A_1217 : vector<16xf32>, vector<16xi1> -> vector<16xf32>
    %reduce_sum3A_1219 = vector.extract %reduce_sum3A_1218[15] : f32 from vector<16xf32>
    %broadcast_in_dim3A_1220 = vector.broadcast %reduce_sum3A_1219 : f32 to vector<16xf32>
    %select_n3A_1221 = arith.select %eq3A_1215, %broadcast_in_dim3A_1220, %select_n3A_1184 : vector<16xi1>, vector<16xf32>
    %reduce_sum3A_1222 = arith.constant true
    %reduce_sum3A_1223 = vector.broadcast %reduce_sum3A_1222 : i1 to vector<16xi1>
    %reduce_sum3A_1224 = tpu.scan <sum>, %add3A_1212 masked %reduce_sum3A_1223 : vector<16xf32>, vector<16xi1> -> vector<16xf32>
    %reduce_sum3A_1225 = vector.extract %reduce_sum3A_1224[15] : f32 from vector<16xf32>
    %broadcast_in_dim3A_1226 = vector.broadcast %reduce_sum3A_1225 : f32 to vector<16xf32>
    %select_n3A_1227 = arith.select %eq3A_1215, %broadcast_in_dim3A_1226, %select_n3A_1190 : vector<16xi1>, vector<16xf32>
    %get3A_1228 = arith.constant 1792 : index
    %get3A_1229 = tpu.vector_load %arg6[%get3A_1228] {strides = array<i32>} : memref<62464xf32, #tpu.memory_space<vmem>>, vector<16xf32>,
    %get3A_1230 = arith.constant 1808 : index
    %get3A_1231 = tpu.vector_load %arg6[%get3A_1230] {strides = array<i32>} : memref<62464xf32, #tpu.memory_space<vmem>>, vector<16xf32>,
    %get3A_1232 = arith.constant 1824 : index
    %get3A_1233 = tpu.vector_load %arg6[%get3A_1232] {strides = array<i32>} : memref<62464xf32, #tpu.memory_space<vmem>>, vector<16xf32>,
    %get3A_1234 = arith.constant 1840 : index
    %get3A_1235 = tpu.vector_load %arg6[%get3A_1234] {strides = array<i32>} : memref<62464xf32, #tpu.memory_space<vmem>>, vector<16xf32>,
    %mul3A_1236 = arith.mulf %get3A_3, %get3A_1229 : vector<16xf32>
    %mul3A_1237 = arith.mulf %get3A_1229, %get3A_1229 : vector<16xf32>
    %mul3A_1238 = arith.mulf %get3A_5, %get3A_1231 : vector<16xf32>
    %add3A_1239 = arith.addf %mul3A_1236, %mul3A_1238 : vector<16xf32>
    %mul3A_1240 = arith.mulf %get3A_1231, %get3A_1231 : vector<16xf32>
    %add3A_1241 = arith.addf %mul3A_1237, %mul3A_1240 : vector<16xf32>
    %mul3A_1242 = arith.mulf %get3A_7, %get3A_1233 : vector<16xf32>
    %add3A_1243 = arith.addf %add3A_1239, %mul3A_1242 : vector<16xf32>
    %mul3A_1244 = arith.mulf %get3A_1233, %get3A_1233 : vector<16xf32>
    %add3A_1245 = arith.addf %add3A_1241, %mul3A_1244 : vector<16xf32>
    %mul3A_1246 = arith.mulf %get3A_9, %get3A_1235 : vector<16xf32>
    %add3A_1247 = arith.addf %add3A_1243, %mul3A_1246 : vector<16xf32>
    %mul3A_1248 = arith.mulf %get3A_1235, %get3A_1235 : vector<16xf32>
    %add3A_1249 = arith.addf %add3A_1245, %mul3A_1248 : vector<16xf32>
    %eq3A_1250 = arith.constant 12 : i32
    %eq3A_1251 = vector.broadcast %eq3A_1250 : i32 to vector<16xi32>
    %eq3A_1252 = arith.cmpi eq, %iota3A, %eq3A_1251 : vector<16xi32>
    %reduce_sum3A_1253 = arith.constant true
    %reduce_sum3A_1254 = vector.broadcast %reduce_sum3A_1253 : i1 to vector<16xi1>
    %reduce_sum3A_1255 = tpu.scan <sum>, %add3A_1247 masked %reduce_sum3A_1254 : vector<16xf32>, vector<16xi1> -> vector<16xf32>
    %reduce_sum3A_1256 = vector.extract %reduce_sum3A_1255[15] : f32 from vector<16xf32>
    %broadcast_in_dim3A_1257 = vector.broadcast %reduce_sum3A_1256 : f32 to vector<16xf32>
    %select_n3A_1258 = arith.select %eq3A_1252, %broadcast_in_dim3A_1257, %select_n3A_1221 : vector<16xi1>, vector<16xf32>
    %reduce_sum3A_1259 = arith.constant true
    %reduce_sum3A_1260 = vector.broadcast %reduce_sum3A_1259 : i1 to vector<16xi1>
    %reduce_sum3A_1261 = tpu.scan <sum>, %add3A_1249 masked %reduce_sum3A_1260 : vector<16xf32>, vector<16xi1> -> vector<16xf32>
    %reduce_sum3A_1262 = vector.extract %reduce_sum3A_1261[15] : f32 from vector<16xf32>
    %broadcast_in_dim3A_1263 = vector.broadcast %reduce_sum3A_1262 : f32 to vector<16xf32>
    %select_n3A_1264 = arith.select %eq3A_1252, %broadcast_in_dim3A_1263, %select_n3A_1227 : vector<16xi1>, vector<16xf32>
    %get3A_1265 = arith.constant 1856 : index
    %get3A_1266 = tpu.vector_load %arg6[%get3A_1265] {strides = array<i32>} : memref<62464xf32, #tpu.memory_space<vmem>>, vector<16xf32>,
    %get3A_1267 = arith.constant 1872 : index
    %get3A_1268 = tpu.vector_load %arg6[%get3A_1267] {strides = array<i32>} : memref<62464xf32, #tpu.memory_space<vmem>>, vector<16xf32>,
    %get3A_1269 = arith.constant 1888 : index
    %get3A_1270 = tpu.vector_load %arg6[%get3A_1269] {strides = array<i32>} : memref<62464xf32, #tpu.memory_space<vmem>>, vector<16xf32>,
    %get3A_1271 = arith.constant 1904 : index
    %get3A_1272 = tpu.vector_load %arg6[%get3A_1271] {strides = array<i32>} : memref<62464xf32, #tpu.memory_space<vmem>>, vector<16xf32>,
    %mul3A_1273 = arith.mulf %get3A_3, %get3A_1266 : vector<16xf32>
    %mul3A_1274 = arith.mulf %get3A_1266, %get3A_1266 : vector<16xf32>
    %mul3A_1275 = arith.mulf %get3A_5, %get3A_1268 : vector<16xf32>
    %add3A_1276 = arith.addf %mul3A_1273, %mul3A_1275 : vector<16xf32>
    %mul3A_1277 = arith.mulf %get3A_1268, %get3A_1268 : vector<16xf32>
    %add3A_1278 = arith.addf %mul3A_1274, %mul3A_1277 : vector<16xf32>
    %mul3A_1279 = arith.mulf %get3A_7, %get3A_1270 : vector<16xf32>
    %add3A_1280 = arith.addf %add3A_1276, %mul3A_1279 : vector<16xf32>
    %mul3A_1281 = arith.mulf %get3A_1270, %get3A_1270 : vector<16xf32>
    %add3A_1282 = arith.addf %add3A_1278, %mul3A_1281 : vector<16xf32>
    %mul3A_1283 = arith.mulf %get3A_9, %get3A_1272 : vector<16xf32>
    %add3A_1284 = arith.addf %add3A_1280, %mul3A_1283 : vector<16xf32>
    %mul3A_1285 = arith.mulf %get3A_1272, %get3A_1272 : vector<16xf32>
    %add3A_1286 = arith.addf %add3A_1282, %mul3A_1285 : vector<16xf32>
    %eq3A_1287 = arith.constant 13 : i32
    %eq3A_1288 = vector.broadcast %eq3A_1287 : i32 to vector<16xi32>
    %eq3A_1289 = arith.cmpi eq, %iota3A, %eq3A_1288 : vector<16xi32>
    %reduce_sum3A_1290 = arith.constant true
    %reduce_sum3A_1291 = vector.broadcast %reduce_sum3A_1290 : i1 to vector<16xi1>
    %reduce_sum3A_1292 = tpu.scan <sum>, %add3A_1284 masked %reduce_sum3A_1291 : vector<16xf32>, vector<16xi1> -> vector<16xf32>
    %reduce_sum3A_1293 = vector.extract %reduce_sum3A_1292[15] : f32 from vector<16xf32>
    %broadcast_in_dim3A_1294 = vector.broadcast %reduce_sum3A_1293 : f32 to vector<16xf32>
    %select_n3A_1295 = arith.select %eq3A_1289, %broadcast_in_dim3A_1294, %select_n3A_1258 : vector<16xi1>, vector<16xf32>
    %reduce_sum3A_1296 = arith.constant true
    %reduce_sum3A_1297 = vector.broadcast %reduce_sum3A_1296 : i1 to vector<16xi1>
    %reduce_sum3A_1298 = tpu.scan <sum>, %add3A_1286 masked %reduce_sum3A_1297 : vector<16xf32>, vector<16xi1> -> vector<16xf32>
    %reduce_sum3A_1299 = vector.extract %reduce_sum3A_1298[15] : f32 from vector<16xf32>
    %broadcast_in_dim3A_1300 = vector.broadcast %reduce_sum3A_1299 : f32 to vector<16xf32>
    %select_n3A_1301 = arith.select %eq3A_1289, %broadcast_in_dim3A_1300, %select_n3A_1264 : vector<16xi1>, vector<16xf32>
    %get3A_1302 = arith.constant 1920 : index
    %get3A_1303 = tpu.vector_load %arg6[%get3A_1302] {strides = array<i32>} : memref<62464xf32, #tpu.memory_space<vmem>>, vector<16xf32>,
    %get3A_1304 = arith.constant 1936 : index
    %get3A_1305 = tpu.vector_load %arg6[%get3A_1304] {strides = array<i32>} : memref<62464xf32, #tpu.memory_space<vmem>>, vector<16xf32>,
    %get3A_1306 = arith.constant 1952 : index
    %get3A_1307 = tpu.vector_load %arg6[%get3A_1306] {strides = array<i32>} : memref<62464xf32, #tpu.memory_space<vmem>>, vector<16xf32>,
    %get3A_1308 = arith.constant 1968 : index
    %get3A_1309 = tpu.vector_load %arg6[%get3A_1308] {strides = array<i32>} : memref<62464xf32, #tpu.memory_space<vmem>>, vector<16xf32>,
    %mul3A_1310 = arith.mulf %get3A_3, %get3A_1303 : vector<16xf32>
    %mul3A_1311 = arith.mulf %get3A_1303, %get3A_1303 : vector<16xf32>
    %mul3A_1312 = arith.mulf %get3A_5, %get3A_1305 : vector<16xf32>
    %add3A_1313 = arith.addf %mul3A_1310, %mul3A_1312 : vector<16xf32>
    %mul3A_1314 = arith.mulf %get3A_1305, %get3A_1305 : vector<16xf32>
    %add3A_1315 = arith.addf %mul3A_1311, %mul3A_1314 : vector<16xf32>
    %mul3A_1316 = arith.mulf %get3A_7, %get3A_1307 : vector<16xf32>
    %add3A_1317 = arith.addf %add3A_1313, %mul3A_1316 : vector<16xf32>
    %mul3A_1318 = arith.mulf %get3A_1307, %get3A_1307 : vector<16xf32>
    %add3A_1319 = arith.addf %add3A_1315, %mul3A_1318 : vector<16xf32>
    %mul3A_1320 = arith.mulf %get3A_9, %get3A_1309 : vector<16xf32>
    %add3A_1321 = arith.addf %add3A_1317, %mul3A_1320 : vector<16xf32>
    %mul3A_1322 = arith.mulf %get3A_1309, %get3A_1309 : vector<16xf32>
    %add3A_1323 = arith.addf %add3A_1319, %mul3A_1322 : vector<16xf32>
    %eq3A_1324 = arith.constant 14 : i32
    %eq3A_1325 = vector.broadcast %eq3A_1324 : i32 to vector<16xi32>
    %eq3A_1326 = arith.cmpi eq, %iota3A, %eq3A_1325 : vector<16xi32>
    %reduce_sum3A_1327 = arith.constant true
    %reduce_sum3A_1328 = vector.broadcast %reduce_sum3A_1327 : i1 to vector<16xi1>
    %reduce_sum3A_1329 = tpu.scan <sum>, %add3A_1321 masked %reduce_sum3A_1328 : vector<16xf32>, vector<16xi1> -> vector<16xf32>
    %reduce_sum3A_1330 = vector.extract %reduce_sum3A_1329[15] : f32 from vector<16xf32>
    %broadcast_in_dim3A_1331 = vector.broadcast %reduce_sum3A_1330 : f32 to vector<16xf32>
    %select_n3A_1332 = arith.select %eq3A_1326, %broadcast_in_dim3A_1331, %select_n3A_1295 : vector<16xi1>, vector<16xf32>
    %reduce_sum3A_1333 = arith.constant true
    %reduce_sum3A_1334 = vector.broadcast %reduce_sum3A_1333 : i1 to vector<16xi1>
    %reduce_sum3A_1335 = tpu.scan <sum>, %add3A_1323 masked %reduce_sum3A_1334 : vector<16xf32>, vector<16xi1> -> vector<16xf32>
    %reduce_sum3A_1336 = vector.extract %reduce_sum3A_1335[15] : f32 from vector<16xf32>
    %broadcast_in_dim3A_1337 = vector.broadcast %reduce_sum3A_1336 : f32 to vector<16xf32>
    %select_n3A_1338 = arith.select %eq3A_1326, %broadcast_in_dim3A_1337, %select_n3A_1301 : vector<16xi1>, vector<16xf32>
    %get3A_1339 = arith.constant 1984 : index
    %get3A_1340 = tpu.vector_load %arg6[%get3A_1339] {strides = array<i32>} : memref<62464xf32, #tpu.memory_space<vmem>>, vector<16xf32>,
    %get3A_1341 = arith.constant 2000 : index
    %get3A_1342 = tpu.vector_load %arg6[%get3A_1341] {strides = array<i32>} : memref<62464xf32, #tpu.memory_space<vmem>>, vector<16xf32>,
    %get3A_1343 = arith.constant 2016 : index
    %get3A_1344 = tpu.vector_load %arg6[%get3A_1343] {strides = array<i32>} : memref<62464xf32, #tpu.memory_space<vmem>>, vector<16xf32>,
    %get3A_1345 = arith.constant 2032 : index
    %get3A_1346 = tpu.vector_load %arg6[%get3A_1345] {strides = array<i32>} : memref<62464xf32, #tpu.memory_space<vmem>>, vector<16xf32>,
    %mul3A_1347 = arith.mulf %get3A_3, %get3A_1340 : vector<16xf32>
    %mul3A_1348 = arith.mulf %get3A_1340, %get3A_1340 : vector<16xf32>
    %mul3A_1349 = arith.mulf %get3A_5, %get3A_1342 : vector<16xf32>
    %add3A_1350 = arith.addf %mul3A_1347, %mul3A_1349 : vector<16xf32>
    %mul3A_1351 = arith.mulf %get3A_1342, %get3A_1342 : vector<16xf32>
    %add3A_1352 = arith.addf %mul3A_1348, %mul3A_1351 : vector<16xf32>
    %mul3A_1353 = arith.mulf %get3A_7, %get3A_1344 : vector<16xf32>
    %add3A_1354 = arith.addf %add3A_1350, %mul3A_1353 : vector<16xf32>
    %mul3A_1355 = arith.mulf %get3A_1344, %get3A_1344 : vector<16xf32>
    %add3A_1356 = arith.addf %add3A_1352, %mul3A_1355 : vector<16xf32>
    %mul3A_1357 = arith.mulf %get3A_9, %get3A_1346 : vector<16xf32>
    %add3A_1358 = arith.addf %add3A_1354, %mul3A_1357 : vector<16xf32>
    %mul3A_1359 = arith.mulf %get3A_1346, %get3A_1346 : vector<16xf32>
    %add3A_1360 = arith.addf %add3A_1356, %mul3A_1359 : vector<16xf32>
    %eq3A_1361 = arith.constant 15 : i32
    %eq3A_1362 = vector.broadcast %eq3A_1361 : i32 to vector<16xi32>
    %eq3A_1363 = arith.cmpi eq, %iota3A, %eq3A_1362 : vector<16xi32>
    %reduce_sum3A_1364 = arith.constant true
    %reduce_sum3A_1365 = vector.broadcast %reduce_sum3A_1364 : i1 to vector<16xi1>
    %reduce_sum3A_1366 = tpu.scan <sum>, %add3A_1358 masked %reduce_sum3A_1365 : vector<16xf32>, vector<16xi1> -> vector<16xf32>
    %reduce_sum3A_1367 = vector.extract %reduce_sum3A_1366[15] : f32 from vector<16xf32>
    %broadcast_in_dim3A_1368 = vector.broadcast %reduce_sum3A_1367 : f32 to vector<16xf32>
    %select_n3A_1369 = arith.select %eq3A_1363, %broadcast_in_dim3A_1368, %select_n3A_1332 : vector<16xi1>, vector<16xf32>
    %reduce_sum3A_1370 = arith.constant true
    %reduce_sum3A_1371 = vector.broadcast %reduce_sum3A_1370 : i1 to vector<16xi1>
    %reduce_sum3A_1372 = tpu.scan <sum>, %add3A_1360 masked %reduce_sum3A_1371 : vector<16xf32>, vector<16xi1> -> vector<16xf32>
    %reduce_sum3A_1373 = vector.extract %reduce_sum3A_1372[15] : f32 from vector<16xf32>
    %broadcast_in_dim3A_1374 = vector.broadcast %reduce_sum3A_1373 : f32 to vector<16xf32>
    %select_n3A_1375 = arith.select %eq3A_1363, %broadcast_in_dim3A_1374, %select_n3A_1338 : vector<16xi1>, vector<16xf32>
    %bitcast_convert_type3A_1376 = tpu.bitcast %select_n3A_1375 : vector<16xf32> -> vector<16xi32>
    %shift_right_arithmetic3A_1377 = arith.constant 1 : i32
    %shift_right_arithmetic3A_1378 = vector.broadcast %shift_right_arithmetic3A_1377 : i32 to vector<16xi32>
    %shift_right_arithmetic3A_1379 = arith.shrsi %bitcast_convert_type3A_1376, %shift_right_arithmetic3A_1378 : vector<16xi32>
    %sub3A_1380 = arith.constant 1597463007 : i32
    %sub3A_1381 = vector.broadcast %sub3A_1380 : i32 to vector<16xi32>
    %sub3A_1382 = arith.subi %sub3A_1381, %shift_right_arithmetic3A_1379 : vector<16xi32>
    %bitcast_convert_type3A_1383 = tpu.bitcast %sub3A_1382 : vector<16xi32> -> vector<16xf32>
    %mul3A_1384 = arith.constant 5.000000e-01 : f32
    %mul3A_1385 = vector.broadcast %mul3A_1384 : f32 to vector<16xf32>
    %mul3A_1386 = arith.mulf %mul3A_1385, %select_n3A_1375 : vector<16xf32>
    %mul3A_1387 = arith.mulf %mul3A_1386, %bitcast_convert_type3A_1383 : vector<16xf32>
    %mul3A_1388 = arith.mulf %mul3A_1387, %bitcast_convert_type3A_1383 : vector<16xf32>
    %sub3A_1389 = arith.constant 1.500000e+00 : f32
    %sub3A_1390 = vector.broadcast %sub3A_1389 : f32 to vector<16xf32>
    %sub3A_1391 = arith.subf %sub3A_1390, %mul3A_1388 : vector<16xf32>
    %mul3A_1392 = arith.mulf %bitcast_convert_type3A_1383, %sub3A_1391 : vector<16xf32>
    %mul3A_1393 = arith.constant 5.000000e-01 : f32
    %mul3A_1394 = vector.broadcast %mul3A_1393 : f32 to vector<16xf32>
    %mul3A_1395 = arith.mulf %mul3A_1394, %select_n3A_1375 : vector<16xf32>
    %mul3A_1396 = arith.mulf %mul3A_1395, %mul3A_1392 : vector<16xf32>
    %mul3A_1397 = arith.mulf %mul3A_1396, %mul3A_1392 : vector<16xf32>
    %sub3A_1398 = arith.constant 1.500000e+00 : f32
    %sub3A_1399 = vector.broadcast %sub3A_1398 : f32 to vector<16xf32>
    %sub3A_1400 = arith.subf %sub3A_1399, %mul3A_1397 : vector<16xf32>
    %mul3A_1401 = arith.mulf %mul3A_1392, %sub3A_1400 : vector<16xf32>
    %mul3A_1402 = arith.constant 5.000000e-01 : f32
    %mul3A_1403 = vector.broadcast %mul3A_1402 : f32 to vector<16xf32>
    %mul3A_1404 = arith.mulf %mul3A_1403, %select_n3A_1375 : vector<16xf32>
    %mul3A_1405 = arith.mulf %mul3A_1404, %mul3A_1401 : vector<16xf32>
    %mul3A_1406 = arith.mulf %mul3A_1405, %mul3A_1401 : vector<16xf32>
    %sub3A_1407 = arith.constant 1.500000e+00 : f32
    %sub3A_1408 = vector.broadcast %sub3A_1407 : f32 to vector<16xf32>
    %sub3A_1409 = arith.subf %sub3A_1408, %mul3A_1406 : vector<16xf32>
    %mul3A_1410 = arith.mulf %mul3A_1401, %sub3A_1409 : vector<16xf32>
    %mul3A_1411 = arith.mulf %select_n3A_1375, %mul3A_1410 : vector<16xf32>
    %mul3A_1412 = arith.mulf %mul3A_103, %mul3A_1411 : vector<16xf32>
    %max3A_1413 = arith.constant 9.99999993E-9 : f32
    %max3A_1414 = vector.broadcast %max3A_1413 : f32 to vector<16xf32>
    %max3A_1415 = arith.maximumf %mul3A_1412, %max3A_1414 : vector<16xf32>
    %div3A_1416 = arith.divf %select_n3A_1369, %max3A_1415 : vector<16xf32>
    %sub3A_1417 = arith.constant 1.000000e+00 : f32
    %sub3A_1418 = vector.broadcast %sub3A_1417 : f32 to vector<16xf32>
    %sub3A_1419 = arith.subf %sub3A_1418, %div3A_1416 : vector<16xf32>
    %add3A_1420 = arith.constant 16 : i32
    %add3A_1421 = vector.broadcast %add3A_1420 : i32 to vector<16xi32>
    %add3A_1422 = arith.addi %add3A_1421, %iota3A : vector<16xi32>
    %lt3A_1423 = arith.constant 18 : i32
    %lt3A_1424 = vector.broadcast %lt3A_1423 : i32 to vector<16xi32>
    %lt3A_1425 = arith.cmpi slt, %add3A_1422, %lt3A_1424 : vector<16xi32>
    %jit3A_1426 = arith.constant 3.400000e+38 : f32
    %broadcast_in_dim3A_1427 = vector.broadcast %jit3A_1426 : f32 to vector<16xf32>
    %select_n3A_1428 = arith.select %lt3A_1425, %sub3A_1419, %broadcast_in_dim3A_1427 : vector<16xi1>, vector<16xf32>
    %add3A_1429 = vector.broadcast %add3A_127 : i32 to vector<16xi32>
    %add3A_1430 = arith.addi %add3A_1429, %add3A_1422 : vector<16xi32>
    %lt3A_1431 = arith.cmpf olt, %select_n3A_1428, %cond3A_779#2 : vector<16xf32>
    %all_reduce_population_count3A_1432 = tpu.all_reduce %lt3A_1431 {dim = 0 : i64, kind = #tpu.reduction_kind<sum>} : vector<16xi1> -> vector<16xi32>
    %slice3A_1433 = vector.extract_strided_slice %all_reduce_population_count3A_1432 {offsets = [0], sizes = [1], strides = [1]} : vector<16xi32> to vector<1xi32>
    %squeeze3A_1434 = vector.extract %slice3A_1433[0] : i32 from vector<1xi32>
    %gt3A_1435 = arith.constant 0 : i32
    %gt3A_1436 = arith.cmpi sgt, %squeeze3A_1434, %gt3A_1435 : i32
    %convert_element_type3A_1437 = arith.extui %gt3A_1436 : i1 to i32
    %cond3A_1438 = arith.constant 0 : i32
    %cond3A_1439 = arith.cmpi ne, %convert_element_type3A_1437, %cond3A_1438 : i32
    %cond3A_1440:3 = scf.if %cond3A_1439 -> (vector<16xf32>, vector<16xi32>, vector<16xf32>) {
      %masked_sort3A = arith.constant dense<true> : vector<16xi1>
      %masked_sort3A_1444, %masked_sort3A_1445, %masked_sort3A_1446 = tpu.sort %select_n3A_1428, %add3A_1430 masked %masked_sort3A {descending = true} : (vector<16xf32>, vector<16xi32>, vector<16xi1>) -> (vector<16xi1>, vector<16xf32>, vector<16xi32>)
      %le3A = arith.cmpf ole, %cond3A_779#0, %masked_sort3A_1445 : vector<16xf32>
      %select_n3A_1447 = arith.select %le3A, %cond3A_779#0, %masked_sort3A_1445 : vector<16xi1>, vector<16xf32>
      %select_n3A_1448 = arith.select %le3A, %cond3A_779#1, %masked_sort3A_1446 : vector<16xi1>, vector<16xi32>
      %masked_sort3A_1449 = arith.constant dense<true> : vector<16xi1>
      %masked_sort3A_1450, %masked_sort3A_1451, %masked_sort3A_1452 = tpu.sort %select_n3A_1447, %select_n3A_1448 masked %masked_sort3A_1449 : (vector<16xf32>, vector<16xi32>, vector<16xi1>) -> (vector<16xi1>, vector<16xf32>, vector<16xi32>)
      %broadcast_in_dim3A_1453 = arith.constant 0.000000e+00 : f32
      %broadcast_in_dim3A_1454 = vector.broadcast %broadcast_in_dim3A_1453 : f32 to vector<16xf32>
      %slice3A_1455 = vector.extract_strided_slice %masked_sort3A_1451 {offsets = [15], sizes = [1], strides = [1]} : vector<16xf32> to vector<1xf32>
      %squeeze3A_1456 = vector.extract %slice3A_1455[0] : f32 from vector<1xf32>
      %add3A_1457 = vector.broadcast %squeeze3A_1456 : f32 to vector<16xf32>
      %add3A_1458 = arith.addf %broadcast_in_dim3A_1454, %add3A_1457 : vector<16xf32>
      scf.yield %masked_sort3A_1451, %masked_sort3A_1452, %add3A_1458 : vector<16xf32>, vector<16xi32>, vector<16xf32>
    } else {
      scf.yield %cond3A_779#0, %cond3A_779#1, %cond3A_779#2 : vector<16xf32>, vector<16xi32>, vector<16xf32>
    }
    %swap3A = arith.constant 0 : index
    %swap3A_1441 = tpu.vector_load %arg9[%swap3A] {strides = array<i32>} : memref<16xf32, #tpu.memory_space<vmem>>, vector<16xf32>,
    tpu.vector_store %arg9[%swap3A], %cond3A_1440#0 {strides = array<i32>} : memref<16xf32, #tpu.memory_space<vmem>>, vector<16xf32>,
    %swap3A_1442 = arith.constant 0 : index
    %swap3A_1443 = tpu.vector_load %arg10[%swap3A_1442] {strides = array<i32>} : memref<16xi32, #tpu.memory_space<vmem>>, vector<16xi32>,
    tpu.vector_store %arg10[%swap3A_1442], %cond3A_1440#1 {strides = array<i32>} : memref<16xi32, #tpu.memory_space<vmem>>, vector<16xi32>,
    "tpu.region"() ({
      %run_scoped3A = tpu.sem_alloc : memref<!tpu.dma_semaphore, #tpu.memory_space<semaphore_mem>>
      %dma_start3A_1444 = arith.constant 0 : i32
      %dma_start3A_1445 = tpu.memref_slice %arg4[%add3A, %dma_start3A_1444] : memref<32x16xf32, #tpu.memory_space<hbm>> -> memref<1x16xf32, #tpu.memory_space<hbm>>
      %dma_start3A_1446 = tpu.memref_squeeze %dma_start3A_1445 : memref<1x16xf32, #tpu.memory_space<hbm>> -> memref<16xf32, #tpu.memory_space<hbm>>
      %dma_start3A_1447 = arith.constant 0 : i32
      %dma_start3A_1448 = tpu.memref_slice %arg4[%add3A, %dma_start3A_1447] : memref<32x16xf32, #tpu.memory_space<hbm>> -> memref<1x16xf32, #tpu.memory_space<hbm>>
      %dma_start3A_1449 = tpu.memref_squeeze %dma_start3A_1448 : memref<1x16xf32, #tpu.memory_space<hbm>> -> memref<16xf32, #tpu.memory_space<hbm>>
      tpu.enqueue_dma source(%arg9 : memref<16xf32, #tpu.memory_space<vmem>>) target(%dma_start3A_1449 : memref<16xf32, #tpu.memory_space<hbm>>) target_semaphore(%run_scoped3A : memref<!tpu.dma_semaphore, #tpu.memory_space<semaphore_mem>>)
      %dma_wait3A = arith.constant 0 : i32
      %dma_wait3A_1450 = tpu.memref_slice %arg4[%add3A, %dma_wait3A] : memref<32x16xf32, #tpu.memory_space<hbm>> -> memref<1x16xf32, #tpu.memory_space<hbm>>
      %dma_wait3A_1451 = tpu.memref_squeeze %dma_wait3A_1450 : memref<1x16xf32, #tpu.memory_space<hbm>> -> memref<16xf32, #tpu.memory_space<hbm>>
      %dma_wait3A_1452 = arith.constant 0 : i32
      %dma_wait3A_1453 = tpu.memref_slice %arg4[%add3A, %dma_wait3A_1452] : memref<32x16xf32, #tpu.memory_space<hbm>> -> memref<1x16xf32, #tpu.memory_space<hbm>>
      %dma_wait3A_1454 = tpu.memref_squeeze %dma_wait3A_1453 : memref<1x16xf32, #tpu.memory_space<hbm>> -> memref<16xf32, #tpu.memory_space<hbm>>
      tpu.wait_dma2 semaphore(%run_scoped3A : memref<!tpu.dma_semaphore, #tpu.memory_space<semaphore_mem>>) src(%arg9 : memref<16xf32, #tpu.memory_space<vmem>>) dst(%dma_wait3A_1454 : memref<16xf32, #tpu.memory_space<hbm>>)
      tpu.yield
    }) : () -> ()
    "tpu.region"() ({
      %run_scoped3A = tpu.sem_alloc : memref<!tpu.dma_semaphore, #tpu.memory_space<semaphore_mem>>
      %dma_start3A_1444 = arith.constant 0 : i32
      %dma_start3A_1445 = tpu.memref_slice %arg5[%add3A, %dma_start3A_1444] : memref<32x16xi32, #tpu.memory_space<hbm>> -> memref<1x16xi32, #tpu.memory_space<hbm>>
      %dma_start3A_1446 = tpu.memref_squeeze %dma_start3A_1445 : memref<1x16xi32, #tpu.memory_space<hbm>> -> memref<16xi32, #tpu.memory_space<hbm>>
      %dma_start3A_1447 = arith.constant 0 : i32
      %dma_start3A_1448 = tpu.memref_slice %arg5[%add3A, %dma_start3A_1447] : memref<32x16xi32, #tpu.memory_space<hbm>> -> memref<1x16xi32, #tpu.memory_space<hbm>>
      %dma_start3A_1449 = tpu.memref_squeeze %dma_start3A_1448 : memref<1x16xi32, #tpu.memory_space<hbm>> -> memref<16xi32, #tpu.memory_space<hbm>>
      tpu.enqueue_dma source(%arg10 : memref<16xi32, #tpu.memory_space<vmem>>) target(%dma_start3A_1449 : memref<16xi32, #tpu.memory_space<hbm>>) target_semaphore(%run_scoped3A : memref<!tpu.dma_semaphore, #tpu.memory_space<semaphore_mem>>)
      %dma_wait3A = arith.constant 0 : i32
      %dma_wait3A_1450 = tpu.memref_slice %arg5[%add3A, %dma_wait3A] : memref<32x16xi32, #tpu.memory_space<hbm>> -> memref<1x16xi32, #tpu.memory_space<hbm>>
      %dma_wait3A_1451 = tpu.memref_squeeze %dma_wait3A_1450 : memref<1x16xi32, #tpu.memory_space<hbm>> -> memref<16xi32, #tpu.memory_space<hbm>>
      %dma_wait3A_1452 = arith.constant 0 : i32
      %dma_wait3A_1453 = tpu.memref_slice %arg5[%add3A, %dma_wait3A_1452] : memref<32x16xi32, #tpu.memory_space<hbm>> -> memref<1x16xi32, #tpu.memory_space<hbm>>
      %dma_wait3A_1454 = tpu.memref_squeeze %dma_wait3A_1453 : memref<1x16xi32, #tpu.memory_space<hbm>> -> memref<16xi32, #tpu.memory_space<hbm>>
      tpu.wait_dma2 semaphore(%run_scoped3A : memref<!tpu.dma_semaphore, #tpu.memory_space<semaphore_mem>>) src(%arg10 : memref<16xi32, #tpu.memory_space<vmem>>) dst(%dma_wait3A_1454 : memref<16xi32, #tpu.memory_space<hbm>>)
      tpu.yield
    }) : () -> ()
    return
  }
}

module attributes {stable_mosaic.version = 14 : i64} {
  func.func @_final_merge(%arg0: memref<32x16xf32, #tpu.memory_space<vmem>>, %arg1: memref<32x16xi32, #tpu.memory_space<vmem>>, %arg2: memref<1x16xf32, #tpu.memory_space<vmem>>, %arg3: memref<1x16xi32, #tpu.memory_space<vmem>>) attributes {dimension_semantics = [], scalar_prefetch = 0 : i64, scratch_operands = 0 : i64, tpu.core_type = #tpu.core_type<tc>} {
    %get3A = arith.constant 0 : index
    %get3A_0 = arith.constant 0 : index
    %get3A_1 = vector.load %arg0[%get3A, %get3A_0] : memref<32x16xf32, #tpu.memory_space<vmem>>, vector<32x16xf32>
    %get3A_2 = arith.constant 0 : index
    %get3A_3 = arith.constant 0 : index
    %get3A_4 = vector.load %arg1[%get3A_2, %get3A_3] : memref<32x16xi32, #tpu.memory_space<vmem>>, vector<32x16xi32>
    %broadcast_in_dim3A = arith.constant 0.000000e+00 : f32
    %broadcast_in_dim3A_5 = vector.broadcast %broadcast_in_dim3A : f32 to vector<1x16xf32>
    %broadcast_in_dim3A_6 = arith.constant 0 : i32
    %broadcast_in_dim3A_7 = vector.broadcast %broadcast_in_dim3A_6 : i32 to vector<1x16xi32>
    %iota3A = tpu.iota {dimensions = array<i32: 1>} : vector<1x16xi32>
    %reduce_min3A = vector.shape_cast %get3A_1 : vector<32x16xf32> to vector<1x32x16xf32>
    %reduce_min3A_8 = arith.constant dense<0x7F800000> : vector<1xf32>
    %reduce_min3A_9 = vector.multi_reduction <minimumf>, %reduce_min3A, %reduce_min3A_8 [1, 2] : vector<1x32x16xf32> to vector<1xf32>
    %reduce_min3A_10 = vector.shape_cast %reduce_min3A_9 : vector<1xf32> to vector<1x1x1xf32>
    %reduce_min3A_11 = vector.extract %reduce_min3A_10[0, 0, 0] : f32 from vector<1x1x1xf32>
    %eq3A = vector.broadcast %reduce_min3A_11 : f32 to vector<32x16xf32>
    %eq3A_12 = arith.cmpf oeq, %get3A_1, %eq3A : vector<32x16xf32>
    %jit3A = arith.constant 2147483647 : i32
    %broadcast_in_dim3A_13 = vector.broadcast %jit3A : i32 to vector<32x16xi32>
    %select_n3A = arith.select %eq3A_12, %get3A_4, %broadcast_in_dim3A_13 : vector<32x16xi1>, vector<32x16xi32>
    %reduce_min3A_14 = vector.shape_cast %select_n3A : vector<32x16xi32> to vector<1x32x16xi32>
    %reduce_min3A_15 = arith.constant dense<2147483647> : vector<1xi32>
    %reduce_min3A_16 = vector.multi_reduction <minsi>, %reduce_min3A_14, %reduce_min3A_15 [1, 2] : vector<1x32x16xi32> to vector<1xi32>
    %reduce_min3A_17 = vector.shape_cast %reduce_min3A_16 : vector<1xi32> to vector<1x1x1xi32>
    %reduce_min3A_18 = vector.extract %reduce_min3A_17[0, 0, 0] : i32 from vector<1x1x1xi32>
    %eq3A_19 = arith.constant 0 : i32
    %eq3A_20 = vector.broadcast %eq3A_19 : i32 to vector<1x16xi32>
    %eq3A_21 = arith.cmpi eq, %iota3A, %eq3A_20 : vector<1x16xi32>
    %broadcast_in_dim3A_22 = vector.broadcast %reduce_min3A_11 : f32 to vector<1x16xf32>
    %select_n3A_23 = arith.select %eq3A_21, %broadcast_in_dim3A_22, %broadcast_in_dim3A_5 : vector<1x16xi1>, vector<1x16xf32>
    %eq3A_24 = arith.constant 0 : i32
    %eq3A_25 = vector.broadcast %eq3A_24 : i32 to vector<1x16xi32>
    %eq3A_26 = arith.cmpi eq, %iota3A, %eq3A_25 : vector<1x16xi32>
    %broadcast_in_dim3A_27 = vector.broadcast %reduce_min3A_18 : i32 to vector<1x16xi32>
    %select_n3A_28 = arith.select %eq3A_26, %broadcast_in_dim3A_27, %broadcast_in_dim3A_7 : vector<1x16xi1>, vector<1x16xi32>
    %eq3A_29 = vector.broadcast %reduce_min3A_18 : i32 to vector<32x16xi32>
    %eq3A_30 = arith.cmpi eq, %get3A_4, %eq3A_29 : vector<32x16xi32>
    %and3A = arith.andi %eq3A_12, %eq3A_30 : vector<32x16xi1>
    %jit3A_31 = arith.constant 3.400000e+38 : f32
    %broadcast_in_dim3A_32 = vector.broadcast %jit3A_31 : f32 to vector<32x16xf32>
    %select_n3A_33 = arith.select %and3A, %broadcast_in_dim3A_32, %get3A_1 : vector<32x16xi1>, vector<32x16xf32>
    %reduce_min3A_34 = vector.shape_cast %select_n3A_33 : vector<32x16xf32> to vector<1x32x16xf32>
    %reduce_min3A_35 = arith.constant dense<0x7F800000> : vector<1xf32>
    %reduce_min3A_36 = vector.multi_reduction <minimumf>, %reduce_min3A_34, %reduce_min3A_35 [1, 2] : vector<1x32x16xf32> to vector<1xf32>
    %reduce_min3A_37 = vector.shape_cast %reduce_min3A_36 : vector<1xf32> to vector<1x1x1xf32>
    %reduce_min3A_38 = vector.extract %reduce_min3A_37[0, 0, 0] : f32 from vector<1x1x1xf32>
    %eq3A_39 = vector.broadcast %reduce_min3A_38 : f32 to vector<32x16xf32>
    %eq3A_40 = arith.cmpf oeq, %select_n3A_33, %eq3A_39 : vector<32x16xf32>
    %jit3A_41 = arith.constant 2147483647 : i32
    %broadcast_in_dim3A_42 = vector.broadcast %jit3A_41 : i32 to vector<32x16xi32>
    %select_n3A_43 = arith.select %eq3A_40, %get3A_4, %broadcast_in_dim3A_42 : vector<32x16xi1>, vector<32x16xi32>
    %reduce_min3A_44 = vector.shape_cast %select_n3A_43 : vector<32x16xi32> to vector<1x32x16xi32>
    %reduce_min3A_45 = arith.constant dense<2147483647> : vector<1xi32>
    %reduce_min3A_46 = vector.multi_reduction <minsi>, %reduce_min3A_44, %reduce_min3A_45 [1, 2] : vector<1x32x16xi32> to vector<1xi32>
    %reduce_min3A_47 = vector.shape_cast %reduce_min3A_46 : vector<1xi32> to vector<1x1x1xi32>
    %reduce_min3A_48 = vector.extract %reduce_min3A_47[0, 0, 0] : i32 from vector<1x1x1xi32>
    %eq3A_49 = arith.constant 1 : i32
    %eq3A_50 = vector.broadcast %eq3A_49 : i32 to vector<1x16xi32>
    %eq3A_51 = arith.cmpi eq, %iota3A, %eq3A_50 : vector<1x16xi32>
    %broadcast_in_dim3A_52 = vector.broadcast %reduce_min3A_38 : f32 to vector<1x16xf32>
    %select_n3A_53 = arith.select %eq3A_51, %broadcast_in_dim3A_52, %select_n3A_23 : vector<1x16xi1>, vector<1x16xf32>
    %eq3A_54 = arith.constant 1 : i32
    %eq3A_55 = vector.broadcast %eq3A_54 : i32 to vector<1x16xi32>
    %eq3A_56 = arith.cmpi eq, %iota3A, %eq3A_55 : vector<1x16xi32>
    %broadcast_in_dim3A_57 = vector.broadcast %reduce_min3A_48 : i32 to vector<1x16xi32>
    %select_n3A_58 = arith.select %eq3A_56, %broadcast_in_dim3A_57, %select_n3A_28 : vector<1x16xi1>, vector<1x16xi32>
    %eq3A_59 = vector.broadcast %reduce_min3A_48 : i32 to vector<32x16xi32>
    %eq3A_60 = arith.cmpi eq, %get3A_4, %eq3A_59 : vector<32x16xi32>
    %and3A_61 = arith.andi %eq3A_40, %eq3A_60 : vector<32x16xi1>
    %jit3A_62 = arith.constant 3.400000e+38 : f32
    %broadcast_in_dim3A_63 = vector.broadcast %jit3A_62 : f32 to vector<32x16xf32>
    %select_n3A_64 = arith.select %and3A_61, %broadcast_in_dim3A_63, %select_n3A_33 : vector<32x16xi1>, vector<32x16xf32>
    %reduce_min3A_65 = vector.shape_cast %select_n3A_64 : vector<32x16xf32> to vector<1x32x16xf32>
    %reduce_min3A_66 = arith.constant dense<0x7F800000> : vector<1xf32>
    %reduce_min3A_67 = vector.multi_reduction <minimumf>, %reduce_min3A_65, %reduce_min3A_66 [1, 2] : vector<1x32x16xf32> to vector<1xf32>
    %reduce_min3A_68 = vector.shape_cast %reduce_min3A_67 : vector<1xf32> to vector<1x1x1xf32>
    %reduce_min3A_69 = vector.extract %reduce_min3A_68[0, 0, 0] : f32 from vector<1x1x1xf32>
    %eq3A_70 = vector.broadcast %reduce_min3A_69 : f32 to vector<32x16xf32>
    %eq3A_71 = arith.cmpf oeq, %select_n3A_64, %eq3A_70 : vector<32x16xf32>
    %jit3A_72 = arith.constant 2147483647 : i32
    %broadcast_in_dim3A_73 = vector.broadcast %jit3A_72 : i32 to vector<32x16xi32>
    %select_n3A_74 = arith.select %eq3A_71, %get3A_4, %broadcast_in_dim3A_73 : vector<32x16xi1>, vector<32x16xi32>
    %reduce_min3A_75 = vector.shape_cast %select_n3A_74 : vector<32x16xi32> to vector<1x32x16xi32>
    %reduce_min3A_76 = arith.constant dense<2147483647> : vector<1xi32>
    %reduce_min3A_77 = vector.multi_reduction <minsi>, %reduce_min3A_75, %reduce_min3A_76 [1, 2] : vector<1x32x16xi32> to vector<1xi32>
    %reduce_min3A_78 = vector.shape_cast %reduce_min3A_77 : vector<1xi32> to vector<1x1x1xi32>
    %reduce_min3A_79 = vector.extract %reduce_min3A_78[0, 0, 0] : i32 from vector<1x1x1xi32>
    %eq3A_80 = arith.constant 2 : i32
    %eq3A_81 = vector.broadcast %eq3A_80 : i32 to vector<1x16xi32>
    %eq3A_82 = arith.cmpi eq, %iota3A, %eq3A_81 : vector<1x16xi32>
    %broadcast_in_dim3A_83 = vector.broadcast %reduce_min3A_69 : f32 to vector<1x16xf32>
    %select_n3A_84 = arith.select %eq3A_82, %broadcast_in_dim3A_83, %select_n3A_53 : vector<1x16xi1>, vector<1x16xf32>
    %eq3A_85 = arith.constant 2 : i32
    %eq3A_86 = vector.broadcast %eq3A_85 : i32 to vector<1x16xi32>
    %eq3A_87 = arith.cmpi eq, %iota3A, %eq3A_86 : vector<1x16xi32>
    %broadcast_in_dim3A_88 = vector.broadcast %reduce_min3A_79 : i32 to vector<1x16xi32>
    %select_n3A_89 = arith.select %eq3A_87, %broadcast_in_dim3A_88, %select_n3A_58 : vector<1x16xi1>, vector<1x16xi32>
    %eq3A_90 = vector.broadcast %reduce_min3A_79 : i32 to vector<32x16xi32>
    %eq3A_91 = arith.cmpi eq, %get3A_4, %eq3A_90 : vector<32x16xi32>
    %and3A_92 = arith.andi %eq3A_71, %eq3A_91 : vector<32x16xi1>
    %jit3A_93 = arith.constant 3.400000e+38 : f32
    %broadcast_in_dim3A_94 = vector.broadcast %jit3A_93 : f32 to vector<32x16xf32>
    %select_n3A_95 = arith.select %and3A_92, %broadcast_in_dim3A_94, %select_n3A_64 : vector<32x16xi1>, vector<32x16xf32>
    %reduce_min3A_96 = vector.shape_cast %select_n3A_95 : vector<32x16xf32> to vector<1x32x16xf32>
    %reduce_min3A_97 = arith.constant dense<0x7F800000> : vector<1xf32>
    %reduce_min3A_98 = vector.multi_reduction <minimumf>, %reduce_min3A_96, %reduce_min3A_97 [1, 2] : vector<1x32x16xf32> to vector<1xf32>
    %reduce_min3A_99 = vector.shape_cast %reduce_min3A_98 : vector<1xf32> to vector<1x1x1xf32>
    %reduce_min3A_100 = vector.extract %reduce_min3A_99[0, 0, 0] : f32 from vector<1x1x1xf32>
    %eq3A_101 = vector.broadcast %reduce_min3A_100 : f32 to vector<32x16xf32>
    %eq3A_102 = arith.cmpf oeq, %select_n3A_95, %eq3A_101 : vector<32x16xf32>
    %jit3A_103 = arith.constant 2147483647 : i32
    %broadcast_in_dim3A_104 = vector.broadcast %jit3A_103 : i32 to vector<32x16xi32>
    %select_n3A_105 = arith.select %eq3A_102, %get3A_4, %broadcast_in_dim3A_104 : vector<32x16xi1>, vector<32x16xi32>
    %reduce_min3A_106 = vector.shape_cast %select_n3A_105 : vector<32x16xi32> to vector<1x32x16xi32>
    %reduce_min3A_107 = arith.constant dense<2147483647> : vector<1xi32>
    %reduce_min3A_108 = vector.multi_reduction <minsi>, %reduce_min3A_106, %reduce_min3A_107 [1, 2] : vector<1x32x16xi32> to vector<1xi32>
    %reduce_min3A_109 = vector.shape_cast %reduce_min3A_108 : vector<1xi32> to vector<1x1x1xi32>
    %reduce_min3A_110 = vector.extract %reduce_min3A_109[0, 0, 0] : i32 from vector<1x1x1xi32>
    %eq3A_111 = arith.constant 3 : i32
    %eq3A_112 = vector.broadcast %eq3A_111 : i32 to vector<1x16xi32>
    %eq3A_113 = arith.cmpi eq, %iota3A, %eq3A_112 : vector<1x16xi32>
    %broadcast_in_dim3A_114 = vector.broadcast %reduce_min3A_100 : f32 to vector<1x16xf32>
    %select_n3A_115 = arith.select %eq3A_113, %broadcast_in_dim3A_114, %select_n3A_84 : vector<1x16xi1>, vector<1x16xf32>
    %eq3A_116 = arith.constant 3 : i32
    %eq3A_117 = vector.broadcast %eq3A_116 : i32 to vector<1x16xi32>
    %eq3A_118 = arith.cmpi eq, %iota3A, %eq3A_117 : vector<1x16xi32>
    %broadcast_in_dim3A_119 = vector.broadcast %reduce_min3A_110 : i32 to vector<1x16xi32>
    %select_n3A_120 = arith.select %eq3A_118, %broadcast_in_dim3A_119, %select_n3A_89 : vector<1x16xi1>, vector<1x16xi32>
    %eq3A_121 = vector.broadcast %reduce_min3A_110 : i32 to vector<32x16xi32>
    %eq3A_122 = arith.cmpi eq, %get3A_4, %eq3A_121 : vector<32x16xi32>
    %and3A_123 = arith.andi %eq3A_102, %eq3A_122 : vector<32x16xi1>
    %jit3A_124 = arith.constant 3.400000e+38 : f32
    %broadcast_in_dim3A_125 = vector.broadcast %jit3A_124 : f32 to vector<32x16xf32>
    %select_n3A_126 = arith.select %and3A_123, %broadcast_in_dim3A_125, %select_n3A_95 : vector<32x16xi1>, vector<32x16xf32>
    %reduce_min3A_127 = vector.shape_cast %select_n3A_126 : vector<32x16xf32> to vector<1x32x16xf32>
    %reduce_min3A_128 = arith.constant dense<0x7F800000> : vector<1xf32>
    %reduce_min3A_129 = vector.multi_reduction <minimumf>, %reduce_min3A_127, %reduce_min3A_128 [1, 2] : vector<1x32x16xf32> to vector<1xf32>
    %reduce_min3A_130 = vector.shape_cast %reduce_min3A_129 : vector<1xf32> to vector<1x1x1xf32>
    %reduce_min3A_131 = vector.extract %reduce_min3A_130[0, 0, 0] : f32 from vector<1x1x1xf32>
    %eq3A_132 = vector.broadcast %reduce_min3A_131 : f32 to vector<32x16xf32>
    %eq3A_133 = arith.cmpf oeq, %select_n3A_126, %eq3A_132 : vector<32x16xf32>
    %jit3A_134 = arith.constant 2147483647 : i32
    %broadcast_in_dim3A_135 = vector.broadcast %jit3A_134 : i32 to vector<32x16xi32>
    %select_n3A_136 = arith.select %eq3A_133, %get3A_4, %broadcast_in_dim3A_135 : vector<32x16xi1>, vector<32x16xi32>
    %reduce_min3A_137 = vector.shape_cast %select_n3A_136 : vector<32x16xi32> to vector<1x32x16xi32>
    %reduce_min3A_138 = arith.constant dense<2147483647> : vector<1xi32>
    %reduce_min3A_139 = vector.multi_reduction <minsi>, %reduce_min3A_137, %reduce_min3A_138 [1, 2] : vector<1x32x16xi32> to vector<1xi32>
    %reduce_min3A_140 = vector.shape_cast %reduce_min3A_139 : vector<1xi32> to vector<1x1x1xi32>
    %reduce_min3A_141 = vector.extract %reduce_min3A_140[0, 0, 0] : i32 from vector<1x1x1xi32>
    %eq3A_142 = arith.constant 4 : i32
    %eq3A_143 = vector.broadcast %eq3A_142 : i32 to vector<1x16xi32>
    %eq3A_144 = arith.cmpi eq, %iota3A, %eq3A_143 : vector<1x16xi32>
    %broadcast_in_dim3A_145 = vector.broadcast %reduce_min3A_131 : f32 to vector<1x16xf32>
    %select_n3A_146 = arith.select %eq3A_144, %broadcast_in_dim3A_145, %select_n3A_115 : vector<1x16xi1>, vector<1x16xf32>
    %eq3A_147 = arith.constant 4 : i32
    %eq3A_148 = vector.broadcast %eq3A_147 : i32 to vector<1x16xi32>
    %eq3A_149 = arith.cmpi eq, %iota3A, %eq3A_148 : vector<1x16xi32>
    %broadcast_in_dim3A_150 = vector.broadcast %reduce_min3A_141 : i32 to vector<1x16xi32>
    %select_n3A_151 = arith.select %eq3A_149, %broadcast_in_dim3A_150, %select_n3A_120 : vector<1x16xi1>, vector<1x16xi32>
    %eq3A_152 = vector.broadcast %reduce_min3A_141 : i32 to vector<32x16xi32>
    %eq3A_153 = arith.cmpi eq, %get3A_4, %eq3A_152 : vector<32x16xi32>
    %and3A_154 = arith.andi %eq3A_133, %eq3A_153 : vector<32x16xi1>
    %jit3A_155 = arith.constant 3.400000e+38 : f32
    %broadcast_in_dim3A_156 = vector.broadcast %jit3A_155 : f32 to vector<32x16xf32>
    %select_n3A_157 = arith.select %and3A_154, %broadcast_in_dim3A_156, %select_n3A_126 : vector<32x16xi1>, vector<32x16xf32>
    %reduce_min3A_158 = vector.shape_cast %select_n3A_157 : vector<32x16xf32> to vector<1x32x16xf32>
    %reduce_min3A_159 = arith.constant dense<0x7F800000> : vector<1xf32>
    %reduce_min3A_160 = vector.multi_reduction <minimumf>, %reduce_min3A_158, %reduce_min3A_159 [1, 2] : vector<1x32x16xf32> to vector<1xf32>
    %reduce_min3A_161 = vector.shape_cast %reduce_min3A_160 : vector<1xf32> to vector<1x1x1xf32>
    %reduce_min3A_162 = vector.extract %reduce_min3A_161[0, 0, 0] : f32 from vector<1x1x1xf32>
    %eq3A_163 = vector.broadcast %reduce_min3A_162 : f32 to vector<32x16xf32>
    %eq3A_164 = arith.cmpf oeq, %select_n3A_157, %eq3A_163 : vector<32x16xf32>
    %jit3A_165 = arith.constant 2147483647 : i32
    %broadcast_in_dim3A_166 = vector.broadcast %jit3A_165 : i32 to vector<32x16xi32>
    %select_n3A_167 = arith.select %eq3A_164, %get3A_4, %broadcast_in_dim3A_166 : vector<32x16xi1>, vector<32x16xi32>
    %reduce_min3A_168 = vector.shape_cast %select_n3A_167 : vector<32x16xi32> to vector<1x32x16xi32>
    %reduce_min3A_169 = arith.constant dense<2147483647> : vector<1xi32>
    %reduce_min3A_170 = vector.multi_reduction <minsi>, %reduce_min3A_168, %reduce_min3A_169 [1, 2] : vector<1x32x16xi32> to vector<1xi32>
    %reduce_min3A_171 = vector.shape_cast %reduce_min3A_170 : vector<1xi32> to vector<1x1x1xi32>
    %reduce_min3A_172 = vector.extract %reduce_min3A_171[0, 0, 0] : i32 from vector<1x1x1xi32>
    %eq3A_173 = arith.constant 5 : i32
    %eq3A_174 = vector.broadcast %eq3A_173 : i32 to vector<1x16xi32>
    %eq3A_175 = arith.cmpi eq, %iota3A, %eq3A_174 : vector<1x16xi32>
    %broadcast_in_dim3A_176 = vector.broadcast %reduce_min3A_162 : f32 to vector<1x16xf32>
    %select_n3A_177 = arith.select %eq3A_175, %broadcast_in_dim3A_176, %select_n3A_146 : vector<1x16xi1>, vector<1x16xf32>
    %eq3A_178 = arith.constant 5 : i32
    %eq3A_179 = vector.broadcast %eq3A_178 : i32 to vector<1x16xi32>
    %eq3A_180 = arith.cmpi eq, %iota3A, %eq3A_179 : vector<1x16xi32>
    %broadcast_in_dim3A_181 = vector.broadcast %reduce_min3A_172 : i32 to vector<1x16xi32>
    %select_n3A_182 = arith.select %eq3A_180, %broadcast_in_dim3A_181, %select_n3A_151 : vector<1x16xi1>, vector<1x16xi32>
    %eq3A_183 = vector.broadcast %reduce_min3A_172 : i32 to vector<32x16xi32>
    %eq3A_184 = arith.cmpi eq, %get3A_4, %eq3A_183 : vector<32x16xi32>
    %and3A_185 = arith.andi %eq3A_164, %eq3A_184 : vector<32x16xi1>
    %jit3A_186 = arith.constant 3.400000e+38 : f32
    %broadcast_in_dim3A_187 = vector.broadcast %jit3A_186 : f32 to vector<32x16xf32>
    %select_n3A_188 = arith.select %and3A_185, %broadcast_in_dim3A_187, %select_n3A_157 : vector<32x16xi1>, vector<32x16xf32>
    %reduce_min3A_189 = vector.shape_cast %select_n3A_188 : vector<32x16xf32> to vector<1x32x16xf32>
    %reduce_min3A_190 = arith.constant dense<0x7F800000> : vector<1xf32>
    %reduce_min3A_191 = vector.multi_reduction <minimumf>, %reduce_min3A_189, %reduce_min3A_190 [1, 2] : vector<1x32x16xf32> to vector<1xf32>
    %reduce_min3A_192 = vector.shape_cast %reduce_min3A_191 : vector<1xf32> to vector<1x1x1xf32>
    %reduce_min3A_193 = vector.extract %reduce_min3A_192[0, 0, 0] : f32 from vector<1x1x1xf32>
    %eq3A_194 = vector.broadcast %reduce_min3A_193 : f32 to vector<32x16xf32>
    %eq3A_195 = arith.cmpf oeq, %select_n3A_188, %eq3A_194 : vector<32x16xf32>
    %jit3A_196 = arith.constant 2147483647 : i32
    %broadcast_in_dim3A_197 = vector.broadcast %jit3A_196 : i32 to vector<32x16xi32>
    %select_n3A_198 = arith.select %eq3A_195, %get3A_4, %broadcast_in_dim3A_197 : vector<32x16xi1>, vector<32x16xi32>
    %reduce_min3A_199 = vector.shape_cast %select_n3A_198 : vector<32x16xi32> to vector<1x32x16xi32>
    %reduce_min3A_200 = arith.constant dense<2147483647> : vector<1xi32>
    %reduce_min3A_201 = vector.multi_reduction <minsi>, %reduce_min3A_199, %reduce_min3A_200 [1, 2] : vector<1x32x16xi32> to vector<1xi32>
    %reduce_min3A_202 = vector.shape_cast %reduce_min3A_201 : vector<1xi32> to vector<1x1x1xi32>
    %reduce_min3A_203 = vector.extract %reduce_min3A_202[0, 0, 0] : i32 from vector<1x1x1xi32>
    %eq3A_204 = arith.constant 6 : i32
    %eq3A_205 = vector.broadcast %eq3A_204 : i32 to vector<1x16xi32>
    %eq3A_206 = arith.cmpi eq, %iota3A, %eq3A_205 : vector<1x16xi32>
    %broadcast_in_dim3A_207 = vector.broadcast %reduce_min3A_193 : f32 to vector<1x16xf32>
    %select_n3A_208 = arith.select %eq3A_206, %broadcast_in_dim3A_207, %select_n3A_177 : vector<1x16xi1>, vector<1x16xf32>
    %eq3A_209 = arith.constant 6 : i32
    %eq3A_210 = vector.broadcast %eq3A_209 : i32 to vector<1x16xi32>
    %eq3A_211 = arith.cmpi eq, %iota3A, %eq3A_210 : vector<1x16xi32>
    %broadcast_in_dim3A_212 = vector.broadcast %reduce_min3A_203 : i32 to vector<1x16xi32>
    %select_n3A_213 = arith.select %eq3A_211, %broadcast_in_dim3A_212, %select_n3A_182 : vector<1x16xi1>, vector<1x16xi32>
    %eq3A_214 = vector.broadcast %reduce_min3A_203 : i32 to vector<32x16xi32>
    %eq3A_215 = arith.cmpi eq, %get3A_4, %eq3A_214 : vector<32x16xi32>
    %and3A_216 = arith.andi %eq3A_195, %eq3A_215 : vector<32x16xi1>
    %jit3A_217 = arith.constant 3.400000e+38 : f32
    %broadcast_in_dim3A_218 = vector.broadcast %jit3A_217 : f32 to vector<32x16xf32>
    %select_n3A_219 = arith.select %and3A_216, %broadcast_in_dim3A_218, %select_n3A_188 : vector<32x16xi1>, vector<32x16xf32>
    %reduce_min3A_220 = vector.shape_cast %select_n3A_219 : vector<32x16xf32> to vector<1x32x16xf32>
    %reduce_min3A_221 = arith.constant dense<0x7F800000> : vector<1xf32>
    %reduce_min3A_222 = vector.multi_reduction <minimumf>, %reduce_min3A_220, %reduce_min3A_221 [1, 2] : vector<1x32x16xf32> to vector<1xf32>
    %reduce_min3A_223 = vector.shape_cast %reduce_min3A_222 : vector<1xf32> to vector<1x1x1xf32>
    %reduce_min3A_224 = vector.extract %reduce_min3A_223[0, 0, 0] : f32 from vector<1x1x1xf32>
    %eq3A_225 = vector.broadcast %reduce_min3A_224 : f32 to vector<32x16xf32>
    %eq3A_226 = arith.cmpf oeq, %select_n3A_219, %eq3A_225 : vector<32x16xf32>
    %jit3A_227 = arith.constant 2147483647 : i32
    %broadcast_in_dim3A_228 = vector.broadcast %jit3A_227 : i32 to vector<32x16xi32>
    %select_n3A_229 = arith.select %eq3A_226, %get3A_4, %broadcast_in_dim3A_228 : vector<32x16xi1>, vector<32x16xi32>
    %reduce_min3A_230 = vector.shape_cast %select_n3A_229 : vector<32x16xi32> to vector<1x32x16xi32>
    %reduce_min3A_231 = arith.constant dense<2147483647> : vector<1xi32>
    %reduce_min3A_232 = vector.multi_reduction <minsi>, %reduce_min3A_230, %reduce_min3A_231 [1, 2] : vector<1x32x16xi32> to vector<1xi32>
    %reduce_min3A_233 = vector.shape_cast %reduce_min3A_232 : vector<1xi32> to vector<1x1x1xi32>
    %reduce_min3A_234 = vector.extract %reduce_min3A_233[0, 0, 0] : i32 from vector<1x1x1xi32>
    %eq3A_235 = arith.constant 7 : i32
    %eq3A_236 = vector.broadcast %eq3A_235 : i32 to vector<1x16xi32>
    %eq3A_237 = arith.cmpi eq, %iota3A, %eq3A_236 : vector<1x16xi32>
    %broadcast_in_dim3A_238 = vector.broadcast %reduce_min3A_224 : f32 to vector<1x16xf32>
    %select_n3A_239 = arith.select %eq3A_237, %broadcast_in_dim3A_238, %select_n3A_208 : vector<1x16xi1>, vector<1x16xf32>
    %eq3A_240 = arith.constant 7 : i32
    %eq3A_241 = vector.broadcast %eq3A_240 : i32 to vector<1x16xi32>
    %eq3A_242 = arith.cmpi eq, %iota3A, %eq3A_241 : vector<1x16xi32>
    %broadcast_in_dim3A_243 = vector.broadcast %reduce_min3A_234 : i32 to vector<1x16xi32>
    %select_n3A_244 = arith.select %eq3A_242, %broadcast_in_dim3A_243, %select_n3A_213 : vector<1x16xi1>, vector<1x16xi32>
    %eq3A_245 = vector.broadcast %reduce_min3A_234 : i32 to vector<32x16xi32>
    %eq3A_246 = arith.cmpi eq, %get3A_4, %eq3A_245 : vector<32x16xi32>
    %and3A_247 = arith.andi %eq3A_226, %eq3A_246 : vector<32x16xi1>
    %jit3A_248 = arith.constant 3.400000e+38 : f32
    %broadcast_in_dim3A_249 = vector.broadcast %jit3A_248 : f32 to vector<32x16xf32>
    %select_n3A_250 = arith.select %and3A_247, %broadcast_in_dim3A_249, %select_n3A_219 : vector<32x16xi1>, vector<32x16xf32>
    %reduce_min3A_251 = vector.shape_cast %select_n3A_250 : vector<32x16xf32> to vector<1x32x16xf32>
    %reduce_min3A_252 = arith.constant dense<0x7F800000> : vector<1xf32>
    %reduce_min3A_253 = vector.multi_reduction <minimumf>, %reduce_min3A_251, %reduce_min3A_252 [1, 2] : vector<1x32x16xf32> to vector<1xf32>
    %reduce_min3A_254 = vector.shape_cast %reduce_min3A_253 : vector<1xf32> to vector<1x1x1xf32>
    %reduce_min3A_255 = vector.extract %reduce_min3A_254[0, 0, 0] : f32 from vector<1x1x1xf32>
    %eq3A_256 = vector.broadcast %reduce_min3A_255 : f32 to vector<32x16xf32>
    %eq3A_257 = arith.cmpf oeq, %select_n3A_250, %eq3A_256 : vector<32x16xf32>
    %jit3A_258 = arith.constant 2147483647 : i32
    %broadcast_in_dim3A_259 = vector.broadcast %jit3A_258 : i32 to vector<32x16xi32>
    %select_n3A_260 = arith.select %eq3A_257, %get3A_4, %broadcast_in_dim3A_259 : vector<32x16xi1>, vector<32x16xi32>
    %reduce_min3A_261 = vector.shape_cast %select_n3A_260 : vector<32x16xi32> to vector<1x32x16xi32>
    %reduce_min3A_262 = arith.constant dense<2147483647> : vector<1xi32>
    %reduce_min3A_263 = vector.multi_reduction <minsi>, %reduce_min3A_261, %reduce_min3A_262 [1, 2] : vector<1x32x16xi32> to vector<1xi32>
    %reduce_min3A_264 = vector.shape_cast %reduce_min3A_263 : vector<1xi32> to vector<1x1x1xi32>
    %reduce_min3A_265 = vector.extract %reduce_min3A_264[0, 0, 0] : i32 from vector<1x1x1xi32>
    %eq3A_266 = arith.constant 8 : i32
    %eq3A_267 = vector.broadcast %eq3A_266 : i32 to vector<1x16xi32>
    %eq3A_268 = arith.cmpi eq, %iota3A, %eq3A_267 : vector<1x16xi32>
    %broadcast_in_dim3A_269 = vector.broadcast %reduce_min3A_255 : f32 to vector<1x16xf32>
    %select_n3A_270 = arith.select %eq3A_268, %broadcast_in_dim3A_269, %select_n3A_239 : vector<1x16xi1>, vector<1x16xf32>
    %eq3A_271 = arith.constant 8 : i32
    %eq3A_272 = vector.broadcast %eq3A_271 : i32 to vector<1x16xi32>
    %eq3A_273 = arith.cmpi eq, %iota3A, %eq3A_272 : vector<1x16xi32>
    %broadcast_in_dim3A_274 = vector.broadcast %reduce_min3A_265 : i32 to vector<1x16xi32>
    %select_n3A_275 = arith.select %eq3A_273, %broadcast_in_dim3A_274, %select_n3A_244 : vector<1x16xi1>, vector<1x16xi32>
    %eq3A_276 = vector.broadcast %reduce_min3A_265 : i32 to vector<32x16xi32>
    %eq3A_277 = arith.cmpi eq, %get3A_4, %eq3A_276 : vector<32x16xi32>
    %and3A_278 = arith.andi %eq3A_257, %eq3A_277 : vector<32x16xi1>
    %jit3A_279 = arith.constant 3.400000e+38 : f32
    %broadcast_in_dim3A_280 = vector.broadcast %jit3A_279 : f32 to vector<32x16xf32>
    %select_n3A_281 = arith.select %and3A_278, %broadcast_in_dim3A_280, %select_n3A_250 : vector<32x16xi1>, vector<32x16xf32>
    %reduce_min3A_282 = vector.shape_cast %select_n3A_281 : vector<32x16xf32> to vector<1x32x16xf32>
    %reduce_min3A_283 = arith.constant dense<0x7F800000> : vector<1xf32>
    %reduce_min3A_284 = vector.multi_reduction <minimumf>, %reduce_min3A_282, %reduce_min3A_283 [1, 2] : vector<1x32x16xf32> to vector<1xf32>
    %reduce_min3A_285 = vector.shape_cast %reduce_min3A_284 : vector<1xf32> to vector<1x1x1xf32>
    %reduce_min3A_286 = vector.extract %reduce_min3A_285[0, 0, 0] : f32 from vector<1x1x1xf32>
    %eq3A_287 = vector.broadcast %reduce_min3A_286 : f32 to vector<32x16xf32>
    %eq3A_288 = arith.cmpf oeq, %select_n3A_281, %eq3A_287 : vector<32x16xf32>
    %jit3A_289 = arith.constant 2147483647 : i32
    %broadcast_in_dim3A_290 = vector.broadcast %jit3A_289 : i32 to vector<32x16xi32>
    %select_n3A_291 = arith.select %eq3A_288, %get3A_4, %broadcast_in_dim3A_290 : vector<32x16xi1>, vector<32x16xi32>
    %reduce_min3A_292 = vector.shape_cast %select_n3A_291 : vector<32x16xi32> to vector<1x32x16xi32>
    %reduce_min3A_293 = arith.constant dense<2147483647> : vector<1xi32>
    %reduce_min3A_294 = vector.multi_reduction <minsi>, %reduce_min3A_292, %reduce_min3A_293 [1, 2] : vector<1x32x16xi32> to vector<1xi32>
    %reduce_min3A_295 = vector.shape_cast %reduce_min3A_294 : vector<1xi32> to vector<1x1x1xi32>
    %reduce_min3A_296 = vector.extract %reduce_min3A_295[0, 0, 0] : i32 from vector<1x1x1xi32>
    %eq3A_297 = arith.constant 9 : i32
    %eq3A_298 = vector.broadcast %eq3A_297 : i32 to vector<1x16xi32>
    %eq3A_299 = arith.cmpi eq, %iota3A, %eq3A_298 : vector<1x16xi32>
    %broadcast_in_dim3A_300 = vector.broadcast %reduce_min3A_286 : f32 to vector<1x16xf32>
    %select_n3A_301 = arith.select %eq3A_299, %broadcast_in_dim3A_300, %select_n3A_270 : vector<1x16xi1>, vector<1x16xf32>
    %eq3A_302 = arith.constant 9 : i32
    %eq3A_303 = vector.broadcast %eq3A_302 : i32 to vector<1x16xi32>
    %eq3A_304 = arith.cmpi eq, %iota3A, %eq3A_303 : vector<1x16xi32>
    %broadcast_in_dim3A_305 = vector.broadcast %reduce_min3A_296 : i32 to vector<1x16xi32>
    %select_n3A_306 = arith.select %eq3A_304, %broadcast_in_dim3A_305, %select_n3A_275 : vector<1x16xi1>, vector<1x16xi32>
    %eq3A_307 = vector.broadcast %reduce_min3A_296 : i32 to vector<32x16xi32>
    %eq3A_308 = arith.cmpi eq, %get3A_4, %eq3A_307 : vector<32x16xi32>
    %and3A_309 = arith.andi %eq3A_288, %eq3A_308 : vector<32x16xi1>
    %jit3A_310 = arith.constant 3.400000e+38 : f32
    %broadcast_in_dim3A_311 = vector.broadcast %jit3A_310 : f32 to vector<32x16xf32>
    %select_n3A_312 = arith.select %and3A_309, %broadcast_in_dim3A_311, %select_n3A_281 : vector<32x16xi1>, vector<32x16xf32>
    %reduce_min3A_313 = vector.shape_cast %select_n3A_312 : vector<32x16xf32> to vector<1x32x16xf32>
    %reduce_min3A_314 = arith.constant dense<0x7F800000> : vector<1xf32>
    %reduce_min3A_315 = vector.multi_reduction <minimumf>, %reduce_min3A_313, %reduce_min3A_314 [1, 2] : vector<1x32x16xf32> to vector<1xf32>
    %reduce_min3A_316 = vector.shape_cast %reduce_min3A_315 : vector<1xf32> to vector<1x1x1xf32>
    %reduce_min3A_317 = vector.extract %reduce_min3A_316[0, 0, 0] : f32 from vector<1x1x1xf32>
    %eq3A_318 = vector.broadcast %reduce_min3A_317 : f32 to vector<32x16xf32>
    %eq3A_319 = arith.cmpf oeq, %select_n3A_312, %eq3A_318 : vector<32x16xf32>
    %jit3A_320 = arith.constant 2147483647 : i32
    %broadcast_in_dim3A_321 = vector.broadcast %jit3A_320 : i32 to vector<32x16xi32>
    %select_n3A_322 = arith.select %eq3A_319, %get3A_4, %broadcast_in_dim3A_321 : vector<32x16xi1>, vector<32x16xi32>
    %reduce_min3A_323 = vector.shape_cast %select_n3A_322 : vector<32x16xi32> to vector<1x32x16xi32>
    %reduce_min3A_324 = arith.constant dense<2147483647> : vector<1xi32>
    %reduce_min3A_325 = vector.multi_reduction <minsi>, %reduce_min3A_323, %reduce_min3A_324 [1, 2] : vector<1x32x16xi32> to vector<1xi32>
    %reduce_min3A_326 = vector.shape_cast %reduce_min3A_325 : vector<1xi32> to vector<1x1x1xi32>
    %reduce_min3A_327 = vector.extract %reduce_min3A_326[0, 0, 0] : i32 from vector<1x1x1xi32>
    %eq3A_328 = arith.constant 10 : i32
    %eq3A_329 = vector.broadcast %eq3A_328 : i32 to vector<1x16xi32>
    %eq3A_330 = arith.cmpi eq, %iota3A, %eq3A_329 : vector<1x16xi32>
    %broadcast_in_dim3A_331 = vector.broadcast %reduce_min3A_317 : f32 to vector<1x16xf32>
    %select_n3A_332 = arith.select %eq3A_330, %broadcast_in_dim3A_331, %select_n3A_301 : vector<1x16xi1>, vector<1x16xf32>
    %eq3A_333 = arith.constant 10 : i32
    %eq3A_334 = vector.broadcast %eq3A_333 : i32 to vector<1x16xi32>
    %eq3A_335 = arith.cmpi eq, %iota3A, %eq3A_334 : vector<1x16xi32>
    %broadcast_in_dim3A_336 = vector.broadcast %reduce_min3A_327 : i32 to vector<1x16xi32>
    %select_n3A_337 = arith.select %eq3A_335, %broadcast_in_dim3A_336, %select_n3A_306 : vector<1x16xi1>, vector<1x16xi32>
    %eq3A_338 = vector.broadcast %reduce_min3A_327 : i32 to vector<32x16xi32>
    %eq3A_339 = arith.cmpi eq, %get3A_4, %eq3A_338 : vector<32x16xi32>
    %and3A_340 = arith.andi %eq3A_319, %eq3A_339 : vector<32x16xi1>
    %jit3A_341 = arith.constant 3.400000e+38 : f32
    %broadcast_in_dim3A_342 = vector.broadcast %jit3A_341 : f32 to vector<32x16xf32>
    %select_n3A_343 = arith.select %and3A_340, %broadcast_in_dim3A_342, %select_n3A_312 : vector<32x16xi1>, vector<32x16xf32>
    %reduce_min3A_344 = vector.shape_cast %select_n3A_343 : vector<32x16xf32> to vector<1x32x16xf32>
    %reduce_min3A_345 = arith.constant dense<0x7F800000> : vector<1xf32>
    %reduce_min3A_346 = vector.multi_reduction <minimumf>, %reduce_min3A_344, %reduce_min3A_345 [1, 2] : vector<1x32x16xf32> to vector<1xf32>
    %reduce_min3A_347 = vector.shape_cast %reduce_min3A_346 : vector<1xf32> to vector<1x1x1xf32>
    %reduce_min3A_348 = vector.extract %reduce_min3A_347[0, 0, 0] : f32 from vector<1x1x1xf32>
    %eq3A_349 = vector.broadcast %reduce_min3A_348 : f32 to vector<32x16xf32>
    %eq3A_350 = arith.cmpf oeq, %select_n3A_343, %eq3A_349 : vector<32x16xf32>
    %jit3A_351 = arith.constant 2147483647 : i32
    %broadcast_in_dim3A_352 = vector.broadcast %jit3A_351 : i32 to vector<32x16xi32>
    %select_n3A_353 = arith.select %eq3A_350, %get3A_4, %broadcast_in_dim3A_352 : vector<32x16xi1>, vector<32x16xi32>
    %reduce_min3A_354 = vector.shape_cast %select_n3A_353 : vector<32x16xi32> to vector<1x32x16xi32>
    %reduce_min3A_355 = arith.constant dense<2147483647> : vector<1xi32>
    %reduce_min3A_356 = vector.multi_reduction <minsi>, %reduce_min3A_354, %reduce_min3A_355 [1, 2] : vector<1x32x16xi32> to vector<1xi32>
    %reduce_min3A_357 = vector.shape_cast %reduce_min3A_356 : vector<1xi32> to vector<1x1x1xi32>
    %reduce_min3A_358 = vector.extract %reduce_min3A_357[0, 0, 0] : i32 from vector<1x1x1xi32>
    %eq3A_359 = arith.constant 11 : i32
    %eq3A_360 = vector.broadcast %eq3A_359 : i32 to vector<1x16xi32>
    %eq3A_361 = arith.cmpi eq, %iota3A, %eq3A_360 : vector<1x16xi32>
    %broadcast_in_dim3A_362 = vector.broadcast %reduce_min3A_348 : f32 to vector<1x16xf32>
    %select_n3A_363 = arith.select %eq3A_361, %broadcast_in_dim3A_362, %select_n3A_332 : vector<1x16xi1>, vector<1x16xf32>
    %eq3A_364 = arith.constant 11 : i32
    %eq3A_365 = vector.broadcast %eq3A_364 : i32 to vector<1x16xi32>
    %eq3A_366 = arith.cmpi eq, %iota3A, %eq3A_365 : vector<1x16xi32>
    %broadcast_in_dim3A_367 = vector.broadcast %reduce_min3A_358 : i32 to vector<1x16xi32>
    %select_n3A_368 = arith.select %eq3A_366, %broadcast_in_dim3A_367, %select_n3A_337 : vector<1x16xi1>, vector<1x16xi32>
    %eq3A_369 = vector.broadcast %reduce_min3A_358 : i32 to vector<32x16xi32>
    %eq3A_370 = arith.cmpi eq, %get3A_4, %eq3A_369 : vector<32x16xi32>
    %and3A_371 = arith.andi %eq3A_350, %eq3A_370 : vector<32x16xi1>
    %jit3A_372 = arith.constant 3.400000e+38 : f32
    %broadcast_in_dim3A_373 = vector.broadcast %jit3A_372 : f32 to vector<32x16xf32>
    %select_n3A_374 = arith.select %and3A_371, %broadcast_in_dim3A_373, %select_n3A_343 : vector<32x16xi1>, vector<32x16xf32>
    %reduce_min3A_375 = vector.shape_cast %select_n3A_374 : vector<32x16xf32> to vector<1x32x16xf32>
    %reduce_min3A_376 = arith.constant dense<0x7F800000> : vector<1xf32>
    %reduce_min3A_377 = vector.multi_reduction <minimumf>, %reduce_min3A_375, %reduce_min3A_376 [1, 2] : vector<1x32x16xf32> to vector<1xf32>
    %reduce_min3A_378 = vector.shape_cast %reduce_min3A_377 : vector<1xf32> to vector<1x1x1xf32>
    %reduce_min3A_379 = vector.extract %reduce_min3A_378[0, 0, 0] : f32 from vector<1x1x1xf32>
    %eq3A_380 = vector.broadcast %reduce_min3A_379 : f32 to vector<32x16xf32>
    %eq3A_381 = arith.cmpf oeq, %select_n3A_374, %eq3A_380 : vector<32x16xf32>
    %jit3A_382 = arith.constant 2147483647 : i32
    %broadcast_in_dim3A_383 = vector.broadcast %jit3A_382 : i32 to vector<32x16xi32>
    %select_n3A_384 = arith.select %eq3A_381, %get3A_4, %broadcast_in_dim3A_383 : vector<32x16xi1>, vector<32x16xi32>
    %reduce_min3A_385 = vector.shape_cast %select_n3A_384 : vector<32x16xi32> to vector<1x32x16xi32>
    %reduce_min3A_386 = arith.constant dense<2147483647> : vector<1xi32>
    %reduce_min3A_387 = vector.multi_reduction <minsi>, %reduce_min3A_385, %reduce_min3A_386 [1, 2] : vector<1x32x16xi32> to vector<1xi32>
    %reduce_min3A_388 = vector.shape_cast %reduce_min3A_387 : vector<1xi32> to vector<1x1x1xi32>
    %reduce_min3A_389 = vector.extract %reduce_min3A_388[0, 0, 0] : i32 from vector<1x1x1xi32>
    %eq3A_390 = arith.constant 12 : i32
    %eq3A_391 = vector.broadcast %eq3A_390 : i32 to vector<1x16xi32>
    %eq3A_392 = arith.cmpi eq, %iota3A, %eq3A_391 : vector<1x16xi32>
    %broadcast_in_dim3A_393 = vector.broadcast %reduce_min3A_379 : f32 to vector<1x16xf32>
    %select_n3A_394 = arith.select %eq3A_392, %broadcast_in_dim3A_393, %select_n3A_363 : vector<1x16xi1>, vector<1x16xf32>
    %eq3A_395 = arith.constant 12 : i32
    %eq3A_396 = vector.broadcast %eq3A_395 : i32 to vector<1x16xi32>
    %eq3A_397 = arith.cmpi eq, %iota3A, %eq3A_396 : vector<1x16xi32>
    %broadcast_in_dim3A_398 = vector.broadcast %reduce_min3A_389 : i32 to vector<1x16xi32>
    %select_n3A_399 = arith.select %eq3A_397, %broadcast_in_dim3A_398, %select_n3A_368 : vector<1x16xi1>, vector<1x16xi32>
    %eq3A_400 = vector.broadcast %reduce_min3A_389 : i32 to vector<32x16xi32>
    %eq3A_401 = arith.cmpi eq, %get3A_4, %eq3A_400 : vector<32x16xi32>
    %and3A_402 = arith.andi %eq3A_381, %eq3A_401 : vector<32x16xi1>
    %jit3A_403 = arith.constant 3.400000e+38 : f32
    %broadcast_in_dim3A_404 = vector.broadcast %jit3A_403 : f32 to vector<32x16xf32>
    %select_n3A_405 = arith.select %and3A_402, %broadcast_in_dim3A_404, %select_n3A_374 : vector<32x16xi1>, vector<32x16xf32>
    %reduce_min3A_406 = vector.shape_cast %select_n3A_405 : vector<32x16xf32> to vector<1x32x16xf32>
    %reduce_min3A_407 = arith.constant dense<0x7F800000> : vector<1xf32>
    %reduce_min3A_408 = vector.multi_reduction <minimumf>, %reduce_min3A_406, %reduce_min3A_407 [1, 2] : vector<1x32x16xf32> to vector<1xf32>
    %reduce_min3A_409 = vector.shape_cast %reduce_min3A_408 : vector<1xf32> to vector<1x1x1xf32>
    %reduce_min3A_410 = vector.extract %reduce_min3A_409[0, 0, 0] : f32 from vector<1x1x1xf32>
    %eq3A_411 = vector.broadcast %reduce_min3A_410 : f32 to vector<32x16xf32>
    %eq3A_412 = arith.cmpf oeq, %select_n3A_405, %eq3A_411 : vector<32x16xf32>
    %jit3A_413 = arith.constant 2147483647 : i32
    %broadcast_in_dim3A_414 = vector.broadcast %jit3A_413 : i32 to vector<32x16xi32>
    %select_n3A_415 = arith.select %eq3A_412, %get3A_4, %broadcast_in_dim3A_414 : vector<32x16xi1>, vector<32x16xi32>
    %reduce_min3A_416 = vector.shape_cast %select_n3A_415 : vector<32x16xi32> to vector<1x32x16xi32>
    %reduce_min3A_417 = arith.constant dense<2147483647> : vector<1xi32>
    %reduce_min3A_418 = vector.multi_reduction <minsi>, %reduce_min3A_416, %reduce_min3A_417 [1, 2] : vector<1x32x16xi32> to vector<1xi32>
    %reduce_min3A_419 = vector.shape_cast %reduce_min3A_418 : vector<1xi32> to vector<1x1x1xi32>
    %reduce_min3A_420 = vector.extract %reduce_min3A_419[0, 0, 0] : i32 from vector<1x1x1xi32>
    %eq3A_421 = arith.constant 13 : i32
    %eq3A_422 = vector.broadcast %eq3A_421 : i32 to vector<1x16xi32>
    %eq3A_423 = arith.cmpi eq, %iota3A, %eq3A_422 : vector<1x16xi32>
    %broadcast_in_dim3A_424 = vector.broadcast %reduce_min3A_410 : f32 to vector<1x16xf32>
    %select_n3A_425 = arith.select %eq3A_423, %broadcast_in_dim3A_424, %select_n3A_394 : vector<1x16xi1>, vector<1x16xf32>
    %eq3A_426 = arith.constant 13 : i32
    %eq3A_427 = vector.broadcast %eq3A_426 : i32 to vector<1x16xi32>
    %eq3A_428 = arith.cmpi eq, %iota3A, %eq3A_427 : vector<1x16xi32>
    %broadcast_in_dim3A_429 = vector.broadcast %reduce_min3A_420 : i32 to vector<1x16xi32>
    %select_n3A_430 = arith.select %eq3A_428, %broadcast_in_dim3A_429, %select_n3A_399 : vector<1x16xi1>, vector<1x16xi32>
    %eq3A_431 = vector.broadcast %reduce_min3A_420 : i32 to vector<32x16xi32>
    %eq3A_432 = arith.cmpi eq, %get3A_4, %eq3A_431 : vector<32x16xi32>
    %and3A_433 = arith.andi %eq3A_412, %eq3A_432 : vector<32x16xi1>
    %jit3A_434 = arith.constant 3.400000e+38 : f32
    %broadcast_in_dim3A_435 = vector.broadcast %jit3A_434 : f32 to vector<32x16xf32>
    %select_n3A_436 = arith.select %and3A_433, %broadcast_in_dim3A_435, %select_n3A_405 : vector<32x16xi1>, vector<32x16xf32>
    %reduce_min3A_437 = vector.shape_cast %select_n3A_436 : vector<32x16xf32> to vector<1x32x16xf32>
    %reduce_min3A_438 = arith.constant dense<0x7F800000> : vector<1xf32>
    %reduce_min3A_439 = vector.multi_reduction <minimumf>, %reduce_min3A_437, %reduce_min3A_438 [1, 2] : vector<1x32x16xf32> to vector<1xf32>
    %reduce_min3A_440 = vector.shape_cast %reduce_min3A_439 : vector<1xf32> to vector<1x1x1xf32>
    %reduce_min3A_441 = vector.extract %reduce_min3A_440[0, 0, 0] : f32 from vector<1x1x1xf32>
    %eq3A_442 = vector.broadcast %reduce_min3A_441 : f32 to vector<32x16xf32>
    %eq3A_443 = arith.cmpf oeq, %select_n3A_436, %eq3A_442 : vector<32x16xf32>
    %jit3A_444 = arith.constant 2147483647 : i32
    %broadcast_in_dim3A_445 = vector.broadcast %jit3A_444 : i32 to vector<32x16xi32>
    %select_n3A_446 = arith.select %eq3A_443, %get3A_4, %broadcast_in_dim3A_445 : vector<32x16xi1>, vector<32x16xi32>
    %reduce_min3A_447 = vector.shape_cast %select_n3A_446 : vector<32x16xi32> to vector<1x32x16xi32>
    %reduce_min3A_448 = arith.constant dense<2147483647> : vector<1xi32>
    %reduce_min3A_449 = vector.multi_reduction <minsi>, %reduce_min3A_447, %reduce_min3A_448 [1, 2] : vector<1x32x16xi32> to vector<1xi32>
    %reduce_min3A_450 = vector.shape_cast %reduce_min3A_449 : vector<1xi32> to vector<1x1x1xi32>
    %reduce_min3A_451 = vector.extract %reduce_min3A_450[0, 0, 0] : i32 from vector<1x1x1xi32>
    %eq3A_452 = arith.constant 14 : i32
    %eq3A_453 = vector.broadcast %eq3A_452 : i32 to vector<1x16xi32>
    %eq3A_454 = arith.cmpi eq, %iota3A, %eq3A_453 : vector<1x16xi32>
    %broadcast_in_dim3A_455 = vector.broadcast %reduce_min3A_441 : f32 to vector<1x16xf32>
    %select_n3A_456 = arith.select %eq3A_454, %broadcast_in_dim3A_455, %select_n3A_425 : vector<1x16xi1>, vector<1x16xf32>
    %eq3A_457 = arith.constant 14 : i32
    %eq3A_458 = vector.broadcast %eq3A_457 : i32 to vector<1x16xi32>
    %eq3A_459 = arith.cmpi eq, %iota3A, %eq3A_458 : vector<1x16xi32>
    %broadcast_in_dim3A_460 = vector.broadcast %reduce_min3A_451 : i32 to vector<1x16xi32>
    %select_n3A_461 = arith.select %eq3A_459, %broadcast_in_dim3A_460, %select_n3A_430 : vector<1x16xi1>, vector<1x16xi32>
    %eq3A_462 = vector.broadcast %reduce_min3A_451 : i32 to vector<32x16xi32>
    %eq3A_463 = arith.cmpi eq, %get3A_4, %eq3A_462 : vector<32x16xi32>
    %and3A_464 = arith.andi %eq3A_443, %eq3A_463 : vector<32x16xi1>
    %jit3A_465 = arith.constant 3.400000e+38 : f32
    %broadcast_in_dim3A_466 = vector.broadcast %jit3A_465 : f32 to vector<32x16xf32>
    %select_n3A_467 = arith.select %and3A_464, %broadcast_in_dim3A_466, %select_n3A_436 : vector<32x16xi1>, vector<32x16xf32>
    %reduce_min3A_468 = vector.shape_cast %select_n3A_467 : vector<32x16xf32> to vector<1x32x16xf32>
    %reduce_min3A_469 = arith.constant dense<0x7F800000> : vector<1xf32>
    %reduce_min3A_470 = vector.multi_reduction <minimumf>, %reduce_min3A_468, %reduce_min3A_469 [1, 2] : vector<1x32x16xf32> to vector<1xf32>
    %reduce_min3A_471 = vector.shape_cast %reduce_min3A_470 : vector<1xf32> to vector<1x1x1xf32>
    %reduce_min3A_472 = vector.extract %reduce_min3A_471[0, 0, 0] : f32 from vector<1x1x1xf32>
    %eq3A_473 = vector.broadcast %reduce_min3A_472 : f32 to vector<32x16xf32>
    %eq3A_474 = arith.cmpf oeq, %select_n3A_467, %eq3A_473 : vector<32x16xf32>
    %jit3A_475 = arith.constant 2147483647 : i32
    %broadcast_in_dim3A_476 = vector.broadcast %jit3A_475 : i32 to vector<32x16xi32>
    %select_n3A_477 = arith.select %eq3A_474, %get3A_4, %broadcast_in_dim3A_476 : vector<32x16xi1>, vector<32x16xi32>
    %reduce_min3A_478 = vector.shape_cast %select_n3A_477 : vector<32x16xi32> to vector<1x32x16xi32>
    %reduce_min3A_479 = arith.constant dense<2147483647> : vector<1xi32>
    %reduce_min3A_480 = vector.multi_reduction <minsi>, %reduce_min3A_478, %reduce_min3A_479 [1, 2] : vector<1x32x16xi32> to vector<1xi32>
    %reduce_min3A_481 = vector.shape_cast %reduce_min3A_480 : vector<1xi32> to vector<1x1x1xi32>
    %reduce_min3A_482 = vector.extract %reduce_min3A_481[0, 0, 0] : i32 from vector<1x1x1xi32>
    %eq3A_483 = arith.constant 15 : i32
    %eq3A_484 = vector.broadcast %eq3A_483 : i32 to vector<1x16xi32>
    %eq3A_485 = arith.cmpi eq, %iota3A, %eq3A_484 : vector<1x16xi32>
    %broadcast_in_dim3A_486 = vector.broadcast %reduce_min3A_472 : f32 to vector<1x16xf32>
    %select_n3A_487 = arith.select %eq3A_485, %broadcast_in_dim3A_486, %select_n3A_456 : vector<1x16xi1>, vector<1x16xf32>
    %eq3A_488 = arith.constant 15 : i32
    %eq3A_489 = vector.broadcast %eq3A_488 : i32 to vector<1x16xi32>
    %eq3A_490 = arith.cmpi eq, %iota3A, %eq3A_489 : vector<1x16xi32>
    %broadcast_in_dim3A_491 = vector.broadcast %reduce_min3A_482 : i32 to vector<1x16xi32>
    %select_n3A_492 = arith.select %eq3A_490, %broadcast_in_dim3A_491, %select_n3A_461 : vector<1x16xi1>, vector<1x16xi32>
    %swap3A = arith.constant 0 : index
    %swap3A_493 = arith.constant 0 : index
    %swap3A_494 = vector.load %arg2[%swap3A, %swap3A_493] : memref<1x16xf32, #tpu.memory_space<vmem>>, vector<1x16xf32>
    tpu.vector_store %arg2[%swap3A, %swap3A_493], %select_n3A_487 {strides = array<i32>} : memref<1x16xf32, #tpu.memory_space<vmem>>, vector<1x16xf32>,
    %swap3A_495 = arith.constant 0 : index
    %swap3A_496 = arith.constant 0 : index
    %swap3A_497 = vector.load %arg3[%swap3A_495, %swap3A_496] : memref<1x16xi32, #tpu.memory_space<vmem>>, vector<1x16xi32>
    tpu.vector_store %arg3[%swap3A_495, %swap3A_496], %select_n3A_492 {strides = array<i32>} : memref<1x16xi32, #tpu.memory_space<vmem>>, vector<1x16xi32>,
    return
  }
}

</mosaic_0001>

<sc_bundles>
// kernel: kernel.4.cloned.1.call-start
scs
__scs_entry_jumppad:
0x0: {  	(pc) =	sbr.rel $0x88, $3  }
0x1: {  	(tag) =	ssettag $0x0;
	lr =	simm.s32 $0x1  }
0x2: {  	[smem:$0x3F9F] =	sst lr;
	_ =	strace $0xD0000000  }
0x3: {  	_ = 	snop  }
0x4: {  	_ = 	snop  }
0x5: {  	_ = 	snop  }
0x6: {  	_ = 	snop  }
0x7: {  	_ = 	snop  }
__scs_overlays_trampoline_lowered:
0x8: {  	[smem:$0x3FAE] =	sst s0  }
0x9: {  	[smem:$0x3FAF] =	sst s1  }
0xa: {  	[smem:$0x3FB0] =	sst s2  }
0xb: {  	[smem:$0x3FB1] =	sst s3  }
0xc: {  	[smem:$0x3FB2] =	sst s4  }
0xd: {  	[smem:$0x3FB3] =	sst s5  }
0xe: {  	[smem:$0x3FB4] =	sst s6  }
0xf: {  	[smem:$0x3FB5] =	sst s7  }
0x10: {  	[smem:$0x3FB6] =	sst s8  }
0x11: {  	[smem:$0x3FB7] =	sst s9;
	s0 =	simm.s32 @!p0 $0x0  }
0x12: {  	s1 =	sld [smem:$0x3F9D];
	s0 =	simm.s32 @p0 $0x1  }
0x13: {  	[smem:$0x3FB8] =	sst s0;
	s0 =	simm.s32 @!p1 $0x0  }
0x14: {  	s2 =	sld [smem:$0x3F9C];
	s0 =	simm.s32 @p1 $0x1  }
0x15: {  	[smem:$0x3FB9] =	sst s0;
	s0 =	simm.s32 @!p2 $0x0  }
0x16: {  	s3 =	sld [smem:$0x3FDB];
	s0 =	simm.s32 @p2 $0x1  }
0x17: {  	s4 =	simm.s32 $0x1BF5;
	[smem:$0x3FBB] =	sst s0  }
0x18: {  	s0 =	sld [smem:$0x3F9E];
	_ =	swait.ge [sflag:s4], $0x0  }
0x19: {  	s7 =	sld [smem:$0x3F9F]  }
0x1a: {  	s8 =	sadd.s32 $0xFFFFE003, lr  }
0x1b: {  	s9 =	sadd.s32 $0xFFFFFEF7, lr;
	s5 =	simm.s32 $0xFFFFFFFF;
	p2 =	slt.u32 s8, $0xFFFFF086  }
0x1c: {  	p1 =	slt.u32 s9, $0xF7A;
	s5 =	simm.s32 @!p2 $0x0  }
0x1d: {  	s5 =	simm.s32 @p1 $0x1;
	p0 =	seq.s32 s7, s2  }
0x1e: {  	s7 =	smul.u32 @!p0 $0xF7A, s2;
	p2 =	seq.s32 @!p0 s5, $0x0  }
0x1f: {  	s9 =	smul.u32 $0xF7A, s1;
	s8 =	simm.s32 @!p0 $0x1BF5;
	p2 =	por !p2, p0  }
0x20: {  	[sflag:s8] =	ssyncset.s32 @!p0 $0xFFFFF086;
	s6 =	sadd.s32 @!p0 s3, s7;
	s7 =	simm.s32 @!p0 $0x108  }
0x21: {  	s3 =	sadd.s32 s3, s9;
	s6 =	sadd.s32 @!p0 $0x88, s6;
	s7 =	simm.s32 @p2 $0x1082  }
0x22: {  	[simem:s7], [sflag:s8] =	dma.local @!p0 [hbm:s6], $0xF7A  }
0x23: {  	s9 =	sor.u32 $0xD0000000, s2;
	s6 =	simm.s32 $0x108;
	_ =	swait.ge @!p0 [sflag:s8], $0x0  }
0x24: {  	s3 =	sadd.s32 $0x88, s3;
	s6 =	simm.s32 @!p1 $0x1082;
	[sflag:s4] =	ssyncset.s32 $0xFFFFF086  }
0x25: {  	[simem:s6], [sflag:s4] =	dma.local [hbm:s3], $0xF7A  }
0x26: {  	[smem:$0x3F9F] =	sst s1;
	(tag) =	ssettag s2;
	_ =	strace s9  }
0x27: {  	s1 =	sld [smem:$0x3FAF]  }
0x28: {  	s2 =	sld [smem:$0x3FB0]  }
0x29: {  	s4 =	sld [smem:$0x3FB2]  }
0x2a: {  	p0 =	seq.s32 s5, $0x0;
	s5 =	sld [smem:$0x3FB3]  }
0x2b: {  	s6 =	sld [smem:$0x3FB4]  }
0x2c: {  	s7 =	sld [smem:$0x3FB5]  }
0x2d: {  	s3 =	simm.s32 $0x108;
	s8 =	sld [smem:$0x3FB6]  }
0x2e: {  	s3 =	simm.s32 @!p0 $0x1082;
	s9 =	sld [smem:$0x3FB7]  }
0x2f: {  	lr =	sadd.s32 s0, s3;
	s0 =	sld [smem:$0x3FAE]  }
0x30: {  	s3 =	sld [smem:$0x3FB1]  }
0x31: {  	[smem:$0x3FBA] =	sst s10  }
0x32: {  	s10 =	sld [smem:$0x3FB8];
	_ =	sdelay $0x3  }
0x33: {  	p0 =	seq.s32 s10, $0x1;
	s10 =	sld [smem:$0x3FBA];
	_ =	sdelay $0x3  }
0x34: {  	[smem:$0x3FBA] =	sst s10  }
0x35: {  	s10 =	sld [smem:$0x3FB9];
	_ =	sdelay $0x3  }
0x36: {  	p1 =	seq.s32 s10, $0x1;
	s10 =	sld [smem:$0x3FBA];
	_ =	sdelay $0x3  }
0x37: {  	[smem:$0x3FBA] =	sst s10  }
0x38: {  	s10 =	sld [smem:$0x3FBB]  }
0x39: {  	_ = 	snop;
	(pc) =	sbr.ind lr, $3  }
0x3a: {  	_ = 	snop  }
0x3b: {  	_ = 	snop  }
0x3c: {  	p2 =	seq.s32 s10, $0x1;
	s10 =	sld [smem:$0x3FBA]  }
0x3d: {  	_ =	shalt  }
0x3e: {  	_ =	shalt  }
0x3f: {  	_ =	shalt  }
0x40: {  	_ =	shalt  }
0x41: {  	_ =	shalt  }
0x42: {  	_ =	shalt  }
0x43: {  	_ =	shalt  }
0x44: {  	_ =	shalt  }
0x45: {  	_ =	shalt  }
0x46: {  	_ =	shalt  }
0x47: {  	_ =	shalt  }
0x48: {  	_ =	shalt  }
0x49: {  	_ =	shalt  }
0x4a: {  	_ =	shalt  }
0x4b: {  	_ =	shalt  }
0x4c: {  	_ =	shalt  }
0x4d: {  	_ =	shalt  }
0x4e: {  	_ =	shalt  }
0x4f: {  	_ =	shalt  }
0x50: {  	_ =	shalt  }
0x51: {  	_ =	shalt  }
0x52: {  	_ =	shalt  }
0x53: {  	_ =	shalt  }
0x54: {  	_ =	shalt  }
0x55: {  	_ =	shalt  }
0x56: {  	_ =	shalt  }
0x57: {  	_ =	shalt  }
0x58: {  	_ =	shalt  }
0x59: {  	_ =	shalt  }
0x5a: {  	_ =	shalt  }
0x5b: {  	_ =	shalt  }
0x5c: {  	_ =	shalt  }
0x5d: {  	_ =	shalt  }
0x5e: {  	_ =	shalt  }
0x5f: {  	_ =	shalt  }
0x60: {  	_ =	shalt  }
0x61: {  	_ =	shalt  }
0x62: {  	_ =	shalt  }
0x63: {  	_ =	shalt  }
0x64: {  	_ =	shalt  }
0x65: {  	_ =	shalt  }
0x66: {  	_ =	shalt  }
0x67: {  	_ =	shalt  }
0x68: {  	_ =	shalt  }
0x69: {  	_ =	shalt  }
0x6a: {  	_ =	shalt  }
0x6b: {  	_ =	shalt  }
0x6c: {  	_ =	shalt  }
0x6d: {  	_ =	shalt  }
0x6e: {  	_ =	shalt  }
0x6f: {  	_ =	shalt  }
0x70: {  	_ =	shalt  }
0x71: {  	_ =	shalt  }
0x72: {  	_ =	shalt  }
0x73: {  	_ =	shalt  }
0x74: {  	_ =	shalt  }
0x75: {  	_ =	shalt  }
0x76: {  	_ =	shalt  }
0x77: {  	_ =	shalt  }
0x78: {  	_ =	shalt  }
0x79: {  	_ =	shalt  }
0x7a: {  	_ =	shalt  }
0x7b: {  	_ =	shalt  }
0x7c: {  	_ =	shalt  }
0x7d: {  	_ =	shalt  }
0x7e: {  	_ =	shalt  }
0x7f: {  	_ =	shalt  }
0x80: {  	_ =	shalt  }
0x81: {  	_ =	shalt  }
0x82: {  	_ =	shalt  }
0x83: {  	_ =	shalt  }
0x84: {  	_ =	shalt  }
0x85: {  	_ =	shalt  }
0x86: {  	_ =	shalt  }
0x87: {  	_ =	shalt  }
.Lfunc_end0:
.L_simem_size_0:
called_computation_lowered:
.L_overlay_start_0:
0x88: {  	s2 =	sld [smem:$0x3FD9]  }
0x89: {  	s3 =	sld [smem:$0x3FFE];
	_ =	sdelay $0x1  }
0x8a: {  	s1 =	srdreg.scid  }
0x8b: {  	s0 =	sand.u32 $0x1, s1  }
0x8c: {  	s17 =	sshll.u32 s0, $0xA;
	s2 =	sadd.s32 s3, s2  }
0x8d: {  	s2 =	sadd.s32 s2, s17  }
0x8e: {  	[smem:$0x3FC6] =	sst s2  }
0x8f: {  	_ = 	snop  }
0x90: {  	s2 =	sld [smem:$0x3FC9];
	(tm) =	ssettm $0x1  }
0x91: {  	s18 =	sld [smem:$0x3FFB];
	_ =	sdelay $0x3  }
0x92: {  	_ =	strace s18  }
0x93: {  	s3 =	sld [smem:$0x3FFC];
	_ =	sdelay $0x3  }
0x94: {  	_ =	strace s3  }
0x95: {  	s3 =	sld [smem:$0x3FFD];
	_ =	sdelay $0x3  }
0x96: {  	_ =	strace s3  }
0x97: {  	_ =	strace $0x8FFFFFFF  }
0x98: {  	s19 =	sld [smem:$0x3FDB];
	_ =	sdelay $0x1  }
0x99: {  	s4 =	simm.s32 $_scs_section_size  }
0x9a: {  	s5 =	simm.s32 $_size__tile_overlayer_lowered;
	s6 =	simm.s32 $_tile_overlayer_lowered  }
0x9b: {  	s22 =	simm.s32 $0x1BFF;
	s21 =	sshll.u32 s6, $0x1;
	s3 =	sadd.s32 s4, s19  }
0x9c: {  	s7 =	simm.s32 $0x0;
	s20 =	sshll.u32 s5, $0x1;
	s5 =	sadd.s32 s21, s3  }
0x9d: {  	[timem:s7], [sflag:s22] =	dma.local [hbm:s5], s20  }
0x9e: {  	_ =	swait.ge [sflag:s22], s20  }
0x9f: {  	s4 =	ssub.s32 $0x0, s20;
	[sflag:s22] =	ssyncset.done $0x0  }
0xa0: {  	[sflag:s22] =	ssyncadd.s32 s4;
	_ =	sdelay $0x1  }
0xa1: {  	s23 =	simm.s32 $0x1B8B  }
0xa2: {  	_ =	swait.ge [sflag:s23], $0x1  }
0xa3: {  	[sflag:s23] =	ssyncset.done $0x0  }
0xa4: {  	s25 =	simm.s32 $0x1B8E;
	s24 =	sld [smem:$0x3FFE];
	[sflag:s23] =	ssyncadd.s32 $0xFFFFFFFF  }
0xa5: {  	s26 =	simm.s32 $execute0_lowered;
	[smem:$0x3FD2] =	sst s25  }
0xa6: {  	s5 =	sshll.u32 s26, $0x1;
	_ =	strace $0x80000046;
	[dreg:$0x1] =	wrdreg $0xFFFFFFFF  }
0xa7: {  	s28 =	simm.s32 $_size_execute0_lowered;
	s3 =	sadd.s32 s3, s5;
	[dreg:$0x0] =	wrdreg $0x0  }
0xa8: {  	s5 =	sshll.u32 s28, $0x1;
	[dreg:$0x2] =	wrdreg s3  }
0xa9: {  	[dreg:$0x3] =	wrdreg s5  }
0xaa: {  	[dreg:$0x4] =	wrdreg $0xC0  }
0xab: {  	_ =	task [dreg:s7], $0x5FFFF  }
0xac: {  	[dreg:$0x1] =	wrdreg $0xFFFFFFFF  }
0xad: {  	[dreg:$0x0] =	wrdreg $0x60  }
0xae: {  	[dreg:$0x2] =	wrdreg s2  }
0xaf: {  	[dreg:$0x3] =	wrdreg s24  }
0xb0: {  	[dreg:$0x4] =	wrdreg $0x9  }
0xb1: {  	_ =	task.clear_ibuf [dreg:s7], $0x5FFFF;
	_ =	strace $0x90000046  }
0xb2: {  	s29 =	simm.s32 $0x9;
	_ =	strace $0x80000048  }
0xb3: {  	_ =	swait.ge [sflag:s29], $0x1  }
0xb4: {  	[sflag:s29] =	ssyncadd.s32 $0xFFFFFFFF  }
0xb5: {  	_ =	strace $0x90000048  }
0xb6: {  	_ =	sfence  }
0xb7: {  	s30 =	sld [smem:$0x0];
	_ =	sdelay $0x2  }
0xb8: {  	s31 =	sshll.u32 s1, $0xD;
	s1 =	sshrl.u32 s1, $0x2  }
0xb9: {  	s3 =	sand.u32 $0x4000, s31;
	s1 =	sadd.s32 s1, s30  }
0xba: {  	s0 =	sor.u32 s3, s0;
	s1 =	sshll.u32 s1, $0x11  }
0xbb: {  	s0 =	sor.u32 s1, s0  }
0xbc: {  	s0 =	sadd.s32 $0x8F2B, s0  }
0xbd: {  	[sflag:s0] =	ssyncadd.remote.s32 $0x1  }
0xbe: {  	_ =	sfence.sel $0xFFFF  }
0xbf: {  	[dreg:$0x0] =	wrdreg $0xFFFFFFFF;
	(pc) =	sbr.abs _section_cstart, $3  }
0xc0: {  	[dreg:$0x1] =	wrdreg $0xFFFFFFFF  }
0xc1: {  	_ =	task.clear_ibuf [dreg:s7], $0x2FFFF;
	_ =	strace $0x9FFFFFFF  }
0xc2: {  	(tm) =	ssettm $0x7FFFFFFF  }
0xc3: {  	_ =	shalt  }
tec
execute0_lowered:
.L_overlay_start_1:
0x0: {  	(tag) =	ssettag $0x1  }
0x1: {  	s1 =	rddreg [dreg:$0x0]  }
0x2: {  	v0 =	vimm.s32 $0xFEDCBA98;
	v1 =	vimm.s32 $0x76543210;
	s5 =	rddreg [dreg:$0x1];
	v58 =	vimm.s32 $0xBA98FEDC  }
0x3: {  	s0 =	rddreg [dreg:$0x2];
	v59 =	vimm.s32 $0x32107654;
	v2 =	vimm.s32 $0xDCFE98BA;
	v0 =	vunpack.c.l.s4.s8 v0  }
0x4: {  	s3 =	simm.s32 $0x0;
	s4 =	srdreg.scid;
	s2 =	stileid.u32;
	v3 =	vimm.s32 $0x54761032;
	v4 =	vimm.s32 $0xEFCDAB89;
	v1 =	vunpack.c.l.s4.s8 v1  }
0x5: {  	v5 =	vimm.s32 $0x67452301;
	v6 =	vlaneseq.u32;
	s16 =	simm.s32 $0x3;
	s17 =	simm.s32 $0xF400;
	s18 =	simm.s32 $0x1;
	v0 =	vunpack.c.0.s8.s32 v0  }
0x6: {  	vm0 =	vmmov $0x1;
	vm1 =	vmmov $0x3;
	s19 =	simm.s32 $0x2;
	s20 =	simm.s32 $0x1E840;
	s21 =	simm.s32 $0x1E850;
	v1 =	vunpack.c.0.s8.s32 v1  }
0x7: {  	s8 =	sand.u32 $0x1, s4;
	s6 =	sshll.u32 s2, $0x1;
	v2 =	vunpack.c.l.s4.s8 v2;
	v3 =	vunpack.c.l.s4.s8 v3;
	s14 =	smul.u32 $0xF424, s2;
	v0 =	vand.u32 $0xF, v0  }
0x8: {  	vm2 =	vmmov $0x7;
	[smem:$0x7FF] =	sst s3;
	v4 =	vunpack.c.l.s4.s8 v4;
	s6 =	sor.u32 s8, s6;
	s15 =	smul.u32 $0x7A12, s8;
	v0 =	vcombine.low v0, v1  }
0x9: {  	s22 =	simm.s32 $0x0;
	s4 =	sadd.s32 $0xF42C00, s5;
	v5 =	vunpack.c.l.s4.s8 v5;
	s9 =	smul.u32 $0x1E8480, s6;
	v2 =	vunpack.c.0.s8.s32 v2;
	v3 =	vunpack.c.0.s8.s32 v3  }
0xa: {  	vm3 =	vmmov $0xf;
	s26 =	ssub.s32 $0x2, s8;
	s7 =	sshll.u32 s6, $0x1;
	s12 =	smul.u32 $0x7A12, s6;
	v1 =	vunpack.c.l.s4.s8 v59;
	[tilespmem:$0x1FFA0] =	vst v0;
	v0 =	vunpack.c.l.s4.s8 v58  }
0xb: {  	s28 =	smul.u32 $0x3D090, s6;
	s10 =	sshrl.u32 s26, $0x1;
	v4 =	vunpack.c.0.s8.s32 v4;
	v5 =	vunpack.c.0.s8.s32 v5;
	s11 =	sadd.s32 s7, s5;
	v60 =	vcombine.low v3, v2  }
0xc: {  	vm4 =	vmmov $0x1f;
	s13 =	ssub.s32 s26, s10;
	s29 =	sshrl.u32 s9, $0x3;
	s30 =	sadd.s32 $0x7A00, s12;
	v1 =	vunpack.c.0.s8.s32 v1;
	v0 =	vunpack.c.0.s8.s32 v0  }
.Ltmp0:
0xd: {  	vm5 =	vmmov $0x3f;
	s5 =	sadd.s32 s4, s28;
	v63 =	vcombine.low v5, v4;
	v62 =	vadd.s32 s30, v6;
	_ =	strace $0x80000047;
	[tilespmem:$0x1FFC0] =	vst v60;
	(pc) =	sbr.rel .LBB2_1-.Ltmp0, $4  }
0xe: {  	vm6 =	vmmov $0x7f;
	vm7 =	vmmov $0xff;
	s7 =	sadd.s32 $0x7A0, s12;
	s8 =	sadd.s32 $0xB70, s12;
	s10 =	sadd.s32 $0xA00, s11;
	[tilespmem:$0x1FFD0] =	vst v62;
	v0 =	vcombine.low v1, v0  }
0xf: {  	vm8 =	vmmov $0x1ff;
	vm9 =	vmmov $0x3ff;
	v61 =	vor.u32 $0x10, v6;
	s11 =	sadd.s32 $0x800, s11;
	s12 =	smax.u32 s13, $0x1;
	s13 =	sadd.s32 s15, s14;
	[tilespmem:$0x1FFF0] =	vst v63  }
0x10: {  	vm10 =	vmmov $0x7ff;
	vm11 =	vmmov $0xfff;
	s15 =	simm.s32 $0x1E800;
	s6 =	sadd.s32 s4, s29;
	s31 =	sshll.u32 s30, $0x3;
	[tilespmem:$0x1FFB0] =	vst v0;
	v0 =	vadd.s32 s30, v61  }
0x11: {  	vm12 =	vmmov $0x1fff;
	vm13 =	vmmov $0x3fff;
	vm14 =	vmmov $0x7fff;
	s14 =	sadd.s32 $0x3D0, s13;
	s6 =	sadd.s32 $0x1E80, s6;
	s9 =	sadd.s32 s4, s31;
	[tilespmem:$0x1FFE0] =	vst v0  }
.LBB2_8:
0x12: {  	[tilespmem:s3], [sflag:$0x3] =	stream.linear.gather [hbm4b:s9+s3], $0x480, $0x38;
	[tilespmem:$0x1E860] =	vst v63  }
0x13: {  	_ =	swait.ge [sflag:s16], $0x480  }
0x14: {  	[sflag:s16] =	ssyncset.done $0x0  }
0x15: {  	[sflag:s16] =	ssyncadd.s32 $0xFFFFFB80  }
0x16: {  	v0 =	vld [tilespmem:$0x0]  }
0x17: {  	v1 =	vld [tilespmem:$0x10]  }
0x18: {  	v2 =	vld [tilespmem:$0x20]  }
0x19: {  	v3 =	vld [tilespmem:$0x40]  }
0x1a: {  	v4 =	vld [tilespmem:$0x50]  }
0x1b: {  	v5 =	vld [tilespmem:$0x30]  }
0x1c: {  	v12 =	vld [tilespmem:$0x60]  }
0x1d: {  	v40 =	vld [tilespmem:$0x70]  }
0x1e: {  	v51 =	vld [tilespmem:$0x80];
	v6 =	vmul.f32 v0, v9;
	v11 =	vmul.f32 v1, v10  }
0x1f: {  	v55 =	vld [tilespmem:$0x90];
	v0 =	vmul.f32 v0, v0;
	v1 =	vmul.f32 v1, v1  }
0x20: {  	v56 =	vld [tilespmem:$0xA0];
	v38 =	vmul.f32 v2, v8;
	v39 =	vmul.f32 v2, v2  }
0x21: {  	v58 =	vld [tilespmem:$0xB0];
	v41 =	vmul.f32 v3, v9;
	v13 =	vmul.f32 v4, v10  }
0x22: {  	v61 =	vld [tilespmem:$0xC0];
	v42 =	vmul.f32 v3, v3;
	v43 =	vmul.f32 v4, v4  }
0x23: {  	v63 =	vld [tilespmem:$0xD0];
	v44 =	vmul.f32 v5, v62;
	v45 =	vmul.f32 v12, v8  }
0x24: {  	v23 =	vld [tilespmem:$0xE0];
	v5 =	vmul.f32 v5, v5;
	v46 =	vmul.f32 v12, v12  }
0x25: {  	v25 =	vld [tilespmem:$0xF0];
	v48 =	vmul.f32 v40, v62;
	v2 =	vmul.f32 v40, v40  }
0x26: {  	v18 =	vld [tilespmem:$0x100];
	v59 =	vmul.f32 v51, v9;
	v60 =	vmul.f32 v55, v10  }
0x27: {  	v28 =	vld [tilespmem:$0x110];
	v22 =	vmul.f32 v56, v8;
	v24 =	vmul.f32 v56, v56  }
0x28: {  	v33 =	vld [tilespmem:$0x120];
	v27 =	vmul.f32 v58, v62;
	v3 =	vmul.f32 v58, v58  }
0x29: {  	v19 =	vld [tilespmem:$0x140];
	v29 =	vmul.f32 v61, v9;
	v30 =	vmul.f32 v63, v10  }
0x2a: {  	v36 =	vld [tilespmem:$0x130];
	v31 =	vmul.f32 v61, v61;
	v32 =	vmul.f32 v63, v63  }
0x2b: {  	v7 =	vld [tilespmem:$0x1E0];
	v34 =	vmul.f32 v23, v8;
	v35 =	vmul.f32 v25, v62  }
0x2c: {  	v37 =	vmul.f32 v18, v18;
	v12 =	vmul.f32 v28, v28;
	v6 =	vadd.f32 v11, v6  }
0x2d: {  	v40 =	vmul.f32 v33, v8;
	v0 =	vadd.f32 v1, v0;
	v11 =	vadd.f32 v13, v41  }
0x2e: {  	v20 =	vld [tilespmem:$0x150];
	v1 =	vadd.f32 v43, v42;
	v13 =	vmul.f32 v23, v23;
	v41 =	vadd.f32 v12, v37  }
0x2f: {  	v43 =	vmul.f32 v19, v9;
	v23 =	vmul.f32 v36, v62;
	v6 =	vadd.f32 v38, v6  }
0x30: {  	v42 =	vld [tilespmem:$0x170];
	v37 =	vmul.f32 v7, v7;
	v0 =	vadd.f32 v39, v0;
	v1 =	vadd.f32 v46, v1  }
0x31: {  	v47 =	vadd.f32 v45, v11;
	v38 =	vld [tilespmem:$0x160];
	v11 =	vmul.f32 v33, v33;
	v46 =	vmul.f32 v19, v19  }
0x32: {  	v45 =	vld [tilespmem:$0x180];
	v4 =	vadd.f32 v44, v6;
	v50 =	vadd.f32 v2, v1;
	v1 =	vmul.f32 v55, v55  }
0x33: {  	v33 =	vld [tilespmem:$0x1F0];
	v0 =	vadd.f32 v5, v0;
	v2 =	vmul.f32 v25, v25;
	v44 =	vmul.f32 v20, v10  }
0x34: {  	v49 =	vadd.f32 v48, v47;
	v47 =	vmul.f32 v20, v20;
	v48 =	vld [tilespmem:$0x190];
	v5 =	vmul.f32 v36, v36  }
0x35: {  	v25 =	vld [tilespmem:$0x200];
	v36 =	vmul.f32 v7, v8;
	v58 =	vmul.f32 v42, v42;
	(xrf2) =	vadd.scan.msk.f32 $0xffff, v4;
	v4 =	vadd.f32 v60, v59  }
0x36: {  	v55 =	vld [tilespmem:$0x1C0];
	(xrf2) =	vadd.scan.msk.f32 $0xffff, v0;
	v0 =	vmul.f32 v51, v51;
	v51 =	vmul.f32 v42, v62  }
0x37: {  	v59 =	vld [tilespmem:$0x1D0];
	v60 =	vmul.f32 v45, v9;
	v63 =	vmul.f32 v45, v45;
	(xrf2) =	vadd.scan.msk.f32 $0xffff, v49;
	v4 =	vadd.f32 v22, v4  }
0x38: {  	v22 =	vmul.f32 v28, v10;
	v49 =	vmul.f32 v38, v8;
	(xrf2) =	vadd.scan.msk.f32 $0xffff, v50;
	v0 =	vadd.f32 v1, v0;
	v50 =	vld [tilespmem:$0x1B0]  }
0x39: {  	v61 =	vmul.f32 v48, v10;
	v1 =	vadd.f32 v27, v4;
	v4 =	vadd.f32 v30, v29  }
0x3a: {  	v20 =	vmul.f32 v48, v48;
	v42 =	vmul.f32 v25, v25;
	v30 =	vld [tilespmem:$0x260];
	v0 =	vadd.f32 v24, v0  }
0x3b: {  	v27 =	vmul.f32 v55, v9;
	v29 =	vmul.f32 v33, v62;
	v24 =	vld [tilespmem:$0x1A0];
	v4 =	vadd.f32 v34, v4  }
0x3c: {  	v28 =	vmul.f32 v59, v10;
	v34 =	vld [tilespmem:$0x220];
	v0 =	vadd.f32 v3, v0;
	v3 =	vadd.f32 v32, v31  }
0x3d: {  	v12 =	vmul.f32 v59, v59;
	v4 =	vadd.f32 v35, v4;
	v32 =	vmul.f32 v50, v62  }
0x3e: {  	v19 =	vmul.f32 v50, v50;
	v35 =	vadd.f32 v28, v27;
	v3 =	vadd.f32 v13, v3  }
0x3f: {  	v13 =	vadd.f32 v44, v43;
	v59 =	vmul.f32 v30, v8;
	v30 =	vmul.f32 v30, v30  }
0x40: {  	v14, _, _ =	vpop (xrf2);
	v31 =	vmul.f32 v24, v8;
	v24 =	vmul.f32 v24, v24;
	v2 =	vadd.f32 v2, v3  }
0x41: {  	v48 =	vld [tilespmem:$0x280];
	v21, _, _ =	vpop (xrf2);
	v3 =	vadd.f32 v11, v41;
	v11 =	vadd.f32 v47, v46;
	v45 =	vmul.f32 v34, v8  }
0x42: {  	v50 =	vld [tilespmem:$0x290];
	v13 =	vadd.f32 v49, v13;
	v16 =	vbroadcast v21, $0xF;
	v21 =	vmul.f32 v18, v9  }
0x43: {  	v14 =	vbroadcast v14, $0xF;
	v15, _, _ =	vpop (xrf2);
	v18 =	vmul.f32 v38, v38;
	v3 =	vadd.f32 v5, v3  }
0x44: {  	v41 =	vld [tilespmem:$0x240];
	v26, _, _ =	vpop (xrf2);
	v13 =	vadd.f32 v51, v13;
	v15 =	vbroadcast v15, $0xF;
	v39 =	vadd.f32 v22, v21  }
0x45: {  	v46 =	vld [tilespmem:$0x270];
	v17 =	vbroadcast v26, $0xF;
	v56 =	vadd.f32 v18, v11;
	v18 =	vadd.f32 v61, v60  }
0x46: {  	v44 =	vld [tilespmem:$0x250];
	v11 =	vadd.f32 v20, v63;
	v20 =	vadd.f32 v36, v35;
	v21 =	vmul.f32 v33, v33  }
0x47: {  	v38 =	vld [tilespmem:$0x230];
	v33 =	vmul.f32 v48, v9;
	v22 =	vmul.f32 v50, v50;
	v6 =	vadd.f32 v40, v39  }
0x48: {  	v26 =	vld [tilespmem:$0x210];
	v11 =	vadd.f32 v24, v11;
	v39 =	vmul.f32 v25, v9;
	v24 =	vmul.f32 v34, v34  }
0x49: {  	v61 =	vld [tilespmem:$0x2B0];
	v5 =	vadd.f32 v58, v56;
	v51 =	vmul.f32 v41, v9;
	v56 =	vmul.f32 v41, v41  }
0x4a: {  	v63 =	vld [tilespmem:$0x2E0];
	v18 =	vadd.f32 v31, v18;
	v60 =	vmul.f32 v46, v62;
	v25 =	vmul.f32 v46, v46  }
0x4b: {  	v20 =	vadd.f32 v29, v20;
	v58 =	vld [tilespmem:$0x2A0];
	v34 =	vmul.f32 v50, v10;
	v29 =	vmul.f32 v48, v48  }
0x4c: {  	v31 =	vld [tilespmem:$0x2C0];
	v47 =	vmul.f32 v38, v62;
	v49 =	vmul.f32 v38, v38;
	v6 =	vadd.f32 v23, v6  }
0x4d: {  	(xrf2) =	vadd.scan.msk.f32 $0xffff, v1;
	v46 =	vld [tilespmem:$0x310];
	v23 =	vmul.f32 v55, v55;
	v18 =	vadd.f32 v32, v18;
	v11 =	vadd.f32 v19, v11  }
0x4e: {  	v55 =	vmul.f32 v44, v10;
	v7 =	vadd.f32 v34, v33;
	v40 =	vmul.f32 v26, v10  }
0x4f: {  	v38 =	vld [tilespmem:$0x2F0];
	v22 =	vadd.f32 v22, v29;
	v43 =	vmul.f32 v26, v26;
	v26 =	vmul.f32 v44, v44  }
0x50: {  	v32 =	vld [tilespmem:$0x2D0];
	v48 =	vmul.f32 v63, v8;
	v50 =	vmul.f32 v61, v61;
	v12 =	vadd.f32 v12, v23  }
0x51: {  	v23 =	vadd.f32 v40, v39;
	v36 =	vmul.f32 v58, v8;
	v40 =	vmul.f32 v31, v9  }
0x52: {  	v19 =	vadd.f32 v43, v42;
	v44 =	vmul.f32 v31, v31;
	v34 =	vmul.f32 v46, v10  }
0x53: {  	v12 =	vadd.f32 v37, v12;
	v37 =	vmul.f32 v58, v58;
	v23 =	vadd.f32 v45, v23  }
0x54: {  	v58 =	vmul.f32 v38, v62;
	v19 =	vadd.f32 v24, v19;
	v24 =	vadd.f32 v55, v51  }
0x55: {  	v39 =	vadd.f32 v36, v7;
	v41 =	vmul.f32 v32, v10;
	v45 =	vmul.f32 v32, v32  }
0x56: {  	v42 =	vld [tilespmem:$0x300];
	v51 =	vmul.f32 v63, v63;
	v12 =	vadd.f32 v21, v12;
	v21 =	vadd.f32 v26, v56  }
0x57: {  	(xrf2) =	vadd.scan.msk.f32 $0xffff, v0;
	v55 =	vld [tilespmem:$0x330];
	v36 =	vmul.f32 v46, v46;
	v0, _, _ =	vpop (xrf2);
	v43 =	vadd.f32 v37, v22;
	v23 =	vadd.f32 v47, v23  }
0x58: {  	(xrf2) =	vadd.scan.msk.f32 $0xffff, v4;
	v63 =	vld [tilespmem:$0x350];
	v0 =	vbroadcast v0, $0xF;
	v19 =	vadd.f32 v49, v19;
	v24 =	vadd.f32 v59, v24  }
0x59: {  	(xrf2) =	vadd.scan.msk.f32 $0xffff, v2;
	v47 =	vmul.f32 v61, v62;
	v26 =	vadd.f32 v41, v40;
	v49 =	vld [tilespmem:$0x320];
	v22 =	vadd.f32 v45, v44  }
0x5a: {  	(xrf2) =	vadd.scan.msk.f32 $0xffff, v6;
	v37 =	vld [tilespmem:$0x360];
	v61 =	vmul.f32 v38, v38;
	v21 =	vadd.f32 v30, v21;
	v29 =	vadd.f32 v50, v43  }
0x5b: {  	(xrf2) =	vadd.scan.msk.f32 $0xffff, v3;
	v59 =	vld [tilespmem:$0x340];
	v30 =	vmul.f32 v42, v9;
	v24 =	vadd.f32 v60, v24;
	v4 =	vadd.f32 v47, v39  }
0x5c: {  	(xrf2) =	vadd.scan.msk.f32 $0xffff, v13;
	v35 =	vmul.f32 v42, v42;
	v56 =	vadd.f32 v48, v26;
	v60 =	vadd.f32 v51, v22  }
0x5d: {  	(xrf2) =	vadd.scan.msk.f32 $0xffff, v5;
	v40 =	vld [tilespmem:$0x370];
	v1 =	vadd.f32 v34, v30;
	v41 =	vmul.f32 v55, v62;
	v27 =	vmul.f32 v55, v55  }
0x5e: {  	(xrf2) =	vadd.scan.msk.f32 $0xffff, v18;
	v45 =	vld [tilespmem:$0x390];
	v2 =	vadd.f32 v36, v35;
	v44 =	vmul.f32 v63, v10;
	v39 =	vmul.f32 v49, v49  }
0x5f: {  	(xrf2) =	vadd.scan.msk.f32 $0xffff, v11;
	v42 =	vld [tilespmem:$0x380];
	v21 =	vadd.f32 v25, v21;
	v3 =	vmul.f32 v63, v63;
	v51 =	vmul.f32 v37, v37  }
0x60: {  	(xrf2) =	vadd.scan.msk.f32 $0xffff, v20;
	v47 =	vld [tilespmem:$0x3A0];
	v38 =	vmul.f32 v49, v8;
	v46 =	vmul.f32 v59, v59;
	v2 =	vadd.f32 v39, v2  }
0x61: {  	v32, _, _ =	vpop (xrf2);
	(xrf2) =	vadd.scan.msk.f32 $0xffff, v12;
	v6 =	vadd.f32 v58, v56;
	v43 =	vmul.f32 v59, v9;
	v49 =	vmul.f32 v37, v8  }
0x62: {  	v55 =	vld [tilespmem:$0x3C0];
	v56 =	vmul.f32 v40, v62;
	v13 =	vadd.f32 v38, v1;
	v1, _, _ =	vpop (xrf2);
	(xrf2) =	vadd.scan.msk.f32 $0xffff, v23;
	v3 =	vadd.f32 v3, v46  }
0x63: {  	v5 =	vadd.f32 v61, v60;
	v58 =	vmul.f32 v40, v40;
	v59 =	vld [tilespmem:$0x3D0];
	v61 =	vmul.f32 v45, v10;
	v26, _, _ =	vpop (xrf2);
	(xrf2) =	vadd.scan.msk.f32 $0xffff, v19  }
0x64: {  	v36 =	vmul.f32 v45, v45;
	v37 =	vld [tilespmem:$0x3E0];
	v35 =	vmul.f32 v42, v42;
	v50 =	vadd.f32 v27, v2;
	v2, _, _ =	vpop (xrf2);
	(xrf2) =	vadd.scan.msk.f32 $0xffff, v24  }
0x65: {  	v60 =	vmul.f32 v42, v9;
	v48 =	vadd.f32 v44, v43;
	v23 =	vld [tilespmem:$0x3B0];
	v38 =	vmul.f32 v47, v8;
	v27, _, _ =	vpop (xrf2);
	(xrf2) =	vadd.scan.msk.f32 $0xffff, v21  }
0x66: {  	v40 =	vmul.f32 v47, v47;
	v39 =	vadd.f32 v36, v35;
	v12 =	vadd.f32 v51, v3;
	v3, _, _ =	vpop (xrf2);
	(xrf2) =	vadd.scan.msk.f32 $0xffff, v4  }
0x67: {  	v45 =	vmul.f32 v55, v9;
	v11 =	vadd.f32 v41, v13;
	v13 =	vadd.f32 v49, v48;
	v31, _, _ =	vpop (xrf2);
	(xrf2) =	vadd.scan.msk.f32 $0xffff, v29  }
0x68: {  	v42 =	vld [tilespmem:$0x3F0];
	v47 =	vmul.f32 v55, v55;
	v46 =	vmul.f32 v59, v10;
	v21 =	vadd.f32 v61, v60;
	v29, _, _ =	vpop (xrf2);
	(xrf2) =	vadd.scan.msk.f32 $0xffff, v6  }
0x69: {  	v48 =	vmul.f32 v59, v59;
	v51 =	vmul.f32 v37, v8;
	v63 =	vadd.f32 v56, v13;
	v43, _, _ =	vpop (xrf2);
	(xrf2) =	vadd.scan.msk.f32 $0xffff, v5  }
0x6a: {  	v41 =	vmul.f32 v23, v62;
	v44 =	vadd.f32 v38, v21;
	v21 =	vadd.f32 v46, v45;
	v33, _, _ =	vpop (xrf2);
	(xrf2) =	vadd.scan.msk.f32 $0xffff, v11  }
0x6b: {  	v12 =	vadd.f32 v58, v12;
	v6 =	vadd.f32 v40, v39;
	v49, _, _ =	vpop (xrf2);
	(xrf2) =	vadd.scan.msk.f32 $0xffff, v50;
	v50 =	vmul.f32 v23, v23  }
0x6c: {  	v58 =	vmul.f32 v37, v37;
	v56 =	vadd.f32 v48, v47;
	v55 =	vadd.f32 v41, v44;
	v24, _, _ =	vpop (xrf2);
	(xrf2) =	vadd.scan.msk.f32 $0xffff, v63  }
0x6d: {  	v61 =	vmul.f32 v42, v62;
	v60 =	vadd.f32 v51, v21;
	v59, _, _ =	vpop (xrf2);
	(xrf2) =	vadd.scan.msk.f32 $0xffff, v12;
	v6 =	vadd.f32 v50, v6  }
0x6e: {  	v28 =	vmul.f32 v42, v42;
	v25 =	vadd.f32 v58, v56;
	v63 =	vbroadcast v32, $0xF;
	v21, _, _ =	vpop (xrf2);
	(xrf2) =	vadd.scan.msk.f32 $0xffff, v55  }
0x6f: {  	v34 =	vbroadcast v26, $0xF;
	v36 =	vadd.f32 v61, v60;
	v32 =	vsel vm0, v16, v17;
	v35, _, _ =	vpop (xrf2);
	(xrf2) =	vadd.scan.msk.f32 $0xffff, v6  }
0x70: {  	v37 =	vbroadcast v27, $0xF;
	v4 =	vadd.f32 v28, v25;
	v11 =	vsel vm1, v32, v63;
	v18, _, _ =	vpop (xrf2)  }
0x71: {  	v14 =	vsel vm0, v14, v15;
	v15 =	vld [tilespmem:$0x510];
	v39 =	vbroadcast v31, $0xF;
	v38 =	vsel vm2, v11, v34;
	v40, _, _ =	vpop (xrf2);
	(xrf2) =	vadd.scan.msk.f32 $0xffff, v36  }
0x72: {  	v0 =	vsel vm1, v14, v0;
	v14 =	vld [tilespmem:$0x4F0];
	v41 =	vbroadcast v43, $0xF;
	v5 =	vsel vm3, v38, v37;
	v12, _, _ =	vpop (xrf2);
	(xrf2) =	vadd.scan.msk.f32 $0xffff, v4  }
0x73: {  	v20 =	vld [tilespmem:$0x5D0];
	v43 =	vbroadcast v49, $0xF;
	v42 =	vsel vm4, v5, v39;
	v44, _, _ =	vpop (xrf2)  }
0x74: {  	v22 =	vld [tilespmem:$0x5B0];
	v45 =	vbroadcast v59, $0xF;
	v4 =	vsel vm5, v42, v41;
	v13, _, _ =	vpop (xrf2)  }
0x75: {  	v30 =	vld [tilespmem:$0x480];
	v46 =	vbroadcast v35, $0xF;
	v4 =	vsel vm6, v4, v43;
	v47, _, _ =	vpop (xrf2)  }
0x76: {  	v26 =	vld [tilespmem:$0x450];
	v48 =	vbroadcast v40, $0xF;
	v4 =	vsel vm7, v4, v45;
	v16, _, _ =	vpop (xrf2)  }
0x77: {  	v27 =	vld [tilespmem:$0x460];
	v49 =	vbroadcast v44, $0xF;
	v4 =	vsel vm8, v4, v46;
	v50, _, _ =	vpop (xrf2)  }
0x78: {  	v31 =	vld [tilespmem:$0x490];
	v4 =	vsel vm9, v4, v48;
	v51 =	vbroadcast v47, $0xF;
	v55, _, _ =	vpop (xrf2)  }
0x79: {  	v28 =	vld [tilespmem:$0x470];
	v4 =	vsel vm10, v4, v49;
	v36 =	vbroadcast v50, $0xF;
	v37, _, _ =	vpop (xrf2)  }
0x7a: {  	v25 =	vld [tilespmem:$0x5E0];
	v4 =	vsel vm11, v4, v51;
	v38 =	vbroadcast v37, $0xF  }
0x7b: {  	v15 =	vmul.f32 v15, v15;
	v1 =	vbroadcast v1, $0xF;
	v60 =	vld [tilespmem:$0x400];
	v4 =	vsel vm12, v4, v36;
	v39, _, _ =	vpop (xrf2)  }
0x7c: {  	v14 =	vmul.f32 v14, v14;
	v22 =	vmul.f32 v22, v22;
	v61 =	vld [tilespmem:$0x410];
	v4 =	vsel vm13, v4, v38;
	v56, _, _ =	vpop (xrf2)  }
0x7d: {  	v0 =	vsel vm2, v0, v1;
	v2 =	vbroadcast v2, $0xF;
	v17 =	vld [tilespmem:$0x590];
	v4 =	vsel vm14, v4, v56  }
0x7e: {  	v63 =	vld [tilespmem:$0x420];
	v7 =	vmul.f32 v28, v62;
	v6 =	vshra.s32 v4, $0x1;
	v58 =	vmul.f32 $5.000000000e-01, v4  }
0x7f: {  	v32 =	vld [tilespmem:$0x4A0];
	v28 =	vmul.f32 v28, v28;
	v41 =	vbroadcast v3, $0xF;
	v6 =	vsub.s32 $0x5F3759DF, v6  }
0x80: {  	v0 =	vsel vm3, v0, v2;
	v34 =	vld [tilespmem:$0x4B0];
	v43 =	vbroadcast v29, $0xF;
	v59 =	vmul.f32 v6, v58  }
0x81: {  	v35 =	vld [tilespmem:$0x4D0];
	v0 =	vsel vm4, v0, v41;
	v44 =	vbroadcast v33, $0xF;
	v45 =	vbroadcast v24, $0xF  }
0x82: {  	v40 =	vld [tilespmem:$0x430];
	v41 =	vmul.f32 v26, v26;
	v0 =	vsel vm5, v0, v43;
	v19 =	vmul.f32 v6, v59  }
0x83: {  	v29 =	vld [tilespmem:$0x520];
	v46 =	vbroadcast v21, $0xF;
	v0 =	vsel vm6, v0, v44;
	v47 =	vbroadcast v18, $0xF  }
0x84: {  	v33 =	vld [tilespmem:$0x5A0];
	v48 =	vbroadcast v12, $0xF;
	v44 =	vmul.f32 v30, v30;
	v19 =	vsub.f32 $1.500000000e+00, v19  }
0x85: {  	v21 =	vld [tilespmem:$0x540];
	v0 =	vsel vm7, v0, v45;
	v49 =	vbroadcast v13, $0xF;
	v45 =	vmul.f32 v31, v31  }
0x86: {  	v18 =	vld [tilespmem:$0x550];
	v50 =	vbroadcast v16, $0xF;
	v6 =	vmul.f32 v6, v19  }
0x87: {  	v12 =	vld [tilespmem:$0x560];
	v0 =	vsel vm8, v0, v46;
	v51 =	vbroadcast v55, $0xF;
	v55 =	vmul.f32 v60, v9  }
0x88: {  	v43 =	vld [tilespmem:$0x610];
	v0 =	vsel vm9, v0, v47;
	v47 =	vmul.f32 v27, v27;
	v19 =	vmul.f32 v6, v58  }
0x89: {  	v30 =	vld [tilespmem:$0x780];
	v23 =	vadd.f32 v45, v44;
	v44 =	vmul.f32 v25, v25;
	v37 =	vmul.f32 v40, v62  }
0x8a: {  	v46 =	vld [tilespmem:$0x620];
	v0 =	vsel vm10, v0, v48;
	v48 =	vmul.f32 v32, v32;
	v19 =	vmul.f32 v19, v6  }
0x8b: {  	v62 =	vmul.f32 v17, v17;
	v0 =	vsel vm11, v0, v49;
	v49 =	vld [tilespmem:$0x640];
	v18 =	vmul.f32 v18, v18  }
0x8c: {  	v13 =	vld [tilespmem:$0x570];
	v12 =	vmul.f32 v12, v12;
	v38 =	vmul.f32 v40, v40;
	v19 =	vsub.f32 $1.500000000e+00, v19  }
0x8d: {  	v31 =	vld [tilespmem:$0x730];
	v0 =	vsel vm12, v0, v50;
	v40 =	vmul.f32 v26, v10;
	v56 =	vmul.f32 v61, v10  }
0x8e: {  	v50 =	vmul.f32 v35, v35;
	v0 =	vsel vm13, v0, v51;
	v10 =	vld [tilespmem:$0x5F0];
	v6 =	vmul.f32 v19, v6  }
0x8f: {  	v51 =	vld [tilespmem:$0x650];
	v46 =	vmul.f32 v46, v46;
	v1 =	vadd.f32 v56, v55;
	v56 =	vmul.f32 v34, v34  }
0x90: {  	v55 =	vadd.f32 v48, v23;
	v48 =	vmul.f32 v49, v49;
	v19 =	vld [tilespmem:$0x440];
	v11 =	vmul.f32 v6, v58  }
0x91: {  	v16 =	vld [tilespmem:$0x580];
	v59 =	vmul.f32 v61, v61;
	v61 =	vmul.f32 v63, v8  }
0x92: {  	v36 =	vld [tilespmem:$0x5C0];
	v63 =	vmul.f32 v63, v63;
	v11 =	vmul.f32 v11, v6  }
0x93: {  	v26 =	vld [tilespmem:$0x600];
	v0 =	vsel vm14, v0, v39;
	v10 =	vmul.f32 v10, v10;
	v58 =	vmul.f32 v60, v60  }
0x94: {  	v23 =	vld [tilespmem:$0x680];
	v49 =	vmul.f32 v51, v51;
	v1 =	vadd.f32 v61, v1;
	v11 =	vsub.f32 $1.500000000e+00, v11  }
0x95: {  	v2 =	vadd.f32 v59, v58;
	v39 =	vmul.f32 v19, v9;
	v9 =	vmul.f32 v43, v43;
	v43 =	vld [tilespmem:$0x700]  }
0x96: {  	v61 =	vmul.f32 v16, v16;
	v1 =	vadd.f32 v37, v1;
	v6 =	vmul.f32 v11, v6;
	v11 =	vld [tilespmem:$0x4C0]  }
0x97: {  	v37 =	vmul.f32 v33, v33;
	v59 =	vmul.f32 v21, v21;
	v2 =	vadd.f32 v63, v2;
	v63 =	vld [tilespmem:$0x6C0]  }
0x98: {  	v19 =	vmul.f32 v19, v19;
	v4 =	vmul.f32 v6, v4;
	v6 =	vld [tilespmem:$0x4E0]  }
0x99: {  	v5 =	vadd.f32 v40, v39;
	v39 =	vmul.f32 v36, v36;
	v2 =	vadd.f32 v38, v2;
	v38 =	vld [tilespmem:$0x6E0]  }
0x9a: {  	v51 =	vld [tilespmem:$0x740];
	v19 =	vadd.f32 v41, v19;
	v40 =	vmul.f32 v20, v20;
	v42 =	vmul.f32 v4, v52  }
0x9b: {  	v35 =	vadd.f32 v62, v61;
	v36 =	vmul.f32 v43, v43;
	v4 =	vld [tilespmem:$0x500];
	v11 =	vmul.f32 v11, v11  }
0x9c: {  	v58 =	vld [tilespmem:$0x660];
	v3 =	vmax.f32 v42, $9.999999930e-09;
	v42 =	vmul.f32 v27, v8;
	v8 =	vadd.f32 v47, v19  }
0x9d: {  	v41 =	vld [tilespmem:$0x6F0];
	(erf) = vrcp.f32 v3;
	v11 =	vadd.f32 v50, v11;
	v6 =	vmul.f32 v6, v6  }
0x9e: {  	v63 =	vmul.f32 v63, v63;
	v33 =	vmul.f32 v38, v38;
	v27 =	vld [tilespmem:$0x630];
	v5 =	vadd.f32 v42, v5  }
0x9f: {  	v19 =	vld [tilespmem:$0x670];
	v8 =	vadd.f32 v28, v8;
	v42 =	vmul.f32 v26, v26;
	v6 =	vadd.f32 v6, v11  }
0xa0: {  	v3 =	vld [tilespmem:$0x530];
	v4 =	vmul.f32 v4, v4;
	v11 =	vadd.f32 v18, v59;
	v5 =	vadd.f32 v7, v5  }
0xa1: {  	v28 =	vld [tilespmem:$0x6A0];
	v59 =	vmul.f32 v23, v23;
	v7 =	vadd.f32 v56, v55;
	v9 =	vadd.f32 v9, v42  }
0xa2: {  	v45 =	vld [tilespmem:$0x710];
	v55 =	vadd.f32 v49, v48;
	v56 =	vmul.f32 v58, v58;
	v4 =	vadd.f32 v15, v4  }
0xa3: {  	v47 =	vld [tilespmem:$0x720];
	v6 =	vadd.f32 v14, v6;
	v11 =	vadd.f32 v12, v11;
	v50 =	vmul.f32 v27, v27  }
0xa4: {  	v34 =	vld [tilespmem:$0x6D0];
	v12 =	vadd.f32 v40, v39;
	v27 =	vmul.f32 v19, v19;
	v40 =	vmul.f32 v41, v41  }
0xa5: {  	v58 =	vld [tilespmem:$0x750];
	v3 =	vmul.f32 v3, v3;
	v9 =	vadd.f32 v46, v9;
	v46 =	vmul.f32 v51, v51  }
0xa6: {  	v21 =	vld [tilespmem:$0x690];
	v62 =	vadd.f32 v56, v55;
	v56 =	vmul.f32 v31, v31;
	v28 =	vmul.f32 v28, v28;
	v60 =	vpop (erf)  }
0xa7: {  	v61 =	vld [tilespmem:$0x760];
	(xrf2) =	vadd.scan.msk.f32 $0xffff, v1;
	v12 =	vadd.f32 v44, v12;
	v0 =	vmul.f32 v60, v0;
	v60 =	vmul.f32 v29, v29  }
0xa8: {  	(xrf2) =	vadd.scan.msk.f32 $0xffff, v2;
	v38 =	vld [tilespmem:$0x7A0];
	v44 =	vmul.f32 v47, v47;
	v1 =	vadd.f32 v50, v9;
	v2 =	vadd.f32 v27, v62  }
0xa9: {  	(xrf2) =	vadd.scan.msk.f32 $0xffff, v5;
	v29 =	vmul.f32 v13, v13;
	v13 =	vmul.f32 v34, v34;
	v34 =	vld [tilespmem:$0x790];
	v4 =	vadd.f32 v60, v4  }
0xaa: {  	v18 =	vld [tilespmem:$0x6B0];
	(xrf2) =	vadd.scan.msk.f32 $0xffff, v8;
	v50 =	vmul.f32 v30, v30;
	v10 =	vadd.f32 v10, v12;
	v47 =	vmul.f32 v58, v58  }
0xab: {  	v41 =	vld [tilespmem:$0x7C0];
	(xrf2) =	vadd.scan.msk.f32 $0xffff, v7;
	v60 =	vmul.f32 v21, v21;
	v3 =	vadd.f32 v3, v4;
	v4 =	vadd.f32 v37, v35  }
0xac: {  	v23 =	vld [tilespmem:$0x770];
	(xrf2) =	vadd.scan.msk.f32 $0xffff, v6;
	v58 =	vmul.f32 v61, v61;
	v6 =	vadd.f32 v47, v46;
	v11 =	vadd.f32 v29, v11  }
0xad: {  	v9 =	vadd.f32 v60, v59;
	v37 =	vmul.f32 v45, v45;
	v45 =	vld [tilespmem:$0x7D0];
	v4 =	vadd.f32 v22, v4;
	(xrf2) =	vadd.scan.msk.f32 $0xffff, v3  }
0xae: {  	v48 =	vld [tilespmem:$0x7B0];
	v12 =	vadd.f32 v13, v63;
	v63 =	vadd.f32 v58, v6;
	v51 =	vmul.f32 v34, v34;
	(xrf2) =	vadd.scan.msk.f32 $0xffff, v11  }
0xaf: {  	v55 =	vld [tilespmem:$0x7E0];
	v32 =	vmul.f32 v18, v18;
	v35 =	vadd.f32 v28, v9;
	v43 =	vadd.f32 v37, v36;
	(xrf2) =	vadd.scan.msk.f32 $0xffff, v4  }
0xb0: {  	v18 =	vmul.f32 v41, v41;
	v39 =	vadd.f32 v33, v12;
	v7 =	vadd.f32 v51, v50;
	(xrf2) =	vadd.scan.msk.f32 $0xffff, v10  }
0xb1: {  	v15, _, _ =	vpop (xrf2);
	v61 =	vld [tilespmem:$0x7F0];
	v60 =	vmul.f32 v38, v38;
	v42 =	vadd.f32 v32, v35;
	v49 =	vadd.f32 v44, v43;
	(xrf2) =	vadd.scan.msk.f32 $0xffff, v1  }
0xb2: {  	v62, _, _ =	vpop (xrf2);
	v59 =	vmul.f32 v23, v23;
	v5 =	vadd.f32 v40, v39;
	v9 =	vmul.f32 v45, v45;
	(xrf2) =	vadd.scan.msk.f32 $0xffff, v2  }
0xb3: {  	v19, _, _ =	vpop (xrf2);
	v22 =	vmul.f32 v48, v48;
	v21 =	vadd.f32 v60, v7;
	v20 =	vadd.f32 v56, v49;
	(xrf2) =	vadd.scan.msk.f32 $0xffff, v42  }
0xb4: {  	v25 =	vmul.f32 v55, v55;
	v23, _, _ =	vpop (xrf2);
	v1 =	vadd.f32 v59, v63;
	v24 =	vadd.f32 v9, v18;
	(xrf2) =	vadd.scan.msk.f32 $0xffff, v5  }
0xb5: {  	v27 =	vbroadcast v62, $0xF;
	v26, _, _ =	vpop (xrf2);
	v8 =	vbroadcast v23, $0xF;
	v4 =	vadd.f32 v22, v21;
	(xrf2) =	vadd.scan.msk.f32 $0xffff, v20  }
0xb6: {  	v30 =	vmul.f32 v61, v61;
	v6 =	vbroadcast v26, $0xF;
	v28, _, _ =	vpop (xrf2);
	v29 =	vadd.f32 v25, v24;
	(xrf2) =	vadd.scan.msk.f32 $0xffff, v1  }
0xb7: {  	v0 =	vsub.f32 $1.000000000e+00, v0;
	v3 =	vsel vm0, v27, v8;
	v31 =	vbroadcast v28, $0xF;
	v32, _, _ =	vpop (xrf2);
	(xrf2) =	vadd.scan.msk.f32 $0xffff, v4  }
0xb8: {  	v3 =	vsel vm1, v3, v6;
	v1 =	vadd.f32 v30, v29;
	v33, _, _ =	vpop (xrf2);
	v34 =	vbroadcast v32, $0xF  }
0xb9: {  	v3 =	vsel vm2, v3, v31;
	v35, _, _ =	vpop (xrf2);
	v4 =	vbroadcast v33, $0xF  }
0xba: {  	vm15 =	vlt.f32 v0, v53;
	(xrf2) =	vadd.scan.msk.f32 $0xffff, v1;
	v3 =	vsel vm3, v3, v34;
	v2 =	vbroadcast v35, $0xF;
	v36, _, _ =	vpop (xrf2)  }
0xbb: {  	v38 =	vmpcnt.ones.xlane vm15;
	v37, _, _ =	vpop (xrf2);
	v3 =	vsel vm4, v3, v4;
	v39 =	vbroadcast v36, $0xF  }
0xbc: {  	v40, _, _ =	vpop (xrf2);
	v2 =	vsel vm5, v3, v2;
	v1 =	vbroadcast v37, $0xF  }
0xbd: {  	(v2sf) =	vpush v38, $0x0;
	v41, _, _ =	vpop (xrf2);
	v2 =	vsel vm6, v2, v39;
	v42 =	vbroadcast v40, $0xF  }
0xbe: {  	v43, _, _ =	vpop (xrf2);
	v1 =	vsel vm7, v2, v1;
	v44 =	vbroadcast v41, $0xF  }
0xbf: {  	v45, _, _ =	vpop (xrf2);
	v1 =	vsel vm8, v1, v42;
	v46 =	vbroadcast v43, $0xF  }
0xc0: {  	v47, _, _ =	vpop (xrf2);
	v1 =	vsel vm9, v1, v44;
	v48 =	vbroadcast v45, $0xF  }
0xc1: {  	v49, _, _ =	vpop (xrf2);
	v1 =	vsel vm10, v1, v46;
	v50 =	vbroadcast v47, $0xF  }
0xc2: {  	v1 =	vsel vm11, v1, v48;
	v51 =	vbroadcast v49, $0xF  }
0xc3: {  	v1 =	vsel vm12, v1, v50  }
0xc4: {  	v55, _, _ =	vpop (xrf2);
	v1 =	vsel vm13, v1, v51  }
0xc5: {  	v1 =	vsel vm14, v1, v55  }
0xc6: {  	v2 =	vshra.s32 v1, $0x1;
	v56 =	vmul.f32 $5.000000000e-01, v1  }
0xc7: {  	v2 =	vsub.s32 $0x5F3759DF, v2  }
0xc8: {  	v58 =	vmul.f32 v2, v56  }
0xc9: {  	v5 =	vld [tilespmem:$0x1FFD0]  }
0xca: {  	v4 =	vmul.f32 v2, v58;
	_ =	sdelay $0x1  }
0xcb: {  	s23 =	spop (v2sf);
	v4 =	vsub.f32 $1.500000000e+00, v4  }
0xcc: {  	p0 =	slt.s32 s23, $0x1  }
0xcd: {  	(xrf1) =	vsort.dscd.msk.f32 @!p0 $0xffff, v0, v5;
	v59 =	vmul.f32 v2, v4;
	_ =	sdelay $0x1  }
0xce: {  	v2 =	vmul.f32 v59, v56;
	_ =	sdelay $0x1  }
0xcf: {  	v2 =	vmul.f32 v2, v59;
	_ =	sdelay $0x1  }
0xd0: {  	v2 =	vsub.f32 $1.500000000e+00, v2;
	_ =	sdelay $0x1  }
0xd1: {  	v0 =	vmul.f32 v2, v59;
	_ =	sdelay $0x1  }
0xd2: {  	v2 =	vmul.f32 v0, v56;
	_ =	sdelay $0x1  }
0xd3: {  	v2 =	vmul.f32 v2, v0;
	_ =	sdelay $0x1  }
0xd4: {  	v3, v4, _ =	vpop @!p0 (xrf1);
	v2 =	vsub.f32 $1.500000000e+00, v2  }
0xd5: {  	vm15 =	vle.f32 @!p0 v57, v3  }
0xd6: {  	v3 =	vsel @!p0 vm15, v57, v3;
	v4 =	vsel @!p0 vm15, v54, v4;
	v0 =	vmul.f32 v2, v0  }
0xd7: {  	(xrf1) =	vsort.ascd.msk.f32 @!p0 $0xffff, v3, v4  }
0xd8: {  	v0 =	vmul.f32 v0, v1;
	_ =	sdelay $0x1  }
0xd9: {  	v0 =	vmul.f32 v0, v52;
	_ =	sdelay $0x1  }
0xda: {  	v0 =	vmax.f32 v0, $9.999999930e-09  }
0xdb: {  	(erf) = vrcp.f32 v0;
	_ =	sdelay $0x6  }
0xdc: {  	v61 =	vbroadcast v19, $0xF;
	v60 =	vbroadcast v15, $0xF  }
0xdd: {  	v2, v3, _ =	vpop @!p0 (xrf1)  }
0xde: {  	v0 =	vsel vm0, v60, v61;
	v62 =	vpop (erf)  }
0xdf: {  	v4 =	vadd.f32 @!p0 $0.0e+00, v2;
	v0 =	vmul.f32 v62, v0;
	_ =	sdelay $0x1  }
0xe0: {  	v1 =	vbroadcast @!p0 v4, $0xF;
	v0 =	vsub.f32 $1.000000000e+00, v0;
	_ =	sdelay $0x1  }
0xe1: {  	v1 =	vpsel p0, v53, v1;
	v0 =	vnsel vm1, $0x7F7FC99E, v0  }
0xe2: {  	vm15 =	vlt.f32 v0, v1  }
0xe3: {  	v1 =	vmpcnt.ones.xlane vm15;
	_ =	sdelay $0x1  }
0xe4: {  	(v2sf) =	vpush v1, $0x0;
	_ =	sdelay $0xb  }
0xe5: {  	v1 =	vld [tilespmem:$0x1FFE0];
	_ =	sdelay $0x2  }
0xe6: {  	s31 =	spop (v2sf)  }
0xe7: {  	p1 =	slt.s32 s31, $0x1  }
0xe8: {  	(xrf1) =	vsort.dscd.msk.f32 @!p1 $0xffff, v0, v1;
	_ =	sdelay $0xd  }
0xe9: {  	v0 =	vpsel p0, v57, v2;
	v1, v2, _ =	vpop @!p1 (xrf1)  }
0xea: {  	v3 =	vpsel p0, v54, v3;
	vm15 =	vle.f32 @!p1 v0, v1  }
0xeb: {  	v1 =	vsel @!p1 vm15, v0, v1;
	v2 =	vsel @!p1 vm15, v3, v2  }
0xec: {  	(xrf1) =	vsort.ascd.msk.f32 @!p1 $0xffff, v1, v2;
	_ =	sdelay $0xd  }
0xed: {  	v1, v2, _ =	vpop @!p1 (xrf1)  }
0xee: {  	v0 =	vpsel p1, v0, v1  }
0xef: {  	v63 =	vpsel p1, v3, v2;
	[tilespmem:$0x1E840] =	vst v0  }
0xf0: {  	[tilespmem:$0x1E850] =	vst v63  }
0xf1: {  	[hbm4b:s10+s3] =	stream.linear.scatter [tilespmem:s20], [sflag:$0x3], $0x10, $0x38;
	[tilespmem:$0x1E860] =	vst v63  }
0xf2: {  	s22 =	sadd.s32 $0x1, s22;
	_ =	swait.ge [sflag:s16], $0x10  }
0xf3: {  	p0 =	sne.s32 s22, s12;
	[sflag:s16] =	ssyncset.done $0x0  }
.Ltmp1:
0xf4: {  	[sflag:s16] =	ssyncadd.s32 $0xFFFFFFF0;
	(pc) =	sbr.rel @!p0 .LBB2_9-.Ltmp1, $4  }
0xf5: {  	[hbm4b:s11+s3] =	stream.linear.scatter [tilespmem:s21], [sflag:$0x3], $0x10, $0x38;
	[tilespmem:$0x1E860] =	vst v63  }
0xf6: {  	_ =	swait.ge [sflag:s16], $0x10  }
0xf7: {  	[sflag:s16] =	ssyncset.done $0x0  }
0xf8: {  	[sflag:s16] =	ssyncadd.s32 $0xFFFFFFF0  }
.LBB2_1:
0xf9: {  	[tilespmem:s15], [sflag:$0x3] =	stream.linear.gather [hbm4b:s1+s3], $0x40, $0x38;
	[tilespmem:$0x1E860] =	vst v63  }
0xfa: {  	_ =	swait.ge [sflag:s16], $0x40  }
0xfb: {  	[sflag:s16] =	ssyncset.done $0x0  }
0xfc: {  	[sflag:s16] =	ssyncadd.s32 $0xFFFFFFC0  }
0xfd: {  	v9 =	vld [tilespmem:$0x1E800]  }
0xfe: {  	v10 =	vld [tilespmem:$0x1E810];
	_ =	sdelay $0x1  }
0xff: {  	v8 =	vld [tilespmem:$0x1E820];
	_ =	sdelay $0x1  }
0x100: {  	v62 =	vld [tilespmem:$0x1E830]  }
0x101: {  	v0 =	vmul.f32 v9, v9;
	v1 =	vmul.f32 v10, v10;
	_ =	sdelay $0x1  }
0x102: {  	v57 =	vmul.f32 v8, v8;
	v0 =	vadd.f32 v1, v0  }
0x103: {  	v59 =	vld [tilespmem:$0x1FFA0]  }
0x104: {  	v58 =	vmul.f32 v62, v62;
	v0 =	vadd.f32 v57, v0;
	_ =	sdelay $0x1  }
0x105: {  	v0 =	vadd.f32 v58, v0  }
0x106: {  	v60 =	vld [tilespmem:$0x1FFB0]  }
0x107: {  	v1 =	vperm.xlane v0, v59;
	_ =	sdelay $0x1  }
0x108: {  	v0 =	vadd.f32 v0, v1  }
0x109: {  	v61 =	vld [tilespmem:$0x1FFC0]  }
0x10a: {  	v1 =	vperm.xlane v0, v60;
	_ =	sdelay $0x1  }
0x10b: {  	v0 =	vadd.f32 v0, v1  }
0x10c: {  	v63 =	vld [tilespmem:$0x1FFF0]  }
0x10d: {  	v1 =	vperm.xlane v0, v61;
	_ =	sdelay $0x1  }
0x10e: {  	v0 =	vadd.f32 v0, v1;
	_ =	sdelay $0x1  }
0x10f: {  	v1 =	vperm.xlane v0, v63;
	_ =	sdelay $0x1  }
0x110: {  	v0 =	vadd.f32 v0, v1;
	_ =	sdelay $0x1  }
0x111: {  	v1 =	vshra.s32 v0, $0x1;
	v2 =	vmul.f32 $5.000000000e-01, v0  }
0x112: {  	v1 =	vsub.s32 $0x5F3759DF, v1  }
0x113: {  	v3 =	vmul.f32 v1, v2;
	_ =	sdelay $0x1  }
0x114: {  	v3 =	vmul.f32 v1, v3;
	_ =	sdelay $0x1  }
0x115: {  	v3 =	vsub.f32 $1.500000000e+00, v3;
	_ =	sdelay $0x1  }
0x116: {  	v1 =	vmul.f32 v1, v3;
	_ =	sdelay $0x1  }
0x117: {  	v3 =	vmul.f32 v1, v2;
	_ =	sdelay $0x1  }
0x118: {  	v3 =	vmul.f32 v3, v1;
	_ =	sdelay $0x1  }
0x119: {  	v3 =	vsub.f32 $1.500000000e+00, v3;
	_ =	sdelay $0x1  }
0x11a: {  	v1 =	vmul.f32 v3, v1;
	_ =	sdelay $0x1  }
0x11b: {  	v2 =	vmul.f32 v1, v2;
	_ =	sdelay $0x1  }
0x11c: {  	v2 =	vmul.f32 v2, v1;
	_ =	sdelay $0x1  }
0x11d: {  	v2 =	vsub.f32 $1.500000000e+00, v2;
	_ =	sdelay $0x1  }
0x11e: {  	v1 =	vmul.f32 v2, v1  }
0x11f: {  	[tilespmem:s3], [sflag:$0x1] =	stream.linear.gather [hbm4b:s5+s3], $0xF400, $0x38;
	[tilespmem:$0x1E860] =	vst v63  }
0x120: {  	v52 =	vmul.f32 v1, v0  }
0x121: {  	[tilespmem:s17], [sflag:$0x2] =	stream.linear.gather [hbm4b:s6+s3], $0xF400, $0x38;
	[tilespmem:$0x1E860] =	vst v63  }
0x122: {  	v54 =	vimm.s32 $0x0;
	v53 =	vimm.f32 $3.399999950e+38;
	s23 =	smov.u32 s14;
	s24 =	smov.u32 s13;
	s25 =	simm.s32 $0x0;
	v57 =	vimm.f32 $3.399999950e+38;
	[tilespmem:$0x1FF90] =	vst v52  }
.LBB2_2:
0x123: {  	_ =	swait.ge [sflag:s18], $0xF400  }
0x124: {  	[sflag:s18] =	ssyncset.done $0x0  }
0x125: {  	s26 =	simm.s32 $0x200;
	[sflag:s18] =	ssyncadd.s32 $0xFFFF0C00  }
0x126: {  	v3 =	vld [tilespmem:s26+$0x1B0]  }
0x127: {  	v4 =	vld [tilespmem:s26+$0x130]  }
0x128: {  	v0 =	vld [tilespmem:s26+$0x1A0]  }
0x129: {  	v5 =	vld [tilespmem:s26+$0x120]  }
0x12a: {  	v2 =	vld [tilespmem:s26+$0x180]  }
0x12b: {  	v6 =	vld [tilespmem:s26+$0x190]  }
0x12c: {  	v15 =	vld [tilespmem:s26+$0x100]  }
0x12d: {  	v17 =	vld [tilespmem:s26+$0x110]  }
0x12e: {  	v18 =	vld [tilespmem:s26+$0xC0]  }
0x12f: {  	v20 =	vld [tilespmem:s26+$0xD0]  }
0x130: {  	v11 =	vld [tilespmem:s26+$0x1C0]  }
0x131: {  	v24 =	vld [tilespmem:s26+$0xE0]  }
0x132: {  	v25 =	vld [tilespmem:s26+$0xF0]  }
0x133: {  	v12 =	vld [tilespmem:s26+$0x70]  }
0x134: {  	v60 =	vld [tilespmem:s26+$0x30]  }
0x135: {  	v35 =	vld [tilespmem:s26+$0x60]  }
0x136: {  	v23 =	vld [tilespmem:s26+$0xFFFFFFB0]  }
0x137: {  	v31 =	vld [tilespmem:s26+$0x20]  }
0x138: {  	v21 =	vld [tilespmem:s26+$0x80];
	v1 =	vmul.f32 v2, v9  }
0x139: {  	v59 =	vld [tilespmem:s26+$0xFFFFFF70];
	v19 =	vmul.f32 v6, v10;
	v22 =	vmul.f32 v15, v9  }
0x13a: {  	v13 =	vld [tilespmem:s26+$0x10];
	v26 =	vmul.f32 v17, v10;
	v27 =	vmul.f32 v0, v8  }
0x13b: {  	v38 =	vld [tilespmem:s26+$0xFFFFFF60];
	v28 =	vmul.f32 v3, v62;
	v29 =	vmul.f32 v5, v8  }
0x13c: {  	v61 =	vld [tilespmem:s26+$0xFFFFFF50];
	v30 =	vmul.f32 v20, v10;
	v6 =	vmul.f32 v6, v6  }
0x13d: {  	v41 =	vld [tilespmem:s26+$0xFFFFFEE0];
	v15 =	vmul.f32 v15, v15;
	v17 =	vmul.f32 v17, v17  }
0x13e: {  	v7 =	vld [tilespmem:s26+$0x40];
	v5 =	vmul.f32 v5, v5;
	v3 =	vmul.f32 v3, v3  }
0x13f: {  	v56 =	vld [tilespmem:s26+$0x50];
	v43 =	vmul.f32 v24, v24;
	v44 =	vmul.f32 v13, v13  }
0x140: {  	v36 =	vld [tilespmem:s26+$0xFFFFFFA0];
	v45 =	vmul.f32 v31, v31;
	v46 =	vmul.f32 v60, v60  }
0x141: {  	v16 =	vld [tilespmem:s26+$0x0];
	[tilespmem:$0x1FF10] =	vst v31;
	v31 =	vmul.f32 v61, v61;
	v49 =	vmul.f32 v23, v23;
	v19 =	vadd.f32 v19, v1  }
0x142: {  	v58 =	vld [tilespmem:s26+$0xFFFFFEF0];
	[tilespmem:$0x1FF50] =	vst v38;
	v38 =	vmul.f32 v38, v38;
	v50 =	vmul.f32 v41, v41  }
0x143: {  	v14 =	vld [tilespmem:s26+$0xFFFFFF40];
	v22 =	vadd.f32 v26, v22;
	v26 =	vmul.f32 v18, v9;
	v19 =	vadd.f32 v27, v19  }
0x144: {  	v63 =	vld [tilespmem:s26+$0xFFFFFF80];
	v15 =	vadd.f32 v17, v15;
	v17 =	vmul.f32 v18, v18;
	v27 =	vmul.f32 v4, v62  }
0x145: {  	v55 =	vld [tilespmem:s26+$0xFFFFFF90];
	v22 =	vadd.f32 v29, v22;
	v32 =	vadd.f32 v28, v19;
	v28 =	vmul.f32 v2, v2  }
0x146: {  	[tilespmem:$0x1FF60] =	vst v41;
	v41 =	vld [tilespmem:s26+$0xA0];
	v18 =	vmul.f32 v20, v20;
	v26 =	vadd.f32 v30, v26;
	v19 =	vmul.f32 v24, v8  }
0x147: {  	v20 =	vld [tilespmem:s26+$0xFFFFFE30];
	v33 =	vadd.f32 v27, v22;
	v22 =	vmul.f32 v0, v0;
	v6 =	vadd.f32 v6, v28  }
0x148: {  	v39 =	vmul.f32 v59, v59;
	v30 =	vmul.f32 v14, v14;
	v0 =	vld [tilespmem:s26+$0xFFFFFEC0]  }
0x149: {  	v27 =	vmul.f32 v25, v62;
	v2 =	vld [tilespmem:s26+$0xFFFFFED0];
	v26 =	vadd.f32 v19, v26;
	v6 =	vadd.f32 v22, v6  }
0x14a: {  	v5 =	vadd.f32 v5, v15;
	v4 =	vmul.f32 v4, v4;
	v24 =	vld [tilespmem:s26+$0xFFFFFE80];
	v37 =	vadd.f32 v31, v30  }
0x14b: {  	v31 =	vld [tilespmem:s26+$0xFFFFFE50];
	v34 =	vadd.f32 v27, v26;
	v26 =	vmul.f32 v25, v25;
	v3 =	vadd.f32 v3, v6  }
0x14c: {  	v25 =	vld [tilespmem:s26+$0xFFFFFE90];
	v6 =	vadd.f32 v18, v17;
	v17 =	vmul.f32 v7, v7;
	v18 =	vmul.f32 v56, v56  }
0x14d: {  	v42 =	vmul.f32 v58, v58;
	v29 =	vmul.f32 v55, v55;
	v19 =	vld [tilespmem:s26+$0xFFFFFEA0]  }
0x14e: {  	v4 =	vadd.f32 v4, v5;
	v28 =	vld [tilespmem:s26+$0xFFFFFE00];
	(xrf2) =	vadd.scan.msk.f32 $0xffff, v32;
	v17 =	vadd.f32 v18, v17;
	v18 =	vmul.f32 v35, v35  }
0x14f: {  	v37 =	vadd.f32 v38, v37;
	(xrf2) =	vadd.scan.msk.f32 $0xffff, v33;
	v33 =	vld [tilespmem:s26+$0xFFFFFF10];
	v27 =	vmul.f32 v12, v12;
	v48 =	vmul.f32 v2, v2  }
0x150: {  	v22 =	vld [tilespmem:s26+$0xFFFFFEB0];
	v51 =	vmul.f32 v24, v24;
	v17 =	vadd.f32 v18, v17;
	v18 =	vmul.f32 v63, v63  }
0x151: {  	(xrf2) =	vadd.scan.msk.f32 $0xffff, v34;
	v34 =	vld [tilespmem:s26+$0xFFFFFE70];
	v5 =	vadd.f32 v43, v6;
	v6 =	vmul.f32 v16, v16;
	v40 =	vmul.f32 v25, v25  }
0x152: {  	[tilespmem:$0x1FF00] =	vst v35;
	v35 =	vld [tilespmem:s26+$0xFFFFFFD0];
	v17 =	vadd.f32 v27, v17;
	v18 =	vadd.f32 v29, v18;
	v27 =	vmul.f32 v36, v36  }
0x153: {  	[tilespmem:$0x1FF80] =	vst v2;
	v2 =	vmul.f32 v21, v21;
	v6 =	vadd.f32 v44, v6;
	v5 =	vadd.f32 v26, v5;
	v29 =	vld [tilespmem:s26+$0xFFFFFE10]  }
0x154: {  	(xrf2) =	vadd.scan.msk.f32 $0xffff, v3;
	v44 =	vmul.f32 v19, v19;
	v43 =	vadd.f32 v40, v51;
	v47 =	vadd.f32 v27, v18;
	v27 =	vld [tilespmem:s26+$0xFFFFFE40]  }
0x155: {  	v3 =	vadd.f32 v39, v37;
	(xrf2) =	vadd.scan.msk.f32 $0xffff, v4;
	v4 =	vmul.f32 v28, v28;
	v26 =	vld [tilespmem:s26+$0xFFFFFE20];
	v6 =	vadd.f32 v45, v6  }
0x156: {  	v32 =	vld [tilespmem:s26+$0xFFFFFE60];
	(xrf2) =	vadd.scan.msk.f32 $0xffff, v5;
	v5 =	vadd.f32 v44, v43;
	v43 =	vmul.f32 v33, v33;
	v18 =	vmul.f32 v0, v0  }
0x157: {  	[tilespmem:$0x1FF30] =	vst v36;
	v30 =	vld [tilespmem:s26+$0xFFFFFF00];
	v44 =	vmul.f32 v34, v34;
	v51 =	vmul.f32 v35, v35;
	v6 =	vadd.f32 v46, v6  }
0x158: {  	v1 =	vld [tilespmem:s26+$0xFFFFFFC0];
	(xrf2) =	vadd.scan.msk.f32 $0xffff, v17;
	v17 =	vmul.f32 v22, v22;
	v18 =	vadd.f32 v48, v18;
	v45 =	vmul.f32 v29, v29  }
0x159: {  	[tilespmem:$0x1FF70] =	vst v0;
	v36 =	vld [tilespmem:s26+$0xFFFFFF20];
	v0, _, _ =	vpop (xrf2);
	v15 =	vadd.f32 v49, v47;
	v47 =	vmul.f32 v31, v31;
	v46 =	vmul.f32 v27, v27  }
0x15a: {  	v37 =	vld [tilespmem:s26+$0xFFFFFF30];
	[tilespmem:$0x1FEB0] =	vst v0;
	v48 =	vmul.f32 v26, v26;
	v18 =	vadd.f32 v50, v18;
	v4 =	vadd.f32 v45, v4  }
0x15b: {  	v39 =	vld [tilespmem:s26+$0x90];
	(xrf2) =	vadd.scan.msk.f32 $0xffff, v6;
	v6 =	vmul.f32 v20, v20;
	v49 =	vmul.f32 v32, v32;
	v40 =	vadd.f32 v47, v46  }
0x15c: {  	v38 =	vld [tilespmem:s26+$0xFFFFFFE0];
	v0, _, _ =	vpop (xrf2);
	(xrf2) =	vadd.scan.msk.f32 $0xffff, v15;
	v18 =	vadd.f32 v42, v18;
	v42 =	vmul.f32 v30, v30;
	v4 =	vadd.f32 v48, v4  }
0x15d: {  	[tilespmem:$0x1FEC0] =	vst v0;
	(xrf2) =	vadd.scan.msk.f32 $0xffff, v3;
	v3 =	vadd.f32 v17, v5;
	v5 =	vadd.f32 v49, v40;
	v40 =	vld [tilespmem:s26+$0xFFFFFFF0]  }
0x15e: {  	v0, _, _ =	vpop (xrf2);
	v50 =	vmul.f32 v36, v36;
	(xrf2) =	vadd.scan.msk.f32 $0xffff, v18;
	v4 =	vadd.f32 v6, v4;
	v6 =	vadd.f32 v43, v42;
	v42 =	vld [tilespmem:s26+$0x140]  }
0x15f: {  	[tilespmem:$0x1FEE0] =	vst v0;
	(xrf2) =	vadd.scan.msk.f32 $0xffff, v3;
	v43 =	vld [tilespmem:s26+$0x150];
	v3 =	vadd.f32 v44, v5;
	v5 =	vmul.f32 v1, v1  }
0x160: {  	v0 =	vmul.f32 v39, v39;
	v45 =	vld [tilespmem:s26+$0x160];
	v46 =	vmul.f32 v37, v37;
	(xrf2) =	vadd.scan.msk.f32 $0xffff, v4;
	v4 =	vadd.f32 v50, v6  }
0x161: {  	v15, _, _ =	vpop (xrf2);
	v47 =	vmul.f32 v38, v38;
	v44 =	vld [tilespmem:s26+$0xB0];
	v5 =	vadd.f32 v51, v5;
	(xrf2) =	vadd.scan.msk.f32 $0xffff, v3  }
0x162: {  	[tilespmem:$0x1FF20] =	vst v12;
	v12, _, _ =	vpop (xrf2);
	v18 =	vmov v11;
	v4 =	vadd.f32 v46, v4;
	v3 =	vadd.f32 v0, v2  }
0x163: {  	[tilespmem:$0x1FED0] =	vst v1;
	v11, _, _ =	vpop (xrf2);
	v46 =	vld [tilespmem:s26+$0x1D0];
	v2 =	vmul.f32 v41, v41;
	v1 =	vmul.f32 v40, v40;
	v5 =	vadd.f32 v47, v5  }
0x164: {  	v51, _, _ =	vpop (xrf2);
	v0 =	vmul.f32 v43, v43;
	v47 =	vld [tilespmem:s26+$0x170];
	(xrf2) =	vadd.scan.msk.f32 $0xffff, v4;
	v4 =	vmul.f32 v42, v42  }
0x165: {  	v50, _, _ =	vpop (xrf2);
	v2 =	vadd.f32 v2, v3;
	v5 =	vadd.f32 v1, v5  }
0x166: {  	v49, _, _ =	vpop (xrf2);
	v3 =	vmul.f32 v44, v44;
	v4 =	vadd.f32 v0, v4;
	v0 =	vmul.f32 v45, v45  }
0x167: {  	v7 =	vmul.f32 v7, v9;
	v48, _, _ =	vpop (xrf2)  }
0x168: {  	[tilespmem:$0x1FEF0] =	vst v21;
	v6 =	vadd.f32 v3, v2;
	v21, _, _ =	vpop (xrf2);
	v2 =	vmul.f32 v18, v18;
	v1 =	vmul.f32 v46, v46  }
0x169: {  	(xrf2) =	vadd.scan.msk.f32 $0xffff, v5;
	v3 =	vadd.f32 v0, v4;
	v4 =	vmul.f32 v56, v10;
	v56 =	vmul.f32 v47, v47;
	v5, _, _ =	vpop (xrf2)  }
0x16a: {  	[tilespmem:$0x1FF40] =	vst v23;
	v23 =	vld [tilespmem:s26+$0x1E0];
	v13 =	vmul.f32 v13, v10;
	v1 =	vadd.f32 v1, v2;
	v2 =	vmul.f32 v16, v9;
	v0, _, _ =	vpop (xrf2)  }
0x16b: {  	v4 =	vadd.f32 v4, v7;
	v7 =	vld [tilespmem:$0x1FF00];
	v3 =	vadd.f32 v56, v3;
	v56 =	vmul.f32 v63, v9;
	v63, _, _ =	vpop (xrf2)  }
0x16c: {  	v2 =	vadd.f32 v13, v2;
	v0 =	vbroadcast v0, $0xF;
	v13 =	vbroadcast v63, $0xF  }
0x16d: {  	v16 =	vld [tilespmem:s26+$0x1F0];
	v5 =	vbroadcast v5, $0xF  }
0x16e: {  	v21 =	vbroadcast v21, $0xF;
	v0 =	vsel vm0, v0, v13  }
0x16f: {  	v63 =	vmul.f32 v23, v23;
	v0 =	vsel vm1, v0, v5  }
0x170: {  	(xrf2) =	vadd.scan.msk.f32 $0xffff, v6;
	v6 =	vmul.f32 v55, v10;
	v0 =	vsel vm2, v0, v21;
	v21 =	vmul.f32 v7, v8;
	v7 =	vld [tilespmem:$0x1FF10];
	_ =	sdelay $0x1  }
0x171: {  	v1 =	vadd.f32 v63, v1;
	v5 =	vadd.f32 v6, v56;
	v6 =	vmul.f32 v16, v16  }
0x172: {  	v48 =	vbroadcast v48, $0xF;
	v63, _, _ =	vpop (xrf2)  }
0x173: {  	(xrf2) =	vadd.scan.msk.f32 $0xffff, v3;
	v3 =	vmul.f32 v61, v10;
	v13 =	vbroadcast v63, $0xF;
	v1 =	vadd.f32 v6, v1  }
0x174: {  	v6 =	vmul.f32 v14, v9;
	v4 =	vadd.f32 v21, v4;
	v21 =	vmul.f32 v7, v8;
	v7 =	vld [tilespmem:$0x1FF20]  }
0x175: {  	v49 =	vbroadcast v49, $0xF;
	v55, _, _ =	vpop (xrf2);
	v0 =	vsel vm3, v0, v13  }
0x176: {  	v3 =	vadd.f32 v3, v6;
	v6 =	vbroadcast v55, $0xF;
	v0 =	vsel vm4, v0, v48  }
0x177: {  	v0 =	vsel vm5, v0, v49  }
0x178: {  	v56 =	vbroadcast v50, $0xF;
	v0 =	vsel vm6, v0, v6  }
0x179: {  	v6 =	vmul.f32 v60, v62;
	v2 =	vadd.f32 v21, v2;
	v21 =	vmul.f32 v7, v62;
	v7 =	vld [tilespmem:$0x1FF30]  }
0x17a: {  	v61 =	vbroadcast v51, $0xF;
	v63, _, _ =	vpop (xrf2)  }
0x17b: {  	v0 =	vsel vm7, v0, v56;
	v6 =	vadd.f32 v6, v2;
	v2 =	vbroadcast v63, $0xF  }
0x17c: {  	v0 =	vsel vm8, v0, v61  }
0x17d: {  	v0 =	vsel vm9, v0, v2;
	v2 =	vld [tilespmem:$0x1FF40]  }
0x17e: {  	v13 =	vbroadcast v11, $0xF;
	v4 =	vadd.f32 v21, v4;
	v21 =	vmul.f32 v7, v8  }
0x17f: {  	v14 =	vbroadcast v12, $0xF  }
0x180: {  	v0 =	vsel vm10, v0, v13;
	v5 =	vadd.f32 v21, v5  }
0x181: {  	v48 =	vsel vm11, v0, v14;
	v0 =	vld [tilespmem:$0x1FF60]  }
0x182: {  	v2 =	vmul.f32 v2, v62;
	_ =	sdelay $0x1  }
0x183: {  	v11 =	vld [tilespmem:$0x1FF50];
	v2 =	vadd.f32 v2, v5;
	v5, _, _ =	vpop (xrf2);
	(xrf2) =	vadd.scan.msk.f32 $0xffff, v1;
	_ =	sdelay $0x1  }
0x184: {  	v61 =	vmul.f32 v0, v8;
	v0 =	vld [tilespmem:$0x1FF70]  }
0x185: {  	v1 =	vld [tilespmem:$0x1FF80]  }
0x186: {  	v50 =	vmul.f32 v59, v62;
	v56 =	vmul.f32 v58, v62  }
0x187: {  	v59 =	vmul.f32 v11, v8;
	v7 =	vmul.f32 v23, v8  }
0x188: {  	v21 =	vmul.f32 v16, v62;
	v5 =	vbroadcast v5, $0xF  }
0x189: {  	s28 =	simm.s32 $0x0;
	(xrf2) =	vadd.scan.msk.f32 $0xffff, v4;
	v4 =	vadd.f32 v59, v3;
	v3 =	vmul.f32 v19, v8;
	v0 =	vmul.f32 v0, v9  }
0x18a: {  	s29 =	simm.s32 $0x10;
	s30 =	simm.s32 $0x600;
	s26 =	smul.u32 $0x7A0, s25;
	(xrf2) =	vadd.scan.msk.f32 $0xffff, v6;
	v6 =	vbroadcast v15, $0xF;
	v5 =	vsel vm12, v48, v5;
	v1 =	vmul.f32 v1, v10  }
.LBB2_3:
0x18b: {  	_ = 	snop  }
0x18c: {  	v24 =	vmul.f32 v24, v9;
	v0 =	vadd.f32 v1, v0;
	v1 =	vsel vm13, v5, v6;
	(xrf2) =	vadd.scan.msk.f32 $0xffff, v2;
	v2, _, _ =	vpop (xrf2)  }
0x18d: {  	v6 =	vmul.f32 v25, v10;
	v11 =	vadd.f32 v50, v4;
	v5 =	vsel vm14, v1, v2  }
0x18e: {  	v2 =	vmul.f32 v28, v9;
	v1 =	vshra.s32 v5, $0x1;
	v25 =	vmul.f32 $5.000000000e-01, v5  }
0x18f: {  	v0 =	vadd.f32 v61, v0;
	v6 =	vadd.f32 v6, v24;
	v24 =	vsub.s32 $0x5F3759DF, v1  }
0x190: {  	v28 =	vmul.f32 v29, v10;
	v29 =	vmul.f32 v24, v25  }
0x191: {  	(xrf2) =	vadd.scan.msk.f32 $0xffff, v11;
	v11 =	vmul.f32 v22, v62;
	v22 =	vmul.f32 v26, v8;
	v0 =	vadd.f32 v56, v0  }
0x192: {  	v2 =	vadd.f32 v28, v2;
	v3 =	vadd.f32 v3, v6;
	v26 =	vmul.f32 v24, v29  }
0x193: {  	v4, _, _ =	vpop (xrf2);
	(xrf2) =	vadd.scan.msk.f32 $0xffff, v0;
	v0 =	vmul.f32 v27, v9;
	v27 =	vmul.f32 v31, v10  }
0x194: {  	v20 =	vmul.f32 v20, v62;
	v2 =	vadd.f32 v22, v2;
	v3 =	vadd.f32 v11, v3  }
0x195: {  	v11 =	vsub.f32 $1.500000000e+00, v26;
	v0 =	vadd.f32 v27, v0;
	v26 =	vmul.f32 v32, v8  }
0x196: {  	v2 =	vadd.f32 v20, v2  }
0x197: {  	v20 =	vmul.f32 v24, v11;
	v0 =	vadd.f32 v26, v0;
	v24 =	vmul.f32 v34, v62  }
0x198: {  	v6, _, _ =	vpop (xrf2);
	(xrf2) =	vadd.scan.msk.f32 $0xffff, v3  }
0x199: {  	v22, _, _ =	vpop (xrf2);
	(xrf2) =	vadd.scan.msk.f32 $0xffff, v2;
	v2 =	vadd.f32 v24, v0;
	v0 =	vld [tilespmem:$0x1FED0]  }
0x19a: {  	v27 =	vmul.f32 v30, v9;
	v3 =	vmul.f32 v33, v10;
	_ =	sdelay $0x1  }
0x19b: {  	v3 =	vadd.f32 v3, v27;
	v27 =	vmul.f32 v36, v8  }
0x19c: {  	v28 =	vmul.f32 v20, v25  }
0x19d: {  	v24 =	vmul.f32 v35, v10;
	v27 =	vadd.f32 v27, v3;
	v3 =	vld [tilespmem:$0x1FEF0];
	v19 =	vmul.f32 v0, v9  }
0x19e: {  	v30 =	vmul.f32 v37, v62;
	v28 =	vmul.f32 v28, v20  }
0x19f: {  	v29, _, _ =	vpop (xrf2);
	(xrf2) =	vadd.scan.msk.f32 $0xffff, v2;
	v19 =	vadd.f32 v24, v19;
	v24 =	vmul.f32 v38, v8  }
0x1a0: {  	v27 =	vadd.f32 v30, v27;
	v28 =	vsub.f32 $1.500000000e+00, v28  }
0x1a1: {  	v30 =	vmul.f32 v39, v10;
	v19 =	vadd.f32 v24, v19;
	v24 =	vmul.f32 v40, v62  }
0x1a2: {  	v31, _, _ =	vpop (xrf2);
	(xrf2) =	vadd.scan.msk.f32 $0xffff, v27;
	v16 =	vmul.f32 v3, v9;
	v20 =	vmul.f32 v28, v20  }
0x1a3: {  	v28 =	vmul.f32 v43, v10;
	v19 =	vadd.f32 v24, v19;
	v24 =	vmul.f32 v42, v9  }
0x1a4: {  	v16 =	vadd.f32 v30, v16;
	v30 =	vmul.f32 v41, v8  }
0x1a5: {  	v26 =	vmul.f32 v47, v62;
	v63, _, _ =	vpop (xrf2);
	v24 =	vadd.f32 v28, v24;
	v28 =	vmul.f32 v45, v8;
	(xrf2) =	vadd.scan.msk.f32 $0xffff, v19  }
0x1a6: {  	v11 =	vmul.f32 v44, v62;
	v25 =	vmul.f32 v20, v25;
	v16 =	vadd.f32 v30, v16  }
0x1a7: {  	v14 =	vmul.f32 v18, v9;
	v40 =	vmul.f32 v46, v10;
	v24 =	vadd.f32 v28, v24  }
0x1a8: {  	v25 =	vmul.f32 v25, v20;
	v16 =	vadd.f32 v11, v16;
	v30, _, _ =	vpop (xrf2)  }
0x1a9: {  	v51 =	vld [tilespmem:s30+$0x1B0];
	v14 =	vadd.f32 v40, v14;
	v24 =	vadd.f32 v26, v24;
	v26, _, _ =	vpop (xrf2)  }
0x1aa: {  	v61 =	vld [tilespmem:s30+$0x180];
	v25 =	vsub.f32 $1.500000000e+00, v25;
	(xrf2) =	vadd.scan.msk.f32 $0xffff, v16;
	v16 =	vbroadcast v30, $0xF;
	v26 =	vbroadcast v26, $0xF  }
0x1ab: {  	v2 =	vld [tilespmem:s30+$0x120];
	v23 =	vbroadcast v31, $0xF;
	v33 =	vbroadcast v63, $0xF  }
0x1ac: {  	v27 =	vld [tilespmem:s30+$0x190];
	v14 =	vadd.f32 v7, v14;
	v11 =	vmul.f32 v25, v20;
	v20, _, _ =	vpop (xrf2);
	v16 =	vsel vm0, v16, v26  }
0x1ad: {  	v0 =	vld [tilespmem:s30+$0x130];
	v20 =	vbroadcast v20, $0xF;
	v16 =	vsel vm1, v16, v33  }
0x1ae: {  	v3 =	vld [tilespmem:s30+$0x1A0];
	v14 =	vadd.f32 v21, v14;
	v21 =	vbroadcast v29, $0xF;
	v16 =	vsel vm2, v16, v23  }
0x1af: {  	v12 =	vbroadcast v22, $0xF;
	v31 =	vld [tilespmem:s30+$0xFFFFFFB0];
	v16 =	vsel vm3, v16, v20;
	v22, _, _ =	vpop (xrf2)  }
0x1b0: {  	v19 =	vld [tilespmem:s30+$0x100];
	(xrf2) =	vadd.scan.msk.f32 $0xffff, v24;
	v45 =	vsel vm4, v16, v21;
	v16 =	vbroadcast v22, $0xF  }
0x1b1: {  	v6 =	vbroadcast v6, $0xF;
	v30 =	vld [tilespmem:s30+$0x110];
	v5 =	vmul.f32 v11, v5;
	v11 =	vsel vm5, v45, v12  }
0x1b2: {  	v4 =	vbroadcast v4, $0xF;
	v1 =	vmul.f32 v51, v62;
	v16 =	vsel vm6, v11, v16;
	v11 =	vld [tilespmem:$0x1FEC0]  }
0x1b3: {  	v44 =	vmul.f32 v27, v10;
	v5 =	vmul.f32 v5, v52;
	v24 =	vld [tilespmem:s30+$0xC0];
	v6 =	vsel vm7, v16, v6  }
0x1b4: {  	v41 =	vmul.f32 v0, v62;
	v28 =	vmul.f32 v61, v9;
	(xrf2) =	vadd.scan.msk.f32 $0xffff, v14;
	v20, _, _ =	vpop (xrf2);
	v4 =	vsel vm8, v6, v4;
	v6 =	vld [tilespmem:$0x1FEE0]  }
0x1b5: {  	v43 =	vmul.f32 v3, v8;
	v5 =	vmax.f32 v5, $9.999999930e-09;
	v23 =	vld [tilespmem:s30+$0xD0];
	v16 =	vbroadcast v20, $0xF  }
0x1b6: {  	v7 =	vld [tilespmem:s30+$0x1C0];
	v25 =	vmul.f32 v19, v9;
	(erf) = vrcp.f32 v5;
	v22 =	vadd.f32 v44, v28  }
0x1b7: {  	v26 =	vmul.f32 v30, v10;
	v4 =	vsel vm9, v4, v16;
	v16 =	vbroadcast v11, $0xF;
	v11 =	vld [tilespmem:$0x1FEB0]  }
0x1b8: {  	v3 =	vmul.f32 v3, v3;
	v13 =	vmul.f32 v31, v62;
	v21 =	vld [tilespmem:s30+$0xE0];
	v22 =	vadd.f32 v43, v22  }
0x1b9: {  	v48 =	vld [tilespmem:s30+$0x1F0];
	v42 =	vmul.f32 v2, v8;
	v25 =	vadd.f32 v26, v25;
	v6 =	vbroadcast v6, $0xF  }
0x1ba: {  	v5 =	vmul.f32 v24, v9;
	v20 =	vld [tilespmem:s30+$0xF0];
	v28 =	vmul.f32 v23, v10;
	v1 =	vadd.f32 v1, v22;
	v17, _, _ =	vpop (xrf2)  }
0x1bb: {  	v49 =	vld [tilespmem:s30+$0x1E0];
	v22 =	vadd.f32 v42, v25;
	v4 =	vsel vm10, v4, v6;
	v6 =	vbroadcast v17, $0xF  }
0x1bc: {  	v60 =	vld [tilespmem:s30+$0xFFFFFE80];
	v5 =	vadd.f32 v28, v5;
	v46 =	vsel vm11, v4, v16;
	v15 =	vbroadcast v11, $0xF  }
0x1bd: {  	v18 =	vld [tilespmem:s30+$0x70];
	[tilespmem:$0x1FE00] =	vst v7;
	v47 =	vadd.f32 v41, v22;
	v17 =	vmul.f32 v21, v8;
	v7 =	vsel vm12, v46, v6  }
0x1be: {  	v58 =	vld [tilespmem:s30+$0xFFFFFE90];
	(xrf2) =	vadd.scan.msk.f32 $0xffff, v1;
	v22 =	vmul.f32 v27, v27;
	v6 =	vmul.f32 v61, v61;
	v1 =	vsel vm13, v7, v15;
	v4, _, _ =	vpop (xrf2)  }
0x1bf: {  	v37 =	vld [tilespmem:s30+$0xFFFFFEF0];
	v5 =	vadd.f32 v17, v5;
	v17 =	vmul.f32 v20, v62;
	v1 =	vsel vm14, v1, v4;
	v4 =	vpop (erf)  }
0x1c0: {  	v0 =	vmul.f32 v0, v0;
	[tilespmem:$0x1FE90] =	vst v13;
	v33 =	vld [tilespmem:s30+$0x20];
	v1 =	vmul.f32 v4, v1  }
0x1c1: {  	v13 =	vmul.f32 v60, v60;
	v26 =	vld [tilespmem:s30+$0x60];
	(xrf2) =	vadd.scan.msk.f32 $0xffff, v47;
	v22 =	vadd.f32 v22, v6;
	v5 =	vadd.f32 v17, v5  }
0x1c2: {  	v34 =	vld [tilespmem:s30+$0x50];
	v19 =	vmul.f32 v19, v19;
	v50 =	vmul.f32 v30, v30;
	v32 =	vsub.f32 $1.000000000e+00, v1  }
0x1c3: {  	v4 =	vld [tilespmem:s30+$0x40];
	(xrf2) =	vadd.scan.msk.f32 $0xffff, v5;
	v1 =	vmul.f32 v2, v2;
	v2 =	vadd.f32 v3, v22;
	v3 =	vmul.f32 v51, v51  }
0x1c4: {  	v40 =	vld [tilespmem:s30+$0xFFFFFF80];
	v15 =	vadd.f32 v50, v19;
	v19 =	vmul.f32 v23, v23;
	vm15 =	vlt.f32 v32, v53  }
0x1c5: {  	v42 =	vld [tilespmem:s30+$0xFFFFFF90];
	v17 =	vmul.f32 v24, v24;
	v2 =	vadd.f32 v3, v2;
	v3 =	vmpcnt.ones.xlane vm15  }
0x1c6: {  	v35 =	vld [tilespmem:s30+$0x0];
	v56 =	vmul.f32 v33, v8;
	v55 =	vmul.f32 v26, v8;
	v7 =	vadd.f32 v1, v15  }
0x1c7: {  	v5 =	vld [tilespmem:s30+$0x10];
	v17 =	vadd.f32 v19, v17;
	v19 =	vmul.f32 v21, v21;
	(v2sf) =	vpush v3, $0x0  }
0x1c8: {  	v39 =	vld [tilespmem:s30+$0xFFFFFF60];
	v25 =	vmul.f32 v33, v33;
	(xrf2) =	vadd.scan.msk.f32 $0xffff, v2;
	v2 =	vmul.f32 v4, v4;
	v11 =	vadd.f32 v0, v7;
	v1, _, _ =	vpop (xrf2)  }
0x1c9: {  	v29 =	vld [tilespmem:s30+$0x30];
	v7 =	vmul.f32 v48, v62;
	v3 =	vmul.f32 v34, v34;
	[tilespmem:$0x1FEB0] =	vst v1;
	v1 =	vadd.f32 v19, v17  }
0x1ca: {  	v45 =	vld [tilespmem:s30+$0xFFFFFF40];
	v28 =	vmul.f32 v40, v40;
	v30 =	vmul.f32 v42, v42  }
0x1cb: {  	v6 =	vld [tilespmem:s30+$0xFFFFFFA0];
	v17 =	vmul.f32 v20, v20;
	[tilespmem:$0x1FE20] =	vst v7;
	v0, _, _ =	vpop (xrf2);
	v2 =	vadd.f32 v3, v2;
	v3 =	vmul.f32 v26, v26  }
0x1cc: {  	v24 =	vmul.f32 v5, v5;
	v20 =	vmul.f32 v35, v35;
	[tilespmem:$0x1FEC0] =	vst v0;
	v0 =	vld [tilespmem:s30+$0xFFFFFF50]  }
0x1cd: {  	v52 =	vld [tilespmem:s30+$0x80];
	(xrf2) =	vadd.scan.msk.f32 $0xffff, v11;
	v51 =	vadd.f32 v17, v1;
	v2 =	vadd.f32 v3, v2;
	v3 =	vmul.f32 v18, v18;
	v1, _, _ =	vpop (xrf2)  }
0x1ce: {  	v27 =	vld [tilespmem:s30+$0xFFFFFF70];
	v28 =	vadd.f32 v30, v28;
	v24 =	vadd.f32 v24, v20;
	[tilespmem:$0x1FEE0] =	vst v1;
	v1 =	vmul.f32 v29, v62  }
0x1cf: {  	v7 =	vmul.f32 v49, v8;
	v11 =	vmul.f32 v18, v62;
	(xrf2) =	vadd.scan.msk.f32 $0xffff, v51;
	v3 =	vadd.f32 v3, v2;
	v2 =	vld [tilespmem:s30+$0xFFFFFEC0]  }
0x1d0: {  	v24 =	vadd.f32 v25, v24;
	v25 =	vmul.f32 v29, v29;
	v29 =	vmul.f32 v6, v6;
	[tilespmem:$0x1FE60] =	vst v1;
	v1 =	vld [tilespmem:s30+$0xFFFFFED0]  }
0x1d1: {  	v43 =	vld [tilespmem:s30+$0xFFFFFEE0];
	v26 =	vmul.f32 v0, v0;
	(xrf2) =	vadd.scan.msk.f32 $0xffff, v3;
	v3 =	vmul.f32 v45, v45  }
0x1d2: {  	[tilespmem:$0x1FE30] =	vst v55;
	v55 =	vld [tilespmem:s30+$0xFFFFFEA0];
	v30 =	vadd.f32 v25, v24;
	v28 =	vadd.f32 v29, v28;
	v29 =	vmul.f32 v31, v31  }
0x1d3: {  	v50 =	vmul.f32 v27, v62;
	[tilespmem:$0x1FE10] =	vst v7;
	v7 =	vld [tilespmem:s30+$0xFFFFFEB0];
	v3 =	vadd.f32 v26, v3;
	v26 =	vmul.f32 v39, v39  }
0x1d4: {  	v27 =	vmul.f32 v27, v27;
	[tilespmem:$0x1FE50] =	vst v11;
	v11, _, _ =	vpop (xrf2);
	(xrf2) =	vadd.scan.msk.f32 $0xffff, v30;
	v30 =	vadd.f32 v29, v28;
	v28 =	vld [tilespmem:s30+$0xFFFFFE00]  }
0x1d5: {  	v29 =	vld [tilespmem:s30+$0xFFFFFE10];
	v31 =	vmul.f32 v2, v2;
	v59 =	vmul.f32 v1, v1;
	v61 =	vadd.f32 v26, v3  }
0x1d6: {  	[tilespmem:$0x1FE40] =	vst v56;
	v56 =	vmul.f32 v37, v37;
	v63 =	vmul.f32 v43, v43;
	v51 =	vld [tilespmem:s30+$0xFFFFFE30];
	s31 =	spop (v2sf)  }
0x1d7: {  	[tilespmem:$0x1FEA0] =	vst v11;
	v11, _, _ =	vpop (xrf2);
	(xrf2) =	vadd.scan.msk.f32 $0xffff, v30;
	v26 =	vld [tilespmem:s30+$0xFFFFFE20];
	v30 =	vadd.f32 v59, v31;
	v12 =	vadd.f32 v27, v61;
	p0 =	slt.s32 s31, $0x1  }
0x1d8: {  	v15 =	vmul.f32 v58, v58;
	[tilespmem:$0x1FE80] =	vst v11;
	v3 =	vmul.f32 v4, v9;
	v27 =	vld [tilespmem:s30+$0xFFFFFE40];
	s31 =	sadd.s32 @!p0 s28, s24;
	v41 =	vlaneseq.u32 @!p0  }
0x1d9: {  	v4 =	vmul.f32 v34, v10;
	v11, _, _ =	vpop (xrf2);
	v31 =	vld [tilespmem:s30+$0xFFFFFE50];
	v33 =	vadd.f32 v63, v30;
	(xrf2) =	vadd.scan.msk.f32 $0xffff, v12;
	v34 =	vadd.s32 @!p0 s31, v41  }
0x1da: {  	v61 =	vmul.f32 v28, v28;
	v30 =	vld [tilespmem:s30+$0xFFFFFF00];
	v12 =	vmul.f32 v29, v29;
	(xrf1) =	vsort.dscd.msk.f32 @!p0 $0xffff, v32, v34  }
0x1db: {  	v36 =	vadd.f32 v15, v13;
	v59 =	vmul.f32 v55, v55;
	v44 =	vadd.f32 v56, v33;
	v33 =	vld [tilespmem:s30+$0xFFFFFF10]  }
0x1dc: {  	v15 =	vmul.f32 v26, v26;
	v41 =	vadd.f32 v12, v61;
	v32 =	vld [tilespmem:s30+$0xFFFFFE60]  }
0x1dd: {  	v14 =	vld [tilespmem:s30+$0xFFFFFFC0];
	v13 =	vmul.f32 v7, v7;
	v46 =	vmul.f32 v51, v51;
	v36 =	vadd.f32 v59, v36  }
0x1de: {  	[tilespmem:$0x1FE70] =	vst v11;
	v11 =	vmul.f32 v35, v9;
	v12 =	vmul.f32 v5, v10;
	v34 =	vld [tilespmem:s30+$0xFFFFFE70];
	v41 =	vadd.f32 v15, v41  }
0x1df: {  	v38 =	vadd.f32 v13, v36;
	v36 =	vld [tilespmem:s30+$0xFFFFFF20];
	v61 =	vmul.f32 v27, v27;
	v56 =	vmul.f32 v31, v31  }
0x1e0: {  	v35 =	vld [tilespmem:s30+$0xFFFFFFD0];
	v41 =	vadd.f32 v46, v41;
	v46 =	vmul.f32 v30, v30;
	v15 =	vmul.f32 v33, v33  }
0x1e1: {  	v63, _, _ =	vpop (xrf2);
	(xrf2) =	vadd.scan.msk.f32 $0xffff, v44;
	v5 =	vadd.f32 v56, v61;
	v56 =	vmul.f32 v37, v62;
	v37 =	vld [tilespmem:s30+$0xFFFFFF30];
	v61 =	vmul.f32 v32, v32  }
0x1e2: {  	v18 =	vmul.f32 v14, v14;
	v59 =	vmul.f32 v6, v8;
	v6, _, _ =	vpop (xrf2);
	(xrf2) =	vadd.scan.msk.f32 $0xffff, v38;
	v38 =	vld [tilespmem:s30+$0xFFFFFFE0];
	v46 =	vadd.f32 v15, v46  }
0x1e3: {  	v15 =	vmul.f32 v40, v9;
	v40 =	vld [tilespmem:s30+$0xFFFFFFF0];
	v44 =	vadd.f32 v61, v5;
	v61 =	vmul.f32 v34, v34  }
0x1e4: {  	v47 =	vmul.f32 v36, v36;
	v5 =	vmul.f32 v39, v8;
	v39 =	vld [tilespmem:s30+$0x90]  }
0x1e5: {  	[tilespmem:$0x1FED0] =	vst v14;
	v14 =	vmul.f32 v35, v35;
	v44 =	vadd.f32 v61, v44;
	v61 =	vmul.f32 v43, v8;
	v43 =	vld [tilespmem:s30+$0x150]  }
0x1e6: {  	v46 =	vadd.f32 v47, v46;
	v47 =	vmul.f32 v37, v37  }
0x1e7: {  	v16 =	vmul.f32 v42, v10;
	v42 =	vld [tilespmem:s30+$0x140];
	v14 =	vadd.f32 v14, v18;
	v18 =	vmul.f32 v38, v38  }
0x1e8: {  	[tilespmem:$0x1FEF0] =	vst v52;
	v47 =	vadd.f32 v47, v46;
	v46 =	vmul.f32 v52, v52;
	v24 =	vmul.f32 v40, v40;
	v20, v52, _ =	vpop @!p0 (xrf1)  }
0x1e9: {  	v25 =	vmov v57;
	v14 =	vadd.f32 v18, v14;
	vm15 =	vle.f32 @!p0 v57, v20  }
0x1ea: {  	v13, _, _ =	vpop (xrf2);
	(xrf2) =	vadd.scan.msk.f32 $0xffff, v41;
	v41 =	vld [tilespmem:s30+$0xA0];
	v21 =	vmul.f32 v39, v39;
	v20 =	vsel @!p0 vm15, v57, v20;
	v57 =	vmul.f32 v43, v43  }
0x1eb: {  	v17, _, _ =	vpop (xrf2);
	(xrf2) =	vadd.scan.msk.f32 $0xffff, v44;
	v44 =	vld [tilespmem:s30+$0xB0];
	v14 =	vadd.f32 v24, v14  }
0x1ec: {  	v21 =	vadd.f32 v21, v46;
	v46 =	vld [tilespmem:s30+$0x1D0];
	v24 =	vmovc v54;
	v52 =	vsel @!p0 vm15, v54, v52;
	v54 =	vmul.f32 v42, v42  }
0x1ed: {  	(xrf1) =	vsort.ascd.msk.f32 @!p0 $0xffff, v20, v52;
	v20 =	vmul.f32 v0, v10  }
0x1ee: {  	v0 =	vmul.f32 v2, v9;
	v2 =	vadd.f32 v57, v54;
	v57 =	vmovc v25;
	v25 =	vmov v58;
	v58 =	vld [tilespmem:$0x1FE00]  }
0x1ef: {  	v22 =	vmov v53;
	v19 =	vmul.f32 v45, v9;
	v45 =	vld [tilespmem:s30+$0x160];
	v53 =	vmul.f32 v41, v41;
	v23, _, _ =	vpop (xrf2);
	(xrf2) =	vadd.scan.msk.f32 $0xffff, v47;
	_ =	sdelay $0x1  }
0x1f0: {  	v47 =	vld [tilespmem:s30+$0x170];
	v21 =	vadd.f32 v53, v21;
	v52 =	vmul.f32 v44, v44;
	v54 =	vmul.f32 v46, v46;
	_ =	sdelay $0x1  }
0x1f1: {  	v18, _, _ =	vpop (xrf2);
	v21 =	vadd.f32 v52, v21;
	v52 =	vmul.f32 v58, v58  }
0x1f2: {  	(xrf2) =	vadd.scan.msk.f32 $0xffff, v14;
	v14 =	vmul.f32 v45, v45;
	v53, _, _ =	vpop (xrf2)  }
0x1f3: {  	v52 =	vadd.f32 v54, v52;
	v54, _, _ =	vpop (xrf2);
	(xrf2) =	vadd.scan.msk.f32 $0xffff, v21;
	v21 =	vbroadcast v53, $0xF  }
0x1f4: {  	v2 =	vadd.f32 v14, v2;
	v14 =	vmul.f32 v47, v47  }
0x1f5: {  	v53 =	vbroadcast v54, $0xF  }
0x1f6: {  	v3 =	vadd.f32 v4, v3;
	v2 =	vadd.f32 v14, v2;
	v14 =	vbroadcast v18, $0xF;
	v54 =	vmovc v24  }
0x1f7: {  	v24 =	vmov v60;
	v60 =	vbroadcast v23, $0xF;
	v4 =	vsel vm0, v21, v53;
	v21, _, _ =	vpop (xrf2)  }
0x1f8: {  	(xrf2) =	vadd.scan.msk.f32 $0xffff, v2;
	v2 =	vsel vm1, v4, v14;
	v4 =	vbroadcast v21, $0xF  }
0x1f9: {  	v11 =	vadd.f32 v12, v11;
	v12 =	vbroadcast v17, $0xF;
	v2 =	vsel vm2, v2, v60  }
0x1fa: {  	v2 =	vsel vm3, v2, v4;
	v4 =	vbroadcast v13, $0xF  }
0x1fb: {  	v49 =	vmul.f32 v49, v49;
	v2 =	vsel vm4, v2, v12  }
0x1fc: {  	v2 =	vsel vm5, v2, v4;
	v4 =	vld [tilespmem:$0x1FE40]  }
0x1fd: {  	v48 =	vmul.f32 v48, v48;
	v23 =	vadd.f32 v49, v52;
	_ =	sdelay $0x1  }
0x1fe: {  	v60 =	vadd.f32 v48, v23;
	v48 =	vld [tilespmem:$0x1FE30];
	_ =	sdelay $0x1  }
0x1ff: {  	v4 =	vadd.f32 v4, v11;
	v11 =	vld [tilespmem:$0x1FE50];
	_ =	sdelay $0x1  }
0x200: {  	v49, _, _ =	vpop (xrf2)  }
0x201: {  	v17 =	vbroadcast v49, $0xF;
	v3 =	vadd.f32 v48, v3  }
0x202: {  	v6 =	vbroadcast v6, $0xF;
	v14 =	vadd.f32 v16, v15;
	v16 =	vadd.f32 v20, v19;
	v20 =	vmovc v51  }
0x203: {  	v2 =	vsel vm6, v2, v17;
	v51, _, _ =	vpop (xrf2);
	v3 =	vadd.f32 v11, v3;
	v11 =	vbroadcast v63, $0xF  }
0x204: {  	(xrf2) =	vadd.scan.msk.f32 $0xffff, v60;
	v2 =	vsel vm7, v2, v6;
	v6 =	vbroadcast v51, $0xF  }
0x205: {  	(xrf2) =	vadd.scan.msk.f32 $0xffff, v3;
	v2 =	vsel vm8, v2, v11;
	v3 =	vld [tilespmem:$0x1FE70]  }
0x206: {  	v2 =	vsel vm9, v2, v6;
	v6 =	vld [tilespmem:$0x1FE80];
	_ =	sdelay $0x1  }
0x207: {  	v12, v13, _ =	vpop @!p0 (xrf1)  }
0x208: {  	v17 =	vadd.f32 @!p0 $0.0e+00, v12  }
0x209: {  	v18 =	vmov v58;
	v58 =	vld [tilespmem:$0x1FE60];
	v3 =	vbroadcast v3, $0xF  }
0x20a: {  	v11 =	vbroadcast @!p0 v17, $0xF;
	v6 =	vbroadcast v6, $0xF  }
0x20b: {  	s28 =	smov.u32 s29;
	s29 =	sadd.s32 $0x10, s29;
	v53 =	vmov v22;
	v3 =	vsel vm10, v2, v3;
	v2 =	vld [tilespmem:$0x1FE90]  }
0x20c: {  	p1 =	sne.s32 s29, $0x3D0;
	v53 =	vpsel p0, v53, v11;
	v11 =	vsel vm11, v3, v6;
	v3 =	vld [tilespmem:$0x1FEA0]  }
.Ltmp2:
0x20d: {  	v63, _, _ =	vpop (xrf2);
	(pc) =	sbr.rel @p1 .LBB2_3-.Ltmp2, $4  }
0x20e: {  	v54 =	vpsel p0, v54, v13;
	v4 =	vadd.f32 v58, v4;
	v13 =	vbroadcast v63, $0xF  }
0x20f: {  	v1 =	vmul.f32 v1, v10;
	v52 =	vld [tilespmem:$0x1FF90];
	v22 =	vmov v7;
	v60 =	vadd.f32 v59, v14  }
0x210: {  	v7 =	vld [tilespmem:$0x1FE10];
	v57 =	vpsel p0, v57, v12;
	(xrf2) =	vadd.scan.msk.f32 $0xffff, v4;
	v4 =	vadd.f32 v5, v16;
	v5 =	vsel vm12, v11, v13  }
0x211: {  	s30 =	sadd.s32 $0x400, s30;
	v21 =	vld [tilespmem:$0x1FE20];
	v2 =	vadd.f32 v2, v60;
	v6 =	vbroadcast v3, $0xF;
	v3 =	vmul.f32 v55, v8  }
0x212: {  	_ = 	snop  }
0x213: {  	v11 =	vmul.f32 v24, v9;
	v5 =	vsel vm13, v5, v6;
	v6, _, _ =	vpop (xrf2)  }
0x214: {  	v0 =	vadd.f32 v1, v0;
	v1 =	vsel vm14, v5, v6;
	v5 =	vmul.f32 v25, v10;
	_ =	sdelay $0x1  }
0x215: {  	v13 =	vmul.f32 v28, v9;
	v5 =	vadd.f32 v5, v11  }
0x216: {  	v16 =	vmul.f32 v31, v10;
	v6 =	vshra.s32 v1, $0x1;
	v12 =	vmul.f32 $5.000000000e-01, v1  }
0x217: {  	v6 =	vsub.s32 $0x5F3759DF, v6;
	v3 =	vadd.f32 v3, v5;
	v5 =	vmul.f32 v27, v9  }
0x218: {  	v4 =	vadd.f32 v50, v4;
	v0 =	vadd.f32 v61, v0;
	v15 =	vmul.f32 v6, v12  }
0x219: {  	v32 =	vmul.f32 v32, v8;
	v11 =	vmul.f32 v22, v62;
	v5 =	vadd.f32 v16, v5  }
0x21a: {  	v14 =	vmul.f32 v29, v10;
	(xrf2) =	vadd.scan.msk.f32 $0xffff, v2;
	v0 =	vadd.f32 v56, v0;
	v15 =	vmul.f32 v6, v15  }
0x21b: {  	(xrf2) =	vadd.scan.msk.f32 $0xffff, v4;
	v2 =	vadd.f32 v11, v3;
	v11 =	vmul.f32 v34, v62;
	v5 =	vadd.f32 v32, v5  }
0x21c: {  	v13 =	vadd.f32 v14, v13;
	v14 =	vmul.f32 v26, v8;
	(xrf2) =	vadd.scan.msk.f32 $0xffff, v0;
	v15 =	vsub.f32 $1.500000000e+00, v15  }
0x21d: {  	v17 =	vmul.f32 v30, v9;
	v3 =	vmul.f32 v33, v10;
	(xrf2) =	vadd.scan.msk.f32 $0xffff, v2;
	v2 =	vadd.f32 v11, v5;
	v5 =	vld [tilespmem:$0x1FED0]  }
0x21e: {  	v13 =	vadd.f32 v14, v13;
	v14 =	vmul.f32 v20, v62;
	v6 =	vmul.f32 v6, v15  }
0x21f: {  	v0 =	vadd.f32 v3, v17;
	v3 =	vmul.f32 v36, v8  }
0x220: {  	v4 =	vadd.f32 v14, v13;
	v13 =	vmul.f32 v6, v12  }
0x221: {  	v11 =	vmul.f32 v35, v10;
	v0 =	vadd.f32 v3, v0;
	v3 =	vmul.f32 v37, v62  }
0x222: {  	(xrf2) =	vadd.scan.msk.f32 $0xffff, v4;
	v4 =	vmul.f32 v13, v6;
	v13 =	vld [tilespmem:$0x1FEF0];
	v5 =	vmul.f32 v5, v9  }
0x223: {  	v0 =	vadd.f32 v3, v0  }
0x224: {  	v3 =	vsub.f32 $1.500000000e+00, v4;
	v5 =	vadd.f32 v11, v5;
	v11 =	vmul.f32 v38, v8  }
0x225: {  	(xrf2) =	vadd.scan.msk.f32 $0xffff, v2;
	v2 =	vmul.f32 v39, v10  }
0x226: {  	v3 =	vmul.f32 v3, v6;
	v4 =	vadd.f32 v11, v5;
	v5 =	vmul.f32 v40, v62  }
0x227: {  	v6 =	vmul.f32 v43, v10;
	v13 =	vmul.f32 v13, v9  }
0x228: {  	(xrf2) =	vadd.scan.msk.f32 $0xffff, v0;
	v12 =	vmul.f32 v3, v12;
	v11, _, _ =	vpop (xrf2);
	v4 =	vadd.f32 v5, v4;
	v5 =	vmul.f32 v42, v9  }
0x229: {  	v2 =	vadd.f32 v2, v13;
	v13 =	vmul.f32 v41, v8;
	v0, _, _ =	vpop (xrf2)  }
0x22a: {  	v12 =	vmul.f32 v12, v3;
	v14, _, _ =	vpop (xrf2);
	v5 =	vadd.f32 v6, v5;
	v6 =	vmul.f32 v45, v8  }
0x22b: {  	v2 =	vadd.f32 v13, v2;
	v13 =	vmul.f32 v44, v62;
	v15, _, _ =	vpop (xrf2)  }
0x22c: {  	v12 =	vsub.f32 $1.500000000e+00, v12;
	(xrf2) =	vadd.scan.msk.f32 $0xffff, v4;
	v41, _, _ =	vpop (xrf2)  }
0x22d: {  	v2 =	vadd.f32 v13, v2;
	v42, _, _ =	vpop (xrf2)  }
0x22e: {  	v4 =	vmul.f32 v47, v62;
	v5 =	vadd.f32 v6, v5;
	v3 =	vmul.f32 v12, v3;
	v6, _, _ =	vpop (xrf2)  }
0x22f: {  	(xrf2) =	vadd.scan.msk.f32 $0xffff, v2;
	v2 =	vbroadcast v6, $0xF;
	v6, _, _ =	vpop (xrf2)  }
0x230: {  	v4 =	vadd.f32 v4, v5;
	v6 =	vbroadcast v6, $0xF  }
0x231: {  	v12 =	vbroadcast v42, $0xF  }
0x232: {  	v1 =	vmul.f32 v3, v1;
	(xrf2) =	vadd.scan.msk.f32 $0xffff, v4;
	v4 =	vbroadcast v41, $0xF;
	v3, _, _ =	vpop (xrf2);
	v2 =	vsel vm0, v2, v6  }
0x233: {  	v3 =	vbroadcast v3, $0xF;
	v2 =	vsel vm1, v2, v12  }
0x234: {  	v2 =	vsel vm2, v2, v4  }
0x235: {  	v4 =	vbroadcast v15, $0xF;
	v2 =	vsel vm3, v2, v3;
	v3 =	vbroadcast v14, $0xF  }
0x236: {  	v1 =	vmul.f32 v1, v52;
	v6, _, _ =	vpop (xrf2)  }
0x237: {  	v43 =	vmul.f32 v46, v10;
	v2 =	vsel vm4, v2, v4;
	v4 =	vbroadcast v6, $0xF  }
0x238: {  	v0 =	vbroadcast v0, $0xF;
	v1 =	vmax.f32 v1, $9.999999930e-09;
	v2 =	vsel vm5, v2, v3  }
0x239: {  	(erf) = vrcp.f32 v1;
	v1 =	vsel vm6, v2, v4;
	v2 =	vbroadcast v11, $0xF;
	v3, _, _ =	vpop (xrf2)  }
0x23a: {  	v13 =	vmul.f32 v18, v9;
	v0 =	vsel vm7, v1, v0;
	v1 =	vbroadcast v3, $0xF  }
0x23b: {  	v0 =	vsel vm8, v0, v2;
	v2 =	vld [tilespmem:$0x1FEE0]  }
0x23c: {  	v5 =	vadd.f32 v43, v13;
	v0 =	vsel vm9, v0, v1;
	v1 =	vld [tilespmem:$0x1FEC0];
	_ =	sdelay $0x1  }
0x23d: {  	v5 =	vadd.f32 v7, v5;
	_ =	sdelay $0x1  }
0x23e: {  	v5 =	vadd.f32 v21, v5;
	v2 =	vbroadcast v2, $0xF  }
0x23f: {  	v1 =	vbroadcast v1, $0xF  }
0x240: {  	(xrf2) =	vadd.scan.msk.f32 $0xffff, v5;
	v0 =	vsel vm10, v0, v2  }
0x241: {  	v0 =	vsel vm11, v0, v1;
	v1 =	vld [tilespmem:$0x1FEB0];
	_ =	sdelay $0x4  }
0x242: {  	v3, _, _ =	vpop (xrf2);
	v1 =	vbroadcast v1, $0xF  }
0x243: {  	v2 =	vbroadcast v3, $0xF;
	_ =	sdelay $0x1  }
0x244: {  	v0 =	vsel vm12, v0, v2  }
0x245: {  	v0 =	vsel vm13, v0, v1;
	v1, _, _ =	vpop (xrf2)  }
0x246: {  	v0 =	vsel vm14, v0, v1;
	v1 =	vpop (erf)  }
0x247: {  	v0 =	vmul.f32 v1, v0;
	_ =	sdelay $0x1  }
0x248: {  	v0 =	vsub.f32 $1.000000000e+00, v0;
	_ =	sdelay $0x1  }
0x249: {  	vm15 =	vlt.f32 v0, v53  }
0x24a: {  	v1 =	vmpcnt.ones.xlane vm15;
	_ =	sdelay $0x1  }
0x24b: {  	(v2sf) =	vpush v1, $0x0;
	_ =	sdelay $0xe  }
0x24c: {  	s29 =	spop (v2sf)  }
0x24d: {  	p1 =	slt.s32 s29, $0x1  }
0x24e: {  	s28 =	sadd.s32 @!p1 s28, s24;
	v1 =	vlaneseq.u32 @!p1  }
0x24f: {  	v1 =	vadd.s32 @!p1 s28, v1  }
0x250: {  	(xrf1) =	vsort.dscd.msk.f32 @!p1 $0xffff, v0, v1;
	_ =	sdelay $0xd  }
0x251: {  	v0, v1, _ =	vpop @!p1 (xrf1)  }
0x252: {  	vm15 =	vle.f32 @!p1 v57, v0  }
0x253: {  	v0 =	vsel @!p1 vm15, v57, v0;
	v1 =	vsel @!p1 vm15, v54, v1  }
0x254: {  	(xrf1) =	vsort.ascd.msk.f32 @!p1 $0xffff, v0, v1;
	_ =	sdelay $0x8  }
0x255: {  	p0 =	seq.s32 s25, $0xF  }
0x256: {  	s28 =	sadd.s32 @!p0 s26, s7  }
0x257: {  	s28 =	sshll.u32 @!p0 s28, $0x3  }
0x258: {  	s28 =	sand.u32 @!p0 $0x1FFFFFF0, s28  }
0x259: {  	s29 =	simm.s32 @!p0 $0x0;
	s28 =	sadd.s32 @!p0 s4, s28  }
0x25a: {  	[tilespmem:s29], [sflag:$0x1] =	stream.linear.gather @!p0 [hbm4b:s28+s29], $0xF400, $0x38;
	v18, v45, _ =	vpop @!p1 (xrf1);
	[tilespmem:$0x1E860] =	vst v63  }
0x25b: {  	_ =	swait.ge [sflag:s19], $0xF400  }
0x25c: {  	[sflag:s19] =	ssyncset.done $0x0  }
0x25d: {  	s28 =	simm.s32 $0xF600;
	[sflag:s19] =	ssyncadd.s32 $0xFFFF0C00  }
0x25e: {  	v3 =	vld [tilespmem:s28+$0x1B0]  }
0x25f: {  	v4 =	vld [tilespmem:s28+$0x130]  }
0x260: {  	v5 =	vld [tilespmem:s28+$0x1A0]  }
0x261: {  	v6 =	vld [tilespmem:s28+$0x120]  }
0x262: {  	v1 =	vld [tilespmem:s28+$0x180]  }
0x263: {  	v11 =	vld [tilespmem:s28+$0x190]  }
0x264: {  	v12 =	vld [tilespmem:s28+$0x100]  }
0x265: {  	v13 =	vld [tilespmem:s28+$0x110]  }
0x266: {  	v15 =	vld [tilespmem:s28+$0xC0]  }
0x267: {  	v44 =	vld [tilespmem:s28+$0xD0]  }
0x268: {  	v0 =	vld [tilespmem:s28+$0x1C0]  }
0x269: {  	v24 =	vld [tilespmem:s28+$0xE0]  }
0x26a: {  	v25 =	vld [tilespmem:s28+$0xF0]  }
0x26b: {  	v31 =	vld [tilespmem:s28+$0x70]  }
0x26c: {  	v29 =	vld [tilespmem:s28+$0x30]  }
0x26d: {  	v46 =	vld [tilespmem:s28+$0x60]  }
0x26e: {  	v14 =	vld [tilespmem:s28+$0xFFFFFFB0]  }
0x26f: {  	v47 =	vld [tilespmem:s28+$0x20]  }
0x270: {  	v21 =	vld [tilespmem:s28+$0x80]  }
0x271: {  	v23 =	vld [tilespmem:s28+$0xFFFFFF70];
	v2 =	vmul.f32 v1, v9;
	v19 =	vmul.f32 v11, v10  }
0x272: {  	v50 =	vld [tilespmem:s28+$0x40];
	v20 =	vmul.f32 v12, v9;
	v22 =	vmul.f32 v13, v10  }
0x273: {  	v43 =	vld [tilespmem:s28+$0xFFFFFED0];
	v26 =	vmul.f32 v5, v8;
	v32 =	vmul.f32 v3, v62  }
0x274: {  	v56 =	vld [tilespmem:s28+$0x50];
	v27 =	vmul.f32 v6, v8;
	v28 =	vmul.f32 v44, v10  }
0x275: {  	v51 =	vld [tilespmem:s28+$0xFFFFFFA0];
	v41 =	vmul.f32 v24, v8;
	v11 =	vmul.f32 v11, v11  }
0x276: {  	v7 =	vld [tilespmem:s28+$0x0];
	v12 =	vmul.f32 v12, v12;
	v13 =	vmul.f32 v13, v13  }
0x277: {  	v63 =	vld [tilespmem:s28+$0x10];
	v5 =	vmul.f32 v5, v5;
	v6 =	vmul.f32 v6, v6  }
0x278: {  	v39 =	vld [tilespmem:s28+$0xFFFFFEF0];
	v3 =	vmul.f32 v3, v3;
	v48 =	vmul.f32 v43, v43  }
0x279: {  	v40 =	vld [tilespmem:s28+$0xFFFFFF60];
	v49 =	vmul.f32 v14, v14;
	v58 =	vmul.f32 v23, v23  }
0x27a: {  	v16 =	vld [tilespmem:s28+$0xFFFFFF80];
	v2 =	vadd.f32 v19, v2;
	v20 =	vadd.f32 v22, v20;
	v22 =	vmul.f32 v15, v9  }
0x27b: {  	v55 =	vld [tilespmem:s28+$0xFFFFFF90];
	v12 =	vadd.f32 v13, v12;
	v13 =	vmul.f32 v44, v44;
	v44 =	vmul.f32 v25, v25  }
0x27c: {  	v61 =	vld [tilespmem:s28+$0xFFFFFF40];
	v2 =	vadd.f32 v26, v2;
	v20 =	vadd.f32 v27, v20;
	v27 =	vmul.f32 v1, v1  }
0x27d: {  	v59 =	vld [tilespmem:s28+$0xFFFFFF50];
	v26 =	vmul.f32 v4, v62;
	v22 =	vadd.f32 v28, v22;
	v6 =	vadd.f32 v6, v12  }
0x27e: {  	v60 =	vld [tilespmem:s28+$0xFFFFFE30];
	v4 =	vmul.f32 v4, v4;
	v30 =	vadd.f32 v32, v2;
	v11 =	vadd.f32 v11, v27  }
0x27f: {  	v34 =	vld [tilespmem:s28+$0xFFFFFE70];
	[tilespmem:$0x1FD70] =	vst v31;
	v12 =	vmul.f32 v50, v50;
	v42 =	vadd.f32 v26, v20;
	v20 =	vadd.f32 v41, v22  }
0x280: {  	v36 =	vld [tilespmem:s28+$0xFFFFFF20];
	[tilespmem:$0x1FD80] =	vst v29;
	v26 =	vmul.f32 v25, v62;
	v5 =	vadd.f32 v5, v11;
	v11 =	vmul.f32 v15, v15  }
0x281: {  	[tilespmem:$0x1FD50] =	vst v46;
	v4 =	vadd.f32 v4, v6;
	v6 =	vmul.f32 v7, v7;
	v25 =	vld [tilespmem:s28+$0xFFFFFE90];
	v27 =	vmul.f32 v55, v55  }
0x282: {  	[tilespmem:$0x1FDA0] =	vst v14;
	v19 =	vld [tilespmem:s28+$0xFFFFFEE0];
	v3 =	vadd.f32 v3, v5;
	v5 =	vadd.f32 v13, v11;
	v11 =	vmul.f32 v24, v24  }
0x283: {  	v1 =	vld [tilespmem:s28+$0xFFFFFEC0];
	v15 =	vadd.f32 v26, v20;
	v26 =	vmul.f32 v31, v31;
	(xrf2) =	vadd.scan.msk.f32 $0xffff, v30;
	v13 =	vmul.f32 v56, v56  }
0x284: {  	v28 =	vld [tilespmem:s28+$0xFFFFFE00];
	v31 =	vmul.f32 v61, v61;
	(xrf2) =	vadd.scan.msk.f32 $0xffff, v42;
	v5 =	vadd.f32 v11, v5;
	v11 =	vmul.f32 v63, v63  }
0x285: {  	v24 =	vld [tilespmem:s28+$0xFFFFFE80];
	(xrf2) =	vadd.scan.msk.f32 $0xffff, v15;
	v15 =	vmul.f32 v39, v39;
	v12 =	vadd.f32 v13, v12;
	v13 =	vmul.f32 v46, v46  }
0x286: {  	[tilespmem:$0x1FD60] =	vst v47;
	v22 =	vld [tilespmem:s28+$0xFFFFFEB0];
	v42 =	vmul.f32 v25, v25;
	v46 =	vmul.f32 v51, v51;
	v6 =	vadd.f32 v11, v6  }
0x287: {  	[tilespmem:$0x1FD90] =	vst v51;
	v20 =	vld [tilespmem:s28+$0xFFFFFEA0];
	v11 =	vmul.f32 v47, v47;
	v12 =	vadd.f32 v13, v12;
	v13 =	vmul.f32 v16, v16  }
0x288: {  	[tilespmem:$0x1FDC0] =	vst v39;
	v32 =	vld [tilespmem:s28+$0xFFFFFE60];
	v51 =	vmul.f32 v40, v40;
	v5 =	vadd.f32 v44, v5;
	v47 =	vmul.f32 v59, v59  }
0x289: {  	[tilespmem:$0x1FDD0] =	vst v40;
	v6 =	vadd.f32 v11, v6;
	v11 =	vmul.f32 v29, v29;
	v13 =	vadd.f32 v27, v13;
	v29 =	vld [tilespmem:s28+$0xFFFFFE10]  }
0x28a: {  	[tilespmem:$0x1FDF0] =	vst v43;
	v41 =	vmul.f32 v24, v24;
	v12 =	vadd.f32 v26, v12;
	v26 =	vld [tilespmem:s28+$0xFFFFFE20];
	v33 =	vadd.f32 v47, v31  }
0x28b: {  	(xrf2) =	vadd.scan.msk.f32 $0xffff, v3;
	v31 =	vld [tilespmem:s28+$0xFFFFFE50];
	v6 =	vadd.f32 v11, v6;
	v11 =	vadd.f32 v46, v13;
	v13 =	vmul.f32 v1, v1  }
0x28c: {  	v40 =	vmul.f32 v19, v19;
	(xrf2) =	vadd.scan.msk.f32 $0xffff, v4;
	v44 =	vmul.f32 v20, v20;
	v27 =	vld [tilespmem:s28+$0xFFFFFE40];
	v43 =	vadd.f32 v42, v41  }
0x28d: {  	v30 =	vld [tilespmem:s28+$0xFFFFFF00];
	v4 =	vmul.f32 v28, v28;
	(xrf2) =	vadd.scan.msk.f32 $0xffff, v5;
	v35 =	vadd.f32 v51, v33;
	v13 =	vadd.f32 v48, v13  }
0x28e: {  	v33 =	vld [tilespmem:s28+$0xFFFFFF10];
	(xrf2) =	vadd.scan.msk.f32 $0xffff, v12;
	v12 =	vmul.f32 v22, v22;
	v5 =	vadd.f32 v44, v43;
	v11 =	vadd.f32 v49, v11  }
0x28f: {  	v37 =	vld [tilespmem:s28+$0xFFFFFF30];
	(xrf2) =	vadd.scan.msk.f32 $0xffff, v6;
	v6 =	vmul.f32 v60, v60;
	v49 =	vmul.f32 v32, v32;
	v13 =	vadd.f32 v40, v13  }
0x290: {  	[tilespmem:$0x1FDE0] =	vst v1;
	v39 =	vld [tilespmem:s28+$0x90];
	v3 =	vadd.f32 v58, v35;
	v58, _, _ =	vpop (xrf2);
	v46 =	vmul.f32 v29, v29;
	v47 =	vmul.f32 v31, v31  }
0x291: {  	v2 =	vld [tilespmem:s28+$0xFFFFFFC0];
	v48 =	vmul.f32 v26, v26;
	v1, _, _ =	vpop (xrf2);
	(xrf2) =	vadd.scan.msk.f32 $0xffff, v11;
	v13 =	vadd.f32 v15, v13;
	v15 =	vmul.f32 v27, v27  }
0x292: {  	v35 =	vld [tilespmem:s28+$0xFFFFFFD0];
	v11 =	vmul.f32 v30, v30;
	[tilespmem:$0x1FD00] =	vst v1;
	v1 =	vpsel p1, v57, v18;
	v4 =	vadd.f32 v46, v4  }
0x293: {  	v38 =	vld [tilespmem:s28+$0xFFFFFFE0];
	v57 =	vmov v0;
	v0, _, _ =	vpop (xrf2);
	v51 =	vmul.f32 v33, v33;
	(xrf2) =	vadd.scan.msk.f32 $0xffff, v3;
	v15 =	vadd.f32 v47, v15  }
0x294: {  	v41 =	vld [tilespmem:s28+$0xA0];
	v3 =	vadd.f32 v12, v5;
	[tilespmem:$0x1FD30] =	vst v0;
	v0 =	vpsel p1, v54, v45;
	v4 =	vadd.f32 v48, v4  }
0x295: {  	v42 =	vld [tilespmem:s28+$0x140];
	v12 =	vmul.f32 v34, v34;
	[tilespmem:$0x1FD40] =	vst v0;
	v0 =	vmul.f32 v39, v39;
	v5 =	vadd.f32 v49, v15  }
0x296: {  	v40 =	vld [tilespmem:s28+$0xFFFFFFF0];
	(xrf2) =	vadd.scan.msk.f32 $0xffff, v13;
	v4 =	vadd.f32 v6, v4;
	v6 =	vadd.f32 v51, v11;
	v11 =	vmul.f32 v36, v36  }
0x297: {  	v43 =	vld [tilespmem:s28+$0x150];
	(xrf2) =	vadd.scan.msk.f32 $0xffff, v3;
	v3 =	vadd.f32 v12, v5;
	v5 =	vmul.f32 v2, v2;
	v12 =	vmul.f32 v35, v35  }
0x298: {  	v44 =	vld [tilespmem:s28+$0xB0];
	v15 =	vadd.f32 @!p1 $0.0e+00, v18;
	(xrf2) =	vadd.scan.msk.f32 $0xffff, v4;
	v4 =	vadd.f32 v11, v6;
	v6 =	vmul.f32 v37, v37  }
0x299: {  	v17, _, _ =	vpop (xrf2);
	v45 =	vld [tilespmem:s28+$0x160];
	v18 =	vmul.f32 v21, v21;
	v11 =	vmul.f32 v38, v38;
	v5 =	vadd.f32 v12, v5;
	(xrf2) =	vadd.scan.msk.f32 $0xffff, v3  }
0x29a: {  	[tilespmem:$0x1FD20] =	vst v1;
	v1 =	vmul.f32 v41, v41;
	v14, _, _ =	vpop (xrf2);
	v15 =	vbroadcast @!p1 v15, $0xF;
	v4 =	vadd.f32 v6, v4  }
0x29b: {  	[tilespmem:$0x1FD10] =	vst v2;
	v47 =	vld [tilespmem:s28+$0x170];
	v2 =	vmul.f32 v40, v40;
	v3 =	vadd.f32 v0, v18;
	v12, _, _ =	vpop (xrf2);
	v5 =	vadd.f32 v11, v5  }
0x29c: {  	v46 =	vld [tilespmem:s28+$0x1D0];
	v13 =	vpsel p1, v53, v15;
	v15 =	vmul.f32 v42, v42;
	v0 =	vmul.f32 v43, v43;
	v51, _, _ =	vpop (xrf2)  }
0x29d: {  	(xrf2) =	vadd.scan.msk.f32 $0xffff, v4;
	v49, _, _ =	vpop (xrf2);
	v4 =	vadd.f32 v2, v5;
	v5 =	vmul.f32 v44, v44  }
0x29e: {  	v1 =	vadd.f32 v1, v3;
	v3 =	vadd.f32 v0, v15;
	v0 =	vmul.f32 v45, v45;
	v48, _, _ =	vpop (xrf2)  }
0x29f: {  	v15 =	vmul.f32 v50, v9;
	v50, _, _ =	vpop (xrf2)  }
0x2a0: {  	[tilespmem:$0x1FDB0] =	vst v23;
	v23 =	vld [tilespmem:s28+$0x1E0];
	v16 =	vmul.f32 v16, v9;
	v54 =	vmov v21;
	v18 =	vmul.f32 v47, v47;
	v21, _, _ =	vpop (xrf2)  }
0x2a1: {  	v2 =	vmul.f32 v57, v57;
	v6 =	vadd.f32 v5, v1;
	v1 =	vmul.f32 v46, v46;
	(xrf2) =	vadd.scan.msk.f32 $0xffff, v4;
	v5, _, _ =	vpop (xrf2)  }
0x2a2: {  	v11 =	vmul.f32 v63, v10;
	v63 =	vld [tilespmem:s28+$0x1F0];
	v3 =	vadd.f32 v0, v3;
	v4 =	vmul.f32 v56, v10;
	v0, _, _ =	vpop (xrf2)  }
0x2a3: {  	v1 =	vadd.f32 v1, v2;
	v2 =	vmul.f32 v7, v9;
	(xrf2) =	vadd.scan.msk.f32 $0xffff, v6;
	v6 =	vmul.f32 v55, v10;
	v7 =	vld [tilespmem:$0x1FD50];
	v53, _, _ =	vpop (xrf2)  }
0x2a4: {  	v3 =	vadd.f32 v18, v3;
	v0 =	vbroadcast v0, $0xF;
	v56 =	vbroadcast v53, $0xF  }
0x2a5: {  	v5 =	vbroadcast v5, $0xF;
	v2 =	vadd.f32 v11, v2;
	v11 =	vmul.f32 v23, v23  }
0x2a6: {  	v4 =	vadd.f32 v4, v15;
	v15 =	vbroadcast v21, $0xF;
	v0 =	vsel vm0, v0, v56  }
0x2a7: {  	v1 =	vadd.f32 v11, v1;
	v0 =	vsel vm1, v0, v5;
	v5 =	vadd.f32 v6, v16  }
0x2a8: {  	v21, _, _ =	vpop (xrf2);
	v6 =	vmul.f32 v63, v63;
	v0 =	vsel vm2, v0, v15;
	v15 =	vmul.f32 v7, v8;
	v7 =	vld [tilespmem:$0x1FD60]  }
0x2a9: {  	v50 =	vbroadcast v50, $0xF;
	v21 =	vbroadcast v21, $0xF  }
0x2aa: {  	(xrf2) =	vadd.scan.msk.f32 $0xffff, v3;
	v3 =	vmul.f32 v59, v10;
	v1 =	vadd.f32 v6, v1;
	v6 =	vmul.f32 v61, v9  }
0x2ab: {  	v0 =	vsel vm3, v0, v21;
	v21 =	vbroadcast v48, $0xF;
	v55, _, _ =	vpop (xrf2)  }
0x2ac: {  	v0 =	vsel vm4, v0, v50;
	v3 =	vadd.f32 v3, v6;
	v6 =	vbroadcast v55, $0xF  }
0x2ad: {  	v4 =	vadd.f32 v15, v4;
	v0 =	vsel vm5, v0, v21;
	v15 =	vmul.f32 v7, v8;
	v7 =	vld [tilespmem:$0x1FD70]  }
0x2ae: {  	v0 =	vsel vm6, v0, v6;
	v6 =	vld [tilespmem:$0x1FD80];
	_ =	sdelay $0x1  }
0x2af: {  	v21 =	vbroadcast v49, $0xF;
	_ =	sdelay $0x2  }
0x2b0: {  	v2 =	vadd.f32 v15, v2;
	v15 =	vmul.f32 v7, v62;
	v6 =	vmul.f32 v6, v62;
	v7 =	vld [tilespmem:$0x1FD90]  }
0x2b1: {  	v11 =	vld [tilespmem:$0x1FDB0];
	v56 =	vbroadcast v51, $0xF;
	v0 =	vsel vm7, v0, v21;
	v21, _, _ =	vpop (xrf2)  }
0x2b2: {  	v6 =	vadd.f32 v6, v2;
	v2 =	vbroadcast v21, $0xF  }
0x2b3: {  	v0 =	vsel vm8, v0, v56  }
0x2b4: {  	v0 =	vsel vm9, v0, v2;
	v2 =	vld [tilespmem:$0x1FDA0]  }
0x2b5: {  	v4 =	vadd.f32 v15, v4;
	v15 =	vmul.f32 v7, v8  }
0x2b6: {  	v50 =	vmul.f32 v11, v62;
	v11 =	vld [tilespmem:$0x1FDC0]  }
0x2b7: {  	v5 =	vadd.f32 v15, v5  }
0x2b8: {  	v15 =	vbroadcast v12, $0xF  }
0x2b9: {  	v2 =	vmul.f32 v2, v62  }
0x2ba: {  	v0 =	vsel vm10, v0, v15;
	v15 =	vbroadcast v14, $0xF  }
0x2bb: {  	v56 =	vmul.f32 v11, v62;
	v11 =	vld [tilespmem:$0x1FDD0];
	v2 =	vadd.f32 v2, v5;
	v5, _, _ =	vpop (xrf2);
	(xrf2) =	vadd.scan.msk.f32 $0xffff, v1  }
0x2bc: {  	v15 =	vsel vm11, v0, v15;
	v0 =	vld [tilespmem:$0x1FDE0]  }
0x2bd: {  	v1 =	vld [tilespmem:$0x1FDF0];
	_ =	sdelay $0x1  }
0x2be: {  	v61 =	vmul.f32 v19, v8  }
0x2bf: {  	v21 =	vmul.f32 v63, v62;
	v59 =	vmul.f32 v11, v8  }
0x2c0: {  	v7 =	vmul.f32 v23, v8;
	v5 =	vbroadcast v5, $0xF;
	(xrf2) =	vadd.scan.msk.f32 $0xffff, v4  }
0x2c1: {  	v4 =	vadd.f32 v59, v3;
	v0 =	vmul.f32 v0, v9;
	v1 =	vmul.f32 v1, v10  }
0x2c2: {  	s30 =	simm.s32 $0xFA00;
	s29 =	simm.s32 $0x10;
	s28 =	simm.s32 $0x0;
	v3 =	vmul.f32 v20, v8;
	(xrf2) =	vadd.scan.msk.f32 $0xffff, v6;
	v6 =	vsel vm12, v15, v5;
	v5 =	vbroadcast v17, $0xF  }
.LBB2_5:
0x2c3: {  	v15 =	vmul.f32 v24, v9;
	v0 =	vadd.f32 v1, v0  }
0x2c4: {  	(xrf2) =	vadd.scan.msk.f32 $0xffff, v2;
	v2, _, _ =	vpop (xrf2);
	v1 =	vsel vm13, v6, v5;
	v6 =	vmul.f32 v25, v10;
	v11 =	vadd.f32 v50, v4  }
0x2c5: {  	v25 =	vmul.f32 v29, v10;
	v5 =	vsel vm14, v1, v2;
	v2 =	vmul.f32 v28, v9  }
0x2c6: {  	v0 =	vadd.f32 v61, v0;
	v1 =	vshra.s32 v5, $0x1;
	v24 =	vmul.f32 $5.000000000e-01, v5  }
0x2c7: {  	v6 =	vadd.f32 v6, v15;
	(xrf2) =	vadd.scan.msk.f32 $0xffff, v11;
	v11 =	vmul.f32 v22, v62;
	v15 =	vsub.s32 $0x5F3759DF, v1  }
0x2c8: {  	v22 =	vmul.f32 v26, v8;
	v0 =	vadd.f32 v56, v0;
	v28 =	vmul.f32 v15, v24  }
0x2c9: {  	v26 =	vmul.f32 v31, v10;
	v2 =	vadd.f32 v25, v2;
	v3 =	vadd.f32 v3, v6  }
0x2ca: {  	v4, _, _ =	vpop (xrf2);
	v25 =	vmul.f32 v15, v28;
	(xrf2) =	vadd.scan.msk.f32 $0xffff, v0;
	v0 =	vmul.f32 v27, v9  }
0x2cb: {  	v2 =	vadd.f32 v22, v2;
	v3 =	vadd.f32 v11, v3;
	v11 =	vmul.f32 v60, v62  }
0x2cc: {  	v22 =	vsub.f32 $1.500000000e+00, v25;
	v0 =	vadd.f32 v26, v0;
	v25 =	vmul.f32 v32, v8  }
0x2cd: {  	v2 =	vadd.f32 v11, v2  }
0x2ce: {  	v15 =	vmul.f32 v15, v22;
	v0 =	vadd.f32 v25, v0;
	v22 =	vmul.f32 v34, v62  }
0x2cf: {  	v6, _, _ =	vpop (xrf2);
	(xrf2) =	vadd.scan.msk.f32 $0xffff, v3  }
0x2d0: {  	v20, _, _ =	vpop (xrf2);
	(xrf2) =	vadd.scan.msk.f32 $0xffff, v2;
	v2 =	vadd.f32 v22, v0;
	v0 =	vld [tilespmem:$0x1FD10];
	_ =	sdelay $0x1  }
0x2d1: {  	v26 =	vmul.f32 v30, v9;
	v3 =	vmul.f32 v33, v10;
	_ =	sdelay $0x1  }
0x2d2: {  	v3 =	vadd.f32 v3, v26;
	v26 =	vmul.f32 v36, v8;
	v27 =	vmul.f32 v15, v24  }
0x2d3: {  	v22 =	vmul.f32 v35, v10;
	v19 =	vmul.f32 v0, v9  }
0x2d4: {  	v29 =	vmul.f32 v37, v62;
	v26 =	vadd.f32 v26, v3;
	v27 =	vmul.f32 v27, v15  }
0x2d5: {  	v28, _, _ =	vpop (xrf2);
	(xrf2) =	vadd.scan.msk.f32 $0xffff, v2;
	v19 =	vadd.f32 v22, v19;
	v22 =	vmul.f32 v38, v8  }
0x2d6: {  	v26 =	vadd.f32 v29, v26;
	v27 =	vsub.f32 $1.500000000e+00, v27  }
0x2d7: {  	v16 =	vmul.f32 v54, v9;
	v19 =	vadd.f32 v22, v19;
	v22 =	vmul.f32 v40, v62  }
0x2d8: {  	v29 =	vmul.f32 v39, v10;
	v30, _, _ =	vpop (xrf2);
	(xrf2) =	vadd.scan.msk.f32 $0xffff, v26;
	v15 =	vmul.f32 v27, v15  }
0x2d9: {  	v27 =	vmul.f32 v43, v10;
	v19 =	vadd.f32 v22, v19;
	v22 =	vmul.f32 v42, v9  }
0x2da: {  	v25 =	vmul.f32 v47, v62;
	v16 =	vadd.f32 v29, v16;
	v29 =	vmul.f32 v41, v8  }
0x2db: {  	v41, _, _ =	vpop (xrf2);
	v24 =	vmul.f32 v15, v24;
	v22 =	vadd.f32 v27, v22;
	v27 =	vmul.f32 v45, v8;
	(xrf2) =	vadd.scan.msk.f32 $0xffff, v19  }
0x2dc: {  	v11 =	vmul.f32 v44, v62;
	v16 =	vadd.f32 v29, v16  }
0x2dd: {  	v24 =	vmul.f32 v24, v15;
	v22 =	vadd.f32 v27, v22  }
0x2de: {  	v51 =	vld [tilespmem:s30+$0x1B0];
	v14 =	vmul.f32 v57, v9;
	v16 =	vadd.f32 v11, v16;
	v29, _, _ =	vpop (xrf2);
	v42 =	vmul.f32 v46, v10  }
0x2df: {  	v23 =	vld [tilespmem:s30+$0xC0];
	v24 =	vsub.f32 $1.500000000e+00, v24;
	v22 =	vadd.f32 v25, v22;
	v25, _, _ =	vpop (xrf2)  }
0x2e0: {  	v48 =	vld [tilespmem:s30+$0x1F0];
	v50 =	vbroadcast v29, $0xF;
	v14 =	vadd.f32 v42, v14;
	v25 =	vbroadcast v25, $0xF  }
0x2e1: {  	v55 =	vld [tilespmem:s30+$0x20];
	v32 =	vbroadcast v41, $0xF;
	(xrf2) =	vadd.scan.msk.f32 $0xffff, v16;
	v11 =	vmul.f32 v24, v15  }
0x2e2: {  	v26 =	vld [tilespmem:s30+$0x190];
	v14 =	vadd.f32 v7, v14;
	v15, _, _ =	vpop (xrf2);
	(xrf2) =	vadd.scan.msk.f32 $0xffff, v22;
	v22 =	vbroadcast v30, $0xF;
	v16 =	vsel vm0, v50, v25  }
0x2e3: {  	v4 =	vbroadcast v4, $0xF;
	v0 =	vld [tilespmem:s30+$0x130];
	v15 =	vbroadcast v15, $0xF;
	v16 =	vsel vm1, v16, v32  }
0x2e4: {  	v31 =	vld [tilespmem:s30+$0x180];
	v14 =	vadd.f32 v21, v14;
	v21 =	vbroadcast v28, $0xF;
	v16 =	vsel vm2, v16, v22  }
0x2e5: {  	v1 =	vmul.f32 v51, v62;
	v12 =	vbroadcast v20, $0xF;
	v3 =	vld [tilespmem:s30+$0x1A0];
	v15 =	vsel vm3, v16, v15;
	v20, _, _ =	vpop (xrf2)  }
0x2e6: {  	v6 =	vbroadcast v6, $0xF;
	v2 =	vld [tilespmem:s30+$0x120];
	(xrf2) =	vadd.scan.msk.f32 $0xffff, v14;
	v14 =	vsel vm4, v15, v21;
	v15 =	vbroadcast v20, $0xF  }
0x2e7: {  	v43 =	vld [tilespmem:s30+$0x100];
	v47 =	vmul.f32 v26, v10;
	v5 =	vmul.f32 v11, v5;
	v11 =	vsel vm5, v14, v12  }
0x2e8: {  	v29 =	vld [tilespmem:s30+$0x110];
	v40 =	vmul.f32 v55, v8;
	v44 =	vmul.f32 v0, v62;
	v15 =	vsel vm6, v11, v15  }
0x2e9: {  	v0 =	vmul.f32 v0, v0;
	v5 =	vmul.f32 v5, v52;
	v22 =	vld [tilespmem:s30+$0xD0];
	v6 =	vsel vm7, v15, v6  }
0x2ea: {  	v46 =	vmul.f32 v3, v8;
	v27 =	vmul.f32 v31, v9;
	v4 =	vsel vm8, v6, v4;
	v6 =	vld [tilespmem:$0x1FD30]  }
0x2eb: {  	v3 =	vmul.f32 v3, v3;
	v45 =	vmul.f32 v2, v8;
	v5 =	vmax.f32 v5, $9.999999930e-09;
	v11 =	vld [tilespmem:$0x1FD00]  }
0x2ec: {  	v19 =	vmul.f32 v43, v43;
	(erf) = vrcp.f32 v5;
	v20 =	vld [tilespmem:s30+$0xE0];
	v21 =	vadd.f32 v47, v27  }
0x2ed: {  	v24 =	vmul.f32 v43, v9;
	v7 =	vld [tilespmem:s30+$0x1C0];
	v25 =	vmul.f32 v29, v10;
	v52, _, _ =	vpop (xrf2)  }
0x2ee: {  	v5 =	vmul.f32 v23, v9;
	v27 =	vld [tilespmem:s30+$0xF0];
	v21 =	vadd.f32 v46, v21;
	v15 =	vbroadcast v52, $0xF  }
0x2ef: {  	v49 =	vld [tilespmem:s30+$0x1E0];
	v24 =	vadd.f32 v25, v24;
	v53 =	vmul.f32 v22, v10;
	v6 =	vbroadcast v6, $0xF  }
0x2f0: {  	v42 =	vld [tilespmem:s30+$0xFFFFFF90];
	v1 =	vadd.f32 v1, v21;
	v4 =	vsel vm9, v4, v15;
	v17, _, _ =	vpop (xrf2);
	v15 =	vbroadcast v11, $0xF  }
0x2f1: {  	v43 =	vld [tilespmem:s30+$0xFFFFFEE0];
	v54 =	vmul.f32 v20, v8;
	v4 =	vsel vm10, v4, v6;
	v6 =	vbroadcast v17, $0xF  }
0x2f2: {  	v30 =	vld [tilespmem:s30+$0xFFFFFFB0];
	[tilespmem:$0x1FC30] =	vst v7;
	v5 =	vadd.f32 v53, v5;
	v11 =	vsel vm11, v4, v15;
	v15 =	vbroadcast v58, $0xF  }
0x2f3: {  	v25 =	vld [tilespmem:s30+$0x60];
	v21 =	vadd.f32 v45, v24;
	v56 =	vmul.f32 v27, v62;
	(xrf2) =	vadd.scan.msk.f32 $0xffff, v1;
	v7 =	vsel vm12, v11, v6  }
0x2f4: {  	v18 =	vld [tilespmem:s30+$0x70];
	v5 =	vadd.f32 v54, v5;
	v6 =	vmul.f32 v31, v31;
	v1 =	vsel vm13, v7, v15;
	v4, _, _ =	vpop (xrf2)  }
0x2f5: {  	v37 =	vld [tilespmem:s30+$0x10];
	v15 =	vadd.f32 v44, v21;
	v21 =	vmul.f32 v26, v26;
	v1 =	vsel vm14, v1, v4;
	v4 =	vpop (erf)  }
0x2f6: {  	v35 =	vld [tilespmem:s30+$0x0];
	v57 =	vmul.f32 v29, v29;
	v5 =	vadd.f32 v56, v5;
	v1 =	vmul.f32 v4, v1  }
0x2f7: {  	v39 =	vld [tilespmem:s30+$0xFFFFFF60];
	v60 =	vmul.f32 v42, v42;
	v36 =	vmul.f32 v30, v62;
	v21 =	vadd.f32 v21, v6;
	(xrf2) =	vadd.scan.msk.f32 $0xffff, v15  }
0x2f8: {  	v46 =	vmul.f32 v43, v43;
	v61 =	vmul.f32 v25, v8;
	v31 =	vld [tilespmem:s30+$0x50];
	(xrf2) =	vadd.scan.msk.f32 $0xffff, v5;
	v15 =	vsub.f32 $1.000000000e+00, v1  }
0x2f9: {  	v4 =	vld [tilespmem:s30+$0x40];
	v1 =	vmul.f32 v2, v2;
	v2 =	vadd.f32 v3, v21;
	v3 =	vmul.f32 v51, v51  }
0x2fa: {  	v26 =	vld [tilespmem:s30+$0xFFFFFF70];
	v5 =	vmul.f32 v22, v22;
	v21 =	vmul.f32 v23, v23;
	vm15 =	vlt.f32 v15, v13  }
0x2fb: {  	v38 =	vld [tilespmem:s30+$0xFFFFFEF0];
	v17 =	vadd.f32 v57, v19;
	v2 =	vadd.f32 v3, v2;
	v3 =	vmpcnt.ones.xlane vm15  }
0x2fc: {  	v28 =	vld [tilespmem:s30+$0x30];
	v24 =	vmul.f32 v35, v35;
	v58 =	vmul.f32 v20, v20;
	v5 =	vadd.f32 v5, v21  }
0x2fd: {  	v12 =	vld [tilespmem:s30+$0x80];
	v20 =	vmul.f32 v31, v31;
	v7 =	vadd.f32 v1, v17;
	v1, _, _ =	vpop (xrf2);
	(v2sf) =	vpush v3, $0x0  }
0x2fe: {  	(xrf2) =	vadd.scan.msk.f32 $0xffff, v2;
	v2 =	vmul.f32 v4, v4;
	v3 =	vld [tilespmem:s30+$0xFFFFFF80];
	[tilespmem:$0x1FC90] =	vst v1;
	v1 =	vadd.f32 v58, v5  }
0x2ff: {  	v45 =	vld [tilespmem:s30+$0xFFFFFF40];
	v50 =	vmul.f32 v26, v62;
	v14 =	vadd.f32 v0, v7;
	v5 =	vmul.f32 v27, v27  }
0x300: {  	v6 =	vld [tilespmem:s30+$0xFFFFFFA0];
	v27 =	vmul.f32 v37, v37;
	v2 =	vadd.f32 v20, v2;
	v20 =	vmul.f32 v25, v25  }
0x301: {  	v11 =	vld [tilespmem:s30+$0xFFFFFFC0];
	v7 =	vmul.f32 v48, v62;
	(xrf2) =	vadd.scan.msk.f32 $0xffff, v14;
	v59 =	vadd.f32 v5, v1;
	v5 =	vmul.f32 v18, v18;
	v0, _, _ =	vpop (xrf2)  }
0x302: {  	v24 =	vadd.f32 v27, v24;
	v27 =	vmul.f32 v55, v55;
	v2 =	vadd.f32 v20, v2;
	[tilespmem:$0x1FD00] =	vst v0;
	v0 =	vld [tilespmem:s30+$0xFFFFFF50];
	v1, _, _ =	vpop (xrf2)  }
0x303: {  	v51 =	vld [tilespmem:s30+$0xFFFFFE30];
	v29 =	vmul.f32 v3, v3;
	[tilespmem:$0x1FD30] =	vst v1;
	v1 =	vmul.f32 v28, v62  }
0x304: {  	(xrf2) =	vadd.scan.msk.f32 $0xffff, v59;
	v24 =	vadd.f32 v27, v24;
	v27 =	vmul.f32 v28, v28;
	v5 =	vadd.f32 v5, v2;
	v2 =	vld [tilespmem:s30+$0xFFFFFEC0]  }
0x305: {  	v14 =	vmul.f32 v18, v62;
	[tilespmem:$0x1FCA0] =	vst v1;
	v1 =	vld [tilespmem:s30+$0xFFFFFED0];
	v28 =	vadd.f32 v60, v29;
	v29 =	vmul.f32 v6, v6  }
0x306: {  	v17 =	vmul.f32 v35, v9;
	v25 =	vld [tilespmem:s30+$0xFFFFFE90];
	v27 =	vadd.f32 v27, v24;
	(xrf2) =	vadd.scan.msk.f32 $0xffff, v5;
	v5 =	vmul.f32 v45, v45  }
0x307: {  	[tilespmem:$0x1FC50] =	vst v7;
	v59 =	vld [tilespmem:s30+$0xFFFFFE80];
	v63 =	vmul.f32 v0, v0;
	v28 =	vadd.f32 v29, v28;
	v29 =	vmul.f32 v30, v30  }
0x308: {  	v7 =	vmul.f32 v49, v8;
	v55 =	vld [tilespmem:s30+$0xFFFFFEA0];
	[tilespmem:$0x1FC80] =	vst v14;
	v30 =	vmul.f32 v39, v39  }
0x309: {  	v14, _, _ =	vpop (xrf2);
	(xrf2) =	vadd.scan.msk.f32 $0xffff, v27;
	v27 =	vmul.f32 v26, v26;
	v5 =	vadd.f32 v63, v5;
	v26 =	vadd.f32 v29, v28;
	v28 =	vld [tilespmem:s30+$0xFFFFFE00]  }
0x30a: {  	[tilespmem:$0x1FC70] =	vst v40;
	v41 =	vmul.f32 v2, v2;
	v29 =	vld [tilespmem:s30+$0xFFFFFE10];
	v44 =	vmul.f32 v1, v1  }
0x30b: {  	v52 =	vmul.f32 v25, v25;
	[tilespmem:$0x1FCF0] =	vst v14;
	v14, _, _ =	vpop (xrf2);
	v30 =	vadd.f32 v30, v5;
	(xrf2) =	vadd.scan.msk.f32 $0xffff, v26;
	v26 =	vld [tilespmem:s30+$0xFFFFFE20]  }
0x30c: {  	[tilespmem:$0x1FCE0] =	vst v36;
	v47 =	vmul.f32 v59, v59;
	v5 =	vmul.f32 v31, v10;
	v31 =	vld [tilespmem:s30+$0xFFFFFE50];
	v32 =	vadd.f32 v44, v41;
	s31 =	spop (v2sf)  }
0x30d: {  	[tilespmem:$0x1FC40] =	vst v7;
	v54 =	vmul.f32 v55, v55;
	v6 =	vmul.f32 v6, v8;
	v30 =	vadd.f32 v27, v30;
	v27 =	vld [tilespmem:s30+$0xFFFFFE40];
	p1 =	slt.s32 s31, $0x1  }
0x30e: {  	v35 =	vld [tilespmem:s30+$0xFFFFFFD0];
	v34 =	vadd.f32 v52, v47;
	[tilespmem:$0x1FCD0] =	vst v14;
	v14, _, _ =	vpop (xrf2);
	v33 =	vadd.f32 v46, v32;
	s31 =	sadd.s32 @!p1 s28, s23;
	v40 =	vlaneseq.u32 @!p1  }
0x30f: {  	v7 =	vld [tilespmem:s30+$0xFFFFFEB0];
	[tilespmem:$0x1FCB0] =	vst v14;
	v14 =	vmul.f32 v28, v28;
	v56 =	vmul.f32 v29, v29;
	v32 =	vadd.s32 @!p1 s31, v40  }
0x310: {  	[tilespmem:$0x1FC60] =	vst v61;
	v53 =	vmul.f32 v38, v38;
	(xrf1) =	vsort.dscd.msk.f32 @!p1 $0xffff, v15, v32;
	v32 =	vld [tilespmem:s30+$0xFFFFFE60]  }
0x311: {  	[tilespmem:$0x1FCC0] =	vst v6;
	v36 =	vadd.f32 v54, v34;
	v34 =	vld [tilespmem:s30+$0xFFFFFE70];
	v6 =	vadd.f32 v56, v14;
	v58 =	vmul.f32 v26, v26  }
0x312: {  	(xrf2) =	vadd.scan.msk.f32 $0xffff, v30;
	v30 =	vld [tilespmem:s30+$0xFFFFFF00];
	v41 =	vadd.f32 v53, v33;
	v61 =	vmul.f32 v31, v31;
	v60 =	vmul.f32 v27, v27  }
0x313: {  	v52 =	vmul.f32 v51, v51;
	v33 =	vld [tilespmem:s30+$0xFFFFFF10];
	v6 =	vadd.f32 v58, v6  }
0x314: {  	v57 =	vmul.f32 v7, v7;
	v63, _, _ =	vpop (xrf2);
	v56 =	vmul.f32 v38, v62;
	v38 =	vld [tilespmem:s30+$0xFFFFFFE0];
	(xrf2) =	vadd.scan.msk.f32 $0xffff, v41;
	v41 =	vadd.f32 v61, v60  }
0x315: {  	v58 =	vadd.f32 v52, v6;
	v6 =	vmul.f32 v39, v8;
	v39 =	vld [tilespmem:s30+$0x90];
	v53 =	vmul.f32 v32, v32  }
0x316: {  	v18 =	vmul.f32 v37, v10;
	v21 =	vmul.f32 v35, v35;
	v44 =	vadd.f32 v57, v36;
	v36 =	vld [tilespmem:s30+$0xFFFFFF20]  }
0x317: {  	v37 =	vld [tilespmem:s30+$0xFFFFFF30];
	v57 =	vmul.f32 v11, v11;
	v52 =	vmul.f32 v34, v34;
	v41 =	vadd.f32 v53, v41  }
0x318: {  	v40 =	vld [tilespmem:s30+$0xFFFFFFF0];
	v15, _, _ =	vpop (xrf2);
	(xrf2) =	vadd.scan.msk.f32 $0xffff, v44;
	v16 =	vmul.f32 v30, v30;
	v61 =	vmul.f32 v43, v8  }
0x319: {  	v14, _, _ =	vpop (xrf2);
	v19 =	vmul.f32 v33, v33;
	(xrf2) =	vadd.scan.msk.f32 $0xffff, v58;
	v58 =	vmul.f32 v38, v38;
	v54 =	vadd.f32 v52, v41;
	v41 =	vld [tilespmem:s30+$0xA0]  }
0x31a: {  	v24 =	vmovc v12;
	v21 =	vadd.f32 v21, v57;
	v43 =	vld [tilespmem:s30+$0x150];
	v60 =	vmul.f32 v12, v12;
	v12 =	vmul.f32 v39, v39  }
0x31b: {  	v47 =	vadd.f32 v19, v16;
	v19 =	vmul.f32 v42, v10;
	v42 =	vld [tilespmem:s30+$0x140];
	v53 =	vmul.f32 v36, v36  }
0x31c: {  	v12 =	vadd.f32 v12, v60;
	v60 =	vld [tilespmem:$0x1FD20]  }
0x31d: {  	v23 =	vmul.f32 v37, v37;
	v21 =	vadd.f32 v58, v21;
	v47 =	vadd.f32 v53, v47;
	v58 =	vmovc v13;
	v13 =	vld [tilespmem:$0x1FD40]  }
0x31e: {  	v44 =	vld [tilespmem:s30+$0xB0];
	v16, _, _ =	vpop (xrf2);
	(xrf2) =	vadd.scan.msk.f32 $0xffff, v54;
	v57 =	vmul.f32 v41, v41  }
0x31f: {  	v46 =	vld [tilespmem:s30+$0x1D0];
	v22 =	vadd.f32 v23, v47;
	v54 =	vmul.f32 v40, v40  }
0x320: {  	[tilespmem:$0x1FD10] =	vst v11;
	v53 =	vmul.f32 v45, v9;
	v11, v20, _ =	vpop @!p1 (xrf1);
	v12 =	vadd.f32 v57, v12;
	v57 =	vld [tilespmem:$0x1FC30]  }
0x321: {  	v45 =	vld [tilespmem:s30+$0x160];
	v52, _, _ =	vpop (xrf2);
	(xrf2) =	vadd.scan.msk.f32 $0xffff, v22;
	v21 =	vadd.f32 v54, v21;
	v54 =	vmul.f32 v42, v42;
	vm15 =	vle.f32 @!p1 v60, v11  }
0x322: {  	v22 =	vmul.f32 v43, v43;
	v11 =	vsel @!p1 vm15, v60, v11;
	v20 =	vsel @!p1 vm15, v13, v20  }
0x323: {  	v47 =	vld [tilespmem:s30+$0x170];
	(xrf1) =	vsort.ascd.msk.f32 @!p1 $0xffff, v11, v20;
	v11 =	vmul.f32 v0, v10;
	v20 =	vmul.f32 v44, v44  }
0x324: {  	v0 =	vmul.f32 v2, v9;
	v2 =	vadd.f32 v22, v54;
	v54 =	vmul.f32 v46, v46  }
0x325: {  	v12 =	vadd.f32 v20, v12;
	v20 =	vmul.f32 v57, v57  }
0x326: {  	v23, _, _ =	vpop (xrf2);
	(xrf2) =	vadd.scan.msk.f32 $0xffff, v21;
	v21 =	vmul.f32 v45, v45  }
0x327: {  	v4 =	vmul.f32 v4, v9;
	v22, _, _ =	vpop (xrf2);
	v20 =	vadd.f32 v54, v20  }
0x328: {  	v49 =	vmul.f32 v49, v49;
	v2 =	vadd.f32 v21, v2;
	v21 =	vmul.f32 v47, v47;
	v54, _, _ =	vpop (xrf2)  }
0x329: {  	(xrf2) =	vadd.scan.msk.f32 $0xffff, v12;
	v12 =	vbroadcast v22, $0xF;
	v22 =	vbroadcast v54, $0xF  }
0x32a: {  	v4 =	vadd.f32 v5, v4;
	v2 =	vadd.f32 v21, v2;
	v21 =	vbroadcast v23, $0xF  }
0x32b: {  	v49 =	vadd.f32 v49, v20;
	v5 =	vsel vm0, v12, v22;
	v12 =	vbroadcast v52, $0xF;
	v20, _, _ =	vpop (xrf2)  }
0x32c: {  	(xrf2) =	vadd.scan.msk.f32 $0xffff, v2;
	v2 =	vsel vm1, v5, v21;
	v5 =	vbroadcast v20, $0xF  }
0x32d: {  	v2 =	vsel vm2, v2, v12  }
0x32e: {  	v2 =	vsel vm3, v2, v5;
	v5 =	vbroadcast v14, $0xF;
	v14 =	vld [tilespmem:$0x1FC60];
	_ =	sdelay $0x3  }
0x32f: {  	v12 =	vbroadcast v16, $0xF  }
0x330: {  	v4 =	vadd.f32 v14, v4;
	v14, _, _ =	vpop (xrf2)  }
0x331: {  	v48 =	vmul.f32 v48, v48;
	v2 =	vsel vm4, v2, v12;
	v12 =	vbroadcast v14, $0xF;
	v14 =	vld [tilespmem:$0x1FC80];
	_ =	sdelay $0x1  }
0x332: {  	v17 =	vadd.f32 v18, v17;
	v18 =	vadd.f32 v48, v49;
	v2 =	vsel vm5, v2, v5  }
0x333: {  	v2 =	vsel vm6, v2, v12;
	v12 =	vbroadcast v15, $0xF;
	v15, v16, _ =	vpop @!p1 (xrf1)  }
0x334: {  	(xrf2) =	vadd.scan.msk.f32 $0xffff, v18;
	v18 =	vadd.f32 @!p1 $0.0e+00, v15;
	v15 =	vpsel p1, v60, v15  }
0x335: {  	v5 =	vld [tilespmem:$0x1FC70];
	[tilespmem:$0x1FD20] =	vst v15;
	v15 =	vpsel p1, v13, v16;
	v4 =	vadd.f32 v14, v4  }
0x336: {  	[tilespmem:$0x1FD40] =	vst v15;
	v15 =	vld [tilespmem:$0x1FCA0]  }
0x337: {  	v11 =	vadd.f32 v11, v53;
	v53, _, _ =	vpop (xrf2);
	(xrf2) =	vadd.scan.msk.f32 $0xffff, v4;
	v4 =	vld [tilespmem:$0x1FCB0];
	_ =	sdelay $0x2  }
0x338: {  	v5 =	vadd.f32 v5, v17;
	v14 =	vbroadcast v63, $0xF  }
0x339: {  	v2 =	vsel vm7, v2, v12;
	v12 =	vbroadcast v53, $0xF  }
0x33a: {  	v2 =	vsel vm8, v2, v14;
	v5 =	vadd.f32 v15, v5;
	v15 =	vld [tilespmem:$0x1FCC0];
	v4 =	vbroadcast v4, $0xF  }
0x33b: {  	v3 =	vmul.f32 v3, v9;
	v2 =	vsel vm9, v2, v12  }
0x33c: {  	v4 =	vsel vm10, v2, v4;
	v2 =	vld [tilespmem:$0x1FCE0]  }
0x33d: {  	v3 =	vadd.f32 v19, v3  }
0x33e: {  	v12 =	vld [tilespmem:$0x1FCD0]  }
0x33f: {  	v3 =	vadd.f32 v15, v3  }
0x340: {  	s28 =	smov.u32 s29;
	s29 =	sadd.s32 $0x10, s29  }
0x341: {  	p2 =	sne.s32 s29, $0x3D0;
	v2 =	vadd.f32 v2, v3;
	v3 =	vld [tilespmem:$0x1FCF0]  }
.Ltmp3:
0x342: {  	_ = 	snop;
	(pc) =	sbr.rel @p2 .LBB2_5-.Ltmp3, $4  }
0x343: {  	v52 =	vld [tilespmem:$0x1FF90];
	v14 =	vbroadcast @!p1 v18, $0xF;
	v12 =	vbroadcast v12, $0xF;
	v15, _, _ =	vpop (xrf2)  }
0x344: {  	v1 =	vmul.f32 v1, v10;
	v54 =	vmovc v24;
	v24 =	vmovc v59;
	v21 =	vld [tilespmem:$0x1FC50];
	v13 =	vmov v58;
	v15 =	vbroadcast v15, $0xF  }
0x345: {  	v22 =	vmovc v7;
	v7 =	vld [tilespmem:$0x1FC40];
	v13 =	vpsel p1, v13, v14;
	v12 =	vsel vm11, v4, v12;
	v4 =	vadd.f32 v6, v11  }
0x346: {  	s30 =	sadd.s32 $0x400, s30;
	v60 =	vmovc v51;
	v58 =	vld [tilespmem:$0x1FC90];
	(xrf2) =	vadd.scan.msk.f32 $0xffff, v5;
	v6 =	vsel vm12, v12, v15;
	v5 =	vbroadcast v3, $0xF;
	v3 =	vmul.f32 v55, v8  }
0x347: {  	v11 =	vmul.f32 v24, v9;
	v0 =	vadd.f32 v1, v0  }
0x348: {  	v53 =	vmul.f32 v25, v10;
	v14 =	vmul.f32 v28, v9;
	v5 =	vsel vm13, v6, v5;
	v6, _, _ =	vpop (xrf2)  }
0x349: {  	v15 =	vmul.f32 v29, v10;
	v55 =	vmul.f32 v26, v8;
	v51 =	vsel vm14, v5, v6  }
0x34a: {  	v17 =	vmul.f32 v31, v10;
	v6 =	vshra.s32 v51, $0x1;
	v12 =	vmul.f32 $5.000000000e-01, v51  }
0x34b: {  	v59 =	vmul.f32 v60, v62;
	v0 =	vadd.f32 v61, v0;
	v6 =	vsub.s32 $0x5F3759DF, v6  }
0x34c: {  	v60 =	vmul.f32 v32, v8;
	v16 =	vmul.f32 v6, v12  }
0x34d: {  	v5 =	vadd.f32 v53, v11;
	v0 =	vadd.f32 v56, v0;
	v56 =	vmul.f32 v27, v9  }
0x34e: {  	v4 =	vadd.f32 v50, v4;
	v18 =	vmul.f32 v30, v9;
	v23 =	vld [tilespmem:$0x1FD10];
	v16 =	vmul.f32 v6, v16  }
0x34f: {  	v11 =	vmul.f32 v22, v62;
	v3 =	vadd.f32 v3, v5;
	v5 =	vadd.f32 v17, v56  }
0x350: {  	v63 =	vmul.f32 v33, v10;
	v14 =	vadd.f32 v15, v14;
	v16 =	vsub.f32 $1.500000000e+00, v16  }
0x351: {  	v61 =	vadd.f32 v11, v3;
	v11 =	vmul.f32 v34, v62;
	v5 =	vadd.f32 v60, v5  }
0x352: {  	v19 =	vmul.f32 v36, v8;
	(xrf2) =	vadd.scan.msk.f32 $0xffff, v2;
	v14 =	vadd.f32 v55, v14;
	v6 =	vmul.f32 v6, v16  }
0x353: {  	(xrf2) =	vadd.scan.msk.f32 $0xffff, v4;
	v18 =	vadd.f32 v63, v18;
	v22 =	vadd.f32 v11, v5;
	v5 =	vmul.f32 v23, v9  }
0x354: {  	(xrf2) =	vadd.scan.msk.f32 $0xffff, v0;
	v11 =	vmul.f32 v35, v10;
	v16 =	vadd.f32 v59, v14;
	v20 =	vmul.f32 v6, v12  }
0x355: {  	v24 =	vmul.f32 v37, v62;
	v26 =	vmul.f32 v54, v9;
	v0 =	vadd.f32 v19, v18;
	(xrf2) =	vadd.scan.msk.f32 $0xffff, v61  }
0x356: {  	v5 =	vadd.f32 v11, v5;
	v11 =	vmul.f32 v38, v8;
	(xrf2) =	vadd.scan.msk.f32 $0xffff, v16;
	v25 =	vmul.f32 v20, v6  }
0x357: {  	v30 =	vmul.f32 v40, v62;
	v27 =	vmul.f32 v39, v10;
	(xrf2) =	vadd.scan.msk.f32 $0xffff, v22  }
0x358: {  	v31 =	vmul.f32 v41, v8;
	v0 =	vadd.f32 v24, v0;
	v28 =	vsub.f32 $1.500000000e+00, v25  }
0x359: {  	v33 =	vmul.f32 v42, v9;
	v2 =	vadd.f32 v27, v26;
	v29 =	vadd.f32 v11, v5  }
0x35a: {  	v11, _, _ =	vpop (xrf2);
	(xrf2) =	vadd.scan.msk.f32 $0xffff, v0;
	v3 =	vmul.f32 v28, v6;
	v6 =	vmul.f32 v43, v10  }
0x35b: {  	v2 =	vadd.f32 v31, v2;
	v35 =	vmul.f32 v44, v62;
	v4 =	vadd.f32 v30, v29;
	v32, _, _ =	vpop (xrf2)  }
0x35c: {  	v34, _, _ =	vpop (xrf2);
	v12 =	vmul.f32 v3, v12;
	v5 =	vadd.f32 v6, v33;
	v6 =	vmul.f32 v45, v8  }
0x35d: {  	(xrf2) =	vadd.scan.msk.f32 $0xffff, v4;
	v36, _, _ =	vpop (xrf2)  }
0x35e: {  	v40 =	vmul.f32 v57, v9;
	v2 =	vadd.f32 v35, v2;
	v37, _, _ =	vpop (xrf2);
	v12 =	vmul.f32 v12, v3  }
0x35f: {  	v19 =	vmul.f32 v46, v10;
	v38 =	vmul.f32 v47, v62;
	v39, _, _ =	vpop (xrf2);
	v5 =	vadd.f32 v6, v5  }
0x360: {  	(xrf2) =	vadd.scan.msk.f32 $0xffff, v2;
	v6, _, _ =	vpop (xrf2);
	v12 =	vsub.f32 $1.500000000e+00, v12  }
0x361: {  	v5 =	vadd.f32 v38, v5;
	v41 =	vbroadcast v6, $0xF;
	v6 =	vadd.f32 v19, v40;
	v42, _, _ =	vpop (xrf2)  }
0x362: {  	v17 =	vbroadcast v42, $0xF;
	v3 =	vmul.f32 v12, v3  }
0x363: {  	v43 =	vbroadcast v39, $0xF;
	(xrf2) =	vadd.scan.msk.f32 $0xffff, v5;
	v6 =	vadd.f32 v7, v6  }
0x364: {  	v4 =	vbroadcast v37, $0xF;
	v44, _, _ =	vpop (xrf2);
	v2 =	vsel vm0, v41, v17;
	v1 =	vmul.f32 v3, v51  }
0x365: {  	v3 =	vbroadcast v44, $0xF;
	v2 =	vsel vm1, v2, v43;
	v45 =	vadd.f32 v21, v6  }
0x366: {  	v46 =	vbroadcast v36, $0xF;
	v2 =	vsel vm2, v2, v4;
	v1 =	vmul.f32 v1, v52  }
0x367: {  	v54 =	vld [tilespmem:$0x1FD30];
	v47 =	vbroadcast v34, $0xF;
	v2 =	vsel vm3, v2, v3;
	v6, _, _ =	vpop (xrf2);
	(xrf2) =	vadd.scan.msk.f32 $0xffff, v45  }
0x368: {  	v55 =	vld [tilespmem:$0x1FD00];
	v2 =	vsel vm4, v2, v46;
	v48 =	vbroadcast v6, $0xF;
	v1 =	vmax.f32 v1, $9.999999930e-09  }
0x369: {  	v0 =	vbroadcast v32, $0xF;
	v2 =	vsel vm5, v2, v47;
	(erf) = vrcp.f32 v1  }
0x36a: {  	v50 =	vbroadcast v11, $0xF;
	v51, _, _ =	vpop (xrf2);
	v49 =	vsel vm6, v2, v48  }
0x36b: {  	v53 =	vbroadcast v51, $0xF;
	v0 =	vsel vm7, v49, v0  }
0x36c: {  	v2 =	vbroadcast v54, $0xF;
	v0 =	vsel vm8, v0, v50  }
0x36d: {  	v1 =	vbroadcast v55, $0xF;
	v56, _, _ =	vpop (xrf2);
	v0 =	vsel vm9, v0, v53  }
0x36e: {  	v57 =	vbroadcast v56, $0xF;
	v0 =	vsel vm10, v0, v2  }
0x36f: {  	v59 =	vbroadcast v58, $0xF;
	v0 =	vsel vm11, v0, v1  }
0x370: {  	v0 =	vsel vm12, v0, v57  }
0x371: {  	v0 =	vsel vm13, v0, v59;
	v60, _, _ =	vpop (xrf2)  }
0x372: {  	v0 =	vsel vm14, v0, v60;
	v61 =	vpop (erf)  }
0x373: {  	v0 =	vmul.f32 v61, v0;
	_ =	sdelay $0x1  }
0x374: {  	v0 =	vsub.f32 $1.000000000e+00, v0;
	_ =	sdelay $0x1  }
0x375: {  	vm15 =	vlt.f32 v0, v13  }
0x376: {  	v63 =	vmpcnt.ones.xlane vm15;
	_ =	sdelay $0x1  }
0x377: {  	(v2sf) =	vpush v63, $0x0;
	_ =	sdelay $0xe  }
0x378: {  	s29 =	spop (v2sf)  }
0x379: {  	p1 =	slt.s32 s29, $0x1  }
0x37a: {  	s28 =	sadd.s32 @!p1 s28, s23;
	v1 =	vlaneseq.u32 @!p1  }
0x37b: {  	v1 =	vadd.s32 @!p1 s28, v1  }
0x37c: {  	(xrf1) =	vsort.dscd.msk.f32 @!p1 $0xffff, v0, v1;
	_ =	sdelay $0x9  }
0x37d: {  	v4 =	vld [tilespmem:$0x1FD20]  }
0x37e: {  	v3 =	vld [tilespmem:$0x1FD40];
	_ =	sdelay $0x2  }
0x37f: {  	v0, v1, _ =	vpop @!p1 (xrf1)  }
0x380: {  	vm15 =	vle.f32 @!p1 v4, v0  }
0x381: {  	v0 =	vsel @!p1 vm15, v4, v0;
	v1 =	vsel @!p1 vm15, v3, v1  }
0x382: {  	(xrf1) =	vsort.ascd.msk.f32 @!p1 $0xffff, v0, v1;
	_ =	sdelay $0xd  }
0x383: {  	v0, v1, _ =	vpop @!p1 (xrf1)  }
.Ltmp4:
0x384: {  	v2 =	vadd.f32 @!p1 $0.0e+00, v0;
	(pc) =	sbr.rel @p0 .LBB2_8-.Ltmp4, $3  }
0x385: {  	_ = 	snop  }
0x386: {  	v2 =	vbroadcast @!p1 v2, $0xF;
	_ =	sdelay $0x1  }
0x387: {  	v57 =	vpsel p1, v4, v0;
	v54 =	vpsel p1, v3, v1;
	v53 =	vpsel p1, v13, v2  }
.Ltmp5:
0x388: {  	s26 =	sadd.s32 s26, s8;
	(pc) =	sbr.rel .LBB2_2-.Ltmp5, $4  }
0x389: {  	s26 =	sshll.u32 s26, $0x3  }
0x38a: {  	s25 =	sadd.s32 $0x1, s25;
	s26 =	sand.u32 $0x1FFFFFF0, s26  }
0x38b: {  	s24 =	sadd.s32 $0x7A0, s24;
	s23 =	sadd.s32 $0x7A0, s23;
	s26 =	sadd.s32 s4, s26  }
0x38c: {  	[tilespmem:s17], [sflag:$0x2] =	stream.linear.gather [hbm4b:s26+s3], $0xF400, $0x38;
	[tilespmem:$0x1E860] =	vst v63  }
.LBB2_9:
0x38d: {  	_ =	sfence.sel $0x180000  }
0x38e: {  	[bflag:$0x0] =	sbarrier.arrive $0xFFFF  }
0x38f: {  	p0 =	sne.s32 s2, $0x0;
	_ =	strace $0x90000047  }
0x390: {  	s0 =	sadd.s32 @!p0 $0x100000, s0;
	[bflag:$0x2] =	sbarrier.arrive $0xFFFF  }
0x391: {  	[sflag:s0] =	ssyncadd.tile.s32 @!p0 $0x1;
	_ =	shalt  }
.Lfunc_end2:
_tile_overlayer_lowered:
.L_overlay_start_2:
0x392: {  	(tag) =	ssettag $0x2  }
0x393: {  	s0 =	rddreg [dreg:$0x0];
	s2 =	stileid.u32  }
0x394: {  	s1 =	rddreg [dreg:$0x1];
	p0 =	sne.s32 s2, $0x0  }
0x395: {  	s3 =	rddreg [dreg:$0x2];
	[bflag:$0x3] =	sbarrier.arrive $0xFFFF;
	s2 =	simm.s32 @!p0 $0x1C03  }
0x396: {  	[timem:s3], [sflag:s2] =	dma.local @!p0 [hbm:s0], s1  }
0x397: {  	s0 =	simm.s32 @!p0 $0x3  }
0x398: {  	_ =	swait.ge @!p0 [sflag:s0], s1  }
0x399: {  	s1 =	ssub.s32 @!p0 $0x0, s1;
	[sflag:s0] =	ssyncset.done @!p0 $0x0  }
0x39a: {  	[sflag:s0] =	ssyncadd.s32 @!p0 s1  }
0x39b: {  	[bflag:$0x3] =	sbarrier.arrive $0xFFFF  }
0x39c: {  	_ =	shalt  }

</sc_bundles>
